<compile_context>
chip_gen: v7x
topology: tpu7x:2x2x1
jax: 0.10.2.dev20260603
libtpu: 0.0.44.dev20260713+nightly
codegen_flags: <defaults>
</compile_context>

<pallas_src>
import jax
import jax.numpy as jnp
from jax import lax
from jax.experimental import pallas as pl
from jax.experimental.pallas import tpu as pltpu
from jax.experimental.pallas import tpu_sc as plsc

NC = 2
NS = 16
L = 16
EC = 128
SC0_SHARE = 0.8
STAGE_MAX = 32


def _pick_stages(k):
    for st in range(1, k + 1):
        if k % st == 0 and (k // st) % 2 == 0 and k // st <= STAGE_MAX:
            return st
    return k


def _make_sc_agg(n_pad, d, e_pad, first):
    t_chunks = e_pad // (NS * EC)
    k0 = int(t_chunks * SC0_SHARE) // 4 * 4
    k1 = t_chunks - k0
    st0 = _pick_stages(k0)
    st1 = _pick_stages(k1)
    slab = max(k0 // st0, k1 // st1)
    rows_tile = n_pad // NS
    n_row_chunks = rows_tile // EC

    mesh = plsc.VectorSubcoreMesh(core_axis_name="c", subcore_axis_name="s")
    out_type = [jax.ShapeDtypeStruct((NC, n_pad, d), jnp.float32)]
    scratch = [
        pltpu.VMEM((slab, EC), jnp.int32),
        pltpu.VMEM((slab, EC), jnp.int32),
        pltpu.VMEM((EC, d), jnp.float32),
        pltpu.VMEM((EC, d), jnp.float32),
        pltpu.VMEM((EC,), jnp.float32),
        pltpu.VMEM((rows_tile,), jnp.float32),
        pltpu.VMEM_SHARED((n_pad, d), jnp.float32),
        pltpu.SemaphoreType.DMA,
        pltpu.SemaphoreType.DMA,
    ]
    if first:
        out_type.append(jax.ShapeDtypeStruct((NC, n_pad), jnp.float32))
        scratch += [
            pltpu.VMEM_SHARED((n_pad,), jnp.float32),
            pltpu.SemaphoreType.DMA,
        ]

    def body(h, src2, dst2, agg_out, deg_out,
             src2d, dst2d, rowsA, rowsB, onesbuf, degbuf, agg_sh,
             semG, semS, deg_sh=None, semD=None):
        c = lax.axis_index("c")
        s = lax.axis_index("s")
        rbase = s * rows_tile
        zeros = jnp.zeros((L,), jnp.float32)

        def zrow(r, carry):
            for j in range(d // L):
                rowsA[r, pl.ds(j * L, L)] = zeros
            return carry
        lax.fori_loop(0, EC, zrow, 0)
        for j in range(EC // L):
            onesbuf[pl.ds(j * L, L)] = jnp.ones((L,), jnp.float32)
        for k in range(n_row_chunks):
            pltpu.sync_copy(rowsA, agg_sh.at[pl.ds(rbase + k * EC, EC), :])
        if first:
            def zr(i, carry):
                degbuf[pl.ds(i * L, L)] = zeros
                return carry
            lax.fori_loop(0, rows_tile // L, zr, 0)
            pltpu.sync_copy(degbuf, deg_sh.at[pl.ds(rbase, rows_tile)])
        plsc.subcore_barrier()

        def make_pair(sp):
            def pair(t, carry):
                a = 2 * t
                b = a + 1
                pltpu.make_async_copy(h.at[src2d.at[a]], rowsA, semG).wait()
                gb = pltpu.async_copy(h.at[src2d.at[b]], rowsB, semG)
                sa = pltpu.async_copy(rowsA, agg_sh.at[dst2d.at[a]], semS,
                                      add=True)
                if first:
                    @pl.when(t > 0)
                    def _():
                        pltpu.make_async_copy(
                            onesbuf, deg_sh.at[dst2d.at[a - 2]], semD).wait()
                        pltpu.make_async_copy(
                            onesbuf, deg_sh.at[dst2d.at[b - 2]], semD).wait()
                    pltpu.async_copy(onesbuf, deg_sh.at[dst2d.at[a]], semD,
                                     add=True)
                    pltpu.async_copy(onesbuf, deg_sh.at[dst2d.at[b]], semD,
                                     add=True)
                gb.wait()
                sa.wait()

                @pl.when(t < sp - 1)
                def _():
                    pltpu.async_copy(h.at[src2d.at[a + 2]], rowsA, semG)
                sb = pltpu.async_copy(rowsB, agg_sh.at[dst2d.at[b]], semS,
                                      add=True)
                sb.wait()
                return carry
            return pair

        @pl.when(c == 0)
        def _():
            sc_ = k0 // st0
            pair = make_pair(sc_ // 2)
            for stage in range(st0):
                base = s * k0 + stage * sc_
                pltpu.sync_copy(src2.at[pl.ds(base, sc_), :],
                                src2d.at[pl.ds(0, sc_), :])
                pltpu.sync_copy(dst2.at[pl.ds(base, sc_), :],
                                dst2d.at[pl.ds(0, sc_), :])
                pltpu.async_copy(h.at[src2d.at[0]], rowsA, semG)
                lax.fori_loop(0, sc_ // 2, pair, 0)
                if first:
                    pltpu.make_async_copy(
                        onesbuf, deg_sh.at[dst2d.at[sc_ - 2]], semD).wait()
                    pltpu.make_async_copy(
                        onesbuf, deg_sh.at[dst2d.at[sc_ - 1]], semD).wait()

        @pl.when(c == 1)
        def _():
            sc_ = k1 // st1

            def step(k, carry):
                pltpu.async_copy(h.at[src2d.at[k]], rowsA, semG).wait()
                pltpu.sync_copy(rowsA, agg_sh.at[dst2d.at[k]], add=True)
                if first:
                    pltpu.sync_copy(onesbuf, deg_sh.at[dst2d.at[k]],
                                    add=True)
                return carry

            for stage in range(st1):
                base = NS * k0 + s * k1 + stage * sc_
                pltpu.sync_copy(src2.at[pl.ds(base, sc_), :],
                                src2d.at[pl.ds(0, sc_), :])
                pltpu.sync_copy(dst2.at[pl.ds(base, sc_), :],
                                dst2d.at[pl.ds(0, sc_), :])
                lax.fori_loop(0, sc_, step, 0)
        plsc.subcore_barrier()

        pltpu.sync_copy(agg_sh.at[pl.ds(rbase, rows_tile), :],
                        agg_out.at[c, pl.ds(rbase, rows_tile), :])
        if first:
            pltpu.sync_copy(deg_sh.at[pl.ds(rbase, rows_tile)],
                            deg_out.at[c, pl.ds(rbase, rows_tile)])

    if first:
        def body_first(h, src2, dst2, agg_out, deg_out, *rest):
            return body(h, src2, dst2, agg_out, deg_out, *rest)
        fn = body_first
    else:
        def body_rest(h, src2, dst2, agg_out, *rest):
            return body(h, src2, dst2, agg_out, None, *rest)
        fn = body_rest

    return pl.kernel(fn, out_type=out_type, mesh=mesh, scratch_types=scratch)


def _make_tc_dense(n_pad, d, bsz):

    def tc_body(h_ref, m0_ref, m1_ref, d0_ref, d1_ref, ws_ref, wn_ref,
                b_ref, o_ref):
        recip = 1.0 / jnp.maximum(d0_ref[...] + d1_ref[...], 1.0)
        mean = (m0_ref[...] + m1_ref[...]) * recip
        acc = jnp.dot(h_ref[...], ws_ref[...],
                      preferred_element_type=jnp.float32)
        acc = acc + jnp.dot(mean, wn_ref[...],
                            preferred_element_type=jnp.float32)
        o_ref[...] = jnp.maximum(acc + b_ref[...], 0.0)

    return pl.pallas_call(
        tc_body,
        grid=(n_pad // bsz,),
        in_specs=[
            pl.BlockSpec((bsz, d), lambda i: (i, 0)),
            pl.BlockSpec((bsz, d), lambda i: (i, 0)),
            pl.BlockSpec((bsz, d), lambda i: (i, 0)),
            pl.BlockSpec((bsz, 1), lambda i: (i, 0)),
            pl.BlockSpec((bsz, 1), lambda i: (i, 0)),
            pl.BlockSpec((d, d), lambda i: (0, 0)),
            pl.BlockSpec((d, d), lambda i: (0, 0)),
            pl.BlockSpec((1, d), lambda i: (0, 0)),
        ],
        out_specs=pl.BlockSpec((bsz, d), lambda i: (i, 0)),
        out_shape=jax.ShapeDtypeStruct((n_pad, d), jnp.float32),
    )


def kernel(in_feat, edge_index, W_self1, W_neigh1, b1,
           W_self2, W_neigh2, b2, W_self3, W_neigh3, b3):
    n, d = in_feat.shape
    e = edge_index.shape[1]
    row_quant = NS * EC
    n_pad = ((n + row_quant - 1) // row_quant) * row_quant
    edge_quant = NS * EC * 4
    e_pad = ((e + edge_quant - 1) // edge_quant) * edge_quant
    n_chunks = e_pad // EC

    src = edge_index[0].astype(jnp.int32)
    dst = edge_index[1].astype(jnp.int32)
    src = jnp.concatenate([src, jnp.zeros((e_pad - e,), jnp.int32)])
    dst = jnp.concatenate([dst, jnp.full((e_pad - e,), n, jnp.int32)])
    src2 = src.reshape(n_chunks, EC)
    dst2 = dst.reshape(n_chunks, EC)
    x = jnp.pad(in_feat, ((0, n_pad - n), (0, 0)))

    sc_first = _make_sc_agg(n_pad, d, e_pad, first=True)
    sc_rest = _make_sc_agg(n_pad, d, e_pad, first=False)
    tc = _make_tc_dense(n_pad, d, bsz=512)

    m, deg = sc_first(x, src2, dst2)
    d0 = deg[0].reshape(n_pad, 1)
    d1 = deg[1].reshape(n_pad, 1)
    h = tc(x, m[0], m[1], d0, d1, W_self1, W_neigh1, b1.reshape(1, d))
    [m] = sc_rest(h, src2, dst2)
    h = tc(h, m[0], m[1], d0, d1, W_self2, W_neigh2, b2.reshape(1, d))
    [m] = sc_rest(h, src2, dst2)
    h = tc(h, m[0], m[1], d0, d1, W_self3, W_neigh3, b3.reshape(1, d))
    return h[:n]

# --- scband reference (transcript-rebuilt; emitter-appended) ---
"""Pipeline reference for scband-sage-29257317220563 (READ-ONLY COPY).

The authoritative reference and input builder live on the scoring server;
editing this copy changes nothing except your own understanding.
"""

import jax, jax.numpy as jnp
import numpy as np

N_NODES = 10000
N_EDGES = 320000
D_IN = 128
D_H = 128
D_OUT = 128


def _sage_conv(x, src, dst, W_self, W_neigh, b, n_nodes):
    # DGL SAGEConv with 'mean' aggregator:
    #   h_neigh = mean_{j in N(i)} x_j  (messages flow src -> dst)
    #   out     = x @ W_self + h_neigh @ W_neigh + b
    msg = jnp.take(x, src, axis=0)                      # gather [E, d]
    agg = jax.ops.segment_sum(msg, dst, num_segments=n_nodes)   # scatter-add [N, d]
    ones = jnp.ones((src.shape[0],), dtype=x.dtype)
    deg = jax.ops.segment_sum(ones, dst, num_segments=n_nodes)  # in-degree [N]
    mean = agg / jnp.maximum(deg, 1.0)[:, None]
    return x @ W_self + mean @ W_neigh + b


def setup_inputs(seed: int = 0) -> dict:
    key = jax.random.key(seed)
    ks = jax.random.split(key, 12)
    x = jax.random.normal(ks[0], (N_NODES, D_IN), dtype=jnp.float32)
    edge_index = jax.random.randint(ks[1], (2, N_EDGES), 0, N_NODES, dtype=jnp.int64)
    s = 0.05
    params = {
        "W_self1": jax.random.normal(ks[2], (D_IN, D_H), dtype=jnp.float32) * s,
        "W_neigh1": jax.random.normal(ks[3], (D_IN, D_H), dtype=jnp.float32) * s,
        "b1": jnp.zeros((D_H,), dtype=jnp.float32),
        "W_self2": jax.random.normal(ks[4], (D_H, D_H), dtype=jnp.float32) * s,
        "W_neigh2": jax.random.normal(ks[5], (D_H, D_H), dtype=jnp.float32) * s,
        "b2": jnp.zeros((D_H,), dtype=jnp.float32),
        "W_self3": jax.random.normal(ks[6], (D_H, D_OUT), dtype=jnp.float32) * s,
        "W_neigh3": jax.random.normal(ks[7], (D_H, D_OUT), dtype=jnp.float32) * s,
        "b3": jnp.zeros((D_OUT,), dtype=jnp.float32),
    }
    return {"in_feat": x, "edge_index": edge_index, **params}


def reference(in_feat, edge_index, W_self1, W_neigh1, b1, W_self2, W_neigh2, b2, W_self3, W_neigh3, b3):
    src = edge_index[0]
    dst = edge_index[1]
    n = in_feat.shape[0]
    h = jax.nn.relu(_sage_conv(in_feat, src, dst, W_self1, W_neigh1, b1, n))
    h = jax.nn.relu(_sage_conv(h, src, dst, W_self2, W_neigh2, b2, n))
    h = jax.nn.relu(_sage_conv(h, src, dst, W_self3, W_neigh3, b3, n))
    return h

if __name__ == "__main__":
    import jax
    _d = setup_inputs()
    print(jax.jit(kernel)(*tuple(_d.values())))

</pallas_src>

<mosaic_0001>
#map = affine_map<(d0, d1) -> (0, 0)>
#map1 = affine_map<(d0, d1) -> (0, 0, 0)>
module attributes {stable_mosaic.version = 14 : i64} {
  func.func @body_rest(%arg0: i32, %arg1: i32, %arg2: memref<10240x128xf32, #tpu.memory_space<hbm>>, %arg3: memref<2560x128xi32, #tpu.memory_space<hbm>>, %arg4: memref<2560x128xi32, #tpu.memory_space<hbm>>, %arg5: memref<2x10240x128xf32, #tpu.memory_space<hbm>>, %arg6: memref<32x128xi32, #tpu.memory_space<vmem>>, %arg7: memref<32x128xi32, #tpu.memory_space<vmem>>, %arg8: memref<128x128xf32, #tpu.memory_space<vmem>>, %arg9: memref<128x128xf32, #tpu.memory_space<vmem>>, %arg10: memref<128xf32, #tpu.memory_space<vmem>>, %arg11: memref<640xf32, #tpu.memory_space<vmem>>, %arg12: memref<10240x128xf32, #tpu.memory_space<vmem_shared>>, %arg13: memref<!tpu.dma_semaphore, #tpu.memory_space<semaphore_mem>>, %arg14: memref<!tpu.dma_semaphore, #tpu.memory_space<semaphore_mem>>) attributes {dimension_semantics = [#tpu.dimension_semantics<core_parallel>, #tpu.dimension_semantics<subcore_parallel>], iteration_bounds = array<i64: 2, 16>, scalar_prefetch = 0 : i64, scratch_operands = 9 : i64, tpu.core_type = #tpu.core_type<sc_vector_subcore>, window_params = [{transform_indices = #map}, {transform_indices = #map}, {transform_indices = #map}, {transform_indices = #map1}]} {
    %mul3A = arith.constant 640 : i32
    %mul3A_0 = arith.muli %arg1, %mul3A : i32
    %broadcast_in_dim3A = arith.constant 0.000000e+00 : f32
    %broadcast_in_dim3A_1 = vector.broadcast %broadcast_in_dim3A : f32 to vector<16xf32>
    %scan3A = arith.constant 0 : i32
    %scan3A_2 = arith.constant 0 : i32
    %scan3A_3 = arith.constant 128 : i32
    %scan3A_4 = arith.addi %scan3A_2, %scan3A_3 : i32
    %scan3A_5 = arith.constant 1 : i32
    scf.for %scan3A_71 = %scan3A_2 to %scan3A_4 step %scan3A_5  : i32 {
      %swap3A_72 = arith.index_cast %scan3A_71 : i32 to index
      %swap3A_73 = arith.constant 0 : index
      %swap3A_74 = tpu.vector_load %arg8[%swap3A_72, %swap3A_73] {strides = array<i32>} : memref<128x128xf32, #tpu.memory_space<vmem>>, vector<1x16xf32>,
      %swap3A_75 = vector.shape_cast %swap3A_74 : vector<1x16xf32> to vector<16xf32>
      %swap3A_76 = vector.shape_cast %broadcast_in_dim3A_1 : vector<16xf32> to vector<1x16xf32>
      tpu.vector_store %arg8[%swap3A_72, %swap3A_73], %swap3A_76 {strides = array<i32>} : memref<128x128xf32, #tpu.memory_space<vmem>>, vector<1x16xf32>,
      %swap3A_77 = arith.index_cast %scan3A_71 : i32 to index
      %swap3A_78 = arith.constant 16 : index
      %swap3A_79 = tpu.vector_load %arg8[%swap3A_77, %swap3A_78] {strides = array<i32>} : memref<128x128xf32, #tpu.memory_space<vmem>>, vector<1x16xf32>,
      %swap3A_80 = vector.shape_cast %swap3A_79 : vector<1x16xf32> to vector<16xf32>
      %swap3A_81 = vector.shape_cast %broadcast_in_dim3A_1 : vector<16xf32> to vector<1x16xf32>
      tpu.vector_store %arg8[%swap3A_77, %swap3A_78], %swap3A_81 {strides = array<i32>} : memref<128x128xf32, #tpu.memory_space<vmem>>, vector<1x16xf32>,
      %swap3A_82 = arith.index_cast %scan3A_71 : i32 to index
      %swap3A_83 = arith.constant 32 : index
      %swap3A_84 = tpu.vector_load %arg8[%swap3A_82, %swap3A_83] {strides = array<i32>} : memref<128x128xf32, #tpu.memory_space<vmem>>, vector<1x16xf32>,
      %swap3A_85 = vector.shape_cast %swap3A_84 : vector<1x16xf32> to vector<16xf32>
      %swap3A_86 = vector.shape_cast %broadcast_in_dim3A_1 : vector<16xf32> to vector<1x16xf32>
      tpu.vector_store %arg8[%swap3A_82, %swap3A_83], %swap3A_86 {strides = array<i32>} : memref<128x128xf32, #tpu.memory_space<vmem>>, vector<1x16xf32>,
      %swap3A_87 = arith.index_cast %scan3A_71 : i32 to index
      %swap3A_88 = arith.constant 48 : index
      %swap3A_89 = tpu.vector_load %arg8[%swap3A_87, %swap3A_88] {strides = array<i32>} : memref<128x128xf32, #tpu.memory_space<vmem>>, vector<1x16xf32>,
      %swap3A_90 = vector.shape_cast %swap3A_89 : vector<1x16xf32> to vector<16xf32>
      %swap3A_91 = vector.shape_cast %broadcast_in_dim3A_1 : vector<16xf32> to vector<1x16xf32>
      tpu.vector_store %arg8[%swap3A_87, %swap3A_88], %swap3A_91 {strides = array<i32>} : memref<128x128xf32, #tpu.memory_space<vmem>>, vector<1x16xf32>,
      %swap3A_92 = arith.index_cast %scan3A_71 : i32 to index
      %swap3A_93 = arith.constant 64 : index
      %swap3A_94 = tpu.vector_load %arg8[%swap3A_92, %swap3A_93] {strides = array<i32>} : memref<128x128xf32, #tpu.memory_space<vmem>>, vector<1x16xf32>,
      %swap3A_95 = vector.shape_cast %swap3A_94 : vector<1x16xf32> to vector<16xf32>
      %swap3A_96 = vector.shape_cast %broadcast_in_dim3A_1 : vector<16xf32> to vector<1x16xf32>
      tpu.vector_store %arg8[%swap3A_92, %swap3A_93], %swap3A_96 {strides = array<i32>} : memref<128x128xf32, #tpu.memory_space<vmem>>, vector<1x16xf32>,
      %swap3A_97 = arith.index_cast %scan3A_71 : i32 to index
      %swap3A_98 = arith.constant 80 : index
      %swap3A_99 = tpu.vector_load %arg8[%swap3A_97, %swap3A_98] {strides = array<i32>} : memref<128x128xf32, #tpu.memory_space<vmem>>, vector<1x16xf32>,
      %swap3A_100 = vector.shape_cast %swap3A_99 : vector<1x16xf32> to vector<16xf32>
      %swap3A_101 = vector.shape_cast %broadcast_in_dim3A_1 : vector<16xf32> to vector<1x16xf32>
      tpu.vector_store %arg8[%swap3A_97, %swap3A_98], %swap3A_101 {strides = array<i32>} : memref<128x128xf32, #tpu.memory_space<vmem>>, vector<1x16xf32>,
      %swap3A_102 = arith.index_cast %scan3A_71 : i32 to index
      %swap3A_103 = arith.constant 96 : index
      %swap3A_104 = tpu.vector_load %arg8[%swap3A_102, %swap3A_103] {strides = array<i32>} : memref<128x128xf32, #tpu.memory_space<vmem>>, vector<1x16xf32>,
      %swap3A_105 = vector.shape_cast %swap3A_104 : vector<1x16xf32> to vector<16xf32>
      %swap3A_106 = vector.shape_cast %broadcast_in_dim3A_1 : vector<16xf32> to vector<1x16xf32>
      tpu.vector_store %arg8[%swap3A_102, %swap3A_103], %swap3A_106 {strides = array<i32>} : memref<128x128xf32, #tpu.memory_space<vmem>>, vector<1x16xf32>,
      %swap3A_107 = arith.index_cast %scan3A_71 : i32 to index
      %swap3A_108 = arith.constant 112 : index
      %swap3A_109 = tpu.vector_load %arg8[%swap3A_107, %swap3A_108] {strides = array<i32>} : memref<128x128xf32, #tpu.memory_space<vmem>>, vector<1x16xf32>,
      %swap3A_110 = vector.shape_cast %swap3A_109 : vector<1x16xf32> to vector<16xf32>
      %swap3A_111 = vector.shape_cast %broadcast_in_dim3A_1 : vector<16xf32> to vector<1x16xf32>
      tpu.vector_store %arg8[%swap3A_107, %swap3A_108], %swap3A_111 {strides = array<i32>} : memref<128x128xf32, #tpu.memory_space<vmem>>, vector<1x16xf32>,
    }
    %scan3A_6 = arith.constant 128 : i32
    %broadcast_in_dim3A_7 = arith.constant 1.000000e+00 : f32
    %broadcast_in_dim3A_8 = vector.broadcast %broadcast_in_dim3A_7 : f32 to vector<16xf32>
    %swap3A = arith.constant 0 : index
    %swap3A_9 = tpu.vector_load %arg10[%swap3A] {strides = array<i32>} : memref<128xf32, #tpu.memory_space<vmem>>, vector<16xf32>,
    %swap3A_10 = vector.shape_cast %swap3A_9 : vector<16xf32> to vector<16xf32>
    %swap3A_11 = vector.shape_cast %broadcast_in_dim3A_8 : vector<16xf32> to vector<16xf32>
    tpu.vector_store %arg10[%swap3A], %swap3A_11 {strides = array<i32>} : memref<128xf32, #tpu.memory_space<vmem>>, vector<16xf32>,
    %broadcast_in_dim3A_12 = arith.constant 1.000000e+00 : f32
    %broadcast_in_dim3A_13 = vector.broadcast %broadcast_in_dim3A_12 : f32 to vector<16xf32>
    %swap3A_14 = arith.constant 16 : index
    %swap3A_15 = tpu.vector_load %arg10[%swap3A_14] {strides = array<i32>} : memref<128xf32, #tpu.memory_space<vmem>>, vector<16xf32>,
    %swap3A_16 = vector.shape_cast %swap3A_15 : vector<16xf32> to vector<16xf32>
    %swap3A_17 = vector.shape_cast %broadcast_in_dim3A_13 : vector<16xf32> to vector<16xf32>
    tpu.vector_store %arg10[%swap3A_14], %swap3A_17 {strides = array<i32>} : memref<128xf32, #tpu.memory_space<vmem>>, vector<16xf32>,
    %broadcast_in_dim3A_18 = arith.constant 1.000000e+00 : f32
    %broadcast_in_dim3A_19 = vector.broadcast %broadcast_in_dim3A_18 : f32 to vector<16xf32>
    %swap3A_20 = arith.constant 32 : index
    %swap3A_21 = tpu.vector_load %arg10[%swap3A_20] {strides = array<i32>} : memref<128xf32, #tpu.memory_space<vmem>>, vector<16xf32>,
    %swap3A_22 = vector.shape_cast %swap3A_21 : vector<16xf32> to vector<16xf32>
    %swap3A_23 = vector.shape_cast %broadcast_in_dim3A_19 : vector<16xf32> to vector<16xf32>
    tpu.vector_store %arg10[%swap3A_20], %swap3A_23 {strides = array<i32>} : memref<128xf32, #tpu.memory_space<vmem>>, vector<16xf32>,
    %broadcast_in_dim3A_24 = arith.constant 1.000000e+00 : f32
    %broadcast_in_dim3A_25 = vector.broadcast %broadcast_in_dim3A_24 : f32 to vector<16xf32>
    %swap3A_26 = arith.constant 48 : index
    %swap3A_27 = tpu.vector_load %arg10[%swap3A_26] {strides = array<i32>} : memref<128xf32, #tpu.memory_space<vmem>>, vector<16xf32>,
    %swap3A_28 = vector.shape_cast %swap3A_27 : vector<16xf32> to vector<16xf32>
    %swap3A_29 = vector.shape_cast %broadcast_in_dim3A_25 : vector<16xf32> to vector<16xf32>
    tpu.vector_store %arg10[%swap3A_26], %swap3A_29 {strides = array<i32>} : memref<128xf32, #tpu.memory_space<vmem>>, vector<16xf32>,
    %broadcast_in_dim3A_30 = arith.constant 1.000000e+00 : f32
    %broadcast_in_dim3A_31 = vector.broadcast %broadcast_in_dim3A_30 : f32 to vector<16xf32>
    %swap3A_32 = arith.constant 64 : index
    %swap3A_33 = tpu.vector_load %arg10[%swap3A_32] {strides = array<i32>} : memref<128xf32, #tpu.memory_space<vmem>>, vector<16xf32>,
    %swap3A_34 = vector.shape_cast %swap3A_33 : vector<16xf32> to vector<16xf32>
    %swap3A_35 = vector.shape_cast %broadcast_in_dim3A_31 : vector<16xf32> to vector<16xf32>
    tpu.vector_store %arg10[%swap3A_32], %swap3A_35 {strides = array<i32>} : memref<128xf32, #tpu.memory_space<vmem>>, vector<16xf32>,
    %broadcast_in_dim3A_36 = arith.constant 1.000000e+00 : f32
    %broadcast_in_dim3A_37 = vector.broadcast %broadcast_in_dim3A_36 : f32 to vector<16xf32>
    %swap3A_38 = arith.constant 80 : index
    %swap3A_39 = tpu.vector_load %arg10[%swap3A_38] {strides = array<i32>} : memref<128xf32, #tpu.memory_space<vmem>>, vector<16xf32>,
    %swap3A_40 = vector.shape_cast %swap3A_39 : vector<16xf32> to vector<16xf32>
    %swap3A_41 = vector.shape_cast %broadcast_in_dim3A_37 : vector<16xf32> to vector<16xf32>
    tpu.vector_store %arg10[%swap3A_38], %swap3A_41 {strides = array<i32>} : memref<128xf32, #tpu.memory_space<vmem>>, vector<16xf32>,
    %broadcast_in_dim3A_42 = arith.constant 1.000000e+00 : f32
    %broadcast_in_dim3A_43 = vector.broadcast %broadcast_in_dim3A_42 : f32 to vector<16xf32>
    %swap3A_44 = arith.constant 96 : index
    %swap3A_45 = tpu.vector_load %arg10[%swap3A_44] {strides = array<i32>} : memref<128xf32, #tpu.memory_space<vmem>>, vector<16xf32>,
    %swap3A_46 = vector.shape_cast %swap3A_45 : vector<16xf32> to vector<16xf32>
    %swap3A_47 = vector.shape_cast %broadcast_in_dim3A_43 : vector<16xf32> to vector<16xf32>
    tpu.vector_store %arg10[%swap3A_44], %swap3A_47 {strides = array<i32>} : memref<128xf32, #tpu.memory_space<vmem>>, vector<16xf32>,
    %broadcast_in_dim3A_48 = arith.constant 1.000000e+00 : f32
    %broadcast_in_dim3A_49 = vector.broadcast %broadcast_in_dim3A_48 : f32 to vector<16xf32>
    %swap3A_50 = arith.constant 112 : index
    %swap3A_51 = tpu.vector_load %arg10[%swap3A_50] {strides = array<i32>} : memref<128xf32, #tpu.memory_space<vmem>>, vector<16xf32>,
    %swap3A_52 = vector.shape_cast %swap3A_51 : vector<16xf32> to vector<16xf32>
    %swap3A_53 = vector.shape_cast %broadcast_in_dim3A_49 : vector<16xf32> to vector<16xf32>
    tpu.vector_store %arg10[%swap3A_50], %swap3A_53 {strides = array<i32>} : memref<128xf32, #tpu.memory_space<vmem>>, vector<16xf32>,
    %add3A = arith.constant 0 : i32
    %add3A_54 = arith.addi %mul3A_0, %add3A : i32
    "tpu.region"() ({
      %run_scoped3A = tpu.sem_alloc : memref<!tpu.dma_semaphore, #tpu.memory_space<semaphore_mem>>
      %dma_start3A = arith.constant 0 : i32
      %dma_start3A_71 = tpu.memref_slice %arg12[%add3A_54, %dma_start3A] : memref<10240x128xf32, #tpu.memory_space<vmem_shared>> -> memref<128x128xf32, #tpu.memory_space<vmem_shared>>
      %dma_start3A_72 = arith.constant 0 : i32
      %dma_start3A_73 = tpu.memref_slice %arg12[%add3A_54, %dma_start3A_72] : memref<10240x128xf32, #tpu.memory_space<vmem_shared>> -> memref<128x128xf32, #tpu.memory_space<vmem_shared>>
      tpu.enqueue_dma source(%arg8 : memref<128x128xf32, #tpu.memory_space<vmem>>) target(%dma_start3A_73 : memref<128x128xf32, #tpu.memory_space<vmem_shared>>) target_semaphore(%run_scoped3A : memref<!tpu.dma_semaphore, #tpu.memory_space<semaphore_mem>>)
      %dma_wait3A = arith.constant 0 : i32
      %dma_wait3A_74 = tpu.memref_slice %arg12[%add3A_54, %dma_wait3A] : memref<10240x128xf32, #tpu.memory_space<vmem_shared>> -> memref<128x128xf32, #tpu.memory_space<vmem_shared>>
      %dma_wait3A_75 = arith.constant 0 : i32
      %dma_wait3A_76 = tpu.memref_slice %arg12[%add3A_54, %dma_wait3A_75] : memref<10240x128xf32, #tpu.memory_space<vmem_shared>> -> memref<128x128xf32, #tpu.memory_space<vmem_shared>>
      tpu.wait_dma2 semaphore(%run_scoped3A : memref<!tpu.dma_semaphore, #tpu.memory_space<semaphore_mem>>) src(%arg8 : memref<128x128xf32, #tpu.memory_space<vmem>>) dst(%dma_wait3A_76 : memref<128x128xf32, #tpu.memory_space<vmem_shared>>)
      tpu.yield
    }) : () -> ()
    %add3A_55 = arith.constant 128 : i32
    %add3A_56 = arith.addi %mul3A_0, %add3A_55 : i32
    "tpu.region"() ({
      %run_scoped3A = tpu.sem_alloc : memref<!tpu.dma_semaphore, #tpu.memory_space<semaphore_mem>>
      %dma_start3A = arith.constant 0 : i32
      %dma_start3A_71 = tpu.memref_slice %arg12[%add3A_56, %dma_start3A] : memref<10240x128xf32, #tpu.memory_space<vmem_shared>> -> memref<128x128xf32, #tpu.memory_space<vmem_shared>>
      %dma_start3A_72 = arith.constant 0 : i32
      %dma_start3A_73 = tpu.memref_slice %arg12[%add3A_56, %dma_start3A_72] : memref<10240x128xf32, #tpu.memory_space<vmem_shared>> -> memref<128x128xf32, #tpu.memory_space<vmem_shared>>
      tpu.enqueue_dma source(%arg8 : memref<128x128xf32, #tpu.memory_space<vmem>>) target(%dma_start3A_73 : memref<128x128xf32, #tpu.memory_space<vmem_shared>>) target_semaphore(%run_scoped3A : memref<!tpu.dma_semaphore, #tpu.memory_space<semaphore_mem>>)
      %dma_wait3A = arith.constant 0 : i32
      %dma_wait3A_74 = tpu.memref_slice %arg12[%add3A_56, %dma_wait3A] : memref<10240x128xf32, #tpu.memory_space<vmem_shared>> -> memref<128x128xf32, #tpu.memory_space<vmem_shared>>
      %dma_wait3A_75 = arith.constant 0 : i32
      %dma_wait3A_76 = tpu.memref_slice %arg12[%add3A_56, %dma_wait3A_75] : memref<10240x128xf32, #tpu.memory_space<vmem_shared>> -> memref<128x128xf32, #tpu.memory_space<vmem_shared>>
      tpu.wait_dma2 semaphore(%run_scoped3A : memref<!tpu.dma_semaphore, #tpu.memory_space<semaphore_mem>>) src(%arg8 : memref<128x128xf32, #tpu.memory_space<vmem>>) dst(%dma_wait3A_76 : memref<128x128xf32, #tpu.memory_space<vmem_shared>>)
      tpu.yield
    }) : () -> ()
    %add3A_57 = arith.constant 256 : i32
    %add3A_58 = arith.addi %mul3A_0, %add3A_57 : i32
    "tpu.region"() ({
      %run_scoped3A = tpu.sem_alloc : memref<!tpu.dma_semaphore, #tpu.memory_space<semaphore_mem>>
      %dma_start3A = arith.constant 0 : i32
      %dma_start3A_71 = tpu.memref_slice %arg12[%add3A_58, %dma_start3A] : memref<10240x128xf32, #tpu.memory_space<vmem_shared>> -> memref<128x128xf32, #tpu.memory_space<vmem_shared>>
      %dma_start3A_72 = arith.constant 0 : i32
      %dma_start3A_73 = tpu.memref_slice %arg12[%add3A_58, %dma_start3A_72] : memref<10240x128xf32, #tpu.memory_space<vmem_shared>> -> memref<128x128xf32, #tpu.memory_space<vmem_shared>>
      tpu.enqueue_dma source(%arg8 : memref<128x128xf32, #tpu.memory_space<vmem>>) target(%dma_start3A_73 : memref<128x128xf32, #tpu.memory_space<vmem_shared>>) target_semaphore(%run_scoped3A : memref<!tpu.dma_semaphore, #tpu.memory_space<semaphore_mem>>)
      %dma_wait3A = arith.constant 0 : i32
      %dma_wait3A_74 = tpu.memref_slice %arg12[%add3A_58, %dma_wait3A] : memref<10240x128xf32, #tpu.memory_space<vmem_shared>> -> memref<128x128xf32, #tpu.memory_space<vmem_shared>>
      %dma_wait3A_75 = arith.constant 0 : i32
      %dma_wait3A_76 = tpu.memref_slice %arg12[%add3A_58, %dma_wait3A_75] : memref<10240x128xf32, #tpu.memory_space<vmem_shared>> -> memref<128x128xf32, #tpu.memory_space<vmem_shared>>
      tpu.wait_dma2 semaphore(%run_scoped3A : memref<!tpu.dma_semaphore, #tpu.memory_space<semaphore_mem>>) src(%arg8 : memref<128x128xf32, #tpu.memory_space<vmem>>) dst(%dma_wait3A_76 : memref<128x128xf32, #tpu.memory_space<vmem_shared>>)
      tpu.yield
    }) : () -> ()
    %add3A_59 = arith.constant 384 : i32
    %add3A_60 = arith.addi %mul3A_0, %add3A_59 : i32
    "tpu.region"() ({
      %run_scoped3A = tpu.sem_alloc : memref<!tpu.dma_semaphore, #tpu.memory_space<semaphore_mem>>
      %dma_start3A = arith.constant 0 : i32
      %dma_start3A_71 = tpu.memref_slice %arg12[%add3A_60, %dma_start3A] : memref<10240x128xf32, #tpu.memory_space<vmem_shared>> -> memref<128x128xf32, #tpu.memory_space<vmem_shared>>
      %dma_start3A_72 = arith.constant 0 : i32
      %dma_start3A_73 = tpu.memref_slice %arg12[%add3A_60, %dma_start3A_72] : memref<10240x128xf32, #tpu.memory_space<vmem_shared>> -> memref<128x128xf32, #tpu.memory_space<vmem_shared>>
      tpu.enqueue_dma source(%arg8 : memref<128x128xf32, #tpu.memory_space<vmem>>) target(%dma_start3A_73 : memref<128x128xf32, #tpu.memory_space<vmem_shared>>) target_semaphore(%run_scoped3A : memref<!tpu.dma_semaphore, #tpu.memory_space<semaphore_mem>>)
      %dma_wait3A = arith.constant 0 : i32
      %dma_wait3A_74 = tpu.memref_slice %arg12[%add3A_60, %dma_wait3A] : memref<10240x128xf32, #tpu.memory_space<vmem_shared>> -> memref<128x128xf32, #tpu.memory_space<vmem_shared>>
      %dma_wait3A_75 = arith.constant 0 : i32
      %dma_wait3A_76 = tpu.memref_slice %arg12[%add3A_60, %dma_wait3A_75] : memref<10240x128xf32, #tpu.memory_space<vmem_shared>> -> memref<128x128xf32, #tpu.memory_space<vmem_shared>>
      tpu.wait_dma2 semaphore(%run_scoped3A : memref<!tpu.dma_semaphore, #tpu.memory_space<semaphore_mem>>) src(%arg8 : memref<128x128xf32, #tpu.memory_space<vmem>>) dst(%dma_wait3A_76 : memref<128x128xf32, #tpu.memory_space<vmem_shared>>)
      tpu.yield
    }) : () -> ()
    %add3A_61 = arith.constant 512 : i32
    %add3A_62 = arith.addi %mul3A_0, %add3A_61 : i32
    "tpu.region"() ({
      %run_scoped3A = tpu.sem_alloc : memref<!tpu.dma_semaphore, #tpu.memory_space<semaphore_mem>>
      %dma_start3A = arith.constant 0 : i32
      %dma_start3A_71 = tpu.memref_slice %arg12[%add3A_62, %dma_start3A] : memref<10240x128xf32, #tpu.memory_space<vmem_shared>> -> memref<128x128xf32, #tpu.memory_space<vmem_shared>>
      %dma_start3A_72 = arith.constant 0 : i32
      %dma_start3A_73 = tpu.memref_slice %arg12[%add3A_62, %dma_start3A_72] : memref<10240x128xf32, #tpu.memory_space<vmem_shared>> -> memref<128x128xf32, #tpu.memory_space<vmem_shared>>
      tpu.enqueue_dma source(%arg8 : memref<128x128xf32, #tpu.memory_space<vmem>>) target(%dma_start3A_73 : memref<128x128xf32, #tpu.memory_space<vmem_shared>>) target_semaphore(%run_scoped3A : memref<!tpu.dma_semaphore, #tpu.memory_space<semaphore_mem>>)
      %dma_wait3A = arith.constant 0 : i32
      %dma_wait3A_74 = tpu.memref_slice %arg12[%add3A_62, %dma_wait3A] : memref<10240x128xf32, #tpu.memory_space<vmem_shared>> -> memref<128x128xf32, #tpu.memory_space<vmem_shared>>
      %dma_wait3A_75 = arith.constant 0 : i32
      %dma_wait3A_76 = tpu.memref_slice %arg12[%add3A_62, %dma_wait3A_75] : memref<10240x128xf32, #tpu.memory_space<vmem_shared>> -> memref<128x128xf32, #tpu.memory_space<vmem_shared>>
      tpu.wait_dma2 semaphore(%run_scoped3A : memref<!tpu.dma_semaphore, #tpu.memory_space<semaphore_mem>>) src(%arg8 : memref<128x128xf32, #tpu.memory_space<vmem>>) dst(%dma_wait3A_76 : memref<128x128xf32, #tpu.memory_space<vmem_shared>>)
      tpu.yield
    }) : () -> ()
    %barrier3A = arith.constant 0 : index
    tpu.barrier barrier_id(%barrier3A)
    %eq3A = arith.constant 0 : i32
    %eq3A_63 = arith.cmpi eq, %arg0, %eq3A : i32
    %convert_element_type3A = arith.extui %eq3A_63 : i1 to i32
    %cond3A = arith.constant 0 : i32
    %cond3A_64 = arith.cmpi ne, %convert_element_type3A, %cond3A : i32
    scf.if %cond3A_64 {
      %mul3A_71 = arith.constant 128 : i32
      %mul3A_72 = arith.muli %arg1, %mul3A_71 : i32
      %add3A_73 = arith.constant 0 : i32
      %add3A_74 = arith.addi %mul3A_72, %add3A_73 : i32
      "tpu.region"() ({
        %run_scoped3A = tpu.sem_alloc : memref<!tpu.dma_semaphore, #tpu.memory_space<semaphore_mem>>
        %dma_start3A_138 = arith.constant 0 : i32
        %dma_start3A_139 = arith.constant 0 : i32
        %dma_start3A_140 = tpu.memref_slice %arg6[%dma_start3A_138, %dma_start3A_139] : memref<32x128xi32, #tpu.memory_space<vmem>> -> memref<32x128xi32, #tpu.memory_space<vmem>>
        %dma_start3A_141 = arith.constant 0 : i32
        %dma_start3A_142 = tpu.memref_slice %arg3[%add3A_74, %dma_start3A_141] : memref<2560x128xi32, #tpu.memory_space<hbm>> -> memref<32x128xi32, #tpu.memory_space<hbm>>
        %dma_start3A_143 = arith.constant 0 : i32
        %dma_start3A_144 = arith.constant 0 : i32
        %dma_start3A_145 = tpu.memref_slice %arg6[%dma_start3A_143, %dma_start3A_144] : memref<32x128xi32, #tpu.memory_space<vmem>> -> memref<32x128xi32, #tpu.memory_space<vmem>>
        %dma_start3A_146 = arith.constant 0 : i32
        %dma_start3A_147 = tpu.memref_slice %arg3[%add3A_74, %dma_start3A_146] : memref<2560x128xi32, #tpu.memory_space<hbm>> -> memref<32x128xi32, #tpu.memory_space<hbm>>
        tpu.enqueue_dma source(%dma_start3A_147 : memref<32x128xi32, #tpu.memory_space<hbm>>) target(%dma_start3A_145 : memref<32x128xi32, #tpu.memory_space<vmem>>) target_semaphore(%run_scoped3A : memref<!tpu.dma_semaphore, #tpu.memory_space<semaphore_mem>>)
        %dma_wait3A = arith.constant 0 : i32
        %dma_wait3A_148 = arith.constant 0 : i32
        %dma_wait3A_149 = tpu.memref_slice %arg6[%dma_wait3A, %dma_wait3A_148] : memref<32x128xi32, #tpu.memory_space<vmem>> -> memref<32x128xi32, #tpu.memory_space<vmem>>
        %dma_wait3A_150 = arith.constant 0 : i32
        %dma_wait3A_151 = tpu.memref_slice %arg3[%add3A_74, %dma_wait3A_150] : memref<2560x128xi32, #tpu.memory_space<hbm>> -> memref<32x128xi32, #tpu.memory_space<hbm>>
        %dma_wait3A_152 = arith.constant 0 : i32
        %dma_wait3A_153 = arith.constant 0 : i32
        %dma_wait3A_154 = tpu.memref_slice %arg6[%dma_wait3A_152, %dma_wait3A_153] : memref<32x128xi32, #tpu.memory_space<vmem>> -> memref<32x128xi32, #tpu.memory_space<vmem>>
        %dma_wait3A_155 = arith.constant 0 : i32
        %dma_wait3A_156 = tpu.memref_slice %arg3[%add3A_74, %dma_wait3A_155] : memref<2560x128xi32, #tpu.memory_space<hbm>> -> memref<32x128xi32, #tpu.memory_space<hbm>>
        tpu.wait_dma2 semaphore(%run_scoped3A : memref<!tpu.dma_semaphore, #tpu.memory_space<semaphore_mem>>) src(%dma_wait3A_156 : memref<32x128xi32, #tpu.memory_space<hbm>>) dst(%dma_wait3A_154 : memref<32x128xi32, #tpu.memory_space<vmem>>)
        tpu.yield
      }) : () -> ()
      "tpu.region"() ({
        %run_scoped3A = tpu.sem_alloc : memref<!tpu.dma_semaphore, #tpu.memory_space<semaphore_mem>>
        %dma_start3A_138 = arith.constant 0 : i32
        %dma_start3A_139 = arith.constant 0 : i32
        %dma_start3A_140 = tpu.memref_slice %arg7[%dma_start3A_138, %dma_start3A_139] : memref<32x128xi32, #tpu.memory_space<vmem>> -> memref<32x128xi32, #tpu.memory_space<vmem>>
        %dma_start3A_141 = arith.constant 0 : i32
        %dma_start3A_142 = tpu.memref_slice %arg4[%add3A_74, %dma_start3A_141] : memref<2560x128xi32, #tpu.memory_space<hbm>> -> memref<32x128xi32, #tpu.memory_space<hbm>>
        %dma_start3A_143 = arith.constant 0 : i32
        %dma_start3A_144 = arith.constant 0 : i32
        %dma_start3A_145 = tpu.memref_slice %arg7[%dma_start3A_143, %dma_start3A_144] : memref<32x128xi32, #tpu.memory_space<vmem>> -> memref<32x128xi32, #tpu.memory_space<vmem>>
        %dma_start3A_146 = arith.constant 0 : i32
        %dma_start3A_147 = tpu.memref_slice %arg4[%add3A_74, %dma_start3A_146] : memref<2560x128xi32, #tpu.memory_space<hbm>> -> memref<32x128xi32, #tpu.memory_space<hbm>>
        tpu.enqueue_dma source(%dma_start3A_147 : memref<32x128xi32, #tpu.memory_space<hbm>>) target(%dma_start3A_145 : memref<32x128xi32, #tpu.memory_space<vmem>>) target_semaphore(%run_scoped3A : memref<!tpu.dma_semaphore, #tpu.memory_space<semaphore_mem>>)
        %dma_wait3A = arith.constant 0 : i32
        %dma_wait3A_148 = arith.constant 0 : i32
        %dma_wait3A_149 = tpu.memref_slice %arg7[%dma_wait3A, %dma_wait3A_148] : memref<32x128xi32, #tpu.memory_space<vmem>> -> memref<32x128xi32, #tpu.memory_space<vmem>>
        %dma_wait3A_150 = arith.constant 0 : i32
        %dma_wait3A_151 = tpu.memref_slice %arg4[%add3A_74, %dma_wait3A_150] : memref<2560x128xi32, #tpu.memory_space<hbm>> -> memref<32x128xi32, #tpu.memory_space<hbm>>
        %dma_wait3A_152 = arith.constant 0 : i32
        %dma_wait3A_153 = arith.constant 0 : i32
        %dma_wait3A_154 = tpu.memref_slice %arg7[%dma_wait3A_152, %dma_wait3A_153] : memref<32x128xi32, #tpu.memory_space<vmem>> -> memref<32x128xi32, #tpu.memory_space<vmem>>
        %dma_wait3A_155 = arith.constant 0 : i32
        %dma_wait3A_156 = tpu.memref_slice %arg4[%add3A_74, %dma_wait3A_155] : memref<2560x128xi32, #tpu.memory_space<hbm>> -> memref<32x128xi32, #tpu.memory_space<hbm>>
        tpu.wait_dma2 semaphore(%run_scoped3A : memref<!tpu.dma_semaphore, #tpu.memory_space<semaphore_mem>>) src(%dma_wait3A_156 : memref<32x128xi32, #tpu.memory_space<hbm>>) dst(%dma_wait3A_154 : memref<32x128xi32, #tpu.memory_space<vmem>>)
        tpu.yield
      }) : () -> ()
      %dma_start3A = arith.constant 0 : i32
      %dma_start3A_75 = arith.constant 0 : i32
      %dma_start3A_76 = tpu.memref_slice %arg6[%dma_start3A, %dma_start3A_75] : memref<32x128xi32, #tpu.memory_space<vmem>> -> memref<1x128xi32, #tpu.memory_space<vmem>>
      %dma_start3A_77 = tpu.memref_squeeze %dma_start3A_76 : memref<1x128xi32, #tpu.memory_space<vmem>> -> memref<128xi32, #tpu.memory_space<vmem>>
      %dma_start3A_78 = arith.constant 0 : i32
      %dma_start3A_79 = arith.constant 0 : i32
      %dma_start3A_80 = tpu.memref_slice %arg2[%dma_start3A_78, %dma_start3A_79] : memref<10240x128xf32, #tpu.memory_space<hbm>> -> memref<10240x128xf32, #tpu.memory_space<hbm>>
      tpu.enqueue_indirect_dma source(%dma_start3A_80 : memref<10240x128xf32, #tpu.memory_space<hbm>>) target(%arg8 : memref<128x128xf32, #tpu.memory_space<vmem>>) offsets(%dma_start3A_77 : memref<128xi32, #tpu.memory_space<vmem>>) semaphore(%arg13 : memref<!tpu.dma_semaphore, #tpu.memory_space<semaphore_mem>>)
      %scan3A_81 = arith.constant 0 : i32
      %scan3A_82 = arith.constant 0 : i32
      %scan3A_83 = arith.constant 16 : i32
      %scan3A_84 = arith.addi %scan3A_82, %scan3A_83 : i32
      %scan3A_85 = arith.constant 1 : i32
      scf.for %scan3A_138 = %scan3A_82 to %scan3A_84 step %scan3A_85  : i32 {
        %mul3A_139 = arith.constant 2 : i32
        %mul3A_140 = arith.muli %mul3A_139, %scan3A_138 : i32
        %add3A_141 = arith.constant 1 : i32
        %add3A_142 = arith.addi %mul3A_140, %add3A_141 : i32
        %dma_wait3A = arith.constant 0 : i32
        %dma_wait3A_143 = tpu.memref_slice %arg6[%mul3A_140, %dma_wait3A] : memref<32x128xi32, #tpu.memory_space<vmem>> -> memref<1x128xi32, #tpu.memory_space<vmem>>
        %dma_wait3A_144 = tpu.memref_squeeze %dma_wait3A_143 : memref<1x128xi32, #tpu.memory_space<vmem>> -> memref<128xi32, #tpu.memory_space<vmem>>
        %dma_wait3A_145 = arith.constant 0 : i32
        %dma_wait3A_146 = arith.constant 0 : i32
        %dma_wait3A_147 = tpu.memref_slice %arg2[%dma_wait3A_145, %dma_wait3A_146] : memref<10240x128xf32, #tpu.memory_space<hbm>> -> memref<10240x128xf32, #tpu.memory_space<hbm>>
        tpu.wait_indirect_dma semaphore(%arg13 : memref<!tpu.dma_semaphore, #tpu.memory_space<semaphore_mem>>) src(%dma_wait3A_147 : memref<10240x128xf32, #tpu.memory_space<hbm>>) dst(%arg8 : memref<128x128xf32, #tpu.memory_space<vmem>>)
        %dma_start3A_148 = arith.constant 0 : i32
        %dma_start3A_149 = tpu.memref_slice %arg6[%add3A_142, %dma_start3A_148] : memref<32x128xi32, #tpu.memory_space<vmem>> -> memref<1x128xi32, #tpu.memory_space<vmem>>
        %dma_start3A_150 = tpu.memref_squeeze %dma_start3A_149 : memref<1x128xi32, #tpu.memory_space<vmem>> -> memref<128xi32, #tpu.memory_space<vmem>>
        %dma_start3A_151 = arith.constant 0 : i32
        %dma_start3A_152 = arith.constant 0 : i32
        %dma_start3A_153 = tpu.memref_slice %arg2[%dma_start3A_151, %dma_start3A_152] : memref<10240x128xf32, #tpu.memory_space<hbm>> -> memref<10240x128xf32, #tpu.memory_space<hbm>>
        tpu.enqueue_indirect_dma source(%dma_start3A_153 : memref<10240x128xf32, #tpu.memory_space<hbm>>) target(%arg9 : memref<128x128xf32, #tpu.memory_space<vmem>>) offsets(%dma_start3A_150 : memref<128xi32, #tpu.memory_space<vmem>>) semaphore(%arg13 : memref<!tpu.dma_semaphore, #tpu.memory_space<semaphore_mem>>)
        %dma_start3A_154 = arith.constant 0 : i32
        %dma_start3A_155 = tpu.memref_slice %arg7[%mul3A_140, %dma_start3A_154] : memref<32x128xi32, #tpu.memory_space<vmem>> -> memref<1x128xi32, #tpu.memory_space<vmem>>
        %dma_start3A_156 = tpu.memref_squeeze %dma_start3A_155 : memref<1x128xi32, #tpu.memory_space<vmem>> -> memref<128xi32, #tpu.memory_space<vmem>>
        %dma_start3A_157 = arith.constant 0 : i32
        %dma_start3A_158 = arith.constant 0 : i32
        %dma_start3A_159 = tpu.memref_slice %arg12[%dma_start3A_157, %dma_start3A_158] : memref<10240x128xf32, #tpu.memory_space<vmem_shared>> -> memref<10240x128xf32, #tpu.memory_space<vmem_shared>>
        tpu.enqueue_indirect_dma source(%arg8 : memref<128x128xf32, #tpu.memory_space<vmem>>) target(%dma_start3A_159 : memref<10240x128xf32, #tpu.memory_space<vmem_shared>>) offsets(%dma_start3A_156 : memref<128xi32, #tpu.memory_space<vmem>>) semaphore(%arg14 : memref<!tpu.dma_semaphore, #tpu.memory_space<semaphore_mem>>) {add = true}
        %dma_wait3A_160 = arith.constant 0 : i32
        %dma_wait3A_161 = tpu.memref_slice %arg6[%add3A_142, %dma_wait3A_160] : memref<32x128xi32, #tpu.memory_space<vmem>> -> memref<1x128xi32, #tpu.memory_space<vmem>>
        %dma_wait3A_162 = tpu.memref_squeeze %dma_wait3A_161 : memref<1x128xi32, #tpu.memory_space<vmem>> -> memref<128xi32, #tpu.memory_space<vmem>>
        %dma_wait3A_163 = arith.constant 0 : i32
        %dma_wait3A_164 = arith.constant 0 : i32
        %dma_wait3A_165 = tpu.memref_slice %arg2[%dma_wait3A_163, %dma_wait3A_164] : memref<10240x128xf32, #tpu.memory_space<hbm>> -> memref<10240x128xf32, #tpu.memory_space<hbm>>
        tpu.wait_indirect_dma semaphore(%arg13 : memref<!tpu.dma_semaphore, #tpu.memory_space<semaphore_mem>>) src(%dma_wait3A_165 : memref<10240x128xf32, #tpu.memory_space<hbm>>) dst(%arg9 : memref<128x128xf32, #tpu.memory_space<vmem>>)
        %dma_wait3A_166 = arith.constant 0 : i32
        %dma_wait3A_167 = tpu.memref_slice %arg7[%mul3A_140, %dma_wait3A_166] : memref<32x128xi32, #tpu.memory_space<vmem>> -> memref<1x128xi32, #tpu.memory_space<vmem>>
        %dma_wait3A_168 = tpu.memref_squeeze %dma_wait3A_167 : memref<1x128xi32, #tpu.memory_space<vmem>> -> memref<128xi32, #tpu.memory_space<vmem>>
        %dma_wait3A_169 = arith.constant 0 : i32
        %dma_wait3A_170 = arith.constant 0 : i32
        %dma_wait3A_171 = tpu.memref_slice %arg12[%dma_wait3A_169, %dma_wait3A_170] : memref<10240x128xf32, #tpu.memory_space<vmem_shared>> -> memref<10240x128xf32, #tpu.memory_space<vmem_shared>>
        tpu.wait_indirect_dma semaphore(%arg14 : memref<!tpu.dma_semaphore, #tpu.memory_space<semaphore_mem>>) src(%arg8 : memref<128x128xf32, #tpu.memory_space<vmem>>) dst(%dma_wait3A_171 : memref<10240x128xf32, #tpu.memory_space<vmem_shared>>)
        %lt3A = arith.constant 15 : i32
        %lt3A_172 = arith.cmpi slt, %scan3A_138, %lt3A : i32
        %convert_element_type3A_173 = arith.extui %lt3A_172 : i1 to i32
        %cond3A_174 = arith.constant 0 : i32
        %cond3A_175 = arith.cmpi ne, %convert_element_type3A_173, %cond3A_174 : i32
        scf.if %cond3A_175 {
          %add3A_188 = arith.constant 2 : i32
          %add3A_189 = arith.addi %mul3A_140, %add3A_188 : i32
          %dma_start3A_190 = arith.constant 0 : i32
          %dma_start3A_191 = tpu.memref_slice %arg6[%add3A_189, %dma_start3A_190] : memref<32x128xi32, #tpu.memory_space<vmem>> -> memref<1x128xi32, #tpu.memory_space<vmem>>
          %dma_start3A_192 = tpu.memref_squeeze %dma_start3A_191 : memref<1x128xi32, #tpu.memory_space<vmem>> -> memref<128xi32, #tpu.memory_space<vmem>>
          %dma_start3A_193 = arith.constant 0 : i32
          %dma_start3A_194 = arith.constant 0 : i32
          %dma_start3A_195 = tpu.memref_slice %arg2[%dma_start3A_193, %dma_start3A_194] : memref<10240x128xf32, #tpu.memory_space<hbm>> -> memref<10240x128xf32, #tpu.memory_space<hbm>>
          tpu.enqueue_indirect_dma source(%dma_start3A_195 : memref<10240x128xf32, #tpu.memory_space<hbm>>) target(%arg8 : memref<128x128xf32, #tpu.memory_space<vmem>>) offsets(%dma_start3A_192 : memref<128xi32, #tpu.memory_space<vmem>>) semaphore(%arg13 : memref<!tpu.dma_semaphore, #tpu.memory_space<semaphore_mem>>)
        } else {
        }
        %dma_start3A_176 = arith.constant 0 : i32
        %dma_start3A_177 = tpu.memref_slice %arg7[%add3A_142, %dma_start3A_176] : memref<32x128xi32, #tpu.memory_space<vmem>> -> memref<1x128xi32, #tpu.memory_space<vmem>>
        %dma_start3A_178 = tpu.memref_squeeze %dma_start3A_177 : memref<1x128xi32, #tpu.memory_space<vmem>> -> memref<128xi32, #tpu.memory_space<vmem>>
        %dma_start3A_179 = arith.constant 0 : i32
        %dma_start3A_180 = arith.constant 0 : i32
        %dma_start3A_181 = tpu.memref_slice %arg12[%dma_start3A_179, %dma_start3A_180] : memref<10240x128xf32, #tpu.memory_space<vmem_shared>> -> memref<10240x128xf32, #tpu.memory_space<vmem_shared>>
        tpu.enqueue_indirect_dma source(%arg9 : memref<128x128xf32, #tpu.memory_space<vmem>>) target(%dma_start3A_181 : memref<10240x128xf32, #tpu.memory_space<vmem_shared>>) offsets(%dma_start3A_178 : memref<128xi32, #tpu.memory_space<vmem>>) semaphore(%arg14 : memref<!tpu.dma_semaphore, #tpu.memory_space<semaphore_mem>>) {add = true}
        %dma_wait3A_182 = arith.constant 0 : i32
        %dma_wait3A_183 = tpu.memref_slice %arg7[%add3A_142, %dma_wait3A_182] : memref<32x128xi32, #tpu.memory_space<vmem>> -> memref<1x128xi32, #tpu.memory_space<vmem>>
        %dma_wait3A_184 = tpu.memref_squeeze %dma_wait3A_183 : memref<1x128xi32, #tpu.memory_space<vmem>> -> memref<128xi32, #tpu.memory_space<vmem>>
        %dma_wait3A_185 = arith.constant 0 : i32
        %dma_wait3A_186 = arith.constant 0 : i32
        %dma_wait3A_187 = tpu.memref_slice %arg12[%dma_wait3A_185, %dma_wait3A_186] : memref<10240x128xf32, #tpu.memory_space<vmem_shared>> -> memref<10240x128xf32, #tpu.memory_space<vmem_shared>>
        tpu.wait_indirect_dma semaphore(%arg14 : memref<!tpu.dma_semaphore, #tpu.memory_space<semaphore_mem>>) src(%arg9 : memref<128x128xf32, #tpu.memory_space<vmem>>) dst(%dma_wait3A_187 : memref<10240x128xf32, #tpu.memory_space<vmem_shared>>)
      }
      %scan3A_86 = arith.constant 16 : i32
      %mul3A_87 = arith.constant 128 : i32
      %mul3A_88 = arith.muli %arg1, %mul3A_87 : i32
      %add3A_89 = arith.constant 32 : i32
      %add3A_90 = arith.addi %mul3A_88, %add3A_89 : i32
      "tpu.region"() ({
        %run_scoped3A = tpu.sem_alloc : memref<!tpu.dma_semaphore, #tpu.memory_space<semaphore_mem>>
        %dma_start3A_138 = arith.constant 0 : i32
        %dma_start3A_139 = arith.constant 0 : i32
        %dma_start3A_140 = tpu.memref_slice %arg6[%dma_start3A_138, %dma_start3A_139] : memref<32x128xi32, #tpu.memory_space<vmem>> -> memref<32x128xi32, #tpu.memory_space<vmem>>
        %dma_start3A_141 = arith.constant 0 : i32
        %dma_start3A_142 = tpu.memref_slice %arg3[%add3A_90, %dma_start3A_141] : memref<2560x128xi32, #tpu.memory_space<hbm>> -> memref<32x128xi32, #tpu.memory_space<hbm>>
        %dma_start3A_143 = arith.constant 0 : i32
        %dma_start3A_144 = arith.constant 0 : i32
        %dma_start3A_145 = tpu.memref_slice %arg6[%dma_start3A_143, %dma_start3A_144] : memref<32x128xi32, #tpu.memory_space<vmem>> -> memref<32x128xi32, #tpu.memory_space<vmem>>
        %dma_start3A_146 = arith.constant 0 : i32
        %dma_start3A_147 = tpu.memref_slice %arg3[%add3A_90, %dma_start3A_146] : memref<2560x128xi32, #tpu.memory_space<hbm>> -> memref<32x128xi32, #tpu.memory_space<hbm>>
        tpu.enqueue_dma source(%dma_start3A_147 : memref<32x128xi32, #tpu.memory_space<hbm>>) target(%dma_start3A_145 : memref<32x128xi32, #tpu.memory_space<vmem>>) target_semaphore(%run_scoped3A : memref<!tpu.dma_semaphore, #tpu.memory_space<semaphore_mem>>)
        %dma_wait3A = arith.constant 0 : i32
        %dma_wait3A_148 = arith.constant 0 : i32
        %dma_wait3A_149 = tpu.memref_slice %arg6[%dma_wait3A, %dma_wait3A_148] : memref<32x128xi32, #tpu.memory_space<vmem>> -> memref<32x128xi32, #tpu.memory_space<vmem>>
        %dma_wait3A_150 = arith.constant 0 : i32
        %dma_wait3A_151 = tpu.memref_slice %arg3[%add3A_90, %dma_wait3A_150] : memref<2560x128xi32, #tpu.memory_space<hbm>> -> memref<32x128xi32, #tpu.memory_space<hbm>>
        %dma_wait3A_152 = arith.constant 0 : i32
        %dma_wait3A_153 = arith.constant 0 : i32
        %dma_wait3A_154 = tpu.memref_slice %arg6[%dma_wait3A_152, %dma_wait3A_153] : memref<32x128xi32, #tpu.memory_space<vmem>> -> memref<32x128xi32, #tpu.memory_space<vmem>>
        %dma_wait3A_155 = arith.constant 0 : i32
        %dma_wait3A_156 = tpu.memref_slice %arg3[%add3A_90, %dma_wait3A_155] : memref<2560x128xi32, #tpu.memory_space<hbm>> -> memref<32x128xi32, #tpu.memory_space<hbm>>
        tpu.wait_dma2 semaphore(%run_scoped3A : memref<!tpu.dma_semaphore, #tpu.memory_space<semaphore_mem>>) src(%dma_wait3A_156 : memref<32x128xi32, #tpu.memory_space<hbm>>) dst(%dma_wait3A_154 : memref<32x128xi32, #tpu.memory_space<vmem>>)
        tpu.yield
      }) : () -> ()
      "tpu.region"() ({
        %run_scoped3A = tpu.sem_alloc : memref<!tpu.dma_semaphore, #tpu.memory_space<semaphore_mem>>
        %dma_start3A_138 = arith.constant 0 : i32
        %dma_start3A_139 = arith.constant 0 : i32
        %dma_start3A_140 = tpu.memref_slice %arg7[%dma_start3A_138, %dma_start3A_139] : memref<32x128xi32, #tpu.memory_space<vmem>> -> memref<32x128xi32, #tpu.memory_space<vmem>>
        %dma_start3A_141 = arith.constant 0 : i32
        %dma_start3A_142 = tpu.memref_slice %arg4[%add3A_90, %dma_start3A_141] : memref<2560x128xi32, #tpu.memory_space<hbm>> -> memref<32x128xi32, #tpu.memory_space<hbm>>
        %dma_start3A_143 = arith.constant 0 : i32
        %dma_start3A_144 = arith.constant 0 : i32
        %dma_start3A_145 = tpu.memref_slice %arg7[%dma_start3A_143, %dma_start3A_144] : memref<32x128xi32, #tpu.memory_space<vmem>> -> memref<32x128xi32, #tpu.memory_space<vmem>>
        %dma_start3A_146 = arith.constant 0 : i32
        %dma_start3A_147 = tpu.memref_slice %arg4[%add3A_90, %dma_start3A_146] : memref<2560x128xi32, #tpu.memory_space<hbm>> -> memref<32x128xi32, #tpu.memory_space<hbm>>
        tpu.enqueue_dma source(%dma_start3A_147 : memref<32x128xi32, #tpu.memory_space<hbm>>) target(%dma_start3A_145 : memref<32x128xi32, #tpu.memory_space<vmem>>) target_semaphore(%run_scoped3A : memref<!tpu.dma_semaphore, #tpu.memory_space<semaphore_mem>>)
        %dma_wait3A = arith.constant 0 : i32
        %dma_wait3A_148 = arith.constant 0 : i32
        %dma_wait3A_149 = tpu.memref_slice %arg7[%dma_wait3A, %dma_wait3A_148] : memref<32x128xi32, #tpu.memory_space<vmem>> -> memref<32x128xi32, #tpu.memory_space<vmem>>
        %dma_wait3A_150 = arith.constant 0 : i32
        %dma_wait3A_151 = tpu.memref_slice %arg4[%add3A_90, %dma_wait3A_150] : memref<2560x128xi32, #tpu.memory_space<hbm>> -> memref<32x128xi32, #tpu.memory_space<hbm>>
        %dma_wait3A_152 = arith.constant 0 : i32
        %dma_wait3A_153 = arith.constant 0 : i32
        %dma_wait3A_154 = tpu.memref_slice %arg7[%dma_wait3A_152, %dma_wait3A_153] : memref<32x128xi32, #tpu.memory_space<vmem>> -> memref<32x128xi32, #tpu.memory_space<vmem>>
        %dma_wait3A_155 = arith.constant 0 : i32
        %dma_wait3A_156 = tpu.memref_slice %arg4[%add3A_90, %dma_wait3A_155] : memref<2560x128xi32, #tpu.memory_space<hbm>> -> memref<32x128xi32, #tpu.memory_space<hbm>>
        tpu.wait_dma2 semaphore(%run_scoped3A : memref<!tpu.dma_semaphore, #tpu.memory_space<semaphore_mem>>) src(%dma_wait3A_156 : memref<32x128xi32, #tpu.memory_space<hbm>>) dst(%dma_wait3A_154 : memref<32x128xi32, #tpu.memory_space<vmem>>)
        tpu.yield
      }) : () -> ()
      %dma_start3A_91 = arith.constant 0 : i32
      %dma_start3A_92 = arith.constant 0 : i32
      %dma_start3A_93 = tpu.memref_slice %arg6[%dma_start3A_91, %dma_start3A_92] : memref<32x128xi32, #tpu.memory_space<vmem>> -> memref<1x128xi32, #tpu.memory_space<vmem>>
      %dma_start3A_94 = tpu.memref_squeeze %dma_start3A_93 : memref<1x128xi32, #tpu.memory_space<vmem>> -> memref<128xi32, #tpu.memory_space<vmem>>
      %dma_start3A_95 = arith.constant 0 : i32
      %dma_start3A_96 = arith.constant 0 : i32
      %dma_start3A_97 = tpu.memref_slice %arg2[%dma_start3A_95, %dma_start3A_96] : memref<10240x128xf32, #tpu.memory_space<hbm>> -> memref<10240x128xf32, #tpu.memory_space<hbm>>
      tpu.enqueue_indirect_dma source(%dma_start3A_97 : memref<10240x128xf32, #tpu.memory_space<hbm>>) target(%arg8 : memref<128x128xf32, #tpu.memory_space<vmem>>) offsets(%dma_start3A_94 : memref<128xi32, #tpu.memory_space<vmem>>) semaphore(%arg13 : memref<!tpu.dma_semaphore, #tpu.memory_space<semaphore_mem>>)
      %scan3A_98 = arith.constant 0 : i32
      %scan3A_99 = arith.constant 0 : i32
      %scan3A_100 = arith.constant 16 : i32
      %scan3A_101 = arith.addi %scan3A_99, %scan3A_100 : i32
      %scan3A_102 = arith.constant 1 : i32
      scf.for %scan3A_138 = %scan3A_99 to %scan3A_101 step %scan3A_102  : i32 {
        %mul3A_139 = arith.constant 2 : i32
        %mul3A_140 = arith.muli %mul3A_139, %scan3A_138 : i32
        %add3A_141 = arith.constant 1 : i32
        %add3A_142 = arith.addi %mul3A_140, %add3A_141 : i32
        %dma_wait3A = arith.constant 0 : i32
        %dma_wait3A_143 = tpu.memref_slice %arg6[%mul3A_140, %dma_wait3A] : memref<32x128xi32, #tpu.memory_space<vmem>> -> memref<1x128xi32, #tpu.memory_space<vmem>>
        %dma_wait3A_144 = tpu.memref_squeeze %dma_wait3A_143 : memref<1x128xi32, #tpu.memory_space<vmem>> -> memref<128xi32, #tpu.memory_space<vmem>>
        %dma_wait3A_145 = arith.constant 0 : i32
        %dma_wait3A_146 = arith.constant 0 : i32
        %dma_wait3A_147 = tpu.memref_slice %arg2[%dma_wait3A_145, %dma_wait3A_146] : memref<10240x128xf32, #tpu.memory_space<hbm>> -> memref<10240x128xf32, #tpu.memory_space<hbm>>
        tpu.wait_indirect_dma semaphore(%arg13 : memref<!tpu.dma_semaphore, #tpu.memory_space<semaphore_mem>>) src(%dma_wait3A_147 : memref<10240x128xf32, #tpu.memory_space<hbm>>) dst(%arg8 : memref<128x128xf32, #tpu.memory_space<vmem>>)
        %dma_start3A_148 = arith.constant 0 : i32
        %dma_start3A_149 = tpu.memref_slice %arg6[%add3A_142, %dma_start3A_148] : memref<32x128xi32, #tpu.memory_space<vmem>> -> memref<1x128xi32, #tpu.memory_space<vmem>>
        %dma_start3A_150 = tpu.memref_squeeze %dma_start3A_149 : memref<1x128xi32, #tpu.memory_space<vmem>> -> memref<128xi32, #tpu.memory_space<vmem>>
        %dma_start3A_151 = arith.constant 0 : i32
        %dma_start3A_152 = arith.constant 0 : i32
        %dma_start3A_153 = tpu.memref_slice %arg2[%dma_start3A_151, %dma_start3A_152] : memref<10240x128xf32, #tpu.memory_space<hbm>> -> memref<10240x128xf32, #tpu.memory_space<hbm>>
        tpu.enqueue_indirect_dma source(%dma_start3A_153 : memref<10240x128xf32, #tpu.memory_space<hbm>>) target(%arg9 : memref<128x128xf32, #tpu.memory_space<vmem>>) offsets(%dma_start3A_150 : memref<128xi32, #tpu.memory_space<vmem>>) semaphore(%arg13 : memref<!tpu.dma_semaphore, #tpu.memory_space<semaphore_mem>>)
        %dma_start3A_154 = arith.constant 0 : i32
        %dma_start3A_155 = tpu.memref_slice %arg7[%mul3A_140, %dma_start3A_154] : memref<32x128xi32, #tpu.memory_space<vmem>> -> memref<1x128xi32, #tpu.memory_space<vmem>>
        %dma_start3A_156 = tpu.memref_squeeze %dma_start3A_155 : memref<1x128xi32, #tpu.memory_space<vmem>> -> memref<128xi32, #tpu.memory_space<vmem>>
        %dma_start3A_157 = arith.constant 0 : i32
        %dma_start3A_158 = arith.constant 0 : i32
        %dma_start3A_159 = tpu.memref_slice %arg12[%dma_start3A_157, %dma_start3A_158] : memref<10240x128xf32, #tpu.memory_space<vmem_shared>> -> memref<10240x128xf32, #tpu.memory_space<vmem_shared>>
        tpu.enqueue_indirect_dma source(%arg8 : memref<128x128xf32, #tpu.memory_space<vmem>>) target(%dma_start3A_159 : memref<10240x128xf32, #tpu.memory_space<vmem_shared>>) offsets(%dma_start3A_156 : memref<128xi32, #tpu.memory_space<vmem>>) semaphore(%arg14 : memref<!tpu.dma_semaphore, #tpu.memory_space<semaphore_mem>>) {add = true}
        %dma_wait3A_160 = arith.constant 0 : i32
        %dma_wait3A_161 = tpu.memref_slice %arg6[%add3A_142, %dma_wait3A_160] : memref<32x128xi32, #tpu.memory_space<vmem>> -> memref<1x128xi32, #tpu.memory_space<vmem>>
        %dma_wait3A_162 = tpu.memref_squeeze %dma_wait3A_161 : memref<1x128xi32, #tpu.memory_space<vmem>> -> memref<128xi32, #tpu.memory_space<vmem>>
        %dma_wait3A_163 = arith.constant 0 : i32
        %dma_wait3A_164 = arith.constant 0 : i32
        %dma_wait3A_165 = tpu.memref_slice %arg2[%dma_wait3A_163, %dma_wait3A_164] : memref<10240x128xf32, #tpu.memory_space<hbm>> -> memref<10240x128xf32, #tpu.memory_space<hbm>>
        tpu.wait_indirect_dma semaphore(%arg13 : memref<!tpu.dma_semaphore, #tpu.memory_space<semaphore_mem>>) src(%dma_wait3A_165 : memref<10240x128xf32, #tpu.memory_space<hbm>>) dst(%arg9 : memref<128x128xf32, #tpu.memory_space<vmem>>)
        %dma_wait3A_166 = arith.constant 0 : i32
        %dma_wait3A_167 = tpu.memref_slice %arg7[%mul3A_140, %dma_wait3A_166] : memref<32x128xi32, #tpu.memory_space<vmem>> -> memref<1x128xi32, #tpu.memory_space<vmem>>
        %dma_wait3A_168 = tpu.memref_squeeze %dma_wait3A_167 : memref<1x128xi32, #tpu.memory_space<vmem>> -> memref<128xi32, #tpu.memory_space<vmem>>
        %dma_wait3A_169 = arith.constant 0 : i32
        %dma_wait3A_170 = arith.constant 0 : i32
        %dma_wait3A_171 = tpu.memref_slice %arg12[%dma_wait3A_169, %dma_wait3A_170] : memref<10240x128xf32, #tpu.memory_space<vmem_shared>> -> memref<10240x128xf32, #tpu.memory_space<vmem_shared>>
        tpu.wait_indirect_dma semaphore(%arg14 : memref<!tpu.dma_semaphore, #tpu.memory_space<semaphore_mem>>) src(%arg8 : memref<128x128xf32, #tpu.memory_space<vmem>>) dst(%dma_wait3A_171 : memref<10240x128xf32, #tpu.memory_space<vmem_shared>>)
        %lt3A = arith.constant 15 : i32
        %lt3A_172 = arith.cmpi slt, %scan3A_138, %lt3A : i32
        %convert_element_type3A_173 = arith.extui %lt3A_172 : i1 to i32
        %cond3A_174 = arith.constant 0 : i32
        %cond3A_175 = arith.cmpi ne, %convert_element_type3A_173, %cond3A_174 : i32
        scf.if %cond3A_175 {
          %add3A_188 = arith.constant 2 : i32
          %add3A_189 = arith.addi %mul3A_140, %add3A_188 : i32
          %dma_start3A_190 = arith.constant 0 : i32
          %dma_start3A_191 = tpu.memref_slice %arg6[%add3A_189, %dma_start3A_190] : memref<32x128xi32, #tpu.memory_space<vmem>> -> memref<1x128xi32, #tpu.memory_space<vmem>>
          %dma_start3A_192 = tpu.memref_squeeze %dma_start3A_191 : memref<1x128xi32, #tpu.memory_space<vmem>> -> memref<128xi32, #tpu.memory_space<vmem>>
          %dma_start3A_193 = arith.constant 0 : i32
          %dma_start3A_194 = arith.constant 0 : i32
          %dma_start3A_195 = tpu.memref_slice %arg2[%dma_start3A_193, %dma_start3A_194] : memref<10240x128xf32, #tpu.memory_space<hbm>> -> memref<10240x128xf32, #tpu.memory_space<hbm>>
          tpu.enqueue_indirect_dma source(%dma_start3A_195 : memref<10240x128xf32, #tpu.memory_space<hbm>>) target(%arg8 : memref<128x128xf32, #tpu.memory_space<vmem>>) offsets(%dma_start3A_192 : memref<128xi32, #tpu.memory_space<vmem>>) semaphore(%arg13 : memref<!tpu.dma_semaphore, #tpu.memory_space<semaphore_mem>>)
        } else {
        }
        %dma_start3A_176 = arith.constant 0 : i32
        %dma_start3A_177 = tpu.memref_slice %arg7[%add3A_142, %dma_start3A_176] : memref<32x128xi32, #tpu.memory_space<vmem>> -> memref<1x128xi32, #tpu.memory_space<vmem>>
        %dma_start3A_178 = tpu.memref_squeeze %dma_start3A_177 : memref<1x128xi32, #tpu.memory_space<vmem>> -> memref<128xi32, #tpu.memory_space<vmem>>
        %dma_start3A_179 = arith.constant 0 : i32
        %dma_start3A_180 = arith.constant 0 : i32
        %dma_start3A_181 = tpu.memref_slice %arg12[%dma_start3A_179, %dma_start3A_180] : memref<10240x128xf32, #tpu.memory_space<vmem_shared>> -> memref<10240x128xf32, #tpu.memory_space<vmem_shared>>
        tpu.enqueue_indirect_dma source(%arg9 : memref<128x128xf32, #tpu.memory_space<vmem>>) target(%dma_start3A_181 : memref<10240x128xf32, #tpu.memory_space<vmem_shared>>) offsets(%dma_start3A_178 : memref<128xi32, #tpu.memory_space<vmem>>) semaphore(%arg14 : memref<!tpu.dma_semaphore, #tpu.memory_space<semaphore_mem>>) {add = true}
        %dma_wait3A_182 = arith.constant 0 : i32
        %dma_wait3A_183 = tpu.memref_slice %arg7[%add3A_142, %dma_wait3A_182] : memref<32x128xi32, #tpu.memory_space<vmem>> -> memref<1x128xi32, #tpu.memory_space<vmem>>
        %dma_wait3A_184 = tpu.memref_squeeze %dma_wait3A_183 : memref<1x128xi32, #tpu.memory_space<vmem>> -> memref<128xi32, #tpu.memory_space<vmem>>
        %dma_wait3A_185 = arith.constant 0 : i32
        %dma_wait3A_186 = arith.constant 0 : i32
        %dma_wait3A_187 = tpu.memref_slice %arg12[%dma_wait3A_185, %dma_wait3A_186] : memref<10240x128xf32, #tpu.memory_space<vmem_shared>> -> memref<10240x128xf32, #tpu.memory_space<vmem_shared>>
        tpu.wait_indirect_dma semaphore(%arg14 : memref<!tpu.dma_semaphore, #tpu.memory_space<semaphore_mem>>) src(%arg9 : memref<128x128xf32, #tpu.memory_space<vmem>>) dst(%dma_wait3A_187 : memref<10240x128xf32, #tpu.memory_space<vmem_shared>>)
      }
      %scan3A_103 = arith.constant 16 : i32
      %mul3A_104 = arith.constant 128 : i32
      %mul3A_105 = arith.muli %arg1, %mul3A_104 : i32
      %add3A_106 = arith.constant 64 : i32
      %add3A_107 = arith.addi %mul3A_105, %add3A_106 : i32
      "tpu.region"() ({
        %run_scoped3A = tpu.sem_alloc : memref<!tpu.dma_semaphore, #tpu.memory_space<semaphore_mem>>
        %dma_start3A_138 = arith.constant 0 : i32
        %dma_start3A_139 = arith.constant 0 : i32
        %dma_start3A_140 = tpu.memref_slice %arg6[%dma_start3A_138, %dma_start3A_139] : memref<32x128xi32, #tpu.memory_space<vmem>> -> memref<32x128xi32, #tpu.memory_space<vmem>>
        %dma_start3A_141 = arith.constant 0 : i32
        %dma_start3A_142 = tpu.memref_slice %arg3[%add3A_107, %dma_start3A_141] : memref<2560x128xi32, #tpu.memory_space<hbm>> -> memref<32x128xi32, #tpu.memory_space<hbm>>
        %dma_start3A_143 = arith.constant 0 : i32
        %dma_start3A_144 = arith.constant 0 : i32
        %dma_start3A_145 = tpu.memref_slice %arg6[%dma_start3A_143, %dma_start3A_144] : memref<32x128xi32, #tpu.memory_space<vmem>> -> memref<32x128xi32, #tpu.memory_space<vmem>>
        %dma_start3A_146 = arith.constant 0 : i32
        %dma_start3A_147 = tpu.memref_slice %arg3[%add3A_107, %dma_start3A_146] : memref<2560x128xi32, #tpu.memory_space<hbm>> -> memref<32x128xi32, #tpu.memory_space<hbm>>
        tpu.enqueue_dma source(%dma_start3A_147 : memref<32x128xi32, #tpu.memory_space<hbm>>) target(%dma_start3A_145 : memref<32x128xi32, #tpu.memory_space<vmem>>) target_semaphore(%run_scoped3A : memref<!tpu.dma_semaphore, #tpu.memory_space<semaphore_mem>>)
        %dma_wait3A = arith.constant 0 : i32
        %dma_wait3A_148 = arith.constant 0 : i32
        %dma_wait3A_149 = tpu.memref_slice %arg6[%dma_wait3A, %dma_wait3A_148] : memref<32x128xi32, #tpu.memory_space<vmem>> -> memref<32x128xi32, #tpu.memory_space<vmem>>
        %dma_wait3A_150 = arith.constant 0 : i32
        %dma_wait3A_151 = tpu.memref_slice %arg3[%add3A_107, %dma_wait3A_150] : memref<2560x128xi32, #tpu.memory_space<hbm>> -> memref<32x128xi32, #tpu.memory_space<hbm>>
        %dma_wait3A_152 = arith.constant 0 : i32
        %dma_wait3A_153 = arith.constant 0 : i32
        %dma_wait3A_154 = tpu.memref_slice %arg6[%dma_wait3A_152, %dma_wait3A_153] : memref<32x128xi32, #tpu.memory_space<vmem>> -> memref<32x128xi32, #tpu.memory_space<vmem>>
        %dma_wait3A_155 = arith.constant 0 : i32
        %dma_wait3A_156 = tpu.memref_slice %arg3[%add3A_107, %dma_wait3A_155] : memref<2560x128xi32, #tpu.memory_space<hbm>> -> memref<32x128xi32, #tpu.memory_space<hbm>>
        tpu.wait_dma2 semaphore(%run_scoped3A : memref<!tpu.dma_semaphore, #tpu.memory_space<semaphore_mem>>) src(%dma_wait3A_156 : memref<32x128xi32, #tpu.memory_space<hbm>>) dst(%dma_wait3A_154 : memref<32x128xi32, #tpu.memory_space<vmem>>)
        tpu.yield
      }) : () -> ()
      "tpu.region"() ({
        %run_scoped3A = tpu.sem_alloc : memref<!tpu.dma_semaphore, #tpu.memory_space<semaphore_mem>>
        %dma_start3A_138 = arith.constant 0 : i32
        %dma_start3A_139 = arith.constant 0 : i32
        %dma_start3A_140 = tpu.memref_slice %arg7[%dma_start3A_138, %dma_start3A_139] : memref<32x128xi32, #tpu.memory_space<vmem>> -> memref<32x128xi32, #tpu.memory_space<vmem>>
        %dma_start3A_141 = arith.constant 0 : i32
        %dma_start3A_142 = tpu.memref_slice %arg4[%add3A_107, %dma_start3A_141] : memref<2560x128xi32, #tpu.memory_space<hbm>> -> memref<32x128xi32, #tpu.memory_space<hbm>>
        %dma_start3A_143 = arith.constant 0 : i32
        %dma_start3A_144 = arith.constant 0 : i32
        %dma_start3A_145 = tpu.memref_slice %arg7[%dma_start3A_143, %dma_start3A_144] : memref<32x128xi32, #tpu.memory_space<vmem>> -> memref<32x128xi32, #tpu.memory_space<vmem>>
        %dma_start3A_146 = arith.constant 0 : i32
        %dma_start3A_147 = tpu.memref_slice %arg4[%add3A_107, %dma_start3A_146] : memref<2560x128xi32, #tpu.memory_space<hbm>> -> memref<32x128xi32, #tpu.memory_space<hbm>>
        tpu.enqueue_dma source(%dma_start3A_147 : memref<32x128xi32, #tpu.memory_space<hbm>>) target(%dma_start3A_145 : memref<32x128xi32, #tpu.memory_space<vmem>>) target_semaphore(%run_scoped3A : memref<!tpu.dma_semaphore, #tpu.memory_space<semaphore_mem>>)
        %dma_wait3A = arith.constant 0 : i32
        %dma_wait3A_148 = arith.constant 0 : i32
        %dma_wait3A_149 = tpu.memref_slice %arg7[%dma_wait3A, %dma_wait3A_148] : memref<32x128xi32, #tpu.memory_space<vmem>> -> memref<32x128xi32, #tpu.memory_space<vmem>>
        %dma_wait3A_150 = arith.constant 0 : i32
        %dma_wait3A_151 = tpu.memref_slice %arg4[%add3A_107, %dma_wait3A_150] : memref<2560x128xi32, #tpu.memory_space<hbm>> -> memref<32x128xi32, #tpu.memory_space<hbm>>
        %dma_wait3A_152 = arith.constant 0 : i32
        %dma_wait3A_153 = arith.constant 0 : i32
        %dma_wait3A_154 = tpu.memref_slice %arg7[%dma_wait3A_152, %dma_wait3A_153] : memref<32x128xi32, #tpu.memory_space<vmem>> -> memref<32x128xi32, #tpu.memory_space<vmem>>
        %dma_wait3A_155 = arith.constant 0 : i32
        %dma_wait3A_156 = tpu.memref_slice %arg4[%add3A_107, %dma_wait3A_155] : memref<2560x128xi32, #tpu.memory_space<hbm>> -> memref<32x128xi32, #tpu.memory_space<hbm>>
        tpu.wait_dma2 semaphore(%run_scoped3A : memref<!tpu.dma_semaphore, #tpu.memory_space<semaphore_mem>>) src(%dma_wait3A_156 : memref<32x128xi32, #tpu.memory_space<hbm>>) dst(%dma_wait3A_154 : memref<32x128xi32, #tpu.memory_space<vmem>>)
        tpu.yield
      }) : () -> ()
      %dma_start3A_108 = arith.constant 0 : i32
      %dma_start3A_109 = arith.constant 0 : i32
      %dma_start3A_110 = tpu.memref_slice %arg6[%dma_start3A_108, %dma_start3A_109] : memref<32x128xi32, #tpu.memory_space<vmem>> -> memref<1x128xi32, #tpu.memory_space<vmem>>
      %dma_start3A_111 = tpu.memref_squeeze %dma_start3A_110 : memref<1x128xi32, #tpu.memory_space<vmem>> -> memref<128xi32, #tpu.memory_space<vmem>>
      %dma_start3A_112 = arith.constant 0 : i32
      %dma_start3A_113 = arith.constant 0 : i32
      %dma_start3A_114 = tpu.memref_slice %arg2[%dma_start3A_112, %dma_start3A_113] : memref<10240x128xf32, #tpu.memory_space<hbm>> -> memref<10240x128xf32, #tpu.memory_space<hbm>>
      tpu.enqueue_indirect_dma source(%dma_start3A_114 : memref<10240x128xf32, #tpu.memory_space<hbm>>) target(%arg8 : memref<128x128xf32, #tpu.memory_space<vmem>>) offsets(%dma_start3A_111 : memref<128xi32, #tpu.memory_space<vmem>>) semaphore(%arg13 : memref<!tpu.dma_semaphore, #tpu.memory_space<semaphore_mem>>)
      %scan3A_115 = arith.constant 0 : i32
      %scan3A_116 = arith.constant 0 : i32
      %scan3A_117 = arith.constant 16 : i32
      %scan3A_118 = arith.addi %scan3A_116, %scan3A_117 : i32
      %scan3A_119 = arith.constant 1 : i32
      scf.for %scan3A_138 = %scan3A_116 to %scan3A_118 step %scan3A_119  : i32 {
        %mul3A_139 = arith.constant 2 : i32
        %mul3A_140 = arith.muli %mul3A_139, %scan3A_138 : i32
        %add3A_141 = arith.constant 1 : i32
        %add3A_142 = arith.addi %mul3A_140, %add3A_141 : i32
        %dma_wait3A = arith.constant 0 : i32
        %dma_wait3A_143 = tpu.memref_slice %arg6[%mul3A_140, %dma_wait3A] : memref<32x128xi32, #tpu.memory_space<vmem>> -> memref<1x128xi32, #tpu.memory_space<vmem>>
        %dma_wait3A_144 = tpu.memref_squeeze %dma_wait3A_143 : memref<1x128xi32, #tpu.memory_space<vmem>> -> memref<128xi32, #tpu.memory_space<vmem>>
        %dma_wait3A_145 = arith.constant 0 : i32
        %dma_wait3A_146 = arith.constant 0 : i32
        %dma_wait3A_147 = tpu.memref_slice %arg2[%dma_wait3A_145, %dma_wait3A_146] : memref<10240x128xf32, #tpu.memory_space<hbm>> -> memref<10240x128xf32, #tpu.memory_space<hbm>>
        tpu.wait_indirect_dma semaphore(%arg13 : memref<!tpu.dma_semaphore, #tpu.memory_space<semaphore_mem>>) src(%dma_wait3A_147 : memref<10240x128xf32, #tpu.memory_space<hbm>>) dst(%arg8 : memref<128x128xf32, #tpu.memory_space<vmem>>)
        %dma_start3A_148 = arith.constant 0 : i32
        %dma_start3A_149 = tpu.memref_slice %arg6[%add3A_142, %dma_start3A_148] : memref<32x128xi32, #tpu.memory_space<vmem>> -> memref<1x128xi32, #tpu.memory_space<vmem>>
        %dma_start3A_150 = tpu.memref_squeeze %dma_start3A_149 : memref<1x128xi32, #tpu.memory_space<vmem>> -> memref<128xi32, #tpu.memory_space<vmem>>
        %dma_start3A_151 = arith.constant 0 : i32
        %dma_start3A_152 = arith.constant 0 : i32
        %dma_start3A_153 = tpu.memref_slice %arg2[%dma_start3A_151, %dma_start3A_152] : memref<10240x128xf32, #tpu.memory_space<hbm>> -> memref<10240x128xf32, #tpu.memory_space<hbm>>
        tpu.enqueue_indirect_dma source(%dma_start3A_153 : memref<10240x128xf32, #tpu.memory_space<hbm>>) target(%arg9 : memref<128x128xf32, #tpu.memory_space<vmem>>) offsets(%dma_start3A_150 : memref<128xi32, #tpu.memory_space<vmem>>) semaphore(%arg13 : memref<!tpu.dma_semaphore, #tpu.memory_space<semaphore_mem>>)
        %dma_start3A_154 = arith.constant 0 : i32
        %dma_start3A_155 = tpu.memref_slice %arg7[%mul3A_140, %dma_start3A_154] : memref<32x128xi32, #tpu.memory_space<vmem>> -> memref<1x128xi32, #tpu.memory_space<vmem>>
        %dma_start3A_156 = tpu.memref_squeeze %dma_start3A_155 : memref<1x128xi32, #tpu.memory_space<vmem>> -> memref<128xi32, #tpu.memory_space<vmem>>
        %dma_start3A_157 = arith.constant 0 : i32
        %dma_start3A_158 = arith.constant 0 : i32
        %dma_start3A_159 = tpu.memref_slice %arg12[%dma_start3A_157, %dma_start3A_158] : memref<10240x128xf32, #tpu.memory_space<vmem_shared>> -> memref<10240x128xf32, #tpu.memory_space<vmem_shared>>
        tpu.enqueue_indirect_dma source(%arg8 : memref<128x128xf32, #tpu.memory_space<vmem>>) target(%dma_start3A_159 : memref<10240x128xf32, #tpu.memory_space<vmem_shared>>) offsets(%dma_start3A_156 : memref<128xi32, #tpu.memory_space<vmem>>) semaphore(%arg14 : memref<!tpu.dma_semaphore, #tpu.memory_space<semaphore_mem>>) {add = true}
        %dma_wait3A_160 = arith.constant 0 : i32
        %dma_wait3A_161 = tpu.memref_slice %arg6[%add3A_142, %dma_wait3A_160] : memref<32x128xi32, #tpu.memory_space<vmem>> -> memref<1x128xi32, #tpu.memory_space<vmem>>
        %dma_wait3A_162 = tpu.memref_squeeze %dma_wait3A_161 : memref<1x128xi32, #tpu.memory_space<vmem>> -> memref<128xi32, #tpu.memory_space<vmem>>
        %dma_wait3A_163 = arith.constant 0 : i32
        %dma_wait3A_164 = arith.constant 0 : i32
        %dma_wait3A_165 = tpu.memref_slice %arg2[%dma_wait3A_163, %dma_wait3A_164] : memref<10240x128xf32, #tpu.memory_space<hbm>> -> memref<10240x128xf32, #tpu.memory_space<hbm>>
        tpu.wait_indirect_dma semaphore(%arg13 : memref<!tpu.dma_semaphore, #tpu.memory_space<semaphore_mem>>) src(%dma_wait3A_165 : memref<10240x128xf32, #tpu.memory_space<hbm>>) dst(%arg9 : memref<128x128xf32, #tpu.memory_space<vmem>>)
        %dma_wait3A_166 = arith.constant 0 : i32
        %dma_wait3A_167 = tpu.memref_slice %arg7[%mul3A_140, %dma_wait3A_166] : memref<32x128xi32, #tpu.memory_space<vmem>> -> memref<1x128xi32, #tpu.memory_space<vmem>>
        %dma_wait3A_168 = tpu.memref_squeeze %dma_wait3A_167 : memref<1x128xi32, #tpu.memory_space<vmem>> -> memref<128xi32, #tpu.memory_space<vmem>>
        %dma_wait3A_169 = arith.constant 0 : i32
        %dma_wait3A_170 = arith.constant 0 : i32
        %dma_wait3A_171 = tpu.memref_slice %arg12[%dma_wait3A_169, %dma_wait3A_170] : memref<10240x128xf32, #tpu.memory_space<vmem_shared>> -> memref<10240x128xf32, #tpu.memory_space<vmem_shared>>
        tpu.wait_indirect_dma semaphore(%arg14 : memref<!tpu.dma_semaphore, #tpu.memory_space<semaphore_mem>>) src(%arg8 : memref<128x128xf32, #tpu.memory_space<vmem>>) dst(%dma_wait3A_171 : memref<10240x128xf32, #tpu.memory_space<vmem_shared>>)
        %lt3A = arith.constant 15 : i32
        %lt3A_172 = arith.cmpi slt, %scan3A_138, %lt3A : i32
        %convert_element_type3A_173 = arith.extui %lt3A_172 : i1 to i32
        %cond3A_174 = arith.constant 0 : i32
        %cond3A_175 = arith.cmpi ne, %convert_element_type3A_173, %cond3A_174 : i32
        scf.if %cond3A_175 {
          %add3A_188 = arith.constant 2 : i32
          %add3A_189 = arith.addi %mul3A_140, %add3A_188 : i32
          %dma_start3A_190 = arith.constant 0 : i32
          %dma_start3A_191 = tpu.memref_slice %arg6[%add3A_189, %dma_start3A_190] : memref<32x128xi32, #tpu.memory_space<vmem>> -> memref<1x128xi32, #tpu.memory_space<vmem>>
          %dma_start3A_192 = tpu.memref_squeeze %dma_start3A_191 : memref<1x128xi32, #tpu.memory_space<vmem>> -> memref<128xi32, #tpu.memory_space<vmem>>
          %dma_start3A_193 = arith.constant 0 : i32
          %dma_start3A_194 = arith.constant 0 : i32
          %dma_start3A_195 = tpu.memref_slice %arg2[%dma_start3A_193, %dma_start3A_194] : memref<10240x128xf32, #tpu.memory_space<hbm>> -> memref<10240x128xf32, #tpu.memory_space<hbm>>
          tpu.enqueue_indirect_dma source(%dma_start3A_195 : memref<10240x128xf32, #tpu.memory_space<hbm>>) target(%arg8 : memref<128x128xf32, #tpu.memory_space<vmem>>) offsets(%dma_start3A_192 : memref<128xi32, #tpu.memory_space<vmem>>) semaphore(%arg13 : memref<!tpu.dma_semaphore, #tpu.memory_space<semaphore_mem>>)
        } else {
        }
        %dma_start3A_176 = arith.constant 0 : i32
        %dma_start3A_177 = tpu.memref_slice %arg7[%add3A_142, %dma_start3A_176] : memref<32x128xi32, #tpu.memory_space<vmem>> -> memref<1x128xi32, #tpu.memory_space<vmem>>
        %dma_start3A_178 = tpu.memref_squeeze %dma_start3A_177 : memref<1x128xi32, #tpu.memory_space<vmem>> -> memref<128xi32, #tpu.memory_space<vmem>>
        %dma_start3A_179 = arith.constant 0 : i32
        %dma_start3A_180 = arith.constant 0 : i32
        %dma_start3A_181 = tpu.memref_slice %arg12[%dma_start3A_179, %dma_start3A_180] : memref<10240x128xf32, #tpu.memory_space<vmem_shared>> -> memref<10240x128xf32, #tpu.memory_space<vmem_shared>>
        tpu.enqueue_indirect_dma source(%arg9 : memref<128x128xf32, #tpu.memory_space<vmem>>) target(%dma_start3A_181 : memref<10240x128xf32, #tpu.memory_space<vmem_shared>>) offsets(%dma_start3A_178 : memref<128xi32, #tpu.memory_space<vmem>>) semaphore(%arg14 : memref<!tpu.dma_semaphore, #tpu.memory_space<semaphore_mem>>) {add = true}
        %dma_wait3A_182 = arith.constant 0 : i32
        %dma_wait3A_183 = tpu.memref_slice %arg7[%add3A_142, %dma_wait3A_182] : memref<32x128xi32, #tpu.memory_space<vmem>> -> memref<1x128xi32, #tpu.memory_space<vmem>>
        %dma_wait3A_184 = tpu.memref_squeeze %dma_wait3A_183 : memref<1x128xi32, #tpu.memory_space<vmem>> -> memref<128xi32, #tpu.memory_space<vmem>>
        %dma_wait3A_185 = arith.constant 0 : i32
        %dma_wait3A_186 = arith.constant 0 : i32
        %dma_wait3A_187 = tpu.memref_slice %arg12[%dma_wait3A_185, %dma_wait3A_186] : memref<10240x128xf32, #tpu.memory_space<vmem_shared>> -> memref<10240x128xf32, #tpu.memory_space<vmem_shared>>
        tpu.wait_indirect_dma semaphore(%arg14 : memref<!tpu.dma_semaphore, #tpu.memory_space<semaphore_mem>>) src(%arg9 : memref<128x128xf32, #tpu.memory_space<vmem>>) dst(%dma_wait3A_187 : memref<10240x128xf32, #tpu.memory_space<vmem_shared>>)
      }
      %scan3A_120 = arith.constant 16 : i32
      %mul3A_121 = arith.constant 128 : i32
      %mul3A_122 = arith.muli %arg1, %mul3A_121 : i32
      %add3A_123 = arith.constant 96 : i32
      %add3A_124 = arith.addi %mul3A_122, %add3A_123 : i32
      "tpu.region"() ({
        %run_scoped3A = tpu.sem_alloc : memref<!tpu.dma_semaphore, #tpu.memory_space<semaphore_mem>>
        %dma_start3A_138 = arith.constant 0 : i32
        %dma_start3A_139 = arith.constant 0 : i32
        %dma_start3A_140 = tpu.memref_slice %arg6[%dma_start3A_138, %dma_start3A_139] : memref<32x128xi32, #tpu.memory_space<vmem>> -> memref<32x128xi32, #tpu.memory_space<vmem>>
        %dma_start3A_141 = arith.constant 0 : i32
        %dma_start3A_142 = tpu.memref_slice %arg3[%add3A_124, %dma_start3A_141] : memref<2560x128xi32, #tpu.memory_space<hbm>> -> memref<32x128xi32, #tpu.memory_space<hbm>>
        %dma_start3A_143 = arith.constant 0 : i32
        %dma_start3A_144 = arith.constant 0 : i32
        %dma_start3A_145 = tpu.memref_slice %arg6[%dma_start3A_143, %dma_start3A_144] : memref<32x128xi32, #tpu.memory_space<vmem>> -> memref<32x128xi32, #tpu.memory_space<vmem>>
        %dma_start3A_146 = arith.constant 0 : i32
        %dma_start3A_147 = tpu.memref_slice %arg3[%add3A_124, %dma_start3A_146] : memref<2560x128xi32, #tpu.memory_space<hbm>> -> memref<32x128xi32, #tpu.memory_space<hbm>>
        tpu.enqueue_dma source(%dma_start3A_147 : memref<32x128xi32, #tpu.memory_space<hbm>>) target(%dma_start3A_145 : memref<32x128xi32, #tpu.memory_space<vmem>>) target_semaphore(%run_scoped3A : memref<!tpu.dma_semaphore, #tpu.memory_space<semaphore_mem>>)
        %dma_wait3A = arith.constant 0 : i32
        %dma_wait3A_148 = arith.constant 0 : i32
        %dma_wait3A_149 = tpu.memref_slice %arg6[%dma_wait3A, %dma_wait3A_148] : memref<32x128xi32, #tpu.memory_space<vmem>> -> memref<32x128xi32, #tpu.memory_space<vmem>>
        %dma_wait3A_150 = arith.constant 0 : i32
        %dma_wait3A_151 = tpu.memref_slice %arg3[%add3A_124, %dma_wait3A_150] : memref<2560x128xi32, #tpu.memory_space<hbm>> -> memref<32x128xi32, #tpu.memory_space<hbm>>
        %dma_wait3A_152 = arith.constant 0 : i32
        %dma_wait3A_153 = arith.constant 0 : i32
        %dma_wait3A_154 = tpu.memref_slice %arg6[%dma_wait3A_152, %dma_wait3A_153] : memref<32x128xi32, #tpu.memory_space<vmem>> -> memref<32x128xi32, #tpu.memory_space<vmem>>
        %dma_wait3A_155 = arith.constant 0 : i32
        %dma_wait3A_156 = tpu.memref_slice %arg3[%add3A_124, %dma_wait3A_155] : memref<2560x128xi32, #tpu.memory_space<hbm>> -> memref<32x128xi32, #tpu.memory_space<hbm>>
        tpu.wait_dma2 semaphore(%run_scoped3A : memref<!tpu.dma_semaphore, #tpu.memory_space<semaphore_mem>>) src(%dma_wait3A_156 : memref<32x128xi32, #tpu.memory_space<hbm>>) dst(%dma_wait3A_154 : memref<32x128xi32, #tpu.memory_space<vmem>>)
        tpu.yield
      }) : () -> ()
      "tpu.region"() ({
        %run_scoped3A = tpu.sem_alloc : memref<!tpu.dma_semaphore, #tpu.memory_space<semaphore_mem>>
        %dma_start3A_138 = arith.constant 0 : i32
        %dma_start3A_139 = arith.constant 0 : i32
        %dma_start3A_140 = tpu.memref_slice %arg7[%dma_start3A_138, %dma_start3A_139] : memref<32x128xi32, #tpu.memory_space<vmem>> -> memref<32x128xi32, #tpu.memory_space<vmem>>
        %dma_start3A_141 = arith.constant 0 : i32
        %dma_start3A_142 = tpu.memref_slice %arg4[%add3A_124, %dma_start3A_141] : memref<2560x128xi32, #tpu.memory_space<hbm>> -> memref<32x128xi32, #tpu.memory_space<hbm>>
        %dma_start3A_143 = arith.constant 0 : i32
        %dma_start3A_144 = arith.constant 0 : i32
        %dma_start3A_145 = tpu.memref_slice %arg7[%dma_start3A_143, %dma_start3A_144] : memref<32x128xi32, #tpu.memory_space<vmem>> -> memref<32x128xi32, #tpu.memory_space<vmem>>
        %dma_start3A_146 = arith.constant 0 : i32
        %dma_start3A_147 = tpu.memref_slice %arg4[%add3A_124, %dma_start3A_146] : memref<2560x128xi32, #tpu.memory_space<hbm>> -> memref<32x128xi32, #tpu.memory_space<hbm>>
        tpu.enqueue_dma source(%dma_start3A_147 : memref<32x128xi32, #tpu.memory_space<hbm>>) target(%dma_start3A_145 : memref<32x128xi32, #tpu.memory_space<vmem>>) target_semaphore(%run_scoped3A : memref<!tpu.dma_semaphore, #tpu.memory_space<semaphore_mem>>)
        %dma_wait3A = arith.constant 0 : i32
        %dma_wait3A_148 = arith.constant 0 : i32
        %dma_wait3A_149 = tpu.memref_slice %arg7[%dma_wait3A, %dma_wait3A_148] : memref<32x128xi32, #tpu.memory_space<vmem>> -> memref<32x128xi32, #tpu.memory_space<vmem>>
        %dma_wait3A_150 = arith.constant 0 : i32
        %dma_wait3A_151 = tpu.memref_slice %arg4[%add3A_124, %dma_wait3A_150] : memref<2560x128xi32, #tpu.memory_space<hbm>> -> memref<32x128xi32, #tpu.memory_space<hbm>>
        %dma_wait3A_152 = arith.constant 0 : i32
        %dma_wait3A_153 = arith.constant 0 : i32
        %dma_wait3A_154 = tpu.memref_slice %arg7[%dma_wait3A_152, %dma_wait3A_153] : memref<32x128xi32, #tpu.memory_space<vmem>> -> memref<32x128xi32, #tpu.memory_space<vmem>>
        %dma_wait3A_155 = arith.constant 0 : i32
        %dma_wait3A_156 = tpu.memref_slice %arg4[%add3A_124, %dma_wait3A_155] : memref<2560x128xi32, #tpu.memory_space<hbm>> -> memref<32x128xi32, #tpu.memory_space<hbm>>
        tpu.wait_dma2 semaphore(%run_scoped3A : memref<!tpu.dma_semaphore, #tpu.memory_space<semaphore_mem>>) src(%dma_wait3A_156 : memref<32x128xi32, #tpu.memory_space<hbm>>) dst(%dma_wait3A_154 : memref<32x128xi32, #tpu.memory_space<vmem>>)
        tpu.yield
      }) : () -> ()
      %dma_start3A_125 = arith.constant 0 : i32
      %dma_start3A_126 = arith.constant 0 : i32
      %dma_start3A_127 = tpu.memref_slice %arg6[%dma_start3A_125, %dma_start3A_126] : memref<32x128xi32, #tpu.memory_space<vmem>> -> memref<1x128xi32, #tpu.memory_space<vmem>>
      %dma_start3A_128 = tpu.memref_squeeze %dma_start3A_127 : memref<1x128xi32, #tpu.memory_space<vmem>> -> memref<128xi32, #tpu.memory_space<vmem>>
      %dma_start3A_129 = arith.constant 0 : i32
      %dma_start3A_130 = arith.constant 0 : i32
      %dma_start3A_131 = tpu.memref_slice %arg2[%dma_start3A_129, %dma_start3A_130] : memref<10240x128xf32, #tpu.memory_space<hbm>> -> memref<10240x128xf32, #tpu.memory_space<hbm>>
      tpu.enqueue_indirect_dma source(%dma_start3A_131 : memref<10240x128xf32, #tpu.memory_space<hbm>>) target(%arg8 : memref<128x128xf32, #tpu.memory_space<vmem>>) offsets(%dma_start3A_128 : memref<128xi32, #tpu.memory_space<vmem>>) semaphore(%arg13 : memref<!tpu.dma_semaphore, #tpu.memory_space<semaphore_mem>>)
      %scan3A_132 = arith.constant 0 : i32
      %scan3A_133 = arith.constant 0 : i32
      %scan3A_134 = arith.constant 16 : i32
      %scan3A_135 = arith.addi %scan3A_133, %scan3A_134 : i32
      %scan3A_136 = arith.constant 1 : i32
      scf.for %scan3A_138 = %scan3A_133 to %scan3A_135 step %scan3A_136  : i32 {
        %mul3A_139 = arith.constant 2 : i32
        %mul3A_140 = arith.muli %mul3A_139, %scan3A_138 : i32
        %add3A_141 = arith.constant 1 : i32
        %add3A_142 = arith.addi %mul3A_140, %add3A_141 : i32
        %dma_wait3A = arith.constant 0 : i32
        %dma_wait3A_143 = tpu.memref_slice %arg6[%mul3A_140, %dma_wait3A] : memref<32x128xi32, #tpu.memory_space<vmem>> -> memref<1x128xi32, #tpu.memory_space<vmem>>
        %dma_wait3A_144 = tpu.memref_squeeze %dma_wait3A_143 : memref<1x128xi32, #tpu.memory_space<vmem>> -> memref<128xi32, #tpu.memory_space<vmem>>
        %dma_wait3A_145 = arith.constant 0 : i32
        %dma_wait3A_146 = arith.constant 0 : i32
        %dma_wait3A_147 = tpu.memref_slice %arg2[%dma_wait3A_145, %dma_wait3A_146] : memref<10240x128xf32, #tpu.memory_space<hbm>> -> memref<10240x128xf32, #tpu.memory_space<hbm>>
        tpu.wait_indirect_dma semaphore(%arg13 : memref<!tpu.dma_semaphore, #tpu.memory_space<semaphore_mem>>) src(%dma_wait3A_147 : memref<10240x128xf32, #tpu.memory_space<hbm>>) dst(%arg8 : memref<128x128xf32, #tpu.memory_space<vmem>>)
        %dma_start3A_148 = arith.constant 0 : i32
        %dma_start3A_149 = tpu.memref_slice %arg6[%add3A_142, %dma_start3A_148] : memref<32x128xi32, #tpu.memory_space<vmem>> -> memref<1x128xi32, #tpu.memory_space<vmem>>
        %dma_start3A_150 = tpu.memref_squeeze %dma_start3A_149 : memref<1x128xi32, #tpu.memory_space<vmem>> -> memref<128xi32, #tpu.memory_space<vmem>>
        %dma_start3A_151 = arith.constant 0 : i32
        %dma_start3A_152 = arith.constant 0 : i32
        %dma_start3A_153 = tpu.memref_slice %arg2[%dma_start3A_151, %dma_start3A_152] : memref<10240x128xf32, #tpu.memory_space<hbm>> -> memref<10240x128xf32, #tpu.memory_space<hbm>>
        tpu.enqueue_indirect_dma source(%dma_start3A_153 : memref<10240x128xf32, #tpu.memory_space<hbm>>) target(%arg9 : memref<128x128xf32, #tpu.memory_space<vmem>>) offsets(%dma_start3A_150 : memref<128xi32, #tpu.memory_space<vmem>>) semaphore(%arg13 : memref<!tpu.dma_semaphore, #tpu.memory_space<semaphore_mem>>)
        %dma_start3A_154 = arith.constant 0 : i32
        %dma_start3A_155 = tpu.memref_slice %arg7[%mul3A_140, %dma_start3A_154] : memref<32x128xi32, #tpu.memory_space<vmem>> -> memref<1x128xi32, #tpu.memory_space<vmem>>
        %dma_start3A_156 = tpu.memref_squeeze %dma_start3A_155 : memref<1x128xi32, #tpu.memory_space<vmem>> -> memref<128xi32, #tpu.memory_space<vmem>>
        %dma_start3A_157 = arith.constant 0 : i32
        %dma_start3A_158 = arith.constant 0 : i32
        %dma_start3A_159 = tpu.memref_slice %arg12[%dma_start3A_157, %dma_start3A_158] : memref<10240x128xf32, #tpu.memory_space<vmem_shared>> -> memref<10240x128xf32, #tpu.memory_space<vmem_shared>>
        tpu.enqueue_indirect_dma source(%arg8 : memref<128x128xf32, #tpu.memory_space<vmem>>) target(%dma_start3A_159 : memref<10240x128xf32, #tpu.memory_space<vmem_shared>>) offsets(%dma_start3A_156 : memref<128xi32, #tpu.memory_space<vmem>>) semaphore(%arg14 : memref<!tpu.dma_semaphore, #tpu.memory_space<semaphore_mem>>) {add = true}
        %dma_wait3A_160 = arith.constant 0 : i32
        %dma_wait3A_161 = tpu.memref_slice %arg6[%add3A_142, %dma_wait3A_160] : memref<32x128xi32, #tpu.memory_space<vmem>> -> memref<1x128xi32, #tpu.memory_space<vmem>>
        %dma_wait3A_162 = tpu.memref_squeeze %dma_wait3A_161 : memref<1x128xi32, #tpu.memory_space<vmem>> -> memref<128xi32, #tpu.memory_space<vmem>>
        %dma_wait3A_163 = arith.constant 0 : i32
        %dma_wait3A_164 = arith.constant 0 : i32
        %dma_wait3A_165 = tpu.memref_slice %arg2[%dma_wait3A_163, %dma_wait3A_164] : memref<10240x128xf32, #tpu.memory_space<hbm>> -> memref<10240x128xf32, #tpu.memory_space<hbm>>
        tpu.wait_indirect_dma semaphore(%arg13 : memref<!tpu.dma_semaphore, #tpu.memory_space<semaphore_mem>>) src(%dma_wait3A_165 : memref<10240x128xf32, #tpu.memory_space<hbm>>) dst(%arg9 : memref<128x128xf32, #tpu.memory_space<vmem>>)
        %dma_wait3A_166 = arith.constant 0 : i32
        %dma_wait3A_167 = tpu.memref_slice %arg7[%mul3A_140, %dma_wait3A_166] : memref<32x128xi32, #tpu.memory_space<vmem>> -> memref<1x128xi32, #tpu.memory_space<vmem>>
        %dma_wait3A_168 = tpu.memref_squeeze %dma_wait3A_167 : memref<1x128xi32, #tpu.memory_space<vmem>> -> memref<128xi32, #tpu.memory_space<vmem>>
        %dma_wait3A_169 = arith.constant 0 : i32
        %dma_wait3A_170 = arith.constant 0 : i32
        %dma_wait3A_171 = tpu.memref_slice %arg12[%dma_wait3A_169, %dma_wait3A_170] : memref<10240x128xf32, #tpu.memory_space<vmem_shared>> -> memref<10240x128xf32, #tpu.memory_space<vmem_shared>>
        tpu.wait_indirect_dma semaphore(%arg14 : memref<!tpu.dma_semaphore, #tpu.memory_space<semaphore_mem>>) src(%arg8 : memref<128x128xf32, #tpu.memory_space<vmem>>) dst(%dma_wait3A_171 : memref<10240x128xf32, #tpu.memory_space<vmem_shared>>)
        %lt3A = arith.constant 15 : i32
        %lt3A_172 = arith.cmpi slt, %scan3A_138, %lt3A : i32
        %convert_element_type3A_173 = arith.extui %lt3A_172 : i1 to i32
        %cond3A_174 = arith.constant 0 : i32
        %cond3A_175 = arith.cmpi ne, %convert_element_type3A_173, %cond3A_174 : i32
        scf.if %cond3A_175 {
          %add3A_188 = arith.constant 2 : i32
          %add3A_189 = arith.addi %mul3A_140, %add3A_188 : i32
          %dma_start3A_190 = arith.constant 0 : i32
          %dma_start3A_191 = tpu.memref_slice %arg6[%add3A_189, %dma_start3A_190] : memref<32x128xi32, #tpu.memory_space<vmem>> -> memref<1x128xi32, #tpu.memory_space<vmem>>
          %dma_start3A_192 = tpu.memref_squeeze %dma_start3A_191 : memref<1x128xi32, #tpu.memory_space<vmem>> -> memref<128xi32, #tpu.memory_space<vmem>>
          %dma_start3A_193 = arith.constant 0 : i32
          %dma_start3A_194 = arith.constant 0 : i32
          %dma_start3A_195 = tpu.memref_slice %arg2[%dma_start3A_193, %dma_start3A_194] : memref<10240x128xf32, #tpu.memory_space<hbm>> -> memref<10240x128xf32, #tpu.memory_space<hbm>>
          tpu.enqueue_indirect_dma source(%dma_start3A_195 : memref<10240x128xf32, #tpu.memory_space<hbm>>) target(%arg8 : memref<128x128xf32, #tpu.memory_space<vmem>>) offsets(%dma_start3A_192 : memref<128xi32, #tpu.memory_space<vmem>>) semaphore(%arg13 : memref<!tpu.dma_semaphore, #tpu.memory_space<semaphore_mem>>)
        } else {
        }
        %dma_start3A_176 = arith.constant 0 : i32
        %dma_start3A_177 = tpu.memref_slice %arg7[%add3A_142, %dma_start3A_176] : memref<32x128xi32, #tpu.memory_space<vmem>> -> memref<1x128xi32, #tpu.memory_space<vmem>>
        %dma_start3A_178 = tpu.memref_squeeze %dma_start3A_177 : memref<1x128xi32, #tpu.memory_space<vmem>> -> memref<128xi32, #tpu.memory_space<vmem>>
        %dma_start3A_179 = arith.constant 0 : i32
        %dma_start3A_180 = arith.constant 0 : i32
        %dma_start3A_181 = tpu.memref_slice %arg12[%dma_start3A_179, %dma_start3A_180] : memref<10240x128xf32, #tpu.memory_space<vmem_shared>> -> memref<10240x128xf32, #tpu.memory_space<vmem_shared>>
        tpu.enqueue_indirect_dma source(%arg9 : memref<128x128xf32, #tpu.memory_space<vmem>>) target(%dma_start3A_181 : memref<10240x128xf32, #tpu.memory_space<vmem_shared>>) offsets(%dma_start3A_178 : memref<128xi32, #tpu.memory_space<vmem>>) semaphore(%arg14 : memref<!tpu.dma_semaphore, #tpu.memory_space<semaphore_mem>>) {add = true}
        %dma_wait3A_182 = arith.constant 0 : i32
        %dma_wait3A_183 = tpu.memref_slice %arg7[%add3A_142, %dma_wait3A_182] : memref<32x128xi32, #tpu.memory_space<vmem>> -> memref<1x128xi32, #tpu.memory_space<vmem>>
        %dma_wait3A_184 = tpu.memref_squeeze %dma_wait3A_183 : memref<1x128xi32, #tpu.memory_space<vmem>> -> memref<128xi32, #tpu.memory_space<vmem>>
        %dma_wait3A_185 = arith.constant 0 : i32
        %dma_wait3A_186 = arith.constant 0 : i32
        %dma_wait3A_187 = tpu.memref_slice %arg12[%dma_wait3A_185, %dma_wait3A_186] : memref<10240x128xf32, #tpu.memory_space<vmem_shared>> -> memref<10240x128xf32, #tpu.memory_space<vmem_shared>>
        tpu.wait_indirect_dma semaphore(%arg14 : memref<!tpu.dma_semaphore, #tpu.memory_space<semaphore_mem>>) src(%arg9 : memref<128x128xf32, #tpu.memory_space<vmem>>) dst(%dma_wait3A_187 : memref<10240x128xf32, #tpu.memory_space<vmem_shared>>)
      }
      %scan3A_137 = arith.constant 16 : i32
    } else {
    }
    %eq3A_65 = arith.constant 1 : i32
    %eq3A_66 = arith.cmpi eq, %arg0, %eq3A_65 : i32
    %convert_element_type3A_67 = arith.extui %eq3A_66 : i1 to i32
    %cond3A_68 = arith.constant 0 : i32
    %cond3A_69 = arith.cmpi ne, %convert_element_type3A_67, %cond3A_68 : i32
    scf.if %cond3A_69 {
      %mul3A_71 = arith.constant 32 : i32
      %mul3A_72 = arith.muli %arg1, %mul3A_71 : i32
      %add3A_73 = arith.constant 2048 : i32
      %add3A_74 = arith.addi %add3A_73, %mul3A_72 : i32
      %add3A_75 = arith.constant 0 : i32
      %add3A_76 = arith.addi %add3A_74, %add3A_75 : i32
      "tpu.region"() ({
        %run_scoped3A = tpu.sem_alloc : memref<!tpu.dma_semaphore, #tpu.memory_space<semaphore_mem>>
        %dma_start3A = arith.constant 0 : i32
        %dma_start3A_83 = arith.constant 0 : i32
        %dma_start3A_84 = tpu.memref_slice %arg6[%dma_start3A, %dma_start3A_83] : memref<32x128xi32, #tpu.memory_space<vmem>> -> memref<32x128xi32, #tpu.memory_space<vmem>>
        %dma_start3A_85 = arith.constant 0 : i32
        %dma_start3A_86 = tpu.memref_slice %arg3[%add3A_76, %dma_start3A_85] : memref<2560x128xi32, #tpu.memory_space<hbm>> -> memref<32x128xi32, #tpu.memory_space<hbm>>
        %dma_start3A_87 = arith.constant 0 : i32
        %dma_start3A_88 = arith.constant 0 : i32
        %dma_start3A_89 = tpu.memref_slice %arg6[%dma_start3A_87, %dma_start3A_88] : memref<32x128xi32, #tpu.memory_space<vmem>> -> memref<32x128xi32, #tpu.memory_space<vmem>>
        %dma_start3A_90 = arith.constant 0 : i32
        %dma_start3A_91 = tpu.memref_slice %arg3[%add3A_76, %dma_start3A_90] : memref<2560x128xi32, #tpu.memory_space<hbm>> -> memref<32x128xi32, #tpu.memory_space<hbm>>
        tpu.enqueue_dma source(%dma_start3A_91 : memref<32x128xi32, #tpu.memory_space<hbm>>) target(%dma_start3A_89 : memref<32x128xi32, #tpu.memory_space<vmem>>) target_semaphore(%run_scoped3A : memref<!tpu.dma_semaphore, #tpu.memory_space<semaphore_mem>>)
        %dma_wait3A = arith.constant 0 : i32
        %dma_wait3A_92 = arith.constant 0 : i32
        %dma_wait3A_93 = tpu.memref_slice %arg6[%dma_wait3A, %dma_wait3A_92] : memref<32x128xi32, #tpu.memory_space<vmem>> -> memref<32x128xi32, #tpu.memory_space<vmem>>
        %dma_wait3A_94 = arith.constant 0 : i32
        %dma_wait3A_95 = tpu.memref_slice %arg3[%add3A_76, %dma_wait3A_94] : memref<2560x128xi32, #tpu.memory_space<hbm>> -> memref<32x128xi32, #tpu.memory_space<hbm>>
        %dma_wait3A_96 = arith.constant 0 : i32
        %dma_wait3A_97 = arith.constant 0 : i32
        %dma_wait3A_98 = tpu.memref_slice %arg6[%dma_wait3A_96, %dma_wait3A_97] : memref<32x128xi32, #tpu.memory_space<vmem>> -> memref<32x128xi32, #tpu.memory_space<vmem>>
        %dma_wait3A_99 = arith.constant 0 : i32
        %dma_wait3A_100 = tpu.memref_slice %arg3[%add3A_76, %dma_wait3A_99] : memref<2560x128xi32, #tpu.memory_space<hbm>> -> memref<32x128xi32, #tpu.memory_space<hbm>>
        tpu.wait_dma2 semaphore(%run_scoped3A : memref<!tpu.dma_semaphore, #tpu.memory_space<semaphore_mem>>) src(%dma_wait3A_100 : memref<32x128xi32, #tpu.memory_space<hbm>>) dst(%dma_wait3A_98 : memref<32x128xi32, #tpu.memory_space<vmem>>)
        tpu.yield
      }) : () -> ()
      "tpu.region"() ({
        %run_scoped3A = tpu.sem_alloc : memref<!tpu.dma_semaphore, #tpu.memory_space<semaphore_mem>>
        %dma_start3A = arith.constant 0 : i32
        %dma_start3A_83 = arith.constant 0 : i32
        %dma_start3A_84 = tpu.memref_slice %arg7[%dma_start3A, %dma_start3A_83] : memref<32x128xi32, #tpu.memory_space<vmem>> -> memref<32x128xi32, #tpu.memory_space<vmem>>
        %dma_start3A_85 = arith.constant 0 : i32
        %dma_start3A_86 = tpu.memref_slice %arg4[%add3A_76, %dma_start3A_85] : memref<2560x128xi32, #tpu.memory_space<hbm>> -> memref<32x128xi32, #tpu.memory_space<hbm>>
        %dma_start3A_87 = arith.constant 0 : i32
        %dma_start3A_88 = arith.constant 0 : i32
        %dma_start3A_89 = tpu.memref_slice %arg7[%dma_start3A_87, %dma_start3A_88] : memref<32x128xi32, #tpu.memory_space<vmem>> -> memref<32x128xi32, #tpu.memory_space<vmem>>
        %dma_start3A_90 = arith.constant 0 : i32
        %dma_start3A_91 = tpu.memref_slice %arg4[%add3A_76, %dma_start3A_90] : memref<2560x128xi32, #tpu.memory_space<hbm>> -> memref<32x128xi32, #tpu.memory_space<hbm>>
        tpu.enqueue_dma source(%dma_start3A_91 : memref<32x128xi32, #tpu.memory_space<hbm>>) target(%dma_start3A_89 : memref<32x128xi32, #tpu.memory_space<vmem>>) target_semaphore(%run_scoped3A : memref<!tpu.dma_semaphore, #tpu.memory_space<semaphore_mem>>)
        %dma_wait3A = arith.constant 0 : i32
        %dma_wait3A_92 = arith.constant 0 : i32
        %dma_wait3A_93 = tpu.memref_slice %arg7[%dma_wait3A, %dma_wait3A_92] : memref<32x128xi32, #tpu.memory_space<vmem>> -> memref<32x128xi32, #tpu.memory_space<vmem>>
        %dma_wait3A_94 = arith.constant 0 : i32
        %dma_wait3A_95 = tpu.memref_slice %arg4[%add3A_76, %dma_wait3A_94] : memref<2560x128xi32, #tpu.memory_space<hbm>> -> memref<32x128xi32, #tpu.memory_space<hbm>>
        %dma_wait3A_96 = arith.constant 0 : i32
        %dma_wait3A_97 = arith.constant 0 : i32
        %dma_wait3A_98 = tpu.memref_slice %arg7[%dma_wait3A_96, %dma_wait3A_97] : memref<32x128xi32, #tpu.memory_space<vmem>> -> memref<32x128xi32, #tpu.memory_space<vmem>>
        %dma_wait3A_99 = arith.constant 0 : i32
        %dma_wait3A_100 = tpu.memref_slice %arg4[%add3A_76, %dma_wait3A_99] : memref<2560x128xi32, #tpu.memory_space<hbm>> -> memref<32x128xi32, #tpu.memory_space<hbm>>
        tpu.wait_dma2 semaphore(%run_scoped3A : memref<!tpu.dma_semaphore, #tpu.memory_space<semaphore_mem>>) src(%dma_wait3A_100 : memref<32x128xi32, #tpu.memory_space<hbm>>) dst(%dma_wait3A_98 : memref<32x128xi32, #tpu.memory_space<vmem>>)
        tpu.yield
      }) : () -> ()
      %scan3A_77 = arith.constant 0 : i32
      %scan3A_78 = arith.constant 0 : i32
      %scan3A_79 = arith.constant 32 : i32
      %scan3A_80 = arith.addi %scan3A_78, %scan3A_79 : i32
      %scan3A_81 = arith.constant 1 : i32
      scf.for %scan3A_83 = %scan3A_78 to %scan3A_80 step %scan3A_81  : i32 {
        %dma_start3A = arith.constant 0 : i32
        %dma_start3A_84 = tpu.memref_slice %arg6[%scan3A_83, %dma_start3A] : memref<32x128xi32, #tpu.memory_space<vmem>> -> memref<1x128xi32, #tpu.memory_space<vmem>>
        %dma_start3A_85 = tpu.memref_squeeze %dma_start3A_84 : memref<1x128xi32, #tpu.memory_space<vmem>> -> memref<128xi32, #tpu.memory_space<vmem>>
        %dma_start3A_86 = arith.constant 0 : i32
        %dma_start3A_87 = arith.constant 0 : i32
        %dma_start3A_88 = tpu.memref_slice %arg2[%dma_start3A_86, %dma_start3A_87] : memref<10240x128xf32, #tpu.memory_space<hbm>> -> memref<10240x128xf32, #tpu.memory_space<hbm>>
        tpu.enqueue_indirect_dma source(%dma_start3A_88 : memref<10240x128xf32, #tpu.memory_space<hbm>>) target(%arg8 : memref<128x128xf32, #tpu.memory_space<vmem>>) offsets(%dma_start3A_85 : memref<128xi32, #tpu.memory_space<vmem>>) semaphore(%arg13 : memref<!tpu.dma_semaphore, #tpu.memory_space<semaphore_mem>>)
        %dma_wait3A = arith.constant 0 : i32
        %dma_wait3A_89 = tpu.memref_slice %arg6[%scan3A_83, %dma_wait3A] : memref<32x128xi32, #tpu.memory_space<vmem>> -> memref<1x128xi32, #tpu.memory_space<vmem>>
        %dma_wait3A_90 = tpu.memref_squeeze %dma_wait3A_89 : memref<1x128xi32, #tpu.memory_space<vmem>> -> memref<128xi32, #tpu.memory_space<vmem>>
        %dma_wait3A_91 = arith.constant 0 : i32
        %dma_wait3A_92 = arith.constant 0 : i32
        %dma_wait3A_93 = tpu.memref_slice %arg2[%dma_wait3A_91, %dma_wait3A_92] : memref<10240x128xf32, #tpu.memory_space<hbm>> -> memref<10240x128xf32, #tpu.memory_space<hbm>>
        tpu.wait_indirect_dma semaphore(%arg13 : memref<!tpu.dma_semaphore, #tpu.memory_space<semaphore_mem>>) src(%dma_wait3A_93 : memref<10240x128xf32, #tpu.memory_space<hbm>>) dst(%arg8 : memref<128x128xf32, #tpu.memory_space<vmem>>)
        "tpu.region"() ({
          %run_scoped3A = tpu.sem_alloc : memref<!tpu.dma_semaphore, #tpu.memory_space<semaphore_mem>>
          %dma_start3A_94 = arith.constant 0 : i32
          %dma_start3A_95 = tpu.memref_slice %arg7[%scan3A_83, %dma_start3A_94] : memref<32x128xi32, #tpu.memory_space<vmem>> -> memref<1x128xi32, #tpu.memory_space<vmem>>
          %dma_start3A_96 = tpu.memref_squeeze %dma_start3A_95 : memref<1x128xi32, #tpu.memory_space<vmem>> -> memref<128xi32, #tpu.memory_space<vmem>>
          %dma_start3A_97 = arith.constant 0 : i32
          %dma_start3A_98 = arith.constant 0 : i32
          %dma_start3A_99 = tpu.memref_slice %arg12[%dma_start3A_97, %dma_start3A_98] : memref<10240x128xf32, #tpu.memory_space<vmem_shared>> -> memref<10240x128xf32, #tpu.memory_space<vmem_shared>>
          tpu.enqueue_indirect_dma source(%arg8 : memref<128x128xf32, #tpu.memory_space<vmem>>) target(%dma_start3A_99 : memref<10240x128xf32, #tpu.memory_space<vmem_shared>>) offsets(%dma_start3A_96 : memref<128xi32, #tpu.memory_space<vmem>>) semaphore(%run_scoped3A : memref<!tpu.dma_semaphore, #tpu.memory_space<semaphore_mem>>) {add = true}
          %dma_wait3A_100 = arith.constant 0 : i32
          %dma_wait3A_101 = tpu.memref_slice %arg7[%scan3A_83, %dma_wait3A_100] : memref<32x128xi32, #tpu.memory_space<vmem>> -> memref<1x128xi32, #tpu.memory_space<vmem>>
          %dma_wait3A_102 = tpu.memref_squeeze %dma_wait3A_101 : memref<1x128xi32, #tpu.memory_space<vmem>> -> memref<128xi32, #tpu.memory_space<vmem>>
          %dma_wait3A_103 = arith.constant 0 : i32
          %dma_wait3A_104 = arith.constant 0 : i32
          %dma_wait3A_105 = tpu.memref_slice %arg12[%dma_wait3A_103, %dma_wait3A_104] : memref<10240x128xf32, #tpu.memory_space<vmem_shared>> -> memref<10240x128xf32, #tpu.memory_space<vmem_shared>>
          tpu.wait_indirect_dma semaphore(%run_scoped3A : memref<!tpu.dma_semaphore, #tpu.memory_space<semaphore_mem>>) src(%arg8 : memref<128x128xf32, #tpu.memory_space<vmem>>) dst(%dma_wait3A_105 : memref<10240x128xf32, #tpu.memory_space<vmem_shared>>)
          tpu.yield
        }) : () -> ()
      }
      %scan3A_82 = arith.constant 32 : i32
    } else {
    }
    %barrier3A_70 = arith.constant 0 : index
    tpu.barrier barrier_id(%barrier3A_70)
    "tpu.region"() ({
      %run_scoped3A = tpu.sem_alloc : memref<!tpu.dma_semaphore, #tpu.memory_space<semaphore_mem>>
      %dma_start3A = arith.constant 0 : i32
      %dma_start3A_71 = tpu.memref_slice %arg5[%arg0, %mul3A_0, %dma_start3A] : memref<2x10240x128xf32, #tpu.memory_space<hbm>> -> memref<1x640x128xf32, #tpu.memory_space<hbm>>
      %dma_start3A_72 = tpu.memref_squeeze %dma_start3A_71 : memref<1x640x128xf32, #tpu.memory_space<hbm>> -> memref<640x128xf32, #tpu.memory_space<hbm>>
      %dma_start3A_73 = arith.constant 0 : i32
      %dma_start3A_74 = tpu.memref_slice %arg12[%mul3A_0, %dma_start3A_73] : memref<10240x128xf32, #tpu.memory_space<vmem_shared>> -> memref<640x128xf32, #tpu.memory_space<vmem_shared>>
      tpu.enqueue_dma source(%dma_start3A_74 : memref<640x128xf32, #tpu.memory_space<vmem_shared>>) target(%dma_start3A_72 : memref<640x128xf32, #tpu.memory_space<hbm>>) target_semaphore(%run_scoped3A : memref<!tpu.dma_semaphore, #tpu.memory_space<semaphore_mem>>)
      %dma_wait3A = arith.constant 0 : i32
      %dma_wait3A_75 = tpu.memref_slice %arg5[%arg0, %mul3A_0, %dma_wait3A] : memref<2x10240x128xf32, #tpu.memory_space<hbm>> -> memref<1x640x128xf32, #tpu.memory_space<hbm>>
      %dma_wait3A_76 = tpu.memref_squeeze %dma_wait3A_75 : memref<1x640x128xf32, #tpu.memory_space<hbm>> -> memref<640x128xf32, #tpu.memory_space<hbm>>
      %dma_wait3A_77 = arith.constant 0 : i32
      %dma_wait3A_78 = tpu.memref_slice %arg12[%mul3A_0, %dma_wait3A_77] : memref<10240x128xf32, #tpu.memory_space<vmem_shared>> -> memref<640x128xf32, #tpu.memory_space<vmem_shared>>
      tpu.wait_dma2 semaphore(%run_scoped3A : memref<!tpu.dma_semaphore, #tpu.memory_space<semaphore_mem>>) src(%dma_wait3A_78 : memref<640x128xf32, #tpu.memory_space<vmem_shared>>) dst(%dma_wait3A_76 : memref<640x128xf32, #tpu.memory_space<hbm>>)
      tpu.yield
    }) : () -> ()
    return
  }
}

#map = affine_map<(d0, d1) -> (0, 0)>
#map1 = affine_map<(d0, d1) -> (0, 0, 0)>
module attributes {stable_mosaic.version = 14 : i64} {
  func.func @body_first(%arg0: i32, %arg1: i32, %arg2: memref<10240x128xf32, #tpu.memory_space<hbm>>, %arg3: memref<2560x128xi32, #tpu.memory_space<hbm>>, %arg4: memref<2560x128xi32, #tpu.memory_space<hbm>>, %arg5: memref<2x10240x128xf32, #tpu.memory_space<hbm>>, %arg6: memref<2x10240xf32, #tpu.memory_space<hbm>>, %arg7: memref<32x128xi32, #tpu.memory_space<vmem>>, %arg8: memref<32x128xi32, #tpu.memory_space<vmem>>, %arg9: memref<128x128xf32, #tpu.memory_space<vmem>>, %arg10: memref<128x128xf32, #tpu.memory_space<vmem>>, %arg11: memref<128xf32, #tpu.memory_space<vmem>>, %arg12: memref<640xf32, #tpu.memory_space<vmem>>, %arg13: memref<10240x128xf32, #tpu.memory_space<vmem_shared>>, %arg14: memref<!tpu.dma_semaphore, #tpu.memory_space<semaphore_mem>>, %arg15: memref<!tpu.dma_semaphore, #tpu.memory_space<semaphore_mem>>, %arg16: memref<10240xf32, #tpu.memory_space<vmem_shared>>, %arg17: memref<!tpu.dma_semaphore, #tpu.memory_space<semaphore_mem>>) attributes {dimension_semantics = [#tpu.dimension_semantics<core_parallel>, #tpu.dimension_semantics<subcore_parallel>], iteration_bounds = array<i64: 2, 16>, scalar_prefetch = 0 : i64, scratch_operands = 11 : i64, tpu.core_type = #tpu.core_type<sc_vector_subcore>, window_params = [{transform_indices = #map}, {transform_indices = #map}, {transform_indices = #map}, {transform_indices = #map1}, {transform_indices = #map}]} {
    %mul3A = arith.constant 640 : i32
    %mul3A_0 = arith.muli %arg1, %mul3A : i32
    %broadcast_in_dim3A = arith.constant 0.000000e+00 : f32
    %broadcast_in_dim3A_1 = vector.broadcast %broadcast_in_dim3A : f32 to vector<16xf32>
    %scan3A = arith.constant 0 : i32
    %scan3A_2 = arith.constant 0 : i32
    %scan3A_3 = arith.constant 128 : i32
    %scan3A_4 = arith.addi %scan3A_2, %scan3A_3 : i32
    %scan3A_5 = arith.constant 1 : i32
    scf.for %scan3A_77 = %scan3A_2 to %scan3A_4 step %scan3A_5  : i32 {
      %swap3A_78 = arith.index_cast %scan3A_77 : i32 to index
      %swap3A_79 = arith.constant 0 : index
      %swap3A_80 = tpu.vector_load %arg9[%swap3A_78, %swap3A_79] {strides = array<i32>} : memref<128x128xf32, #tpu.memory_space<vmem>>, vector<1x16xf32>,
      %swap3A_81 = vector.shape_cast %swap3A_80 : vector<1x16xf32> to vector<16xf32>
      %swap3A_82 = vector.shape_cast %broadcast_in_dim3A_1 : vector<16xf32> to vector<1x16xf32>
      tpu.vector_store %arg9[%swap3A_78, %swap3A_79], %swap3A_82 {strides = array<i32>} : memref<128x128xf32, #tpu.memory_space<vmem>>, vector<1x16xf32>,
      %swap3A_83 = arith.index_cast %scan3A_77 : i32 to index
      %swap3A_84 = arith.constant 16 : index
      %swap3A_85 = tpu.vector_load %arg9[%swap3A_83, %swap3A_84] {strides = array<i32>} : memref<128x128xf32, #tpu.memory_space<vmem>>, vector<1x16xf32>,
      %swap3A_86 = vector.shape_cast %swap3A_85 : vector<1x16xf32> to vector<16xf32>
      %swap3A_87 = vector.shape_cast %broadcast_in_dim3A_1 : vector<16xf32> to vector<1x16xf32>
      tpu.vector_store %arg9[%swap3A_83, %swap3A_84], %swap3A_87 {strides = array<i32>} : memref<128x128xf32, #tpu.memory_space<vmem>>, vector<1x16xf32>,
      %swap3A_88 = arith.index_cast %scan3A_77 : i32 to index
      %swap3A_89 = arith.constant 32 : index
      %swap3A_90 = tpu.vector_load %arg9[%swap3A_88, %swap3A_89] {strides = array<i32>} : memref<128x128xf32, #tpu.memory_space<vmem>>, vector<1x16xf32>,
      %swap3A_91 = vector.shape_cast %swap3A_90 : vector<1x16xf32> to vector<16xf32>
      %swap3A_92 = vector.shape_cast %broadcast_in_dim3A_1 : vector<16xf32> to vector<1x16xf32>
      tpu.vector_store %arg9[%swap3A_88, %swap3A_89], %swap3A_92 {strides = array<i32>} : memref<128x128xf32, #tpu.memory_space<vmem>>, vector<1x16xf32>,
      %swap3A_93 = arith.index_cast %scan3A_77 : i32 to index
      %swap3A_94 = arith.constant 48 : index
      %swap3A_95 = tpu.vector_load %arg9[%swap3A_93, %swap3A_94] {strides = array<i32>} : memref<128x128xf32, #tpu.memory_space<vmem>>, vector<1x16xf32>,
      %swap3A_96 = vector.shape_cast %swap3A_95 : vector<1x16xf32> to vector<16xf32>
      %swap3A_97 = vector.shape_cast %broadcast_in_dim3A_1 : vector<16xf32> to vector<1x16xf32>
      tpu.vector_store %arg9[%swap3A_93, %swap3A_94], %swap3A_97 {strides = array<i32>} : memref<128x128xf32, #tpu.memory_space<vmem>>, vector<1x16xf32>,
      %swap3A_98 = arith.index_cast %scan3A_77 : i32 to index
      %swap3A_99 = arith.constant 64 : index
      %swap3A_100 = tpu.vector_load %arg9[%swap3A_98, %swap3A_99] {strides = array<i32>} : memref<128x128xf32, #tpu.memory_space<vmem>>, vector<1x16xf32>,
      %swap3A_101 = vector.shape_cast %swap3A_100 : vector<1x16xf32> to vector<16xf32>
      %swap3A_102 = vector.shape_cast %broadcast_in_dim3A_1 : vector<16xf32> to vector<1x16xf32>
      tpu.vector_store %arg9[%swap3A_98, %swap3A_99], %swap3A_102 {strides = array<i32>} : memref<128x128xf32, #tpu.memory_space<vmem>>, vector<1x16xf32>,
      %swap3A_103 = arith.index_cast %scan3A_77 : i32 to index
      %swap3A_104 = arith.constant 80 : index
      %swap3A_105 = tpu.vector_load %arg9[%swap3A_103, %swap3A_104] {strides = array<i32>} : memref<128x128xf32, #tpu.memory_space<vmem>>, vector<1x16xf32>,
      %swap3A_106 = vector.shape_cast %swap3A_105 : vector<1x16xf32> to vector<16xf32>
      %swap3A_107 = vector.shape_cast %broadcast_in_dim3A_1 : vector<16xf32> to vector<1x16xf32>
      tpu.vector_store %arg9[%swap3A_103, %swap3A_104], %swap3A_107 {strides = array<i32>} : memref<128x128xf32, #tpu.memory_space<vmem>>, vector<1x16xf32>,
      %swap3A_108 = arith.index_cast %scan3A_77 : i32 to index
      %swap3A_109 = arith.constant 96 : index
      %swap3A_110 = tpu.vector_load %arg9[%swap3A_108, %swap3A_109] {strides = array<i32>} : memref<128x128xf32, #tpu.memory_space<vmem>>, vector<1x16xf32>,
      %swap3A_111 = vector.shape_cast %swap3A_110 : vector<1x16xf32> to vector<16xf32>
      %swap3A_112 = vector.shape_cast %broadcast_in_dim3A_1 : vector<16xf32> to vector<1x16xf32>
      tpu.vector_store %arg9[%swap3A_108, %swap3A_109], %swap3A_112 {strides = array<i32>} : memref<128x128xf32, #tpu.memory_space<vmem>>, vector<1x16xf32>,
      %swap3A_113 = arith.index_cast %scan3A_77 : i32 to index
      %swap3A_114 = arith.constant 112 : index
      %swap3A_115 = tpu.vector_load %arg9[%swap3A_113, %swap3A_114] {strides = array<i32>} : memref<128x128xf32, #tpu.memory_space<vmem>>, vector<1x16xf32>,
      %swap3A_116 = vector.shape_cast %swap3A_115 : vector<1x16xf32> to vector<16xf32>
      %swap3A_117 = vector.shape_cast %broadcast_in_dim3A_1 : vector<16xf32> to vector<1x16xf32>
      tpu.vector_store %arg9[%swap3A_113, %swap3A_114], %swap3A_117 {strides = array<i32>} : memref<128x128xf32, #tpu.memory_space<vmem>>, vector<1x16xf32>,
    }
    %scan3A_6 = arith.constant 128 : i32
    %broadcast_in_dim3A_7 = arith.constant 1.000000e+00 : f32
    %broadcast_in_dim3A_8 = vector.broadcast %broadcast_in_dim3A_7 : f32 to vector<16xf32>
    %swap3A = arith.constant 0 : index
    %swap3A_9 = tpu.vector_load %arg11[%swap3A] {strides = array<i32>} : memref<128xf32, #tpu.memory_space<vmem>>, vector<16xf32>,
    %swap3A_10 = vector.shape_cast %swap3A_9 : vector<16xf32> to vector<16xf32>
    %swap3A_11 = vector.shape_cast %broadcast_in_dim3A_8 : vector<16xf32> to vector<16xf32>
    tpu.vector_store %arg11[%swap3A], %swap3A_11 {strides = array<i32>} : memref<128xf32, #tpu.memory_space<vmem>>, vector<16xf32>,
    %broadcast_in_dim3A_12 = arith.constant 1.000000e+00 : f32
    %broadcast_in_dim3A_13 = vector.broadcast %broadcast_in_dim3A_12 : f32 to vector<16xf32>
    %swap3A_14 = arith.constant 16 : index
    %swap3A_15 = tpu.vector_load %arg11[%swap3A_14] {strides = array<i32>} : memref<128xf32, #tpu.memory_space<vmem>>, vector<16xf32>,
    %swap3A_16 = vector.shape_cast %swap3A_15 : vector<16xf32> to vector<16xf32>
    %swap3A_17 = vector.shape_cast %broadcast_in_dim3A_13 : vector<16xf32> to vector<16xf32>
    tpu.vector_store %arg11[%swap3A_14], %swap3A_17 {strides = array<i32>} : memref<128xf32, #tpu.memory_space<vmem>>, vector<16xf32>,
    %broadcast_in_dim3A_18 = arith.constant 1.000000e+00 : f32
    %broadcast_in_dim3A_19 = vector.broadcast %broadcast_in_dim3A_18 : f32 to vector<16xf32>
    %swap3A_20 = arith.constant 32 : index
    %swap3A_21 = tpu.vector_load %arg11[%swap3A_20] {strides = array<i32>} : memref<128xf32, #tpu.memory_space<vmem>>, vector<16xf32>,
    %swap3A_22 = vector.shape_cast %swap3A_21 : vector<16xf32> to vector<16xf32>
    %swap3A_23 = vector.shape_cast %broadcast_in_dim3A_19 : vector<16xf32> to vector<16xf32>
    tpu.vector_store %arg11[%swap3A_20], %swap3A_23 {strides = array<i32>} : memref<128xf32, #tpu.memory_space<vmem>>, vector<16xf32>,
    %broadcast_in_dim3A_24 = arith.constant 1.000000e+00 : f32
    %broadcast_in_dim3A_25 = vector.broadcast %broadcast_in_dim3A_24 : f32 to vector<16xf32>
    %swap3A_26 = arith.constant 48 : index
    %swap3A_27 = tpu.vector_load %arg11[%swap3A_26] {strides = array<i32>} : memref<128xf32, #tpu.memory_space<vmem>>, vector<16xf32>,
    %swap3A_28 = vector.shape_cast %swap3A_27 : vector<16xf32> to vector<16xf32>
    %swap3A_29 = vector.shape_cast %broadcast_in_dim3A_25 : vector<16xf32> to vector<16xf32>
    tpu.vector_store %arg11[%swap3A_26], %swap3A_29 {strides = array<i32>} : memref<128xf32, #tpu.memory_space<vmem>>, vector<16xf32>,
    %broadcast_in_dim3A_30 = arith.constant 1.000000e+00 : f32
    %broadcast_in_dim3A_31 = vector.broadcast %broadcast_in_dim3A_30 : f32 to vector<16xf32>
    %swap3A_32 = arith.constant 64 : index
    %swap3A_33 = tpu.vector_load %arg11[%swap3A_32] {strides = array<i32>} : memref<128xf32, #tpu.memory_space<vmem>>, vector<16xf32>,
    %swap3A_34 = vector.shape_cast %swap3A_33 : vector<16xf32> to vector<16xf32>
    %swap3A_35 = vector.shape_cast %broadcast_in_dim3A_31 : vector<16xf32> to vector<16xf32>
    tpu.vector_store %arg11[%swap3A_32], %swap3A_35 {strides = array<i32>} : memref<128xf32, #tpu.memory_space<vmem>>, vector<16xf32>,
    %broadcast_in_dim3A_36 = arith.constant 1.000000e+00 : f32
    %broadcast_in_dim3A_37 = vector.broadcast %broadcast_in_dim3A_36 : f32 to vector<16xf32>
    %swap3A_38 = arith.constant 80 : index
    %swap3A_39 = tpu.vector_load %arg11[%swap3A_38] {strides = array<i32>} : memref<128xf32, #tpu.memory_space<vmem>>, vector<16xf32>,
    %swap3A_40 = vector.shape_cast %swap3A_39 : vector<16xf32> to vector<16xf32>
    %swap3A_41 = vector.shape_cast %broadcast_in_dim3A_37 : vector<16xf32> to vector<16xf32>
    tpu.vector_store %arg11[%swap3A_38], %swap3A_41 {strides = array<i32>} : memref<128xf32, #tpu.memory_space<vmem>>, vector<16xf32>,
    %broadcast_in_dim3A_42 = arith.constant 1.000000e+00 : f32
    %broadcast_in_dim3A_43 = vector.broadcast %broadcast_in_dim3A_42 : f32 to vector<16xf32>
    %swap3A_44 = arith.constant 96 : index
    %swap3A_45 = tpu.vector_load %arg11[%swap3A_44] {strides = array<i32>} : memref<128xf32, #tpu.memory_space<vmem>>, vector<16xf32>,
    %swap3A_46 = vector.shape_cast %swap3A_45 : vector<16xf32> to vector<16xf32>
    %swap3A_47 = vector.shape_cast %broadcast_in_dim3A_43 : vector<16xf32> to vector<16xf32>
    tpu.vector_store %arg11[%swap3A_44], %swap3A_47 {strides = array<i32>} : memref<128xf32, #tpu.memory_space<vmem>>, vector<16xf32>,
    %broadcast_in_dim3A_48 = arith.constant 1.000000e+00 : f32
    %broadcast_in_dim3A_49 = vector.broadcast %broadcast_in_dim3A_48 : f32 to vector<16xf32>
    %swap3A_50 = arith.constant 112 : index
    %swap3A_51 = tpu.vector_load %arg11[%swap3A_50] {strides = array<i32>} : memref<128xf32, #tpu.memory_space<vmem>>, vector<16xf32>,
    %swap3A_52 = vector.shape_cast %swap3A_51 : vector<16xf32> to vector<16xf32>
    %swap3A_53 = vector.shape_cast %broadcast_in_dim3A_49 : vector<16xf32> to vector<16xf32>
    tpu.vector_store %arg11[%swap3A_50], %swap3A_53 {strides = array<i32>} : memref<128xf32, #tpu.memory_space<vmem>>, vector<16xf32>,
    %add3A = arith.constant 0 : i32
    %add3A_54 = arith.addi %mul3A_0, %add3A : i32
    "tpu.region"() ({
      %run_scoped3A = tpu.sem_alloc : memref<!tpu.dma_semaphore, #tpu.memory_space<semaphore_mem>>
      %dma_start3A = arith.constant 0 : i32
      %dma_start3A_77 = tpu.memref_slice %arg13[%add3A_54, %dma_start3A] : memref<10240x128xf32, #tpu.memory_space<vmem_shared>> -> memref<128x128xf32, #tpu.memory_space<vmem_shared>>
      %dma_start3A_78 = arith.constant 0 : i32
      %dma_start3A_79 = tpu.memref_slice %arg13[%add3A_54, %dma_start3A_78] : memref<10240x128xf32, #tpu.memory_space<vmem_shared>> -> memref<128x128xf32, #tpu.memory_space<vmem_shared>>
      tpu.enqueue_dma source(%arg9 : memref<128x128xf32, #tpu.memory_space<vmem>>) target(%dma_start3A_79 : memref<128x128xf32, #tpu.memory_space<vmem_shared>>) target_semaphore(%run_scoped3A : memref<!tpu.dma_semaphore, #tpu.memory_space<semaphore_mem>>)
      %dma_wait3A = arith.constant 0 : i32
      %dma_wait3A_80 = tpu.memref_slice %arg13[%add3A_54, %dma_wait3A] : memref<10240x128xf32, #tpu.memory_space<vmem_shared>> -> memref<128x128xf32, #tpu.memory_space<vmem_shared>>
      %dma_wait3A_81 = arith.constant 0 : i32
      %dma_wait3A_82 = tpu.memref_slice %arg13[%add3A_54, %dma_wait3A_81] : memref<10240x128xf32, #tpu.memory_space<vmem_shared>> -> memref<128x128xf32, #tpu.memory_space<vmem_shared>>
      tpu.wait_dma2 semaphore(%run_scoped3A : memref<!tpu.dma_semaphore, #tpu.memory_space<semaphore_mem>>) src(%arg9 : memref<128x128xf32, #tpu.memory_space<vmem>>) dst(%dma_wait3A_82 : memref<128x128xf32, #tpu.memory_space<vmem_shared>>)
      tpu.yield
    }) : () -> ()
    %add3A_55 = arith.constant 128 : i32
    %add3A_56 = arith.addi %mul3A_0, %add3A_55 : i32
    "tpu.region"() ({
      %run_scoped3A = tpu.sem_alloc : memref<!tpu.dma_semaphore, #tpu.memory_space<semaphore_mem>>
      %dma_start3A = arith.constant 0 : i32
      %dma_start3A_77 = tpu.memref_slice %arg13[%add3A_56, %dma_start3A] : memref<10240x128xf32, #tpu.memory_space<vmem_shared>> -> memref<128x128xf32, #tpu.memory_space<vmem_shared>>
      %dma_start3A_78 = arith.constant 0 : i32
      %dma_start3A_79 = tpu.memref_slice %arg13[%add3A_56, %dma_start3A_78] : memref<10240x128xf32, #tpu.memory_space<vmem_shared>> -> memref<128x128xf32, #tpu.memory_space<vmem_shared>>
      tpu.enqueue_dma source(%arg9 : memref<128x128xf32, #tpu.memory_space<vmem>>) target(%dma_start3A_79 : memref<128x128xf32, #tpu.memory_space<vmem_shared>>) target_semaphore(%run_scoped3A : memref<!tpu.dma_semaphore, #tpu.memory_space<semaphore_mem>>)
      %dma_wait3A = arith.constant 0 : i32
      %dma_wait3A_80 = tpu.memref_slice %arg13[%add3A_56, %dma_wait3A] : memref<10240x128xf32, #tpu.memory_space<vmem_shared>> -> memref<128x128xf32, #tpu.memory_space<vmem_shared>>
      %dma_wait3A_81 = arith.constant 0 : i32
      %dma_wait3A_82 = tpu.memref_slice %arg13[%add3A_56, %dma_wait3A_81] : memref<10240x128xf32, #tpu.memory_space<vmem_shared>> -> memref<128x128xf32, #tpu.memory_space<vmem_shared>>
      tpu.wait_dma2 semaphore(%run_scoped3A : memref<!tpu.dma_semaphore, #tpu.memory_space<semaphore_mem>>) src(%arg9 : memref<128x128xf32, #tpu.memory_space<vmem>>) dst(%dma_wait3A_82 : memref<128x128xf32, #tpu.memory_space<vmem_shared>>)
      tpu.yield
    }) : () -> ()
    %add3A_57 = arith.constant 256 : i32
    %add3A_58 = arith.addi %mul3A_0, %add3A_57 : i32
    "tpu.region"() ({
      %run_scoped3A = tpu.sem_alloc : memref<!tpu.dma_semaphore, #tpu.memory_space<semaphore_mem>>
      %dma_start3A = arith.constant 0 : i32
      %dma_start3A_77 = tpu.memref_slice %arg13[%add3A_58, %dma_start3A] : memref<10240x128xf32, #tpu.memory_space<vmem_shared>> -> memref<128x128xf32, #tpu.memory_space<vmem_shared>>
      %dma_start3A_78 = arith.constant 0 : i32
      %dma_start3A_79 = tpu.memref_slice %arg13[%add3A_58, %dma_start3A_78] : memref<10240x128xf32, #tpu.memory_space<vmem_shared>> -> memref<128x128xf32, #tpu.memory_space<vmem_shared>>
      tpu.enqueue_dma source(%arg9 : memref<128x128xf32, #tpu.memory_space<vmem>>) target(%dma_start3A_79 : memref<128x128xf32, #tpu.memory_space<vmem_shared>>) target_semaphore(%run_scoped3A : memref<!tpu.dma_semaphore, #tpu.memory_space<semaphore_mem>>)
      %dma_wait3A = arith.constant 0 : i32
      %dma_wait3A_80 = tpu.memref_slice %arg13[%add3A_58, %dma_wait3A] : memref<10240x128xf32, #tpu.memory_space<vmem_shared>> -> memref<128x128xf32, #tpu.memory_space<vmem_shared>>
      %dma_wait3A_81 = arith.constant 0 : i32
      %dma_wait3A_82 = tpu.memref_slice %arg13[%add3A_58, %dma_wait3A_81] : memref<10240x128xf32, #tpu.memory_space<vmem_shared>> -> memref<128x128xf32, #tpu.memory_space<vmem_shared>>
      tpu.wait_dma2 semaphore(%run_scoped3A : memref<!tpu.dma_semaphore, #tpu.memory_space<semaphore_mem>>) src(%arg9 : memref<128x128xf32, #tpu.memory_space<vmem>>) dst(%dma_wait3A_82 : memref<128x128xf32, #tpu.memory_space<vmem_shared>>)
      tpu.yield
    }) : () -> ()
    %add3A_59 = arith.constant 384 : i32
    %add3A_60 = arith.addi %mul3A_0, %add3A_59 : i32
    "tpu.region"() ({
      %run_scoped3A = tpu.sem_alloc : memref<!tpu.dma_semaphore, #tpu.memory_space<semaphore_mem>>
      %dma_start3A = arith.constant 0 : i32
      %dma_start3A_77 = tpu.memref_slice %arg13[%add3A_60, %dma_start3A] : memref<10240x128xf32, #tpu.memory_space<vmem_shared>> -> memref<128x128xf32, #tpu.memory_space<vmem_shared>>
      %dma_start3A_78 = arith.constant 0 : i32
      %dma_start3A_79 = tpu.memref_slice %arg13[%add3A_60, %dma_start3A_78] : memref<10240x128xf32, #tpu.memory_space<vmem_shared>> -> memref<128x128xf32, #tpu.memory_space<vmem_shared>>
      tpu.enqueue_dma source(%arg9 : memref<128x128xf32, #tpu.memory_space<vmem>>) target(%dma_start3A_79 : memref<128x128xf32, #tpu.memory_space<vmem_shared>>) target_semaphore(%run_scoped3A : memref<!tpu.dma_semaphore, #tpu.memory_space<semaphore_mem>>)
      %dma_wait3A = arith.constant 0 : i32
      %dma_wait3A_80 = tpu.memref_slice %arg13[%add3A_60, %dma_wait3A] : memref<10240x128xf32, #tpu.memory_space<vmem_shared>> -> memref<128x128xf32, #tpu.memory_space<vmem_shared>>
      %dma_wait3A_81 = arith.constant 0 : i32
      %dma_wait3A_82 = tpu.memref_slice %arg13[%add3A_60, %dma_wait3A_81] : memref<10240x128xf32, #tpu.memory_space<vmem_shared>> -> memref<128x128xf32, #tpu.memory_space<vmem_shared>>
      tpu.wait_dma2 semaphore(%run_scoped3A : memref<!tpu.dma_semaphore, #tpu.memory_space<semaphore_mem>>) src(%arg9 : memref<128x128xf32, #tpu.memory_space<vmem>>) dst(%dma_wait3A_82 : memref<128x128xf32, #tpu.memory_space<vmem_shared>>)
      tpu.yield
    }) : () -> ()
    %add3A_61 = arith.constant 512 : i32
    %add3A_62 = arith.addi %mul3A_0, %add3A_61 : i32
    "tpu.region"() ({
      %run_scoped3A = tpu.sem_alloc : memref<!tpu.dma_semaphore, #tpu.memory_space<semaphore_mem>>
      %dma_start3A = arith.constant 0 : i32
      %dma_start3A_77 = tpu.memref_slice %arg13[%add3A_62, %dma_start3A] : memref<10240x128xf32, #tpu.memory_space<vmem_shared>> -> memref<128x128xf32, #tpu.memory_space<vmem_shared>>
      %dma_start3A_78 = arith.constant 0 : i32
      %dma_start3A_79 = tpu.memref_slice %arg13[%add3A_62, %dma_start3A_78] : memref<10240x128xf32, #tpu.memory_space<vmem_shared>> -> memref<128x128xf32, #tpu.memory_space<vmem_shared>>
      tpu.enqueue_dma source(%arg9 : memref<128x128xf32, #tpu.memory_space<vmem>>) target(%dma_start3A_79 : memref<128x128xf32, #tpu.memory_space<vmem_shared>>) target_semaphore(%run_scoped3A : memref<!tpu.dma_semaphore, #tpu.memory_space<semaphore_mem>>)
      %dma_wait3A = arith.constant 0 : i32
      %dma_wait3A_80 = tpu.memref_slice %arg13[%add3A_62, %dma_wait3A] : memref<10240x128xf32, #tpu.memory_space<vmem_shared>> -> memref<128x128xf32, #tpu.memory_space<vmem_shared>>
      %dma_wait3A_81 = arith.constant 0 : i32
      %dma_wait3A_82 = tpu.memref_slice %arg13[%add3A_62, %dma_wait3A_81] : memref<10240x128xf32, #tpu.memory_space<vmem_shared>> -> memref<128x128xf32, #tpu.memory_space<vmem_shared>>
      tpu.wait_dma2 semaphore(%run_scoped3A : memref<!tpu.dma_semaphore, #tpu.memory_space<semaphore_mem>>) src(%arg9 : memref<128x128xf32, #tpu.memory_space<vmem>>) dst(%dma_wait3A_82 : memref<128x128xf32, #tpu.memory_space<vmem_shared>>)
      tpu.yield
    }) : () -> ()
    %scan3A_63 = arith.constant 0 : i32
    %scan3A_64 = arith.constant 0 : i32
    %scan3A_65 = arith.constant 40 : i32
    %scan3A_66 = arith.addi %scan3A_64, %scan3A_65 : i32
    %scan3A_67 = arith.constant 1 : i32
    scf.for %scan3A_77 = %scan3A_64 to %scan3A_66 step %scan3A_67  : i32 {
      %mul3A_78 = arith.constant 16 : i32
      %mul3A_79 = arith.muli %scan3A_77, %mul3A_78 : i32
      %swap3A_80 = arith.index_cast %mul3A_79 : i32 to index
      %swap3A_81 = tpu.vector_load %arg12[%swap3A_80] {strides = array<i32>} : memref<640xf32, #tpu.memory_space<vmem>>, vector<16xf32>,
      %swap3A_82 = vector.shape_cast %swap3A_81 : vector<16xf32> to vector<16xf32>
      %swap3A_83 = vector.shape_cast %broadcast_in_dim3A_1 : vector<16xf32> to vector<16xf32>
      tpu.vector_store %arg12[%swap3A_80], %swap3A_83 {strides = array<i32>} : memref<640xf32, #tpu.memory_space<vmem>>, vector<16xf32>,
    }
    %scan3A_68 = arith.constant 40 : i32
    "tpu.region"() ({
      %run_scoped3A = tpu.sem_alloc : memref<!tpu.dma_semaphore, #tpu.memory_space<semaphore_mem>>
      %dma_start3A = tpu.memref_slice %arg16[%mul3A_0] : memref<10240xf32, #tpu.memory_space<vmem_shared>> -> memref<640xf32, #tpu.memory_space<vmem_shared>>
      %dma_start3A_77 = tpu.memref_slice %arg16[%mul3A_0] : memref<10240xf32, #tpu.memory_space<vmem_shared>> -> memref<640xf32, #tpu.memory_space<vmem_shared>>
      tpu.enqueue_dma source(%arg12 : memref<640xf32, #tpu.memory_space<vmem>>) target(%dma_start3A_77 : memref<640xf32, #tpu.memory_space<vmem_shared>>) target_semaphore(%run_scoped3A : memref<!tpu.dma_semaphore, #tpu.memory_space<semaphore_mem>>)
      %dma_wait3A = tpu.memref_slice %arg16[%mul3A_0] : memref<10240xf32, #tpu.memory_space<vmem_shared>> -> memref<640xf32, #tpu.memory_space<vmem_shared>>
      %dma_wait3A_78 = tpu.memref_slice %arg16[%mul3A_0] : memref<10240xf32, #tpu.memory_space<vmem_shared>> -> memref<640xf32, #tpu.memory_space<vmem_shared>>
      tpu.wait_dma2 semaphore(%run_scoped3A : memref<!tpu.dma_semaphore, #tpu.memory_space<semaphore_mem>>) src(%arg12 : memref<640xf32, #tpu.memory_space<vmem>>) dst(%dma_wait3A_78 : memref<640xf32, #tpu.memory_space<vmem_shared>>)
      tpu.yield
    }) : () -> ()
    %barrier3A = arith.constant 0 : index
    tpu.barrier barrier_id(%barrier3A)
    %eq3A = arith.constant 0 : i32
    %eq3A_69 = arith.cmpi eq, %arg0, %eq3A : i32
    %convert_element_type3A = arith.extui %eq3A_69 : i1 to i32
    %cond3A = arith.constant 0 : i32
    %cond3A_70 = arith.cmpi ne, %convert_element_type3A, %cond3A : i32
    scf.if %cond3A_70 {
      %mul3A_77 = arith.constant 128 : i32
      %mul3A_78 = arith.muli %arg1, %mul3A_77 : i32
      %add3A_79 = arith.constant 0 : i32
      %add3A_80 = arith.addi %mul3A_78, %add3A_79 : i32
      "tpu.region"() ({
        %run_scoped3A = tpu.sem_alloc : memref<!tpu.dma_semaphore, #tpu.memory_space<semaphore_mem>>
        %dma_start3A_191 = arith.constant 0 : i32
        %dma_start3A_192 = arith.constant 0 : i32
        %dma_start3A_193 = tpu.memref_slice %arg7[%dma_start3A_191, %dma_start3A_192] : memref<32x128xi32, #tpu.memory_space<vmem>> -> memref<32x128xi32, #tpu.memory_space<vmem>>
        %dma_start3A_194 = arith.constant 0 : i32
        %dma_start3A_195 = tpu.memref_slice %arg3[%add3A_80, %dma_start3A_194] : memref<2560x128xi32, #tpu.memory_space<hbm>> -> memref<32x128xi32, #tpu.memory_space<hbm>>
        %dma_start3A_196 = arith.constant 0 : i32
        %dma_start3A_197 = arith.constant 0 : i32
        %dma_start3A_198 = tpu.memref_slice %arg7[%dma_start3A_196, %dma_start3A_197] : memref<32x128xi32, #tpu.memory_space<vmem>> -> memref<32x128xi32, #tpu.memory_space<vmem>>
        %dma_start3A_199 = arith.constant 0 : i32
        %dma_start3A_200 = tpu.memref_slice %arg3[%add3A_80, %dma_start3A_199] : memref<2560x128xi32, #tpu.memory_space<hbm>> -> memref<32x128xi32, #tpu.memory_space<hbm>>
        tpu.enqueue_dma source(%dma_start3A_200 : memref<32x128xi32, #tpu.memory_space<hbm>>) target(%dma_start3A_198 : memref<32x128xi32, #tpu.memory_space<vmem>>) target_semaphore(%run_scoped3A : memref<!tpu.dma_semaphore, #tpu.memory_space<semaphore_mem>>)
        %dma_wait3A_201 = arith.constant 0 : i32
        %dma_wait3A_202 = arith.constant 0 : i32
        %dma_wait3A_203 = tpu.memref_slice %arg7[%dma_wait3A_201, %dma_wait3A_202] : memref<32x128xi32, #tpu.memory_space<vmem>> -> memref<32x128xi32, #tpu.memory_space<vmem>>
        %dma_wait3A_204 = arith.constant 0 : i32
        %dma_wait3A_205 = tpu.memref_slice %arg3[%add3A_80, %dma_wait3A_204] : memref<2560x128xi32, #tpu.memory_space<hbm>> -> memref<32x128xi32, #tpu.memory_space<hbm>>
        %dma_wait3A_206 = arith.constant 0 : i32
        %dma_wait3A_207 = arith.constant 0 : i32
        %dma_wait3A_208 = tpu.memref_slice %arg7[%dma_wait3A_206, %dma_wait3A_207] : memref<32x128xi32, #tpu.memory_space<vmem>> -> memref<32x128xi32, #tpu.memory_space<vmem>>
        %dma_wait3A_209 = arith.constant 0 : i32
        %dma_wait3A_210 = tpu.memref_slice %arg3[%add3A_80, %dma_wait3A_209] : memref<2560x128xi32, #tpu.memory_space<hbm>> -> memref<32x128xi32, #tpu.memory_space<hbm>>
        tpu.wait_dma2 semaphore(%run_scoped3A : memref<!tpu.dma_semaphore, #tpu.memory_space<semaphore_mem>>) src(%dma_wait3A_210 : memref<32x128xi32, #tpu.memory_space<hbm>>) dst(%dma_wait3A_208 : memref<32x128xi32, #tpu.memory_space<vmem>>)
        tpu.yield
      }) : () -> ()
      "tpu.region"() ({
        %run_scoped3A = tpu.sem_alloc : memref<!tpu.dma_semaphore, #tpu.memory_space<semaphore_mem>>
        %dma_start3A_191 = arith.constant 0 : i32
        %dma_start3A_192 = arith.constant 0 : i32
        %dma_start3A_193 = tpu.memref_slice %arg8[%dma_start3A_191, %dma_start3A_192] : memref<32x128xi32, #tpu.memory_space<vmem>> -> memref<32x128xi32, #tpu.memory_space<vmem>>
        %dma_start3A_194 = arith.constant 0 : i32
        %dma_start3A_195 = tpu.memref_slice %arg4[%add3A_80, %dma_start3A_194] : memref<2560x128xi32, #tpu.memory_space<hbm>> -> memref<32x128xi32, #tpu.memory_space<hbm>>
        %dma_start3A_196 = arith.constant 0 : i32
        %dma_start3A_197 = arith.constant 0 : i32
        %dma_start3A_198 = tpu.memref_slice %arg8[%dma_start3A_196, %dma_start3A_197] : memref<32x128xi32, #tpu.memory_space<vmem>> -> memref<32x128xi32, #tpu.memory_space<vmem>>
        %dma_start3A_199 = arith.constant 0 : i32
        %dma_start3A_200 = tpu.memref_slice %arg4[%add3A_80, %dma_start3A_199] : memref<2560x128xi32, #tpu.memory_space<hbm>> -> memref<32x128xi32, #tpu.memory_space<hbm>>
        tpu.enqueue_dma source(%dma_start3A_200 : memref<32x128xi32, #tpu.memory_space<hbm>>) target(%dma_start3A_198 : memref<32x128xi32, #tpu.memory_space<vmem>>) target_semaphore(%run_scoped3A : memref<!tpu.dma_semaphore, #tpu.memory_space<semaphore_mem>>)
        %dma_wait3A_201 = arith.constant 0 : i32
        %dma_wait3A_202 = arith.constant 0 : i32
        %dma_wait3A_203 = tpu.memref_slice %arg8[%dma_wait3A_201, %dma_wait3A_202] : memref<32x128xi32, #tpu.memory_space<vmem>> -> memref<32x128xi32, #tpu.memory_space<vmem>>
        %dma_wait3A_204 = arith.constant 0 : i32
        %dma_wait3A_205 = tpu.memref_slice %arg4[%add3A_80, %dma_wait3A_204] : memref<2560x128xi32, #tpu.memory_space<hbm>> -> memref<32x128xi32, #tpu.memory_space<hbm>>
        %dma_wait3A_206 = arith.constant 0 : i32
        %dma_wait3A_207 = arith.constant 0 : i32
        %dma_wait3A_208 = tpu.memref_slice %arg8[%dma_wait3A_206, %dma_wait3A_207] : memref<32x128xi32, #tpu.memory_space<vmem>> -> memref<32x128xi32, #tpu.memory_space<vmem>>
        %dma_wait3A_209 = arith.constant 0 : i32
        %dma_wait3A_210 = tpu.memref_slice %arg4[%add3A_80, %dma_wait3A_209] : memref<2560x128xi32, #tpu.memory_space<hbm>> -> memref<32x128xi32, #tpu.memory_space<hbm>>
        tpu.wait_dma2 semaphore(%run_scoped3A : memref<!tpu.dma_semaphore, #tpu.memory_space<semaphore_mem>>) src(%dma_wait3A_210 : memref<32x128xi32, #tpu.memory_space<hbm>>) dst(%dma_wait3A_208 : memref<32x128xi32, #tpu.memory_space<vmem>>)
        tpu.yield
      }) : () -> ()
      %dma_start3A = arith.constant 0 : i32
      %dma_start3A_81 = arith.constant 0 : i32
      %dma_start3A_82 = tpu.memref_slice %arg7[%dma_start3A, %dma_start3A_81] : memref<32x128xi32, #tpu.memory_space<vmem>> -> memref<1x128xi32, #tpu.memory_space<vmem>>
      %dma_start3A_83 = tpu.memref_squeeze %dma_start3A_82 : memref<1x128xi32, #tpu.memory_space<vmem>> -> memref<128xi32, #tpu.memory_space<vmem>>
      %dma_start3A_84 = arith.constant 0 : i32
      %dma_start3A_85 = arith.constant 0 : i32
      %dma_start3A_86 = tpu.memref_slice %arg2[%dma_start3A_84, %dma_start3A_85] : memref<10240x128xf32, #tpu.memory_space<hbm>> -> memref<10240x128xf32, #tpu.memory_space<hbm>>
      tpu.enqueue_indirect_dma source(%dma_start3A_86 : memref<10240x128xf32, #tpu.memory_space<hbm>>) target(%arg9 : memref<128x128xf32, #tpu.memory_space<vmem>>) offsets(%dma_start3A_83 : memref<128xi32, #tpu.memory_space<vmem>>) semaphore(%arg14 : memref<!tpu.dma_semaphore, #tpu.memory_space<semaphore_mem>>)
      %scan3A_87 = arith.constant 0 : i32
      %scan3A_88 = arith.constant 0 : i32
      %scan3A_89 = arith.constant 16 : i32
      %scan3A_90 = arith.addi %scan3A_88, %scan3A_89 : i32
      %scan3A_91 = arith.constant 1 : i32
      scf.for %scan3A_191 = %scan3A_88 to %scan3A_90 step %scan3A_91  : i32 {
        %mul3A_192 = arith.constant 2 : i32
        %mul3A_193 = arith.muli %mul3A_192, %scan3A_191 : i32
        %add3A_194 = arith.constant 1 : i32
        %add3A_195 = arith.addi %mul3A_193, %add3A_194 : i32
        %dma_wait3A_196 = arith.constant 0 : i32
        %dma_wait3A_197 = tpu.memref_slice %arg7[%mul3A_193, %dma_wait3A_196] : memref<32x128xi32, #tpu.memory_space<vmem>> -> memref<1x128xi32, #tpu.memory_space<vmem>>
        %dma_wait3A_198 = tpu.memref_squeeze %dma_wait3A_197 : memref<1x128xi32, #tpu.memory_space<vmem>> -> memref<128xi32, #tpu.memory_space<vmem>>
        %dma_wait3A_199 = arith.constant 0 : i32
        %dma_wait3A_200 = arith.constant 0 : i32
        %dma_wait3A_201 = tpu.memref_slice %arg2[%dma_wait3A_199, %dma_wait3A_200] : memref<10240x128xf32, #tpu.memory_space<hbm>> -> memref<10240x128xf32, #tpu.memory_space<hbm>>
        tpu.wait_indirect_dma semaphore(%arg14 : memref<!tpu.dma_semaphore, #tpu.memory_space<semaphore_mem>>) src(%dma_wait3A_201 : memref<10240x128xf32, #tpu.memory_space<hbm>>) dst(%arg9 : memref<128x128xf32, #tpu.memory_space<vmem>>)
        %dma_start3A_202 = arith.constant 0 : i32
        %dma_start3A_203 = tpu.memref_slice %arg7[%add3A_195, %dma_start3A_202] : memref<32x128xi32, #tpu.memory_space<vmem>> -> memref<1x128xi32, #tpu.memory_space<vmem>>
        %dma_start3A_204 = tpu.memref_squeeze %dma_start3A_203 : memref<1x128xi32, #tpu.memory_space<vmem>> -> memref<128xi32, #tpu.memory_space<vmem>>
        %dma_start3A_205 = arith.constant 0 : i32
        %dma_start3A_206 = arith.constant 0 : i32
        %dma_start3A_207 = tpu.memref_slice %arg2[%dma_start3A_205, %dma_start3A_206] : memref<10240x128xf32, #tpu.memory_space<hbm>> -> memref<10240x128xf32, #tpu.memory_space<hbm>>
        tpu.enqueue_indirect_dma source(%dma_start3A_207 : memref<10240x128xf32, #tpu.memory_space<hbm>>) target(%arg10 : memref<128x128xf32, #tpu.memory_space<vmem>>) offsets(%dma_start3A_204 : memref<128xi32, #tpu.memory_space<vmem>>) semaphore(%arg14 : memref<!tpu.dma_semaphore, #tpu.memory_space<semaphore_mem>>)
        %dma_start3A_208 = arith.constant 0 : i32
        %dma_start3A_209 = tpu.memref_slice %arg8[%mul3A_193, %dma_start3A_208] : memref<32x128xi32, #tpu.memory_space<vmem>> -> memref<1x128xi32, #tpu.memory_space<vmem>>
        %dma_start3A_210 = tpu.memref_squeeze %dma_start3A_209 : memref<1x128xi32, #tpu.memory_space<vmem>> -> memref<128xi32, #tpu.memory_space<vmem>>
        %dma_start3A_211 = arith.constant 0 : i32
        %dma_start3A_212 = arith.constant 0 : i32
        %dma_start3A_213 = tpu.memref_slice %arg13[%dma_start3A_211, %dma_start3A_212] : memref<10240x128xf32, #tpu.memory_space<vmem_shared>> -> memref<10240x128xf32, #tpu.memory_space<vmem_shared>>
        tpu.enqueue_indirect_dma source(%arg9 : memref<128x128xf32, #tpu.memory_space<vmem>>) target(%dma_start3A_213 : memref<10240x128xf32, #tpu.memory_space<vmem_shared>>) offsets(%dma_start3A_210 : memref<128xi32, #tpu.memory_space<vmem>>) semaphore(%arg15 : memref<!tpu.dma_semaphore, #tpu.memory_space<semaphore_mem>>) {add = true}
        %gt3A = arith.constant 0 : i32
        %gt3A_214 = arith.cmpi sgt, %scan3A_191, %gt3A : i32
        %convert_element_type3A_215 = arith.extui %gt3A_214 : i1 to i32
        %cond3A_216 = arith.constant 0 : i32
        %cond3A_217 = arith.cmpi ne, %convert_element_type3A_215, %cond3A_216 : i32
        scf.if %cond3A_217 {
          %sub3A = arith.constant 2 : i32
          %sub3A_256 = arith.subi %mul3A_193, %sub3A : i32
          %dma_wait3A_257 = arith.constant 0 : i32
          %dma_wait3A_258 = tpu.memref_slice %arg8[%sub3A_256, %dma_wait3A_257] : memref<32x128xi32, #tpu.memory_space<vmem>> -> memref<1x128xi32, #tpu.memory_space<vmem>>
          %dma_wait3A_259 = tpu.memref_squeeze %dma_wait3A_258 : memref<1x128xi32, #tpu.memory_space<vmem>> -> memref<128xi32, #tpu.memory_space<vmem>>
          %dma_wait3A_260 = arith.constant 0 : i32
          %dma_wait3A_261 = tpu.memref_slice %arg16[%dma_wait3A_260] : memref<10240xf32, #tpu.memory_space<vmem_shared>> -> memref<10240xf32, #tpu.memory_space<vmem_shared>>
          tpu.wait_indirect_dma semaphore(%arg17 : memref<!tpu.dma_semaphore, #tpu.memory_space<semaphore_mem>>) src(%arg11 : memref<128xf32, #tpu.memory_space<vmem>>) dst(%dma_wait3A_261 : memref<10240xf32, #tpu.memory_space<vmem_shared>>)
          %sub3A_262 = arith.constant 2 : i32
          %sub3A_263 = arith.subi %add3A_195, %sub3A_262 : i32
          %dma_wait3A_264 = arith.constant 0 : i32
          %dma_wait3A_265 = tpu.memref_slice %arg8[%sub3A_263, %dma_wait3A_264] : memref<32x128xi32, #tpu.memory_space<vmem>> -> memref<1x128xi32, #tpu.memory_space<vmem>>
          %dma_wait3A_266 = tpu.memref_squeeze %dma_wait3A_265 : memref<1x128xi32, #tpu.memory_space<vmem>> -> memref<128xi32, #tpu.memory_space<vmem>>
          %dma_wait3A_267 = arith.constant 0 : i32
          %dma_wait3A_268 = tpu.memref_slice %arg16[%dma_wait3A_267] : memref<10240xf32, #tpu.memory_space<vmem_shared>> -> memref<10240xf32, #tpu.memory_space<vmem_shared>>
          tpu.wait_indirect_dma semaphore(%arg17 : memref<!tpu.dma_semaphore, #tpu.memory_space<semaphore_mem>>) src(%arg11 : memref<128xf32, #tpu.memory_space<vmem>>) dst(%dma_wait3A_268 : memref<10240xf32, #tpu.memory_space<vmem_shared>>)
        } else {
        }
        %dma_start3A_218 = arith.constant 0 : i32
        %dma_start3A_219 = tpu.memref_slice %arg8[%mul3A_193, %dma_start3A_218] : memref<32x128xi32, #tpu.memory_space<vmem>> -> memref<1x128xi32, #tpu.memory_space<vmem>>
        %dma_start3A_220 = tpu.memref_squeeze %dma_start3A_219 : memref<1x128xi32, #tpu.memory_space<vmem>> -> memref<128xi32, #tpu.memory_space<vmem>>
        %dma_start3A_221 = arith.constant 0 : i32
        %dma_start3A_222 = tpu.memref_slice %arg16[%dma_start3A_221] : memref<10240xf32, #tpu.memory_space<vmem_shared>> -> memref<10240xf32, #tpu.memory_space<vmem_shared>>
        tpu.enqueue_indirect_dma source(%arg11 : memref<128xf32, #tpu.memory_space<vmem>>) target(%dma_start3A_222 : memref<10240xf32, #tpu.memory_space<vmem_shared>>) offsets(%dma_start3A_220 : memref<128xi32, #tpu.memory_space<vmem>>) semaphore(%arg17 : memref<!tpu.dma_semaphore, #tpu.memory_space<semaphore_mem>>) {add = true}
        %dma_start3A_223 = arith.constant 0 : i32
        %dma_start3A_224 = tpu.memref_slice %arg8[%add3A_195, %dma_start3A_223] : memref<32x128xi32, #tpu.memory_space<vmem>> -> memref<1x128xi32, #tpu.memory_space<vmem>>
        %dma_start3A_225 = tpu.memref_squeeze %dma_start3A_224 : memref<1x128xi32, #tpu.memory_space<vmem>> -> memref<128xi32, #tpu.memory_space<vmem>>
        %dma_start3A_226 = arith.constant 0 : i32
        %dma_start3A_227 = tpu.memref_slice %arg16[%dma_start3A_226] : memref<10240xf32, #tpu.memory_space<vmem_shared>> -> memref<10240xf32, #tpu.memory_space<vmem_shared>>
        tpu.enqueue_indirect_dma source(%arg11 : memref<128xf32, #tpu.memory_space<vmem>>) target(%dma_start3A_227 : memref<10240xf32, #tpu.memory_space<vmem_shared>>) offsets(%dma_start3A_225 : memref<128xi32, #tpu.memory_space<vmem>>) semaphore(%arg17 : memref<!tpu.dma_semaphore, #tpu.memory_space<semaphore_mem>>) {add = true}
        %dma_wait3A_228 = arith.constant 0 : i32
        %dma_wait3A_229 = tpu.memref_slice %arg7[%add3A_195, %dma_wait3A_228] : memref<32x128xi32, #tpu.memory_space<vmem>> -> memref<1x128xi32, #tpu.memory_space<vmem>>
        %dma_wait3A_230 = tpu.memref_squeeze %dma_wait3A_229 : memref<1x128xi32, #tpu.memory_space<vmem>> -> memref<128xi32, #tpu.memory_space<vmem>>
        %dma_wait3A_231 = arith.constant 0 : i32
        %dma_wait3A_232 = arith.constant 0 : i32
        %dma_wait3A_233 = tpu.memref_slice %arg2[%dma_wait3A_231, %dma_wait3A_232] : memref<10240x128xf32, #tpu.memory_space<hbm>> -> memref<10240x128xf32, #tpu.memory_space<hbm>>
        tpu.wait_indirect_dma semaphore(%arg14 : memref<!tpu.dma_semaphore, #tpu.memory_space<semaphore_mem>>) src(%dma_wait3A_233 : memref<10240x128xf32, #tpu.memory_space<hbm>>) dst(%arg10 : memref<128x128xf32, #tpu.memory_space<vmem>>)
        %dma_wait3A_234 = arith.constant 0 : i32
        %dma_wait3A_235 = tpu.memref_slice %arg8[%mul3A_193, %dma_wait3A_234] : memref<32x128xi32, #tpu.memory_space<vmem>> -> memref<1x128xi32, #tpu.memory_space<vmem>>
        %dma_wait3A_236 = tpu.memref_squeeze %dma_wait3A_235 : memref<1x128xi32, #tpu.memory_space<vmem>> -> memref<128xi32, #tpu.memory_space<vmem>>
        %dma_wait3A_237 = arith.constant 0 : i32
        %dma_wait3A_238 = arith.constant 0 : i32
        %dma_wait3A_239 = tpu.memref_slice %arg13[%dma_wait3A_237, %dma_wait3A_238] : memref<10240x128xf32, #tpu.memory_space<vmem_shared>> -> memref<10240x128xf32, #tpu.memory_space<vmem_shared>>
        tpu.wait_indirect_dma semaphore(%arg15 : memref<!tpu.dma_semaphore, #tpu.memory_space<semaphore_mem>>) src(%arg9 : memref<128x128xf32, #tpu.memory_space<vmem>>) dst(%dma_wait3A_239 : memref<10240x128xf32, #tpu.memory_space<vmem_shared>>)
        %lt3A = arith.constant 15 : i32
        %lt3A_240 = arith.cmpi slt, %scan3A_191, %lt3A : i32
        %convert_element_type3A_241 = arith.extui %lt3A_240 : i1 to i32
        %cond3A_242 = arith.constant 0 : i32
        %cond3A_243 = arith.cmpi ne, %convert_element_type3A_241, %cond3A_242 : i32
        scf.if %cond3A_243 {
          %add3A_256 = arith.constant 2 : i32
          %add3A_257 = arith.addi %mul3A_193, %add3A_256 : i32
          %dma_start3A_258 = arith.constant 0 : i32
          %dma_start3A_259 = tpu.memref_slice %arg7[%add3A_257, %dma_start3A_258] : memref<32x128xi32, #tpu.memory_space<vmem>> -> memref<1x128xi32, #tpu.memory_space<vmem>>
          %dma_start3A_260 = tpu.memref_squeeze %dma_start3A_259 : memref<1x128xi32, #tpu.memory_space<vmem>> -> memref<128xi32, #tpu.memory_space<vmem>>
          %dma_start3A_261 = arith.constant 0 : i32
          %dma_start3A_262 = arith.constant 0 : i32
          %dma_start3A_263 = tpu.memref_slice %arg2[%dma_start3A_261, %dma_start3A_262] : memref<10240x128xf32, #tpu.memory_space<hbm>> -> memref<10240x128xf32, #tpu.memory_space<hbm>>
          tpu.enqueue_indirect_dma source(%dma_start3A_263 : memref<10240x128xf32, #tpu.memory_space<hbm>>) target(%arg9 : memref<128x128xf32, #tpu.memory_space<vmem>>) offsets(%dma_start3A_260 : memref<128xi32, #tpu.memory_space<vmem>>) semaphore(%arg14 : memref<!tpu.dma_semaphore, #tpu.memory_space<semaphore_mem>>)
        } else {
        }
        %dma_start3A_244 = arith.constant 0 : i32
        %dma_start3A_245 = tpu.memref_slice %arg8[%add3A_195, %dma_start3A_244] : memref<32x128xi32, #tpu.memory_space<vmem>> -> memref<1x128xi32, #tpu.memory_space<vmem>>
        %dma_start3A_246 = tpu.memref_squeeze %dma_start3A_245 : memref<1x128xi32, #tpu.memory_space<vmem>> -> memref<128xi32, #tpu.memory_space<vmem>>
        %dma_start3A_247 = arith.constant 0 : i32
        %dma_start3A_248 = arith.constant 0 : i32
        %dma_start3A_249 = tpu.memref_slice %arg13[%dma_start3A_247, %dma_start3A_248] : memref<10240x128xf32, #tpu.memory_space<vmem_shared>> -> memref<10240x128xf32, #tpu.memory_space<vmem_shared>>
        tpu.enqueue_indirect_dma source(%arg10 : memref<128x128xf32, #tpu.memory_space<vmem>>) target(%dma_start3A_249 : memref<10240x128xf32, #tpu.memory_space<vmem_shared>>) offsets(%dma_start3A_246 : memref<128xi32, #tpu.memory_space<vmem>>) semaphore(%arg15 : memref<!tpu.dma_semaphore, #tpu.memory_space<semaphore_mem>>) {add = true}
        %dma_wait3A_250 = arith.constant 0 : i32
        %dma_wait3A_251 = tpu.memref_slice %arg8[%add3A_195, %dma_wait3A_250] : memref<32x128xi32, #tpu.memory_space<vmem>> -> memref<1x128xi32, #tpu.memory_space<vmem>>
        %dma_wait3A_252 = tpu.memref_squeeze %dma_wait3A_251 : memref<1x128xi32, #tpu.memory_space<vmem>> -> memref<128xi32, #tpu.memory_space<vmem>>
        %dma_wait3A_253 = arith.constant 0 : i32
        %dma_wait3A_254 = arith.constant 0 : i32
        %dma_wait3A_255 = tpu.memref_slice %arg13[%dma_wait3A_253, %dma_wait3A_254] : memref<10240x128xf32, #tpu.memory_space<vmem_shared>> -> memref<10240x128xf32, #tpu.memory_space<vmem_shared>>
        tpu.wait_indirect_dma semaphore(%arg15 : memref<!tpu.dma_semaphore, #tpu.memory_space<semaphore_mem>>) src(%arg10 : memref<128x128xf32, #tpu.memory_space<vmem>>) dst(%dma_wait3A_255 : memref<10240x128xf32, #tpu.memory_space<vmem_shared>>)
      }
      %scan3A_92 = arith.constant 16 : i32
      %dma_wait3A = arith.constant 30 : i32
      %dma_wait3A_93 = arith.constant 0 : i32
      %dma_wait3A_94 = tpu.memref_slice %arg8[%dma_wait3A, %dma_wait3A_93] : memref<32x128xi32, #tpu.memory_space<vmem>> -> memref<1x128xi32, #tpu.memory_space<vmem>>
      %dma_wait3A_95 = tpu.memref_squeeze %dma_wait3A_94 : memref<1x128xi32, #tpu.memory_space<vmem>> -> memref<128xi32, #tpu.memory_space<vmem>>
      %dma_wait3A_96 = arith.constant 0 : i32
      %dma_wait3A_97 = tpu.memref_slice %arg16[%dma_wait3A_96] : memref<10240xf32, #tpu.memory_space<vmem_shared>> -> memref<10240xf32, #tpu.memory_space<vmem_shared>>
      tpu.wait_indirect_dma semaphore(%arg17 : memref<!tpu.dma_semaphore, #tpu.memory_space<semaphore_mem>>) src(%arg11 : memref<128xf32, #tpu.memory_space<vmem>>) dst(%dma_wait3A_97 : memref<10240xf32, #tpu.memory_space<vmem_shared>>)
      %dma_wait3A_98 = arith.constant 31 : i32
      %dma_wait3A_99 = arith.constant 0 : i32
      %dma_wait3A_100 = tpu.memref_slice %arg8[%dma_wait3A_98, %dma_wait3A_99] : memref<32x128xi32, #tpu.memory_space<vmem>> -> memref<1x128xi32, #tpu.memory_space<vmem>>
      %dma_wait3A_101 = tpu.memref_squeeze %dma_wait3A_100 : memref<1x128xi32, #tpu.memory_space<vmem>> -> memref<128xi32, #tpu.memory_space<vmem>>
      %dma_wait3A_102 = arith.constant 0 : i32
      %dma_wait3A_103 = tpu.memref_slice %arg16[%dma_wait3A_102] : memref<10240xf32, #tpu.memory_space<vmem_shared>> -> memref<10240xf32, #tpu.memory_space<vmem_shared>>
      tpu.wait_indirect_dma semaphore(%arg17 : memref<!tpu.dma_semaphore, #tpu.memory_space<semaphore_mem>>) src(%arg11 : memref<128xf32, #tpu.memory_space<vmem>>) dst(%dma_wait3A_103 : memref<10240xf32, #tpu.memory_space<vmem_shared>>)
      %mul3A_104 = arith.constant 128 : i32
      %mul3A_105 = arith.muli %arg1, %mul3A_104 : i32
      %add3A_106 = arith.constant 32 : i32
      %add3A_107 = arith.addi %mul3A_105, %add3A_106 : i32
      "tpu.region"() ({
        %run_scoped3A = tpu.sem_alloc : memref<!tpu.dma_semaphore, #tpu.memory_space<semaphore_mem>>
        %dma_start3A_191 = arith.constant 0 : i32
        %dma_start3A_192 = arith.constant 0 : i32
        %dma_start3A_193 = tpu.memref_slice %arg7[%dma_start3A_191, %dma_start3A_192] : memref<32x128xi32, #tpu.memory_space<vmem>> -> memref<32x128xi32, #tpu.memory_space<vmem>>
        %dma_start3A_194 = arith.constant 0 : i32
        %dma_start3A_195 = tpu.memref_slice %arg3[%add3A_107, %dma_start3A_194] : memref<2560x128xi32, #tpu.memory_space<hbm>> -> memref<32x128xi32, #tpu.memory_space<hbm>>
        %dma_start3A_196 = arith.constant 0 : i32
        %dma_start3A_197 = arith.constant 0 : i32
        %dma_start3A_198 = tpu.memref_slice %arg7[%dma_start3A_196, %dma_start3A_197] : memref<32x128xi32, #tpu.memory_space<vmem>> -> memref<32x128xi32, #tpu.memory_space<vmem>>
        %dma_start3A_199 = arith.constant 0 : i32
        %dma_start3A_200 = tpu.memref_slice %arg3[%add3A_107, %dma_start3A_199] : memref<2560x128xi32, #tpu.memory_space<hbm>> -> memref<32x128xi32, #tpu.memory_space<hbm>>
        tpu.enqueue_dma source(%dma_start3A_200 : memref<32x128xi32, #tpu.memory_space<hbm>>) target(%dma_start3A_198 : memref<32x128xi32, #tpu.memory_space<vmem>>) target_semaphore(%run_scoped3A : memref<!tpu.dma_semaphore, #tpu.memory_space<semaphore_mem>>)
        %dma_wait3A_201 = arith.constant 0 : i32
        %dma_wait3A_202 = arith.constant 0 : i32
        %dma_wait3A_203 = tpu.memref_slice %arg7[%dma_wait3A_201, %dma_wait3A_202] : memref<32x128xi32, #tpu.memory_space<vmem>> -> memref<32x128xi32, #tpu.memory_space<vmem>>
        %dma_wait3A_204 = arith.constant 0 : i32
        %dma_wait3A_205 = tpu.memref_slice %arg3[%add3A_107, %dma_wait3A_204] : memref<2560x128xi32, #tpu.memory_space<hbm>> -> memref<32x128xi32, #tpu.memory_space<hbm>>
        %dma_wait3A_206 = arith.constant 0 : i32
        %dma_wait3A_207 = arith.constant 0 : i32
        %dma_wait3A_208 = tpu.memref_slice %arg7[%dma_wait3A_206, %dma_wait3A_207] : memref<32x128xi32, #tpu.memory_space<vmem>> -> memref<32x128xi32, #tpu.memory_space<vmem>>
        %dma_wait3A_209 = arith.constant 0 : i32
        %dma_wait3A_210 = tpu.memref_slice %arg3[%add3A_107, %dma_wait3A_209] : memref<2560x128xi32, #tpu.memory_space<hbm>> -> memref<32x128xi32, #tpu.memory_space<hbm>>
        tpu.wait_dma2 semaphore(%run_scoped3A : memref<!tpu.dma_semaphore, #tpu.memory_space<semaphore_mem>>) src(%dma_wait3A_210 : memref<32x128xi32, #tpu.memory_space<hbm>>) dst(%dma_wait3A_208 : memref<32x128xi32, #tpu.memory_space<vmem>>)
        tpu.yield
      }) : () -> ()
      "tpu.region"() ({
        %run_scoped3A = tpu.sem_alloc : memref<!tpu.dma_semaphore, #tpu.memory_space<semaphore_mem>>
        %dma_start3A_191 = arith.constant 0 : i32
        %dma_start3A_192 = arith.constant 0 : i32
        %dma_start3A_193 = tpu.memref_slice %arg8[%dma_start3A_191, %dma_start3A_192] : memref<32x128xi32, #tpu.memory_space<vmem>> -> memref<32x128xi32, #tpu.memory_space<vmem>>
        %dma_start3A_194 = arith.constant 0 : i32
        %dma_start3A_195 = tpu.memref_slice %arg4[%add3A_107, %dma_start3A_194] : memref<2560x128xi32, #tpu.memory_space<hbm>> -> memref<32x128xi32, #tpu.memory_space<hbm>>
        %dma_start3A_196 = arith.constant 0 : i32
        %dma_start3A_197 = arith.constant 0 : i32
        %dma_start3A_198 = tpu.memref_slice %arg8[%dma_start3A_196, %dma_start3A_197] : memref<32x128xi32, #tpu.memory_space<vmem>> -> memref<32x128xi32, #tpu.memory_space<vmem>>
        %dma_start3A_199 = arith.constant 0 : i32
        %dma_start3A_200 = tpu.memref_slice %arg4[%add3A_107, %dma_start3A_199] : memref<2560x128xi32, #tpu.memory_space<hbm>> -> memref<32x128xi32, #tpu.memory_space<hbm>>
        tpu.enqueue_dma source(%dma_start3A_200 : memref<32x128xi32, #tpu.memory_space<hbm>>) target(%dma_start3A_198 : memref<32x128xi32, #tpu.memory_space<vmem>>) target_semaphore(%run_scoped3A : memref<!tpu.dma_semaphore, #tpu.memory_space<semaphore_mem>>)
        %dma_wait3A_201 = arith.constant 0 : i32
        %dma_wait3A_202 = arith.constant 0 : i32
        %dma_wait3A_203 = tpu.memref_slice %arg8[%dma_wait3A_201, %dma_wait3A_202] : memref<32x128xi32, #tpu.memory_space<vmem>> -> memref<32x128xi32, #tpu.memory_space<vmem>>
        %dma_wait3A_204 = arith.constant 0 : i32
        %dma_wait3A_205 = tpu.memref_slice %arg4[%add3A_107, %dma_wait3A_204] : memref<2560x128xi32, #tpu.memory_space<hbm>> -> memref<32x128xi32, #tpu.memory_space<hbm>>
        %dma_wait3A_206 = arith.constant 0 : i32
        %dma_wait3A_207 = arith.constant 0 : i32
        %dma_wait3A_208 = tpu.memref_slice %arg8[%dma_wait3A_206, %dma_wait3A_207] : memref<32x128xi32, #tpu.memory_space<vmem>> -> memref<32x128xi32, #tpu.memory_space<vmem>>
        %dma_wait3A_209 = arith.constant 0 : i32
        %dma_wait3A_210 = tpu.memref_slice %arg4[%add3A_107, %dma_wait3A_209] : memref<2560x128xi32, #tpu.memory_space<hbm>> -> memref<32x128xi32, #tpu.memory_space<hbm>>
        tpu.wait_dma2 semaphore(%run_scoped3A : memref<!tpu.dma_semaphore, #tpu.memory_space<semaphore_mem>>) src(%dma_wait3A_210 : memref<32x128xi32, #tpu.memory_space<hbm>>) dst(%dma_wait3A_208 : memref<32x128xi32, #tpu.memory_space<vmem>>)
        tpu.yield
      }) : () -> ()
      %dma_start3A_108 = arith.constant 0 : i32
      %dma_start3A_109 = arith.constant 0 : i32
      %dma_start3A_110 = tpu.memref_slice %arg7[%dma_start3A_108, %dma_start3A_109] : memref<32x128xi32, #tpu.memory_space<vmem>> -> memref<1x128xi32, #tpu.memory_space<vmem>>
      %dma_start3A_111 = tpu.memref_squeeze %dma_start3A_110 : memref<1x128xi32, #tpu.memory_space<vmem>> -> memref<128xi32, #tpu.memory_space<vmem>>
      %dma_start3A_112 = arith.constant 0 : i32
      %dma_start3A_113 = arith.constant 0 : i32
      %dma_start3A_114 = tpu.memref_slice %arg2[%dma_start3A_112, %dma_start3A_113] : memref<10240x128xf32, #tpu.memory_space<hbm>> -> memref<10240x128xf32, #tpu.memory_space<hbm>>
      tpu.enqueue_indirect_dma source(%dma_start3A_114 : memref<10240x128xf32, #tpu.memory_space<hbm>>) target(%arg9 : memref<128x128xf32, #tpu.memory_space<vmem>>) offsets(%dma_start3A_111 : memref<128xi32, #tpu.memory_space<vmem>>) semaphore(%arg14 : memref<!tpu.dma_semaphore, #tpu.memory_space<semaphore_mem>>)
      %scan3A_115 = arith.constant 0 : i32
      %scan3A_116 = arith.constant 0 : i32
      %scan3A_117 = arith.constant 16 : i32
      %scan3A_118 = arith.addi %scan3A_116, %scan3A_117 : i32
      %scan3A_119 = arith.constant 1 : i32
      scf.for %scan3A_191 = %scan3A_116 to %scan3A_118 step %scan3A_119  : i32 {
        %mul3A_192 = arith.constant 2 : i32
        %mul3A_193 = arith.muli %mul3A_192, %scan3A_191 : i32
        %add3A_194 = arith.constant 1 : i32
        %add3A_195 = arith.addi %mul3A_193, %add3A_194 : i32
        %dma_wait3A_196 = arith.constant 0 : i32
        %dma_wait3A_197 = tpu.memref_slice %arg7[%mul3A_193, %dma_wait3A_196] : memref<32x128xi32, #tpu.memory_space<vmem>> -> memref<1x128xi32, #tpu.memory_space<vmem>>
        %dma_wait3A_198 = tpu.memref_squeeze %dma_wait3A_197 : memref<1x128xi32, #tpu.memory_space<vmem>> -> memref<128xi32, #tpu.memory_space<vmem>>
        %dma_wait3A_199 = arith.constant 0 : i32
        %dma_wait3A_200 = arith.constant 0 : i32
        %dma_wait3A_201 = tpu.memref_slice %arg2[%dma_wait3A_199, %dma_wait3A_200] : memref<10240x128xf32, #tpu.memory_space<hbm>> -> memref<10240x128xf32, #tpu.memory_space<hbm>>
        tpu.wait_indirect_dma semaphore(%arg14 : memref<!tpu.dma_semaphore, #tpu.memory_space<semaphore_mem>>) src(%dma_wait3A_201 : memref<10240x128xf32, #tpu.memory_space<hbm>>) dst(%arg9 : memref<128x128xf32, #tpu.memory_space<vmem>>)
        %dma_start3A_202 = arith.constant 0 : i32
        %dma_start3A_203 = tpu.memref_slice %arg7[%add3A_195, %dma_start3A_202] : memref<32x128xi32, #tpu.memory_space<vmem>> -> memref<1x128xi32, #tpu.memory_space<vmem>>
        %dma_start3A_204 = tpu.memref_squeeze %dma_start3A_203 : memref<1x128xi32, #tpu.memory_space<vmem>> -> memref<128xi32, #tpu.memory_space<vmem>>
        %dma_start3A_205 = arith.constant 0 : i32
        %dma_start3A_206 = arith.constant 0 : i32
        %dma_start3A_207 = tpu.memref_slice %arg2[%dma_start3A_205, %dma_start3A_206] : memref<10240x128xf32, #tpu.memory_space<hbm>> -> memref<10240x128xf32, #tpu.memory_space<hbm>>
        tpu.enqueue_indirect_dma source(%dma_start3A_207 : memref<10240x128xf32, #tpu.memory_space<hbm>>) target(%arg10 : memref<128x128xf32, #tpu.memory_space<vmem>>) offsets(%dma_start3A_204 : memref<128xi32, #tpu.memory_space<vmem>>) semaphore(%arg14 : memref<!tpu.dma_semaphore, #tpu.memory_space<semaphore_mem>>)
        %dma_start3A_208 = arith.constant 0 : i32
        %dma_start3A_209 = tpu.memref_slice %arg8[%mul3A_193, %dma_start3A_208] : memref<32x128xi32, #tpu.memory_space<vmem>> -> memref<1x128xi32, #tpu.memory_space<vmem>>
        %dma_start3A_210 = tpu.memref_squeeze %dma_start3A_209 : memref<1x128xi32, #tpu.memory_space<vmem>> -> memref<128xi32, #tpu.memory_space<vmem>>
        %dma_start3A_211 = arith.constant 0 : i32
        %dma_start3A_212 = arith.constant 0 : i32
        %dma_start3A_213 = tpu.memref_slice %arg13[%dma_start3A_211, %dma_start3A_212] : memref<10240x128xf32, #tpu.memory_space<vmem_shared>> -> memref<10240x128xf32, #tpu.memory_space<vmem_shared>>
        tpu.enqueue_indirect_dma source(%arg9 : memref<128x128xf32, #tpu.memory_space<vmem>>) target(%dma_start3A_213 : memref<10240x128xf32, #tpu.memory_space<vmem_shared>>) offsets(%dma_start3A_210 : memref<128xi32, #tpu.memory_space<vmem>>) semaphore(%arg15 : memref<!tpu.dma_semaphore, #tpu.memory_space<semaphore_mem>>) {add = true}
        %gt3A = arith.constant 0 : i32
        %gt3A_214 = arith.cmpi sgt, %scan3A_191, %gt3A : i32
        %convert_element_type3A_215 = arith.extui %gt3A_214 : i1 to i32
        %cond3A_216 = arith.constant 0 : i32
        %cond3A_217 = arith.cmpi ne, %convert_element_type3A_215, %cond3A_216 : i32
        scf.if %cond3A_217 {
          %sub3A = arith.constant 2 : i32
          %sub3A_256 = arith.subi %mul3A_193, %sub3A : i32
          %dma_wait3A_257 = arith.constant 0 : i32
          %dma_wait3A_258 = tpu.memref_slice %arg8[%sub3A_256, %dma_wait3A_257] : memref<32x128xi32, #tpu.memory_space<vmem>> -> memref<1x128xi32, #tpu.memory_space<vmem>>
          %dma_wait3A_259 = tpu.memref_squeeze %dma_wait3A_258 : memref<1x128xi32, #tpu.memory_space<vmem>> -> memref<128xi32, #tpu.memory_space<vmem>>
          %dma_wait3A_260 = arith.constant 0 : i32
          %dma_wait3A_261 = tpu.memref_slice %arg16[%dma_wait3A_260] : memref<10240xf32, #tpu.memory_space<vmem_shared>> -> memref<10240xf32, #tpu.memory_space<vmem_shared>>
          tpu.wait_indirect_dma semaphore(%arg17 : memref<!tpu.dma_semaphore, #tpu.memory_space<semaphore_mem>>) src(%arg11 : memref<128xf32, #tpu.memory_space<vmem>>) dst(%dma_wait3A_261 : memref<10240xf32, #tpu.memory_space<vmem_shared>>)
          %sub3A_262 = arith.constant 2 : i32
          %sub3A_263 = arith.subi %add3A_195, %sub3A_262 : i32
          %dma_wait3A_264 = arith.constant 0 : i32
          %dma_wait3A_265 = tpu.memref_slice %arg8[%sub3A_263, %dma_wait3A_264] : memref<32x128xi32, #tpu.memory_space<vmem>> -> memref<1x128xi32, #tpu.memory_space<vmem>>
          %dma_wait3A_266 = tpu.memref_squeeze %dma_wait3A_265 : memref<1x128xi32, #tpu.memory_space<vmem>> -> memref<128xi32, #tpu.memory_space<vmem>>
          %dma_wait3A_267 = arith.constant 0 : i32
          %dma_wait3A_268 = tpu.memref_slice %arg16[%dma_wait3A_267] : memref<10240xf32, #tpu.memory_space<vmem_shared>> -> memref<10240xf32, #tpu.memory_space<vmem_shared>>
          tpu.wait_indirect_dma semaphore(%arg17 : memref<!tpu.dma_semaphore, #tpu.memory_space<semaphore_mem>>) src(%arg11 : memref<128xf32, #tpu.memory_space<vmem>>) dst(%dma_wait3A_268 : memref<10240xf32, #tpu.memory_space<vmem_shared>>)
        } else {
        }
        %dma_start3A_218 = arith.constant 0 : i32
        %dma_start3A_219 = tpu.memref_slice %arg8[%mul3A_193, %dma_start3A_218] : memref<32x128xi32, #tpu.memory_space<vmem>> -> memref<1x128xi32, #tpu.memory_space<vmem>>
        %dma_start3A_220 = tpu.memref_squeeze %dma_start3A_219 : memref<1x128xi32, #tpu.memory_space<vmem>> -> memref<128xi32, #tpu.memory_space<vmem>>
        %dma_start3A_221 = arith.constant 0 : i32
        %dma_start3A_222 = tpu.memref_slice %arg16[%dma_start3A_221] : memref<10240xf32, #tpu.memory_space<vmem_shared>> -> memref<10240xf32, #tpu.memory_space<vmem_shared>>
        tpu.enqueue_indirect_dma source(%arg11 : memref<128xf32, #tpu.memory_space<vmem>>) target(%dma_start3A_222 : memref<10240xf32, #tpu.memory_space<vmem_shared>>) offsets(%dma_start3A_220 : memref<128xi32, #tpu.memory_space<vmem>>) semaphore(%arg17 : memref<!tpu.dma_semaphore, #tpu.memory_space<semaphore_mem>>) {add = true}
        %dma_start3A_223 = arith.constant 0 : i32
        %dma_start3A_224 = tpu.memref_slice %arg8[%add3A_195, %dma_start3A_223] : memref<32x128xi32, #tpu.memory_space<vmem>> -> memref<1x128xi32, #tpu.memory_space<vmem>>
        %dma_start3A_225 = tpu.memref_squeeze %dma_start3A_224 : memref<1x128xi32, #tpu.memory_space<vmem>> -> memref<128xi32, #tpu.memory_space<vmem>>
        %dma_start3A_226 = arith.constant 0 : i32
        %dma_start3A_227 = tpu.memref_slice %arg16[%dma_start3A_226] : memref<10240xf32, #tpu.memory_space<vmem_shared>> -> memref<10240xf32, #tpu.memory_space<vmem_shared>>
        tpu.enqueue_indirect_dma source(%arg11 : memref<128xf32, #tpu.memory_space<vmem>>) target(%dma_start3A_227 : memref<10240xf32, #tpu.memory_space<vmem_shared>>) offsets(%dma_start3A_225 : memref<128xi32, #tpu.memory_space<vmem>>) semaphore(%arg17 : memref<!tpu.dma_semaphore, #tpu.memory_space<semaphore_mem>>) {add = true}
        %dma_wait3A_228 = arith.constant 0 : i32
        %dma_wait3A_229 = tpu.memref_slice %arg7[%add3A_195, %dma_wait3A_228] : memref<32x128xi32, #tpu.memory_space<vmem>> -> memref<1x128xi32, #tpu.memory_space<vmem>>
        %dma_wait3A_230 = tpu.memref_squeeze %dma_wait3A_229 : memref<1x128xi32, #tpu.memory_space<vmem>> -> memref<128xi32, #tpu.memory_space<vmem>>
        %dma_wait3A_231 = arith.constant 0 : i32
        %dma_wait3A_232 = arith.constant 0 : i32
        %dma_wait3A_233 = tpu.memref_slice %arg2[%dma_wait3A_231, %dma_wait3A_232] : memref<10240x128xf32, #tpu.memory_space<hbm>> -> memref<10240x128xf32, #tpu.memory_space<hbm>>
        tpu.wait_indirect_dma semaphore(%arg14 : memref<!tpu.dma_semaphore, #tpu.memory_space<semaphore_mem>>) src(%dma_wait3A_233 : memref<10240x128xf32, #tpu.memory_space<hbm>>) dst(%arg10 : memref<128x128xf32, #tpu.memory_space<vmem>>)
        %dma_wait3A_234 = arith.constant 0 : i32
        %dma_wait3A_235 = tpu.memref_slice %arg8[%mul3A_193, %dma_wait3A_234] : memref<32x128xi32, #tpu.memory_space<vmem>> -> memref<1x128xi32, #tpu.memory_space<vmem>>
        %dma_wait3A_236 = tpu.memref_squeeze %dma_wait3A_235 : memref<1x128xi32, #tpu.memory_space<vmem>> -> memref<128xi32, #tpu.memory_space<vmem>>
        %dma_wait3A_237 = arith.constant 0 : i32
        %dma_wait3A_238 = arith.constant 0 : i32
        %dma_wait3A_239 = tpu.memref_slice %arg13[%dma_wait3A_237, %dma_wait3A_238] : memref<10240x128xf32, #tpu.memory_space<vmem_shared>> -> memref<10240x128xf32, #tpu.memory_space<vmem_shared>>
        tpu.wait_indirect_dma semaphore(%arg15 : memref<!tpu.dma_semaphore, #tpu.memory_space<semaphore_mem>>) src(%arg9 : memref<128x128xf32, #tpu.memory_space<vmem>>) dst(%dma_wait3A_239 : memref<10240x128xf32, #tpu.memory_space<vmem_shared>>)
        %lt3A = arith.constant 15 : i32
        %lt3A_240 = arith.cmpi slt, %scan3A_191, %lt3A : i32
        %convert_element_type3A_241 = arith.extui %lt3A_240 : i1 to i32
        %cond3A_242 = arith.constant 0 : i32
        %cond3A_243 = arith.cmpi ne, %convert_element_type3A_241, %cond3A_242 : i32
        scf.if %cond3A_243 {
          %add3A_256 = arith.constant 2 : i32
          %add3A_257 = arith.addi %mul3A_193, %add3A_256 : i32
          %dma_start3A_258 = arith.constant 0 : i32
          %dma_start3A_259 = tpu.memref_slice %arg7[%add3A_257, %dma_start3A_258] : memref<32x128xi32, #tpu.memory_space<vmem>> -> memref<1x128xi32, #tpu.memory_space<vmem>>
          %dma_start3A_260 = tpu.memref_squeeze %dma_start3A_259 : memref<1x128xi32, #tpu.memory_space<vmem>> -> memref<128xi32, #tpu.memory_space<vmem>>
          %dma_start3A_261 = arith.constant 0 : i32
          %dma_start3A_262 = arith.constant 0 : i32
          %dma_start3A_263 = tpu.memref_slice %arg2[%dma_start3A_261, %dma_start3A_262] : memref<10240x128xf32, #tpu.memory_space<hbm>> -> memref<10240x128xf32, #tpu.memory_space<hbm>>
          tpu.enqueue_indirect_dma source(%dma_start3A_263 : memref<10240x128xf32, #tpu.memory_space<hbm>>) target(%arg9 : memref<128x128xf32, #tpu.memory_space<vmem>>) offsets(%dma_start3A_260 : memref<128xi32, #tpu.memory_space<vmem>>) semaphore(%arg14 : memref<!tpu.dma_semaphore, #tpu.memory_space<semaphore_mem>>)
        } else {
        }
        %dma_start3A_244 = arith.constant 0 : i32
        %dma_start3A_245 = tpu.memref_slice %arg8[%add3A_195, %dma_start3A_244] : memref<32x128xi32, #tpu.memory_space<vmem>> -> memref<1x128xi32, #tpu.memory_space<vmem>>
        %dma_start3A_246 = tpu.memref_squeeze %dma_start3A_245 : memref<1x128xi32, #tpu.memory_space<vmem>> -> memref<128xi32, #tpu.memory_space<vmem>>
        %dma_start3A_247 = arith.constant 0 : i32
        %dma_start3A_248 = arith.constant 0 : i32
        %dma_start3A_249 = tpu.memref_slice %arg13[%dma_start3A_247, %dma_start3A_248] : memref<10240x128xf32, #tpu.memory_space<vmem_shared>> -> memref<10240x128xf32, #tpu.memory_space<vmem_shared>>
        tpu.enqueue_indirect_dma source(%arg10 : memref<128x128xf32, #tpu.memory_space<vmem>>) target(%dma_start3A_249 : memref<10240x128xf32, #tpu.memory_space<vmem_shared>>) offsets(%dma_start3A_246 : memref<128xi32, #tpu.memory_space<vmem>>) semaphore(%arg15 : memref<!tpu.dma_semaphore, #tpu.memory_space<semaphore_mem>>) {add = true}
        %dma_wait3A_250 = arith.constant 0 : i32
        %dma_wait3A_251 = tpu.memref_slice %arg8[%add3A_195, %dma_wait3A_250] : memref<32x128xi32, #tpu.memory_space<vmem>> -> memref<1x128xi32, #tpu.memory_space<vmem>>
        %dma_wait3A_252 = tpu.memref_squeeze %dma_wait3A_251 : memref<1x128xi32, #tpu.memory_space<vmem>> -> memref<128xi32, #tpu.memory_space<vmem>>
        %dma_wait3A_253 = arith.constant 0 : i32
        %dma_wait3A_254 = arith.constant 0 : i32
        %dma_wait3A_255 = tpu.memref_slice %arg13[%dma_wait3A_253, %dma_wait3A_254] : memref<10240x128xf32, #tpu.memory_space<vmem_shared>> -> memref<10240x128xf32, #tpu.memory_space<vmem_shared>>
        tpu.wait_indirect_dma semaphore(%arg15 : memref<!tpu.dma_semaphore, #tpu.memory_space<semaphore_mem>>) src(%arg10 : memref<128x128xf32, #tpu.memory_space<vmem>>) dst(%dma_wait3A_255 : memref<10240x128xf32, #tpu.memory_space<vmem_shared>>)
      }
      %scan3A_120 = arith.constant 16 : i32
      %dma_wait3A_121 = arith.constant 30 : i32
      %dma_wait3A_122 = arith.constant 0 : i32
      %dma_wait3A_123 = tpu.memref_slice %arg8[%dma_wait3A_121, %dma_wait3A_122] : memref<32x128xi32, #tpu.memory_space<vmem>> -> memref<1x128xi32, #tpu.memory_space<vmem>>
      %dma_wait3A_124 = tpu.memref_squeeze %dma_wait3A_123 : memref<1x128xi32, #tpu.memory_space<vmem>> -> memref<128xi32, #tpu.memory_space<vmem>>
      %dma_wait3A_125 = arith.constant 0 : i32
      %dma_wait3A_126 = tpu.memref_slice %arg16[%dma_wait3A_125] : memref<10240xf32, #tpu.memory_space<vmem_shared>> -> memref<10240xf32, #tpu.memory_space<vmem_shared>>
      tpu.wait_indirect_dma semaphore(%arg17 : memref<!tpu.dma_semaphore, #tpu.memory_space<semaphore_mem>>) src(%arg11 : memref<128xf32, #tpu.memory_space<vmem>>) dst(%dma_wait3A_126 : memref<10240xf32, #tpu.memory_space<vmem_shared>>)
      %dma_wait3A_127 = arith.constant 31 : i32
      %dma_wait3A_128 = arith.constant 0 : i32
      %dma_wait3A_129 = tpu.memref_slice %arg8[%dma_wait3A_127, %dma_wait3A_128] : memref<32x128xi32, #tpu.memory_space<vmem>> -> memref<1x128xi32, #tpu.memory_space<vmem>>
      %dma_wait3A_130 = tpu.memref_squeeze %dma_wait3A_129 : memref<1x128xi32, #tpu.memory_space<vmem>> -> memref<128xi32, #tpu.memory_space<vmem>>
      %dma_wait3A_131 = arith.constant 0 : i32
      %dma_wait3A_132 = tpu.memref_slice %arg16[%dma_wait3A_131] : memref<10240xf32, #tpu.memory_space<vmem_shared>> -> memref<10240xf32, #tpu.memory_space<vmem_shared>>
      tpu.wait_indirect_dma semaphore(%arg17 : memref<!tpu.dma_semaphore, #tpu.memory_space<semaphore_mem>>) src(%arg11 : memref<128xf32, #tpu.memory_space<vmem>>) dst(%dma_wait3A_132 : memref<10240xf32, #tpu.memory_space<vmem_shared>>)
      %mul3A_133 = arith.constant 128 : i32
      %mul3A_134 = arith.muli %arg1, %mul3A_133 : i32
      %add3A_135 = arith.constant 64 : i32
      %add3A_136 = arith.addi %mul3A_134, %add3A_135 : i32
      "tpu.region"() ({
        %run_scoped3A = tpu.sem_alloc : memref<!tpu.dma_semaphore, #tpu.memory_space<semaphore_mem>>
        %dma_start3A_191 = arith.constant 0 : i32
        %dma_start3A_192 = arith.constant 0 : i32
        %dma_start3A_193 = tpu.memref_slice %arg7[%dma_start3A_191, %dma_start3A_192] : memref<32x128xi32, #tpu.memory_space<vmem>> -> memref<32x128xi32, #tpu.memory_space<vmem>>
        %dma_start3A_194 = arith.constant 0 : i32
        %dma_start3A_195 = tpu.memref_slice %arg3[%add3A_136, %dma_start3A_194] : memref<2560x128xi32, #tpu.memory_space<hbm>> -> memref<32x128xi32, #tpu.memory_space<hbm>>
        %dma_start3A_196 = arith.constant 0 : i32
        %dma_start3A_197 = arith.constant 0 : i32
        %dma_start3A_198 = tpu.memref_slice %arg7[%dma_start3A_196, %dma_start3A_197] : memref<32x128xi32, #tpu.memory_space<vmem>> -> memref<32x128xi32, #tpu.memory_space<vmem>>
        %dma_start3A_199 = arith.constant 0 : i32
        %dma_start3A_200 = tpu.memref_slice %arg3[%add3A_136, %dma_start3A_199] : memref<2560x128xi32, #tpu.memory_space<hbm>> -> memref<32x128xi32, #tpu.memory_space<hbm>>
        tpu.enqueue_dma source(%dma_start3A_200 : memref<32x128xi32, #tpu.memory_space<hbm>>) target(%dma_start3A_198 : memref<32x128xi32, #tpu.memory_space<vmem>>) target_semaphore(%run_scoped3A : memref<!tpu.dma_semaphore, #tpu.memory_space<semaphore_mem>>)
        %dma_wait3A_201 = arith.constant 0 : i32
        %dma_wait3A_202 = arith.constant 0 : i32
        %dma_wait3A_203 = tpu.memref_slice %arg7[%dma_wait3A_201, %dma_wait3A_202] : memref<32x128xi32, #tpu.memory_space<vmem>> -> memref<32x128xi32, #tpu.memory_space<vmem>>
        %dma_wait3A_204 = arith.constant 0 : i32
        %dma_wait3A_205 = tpu.memref_slice %arg3[%add3A_136, %dma_wait3A_204] : memref<2560x128xi32, #tpu.memory_space<hbm>> -> memref<32x128xi32, #tpu.memory_space<hbm>>
        %dma_wait3A_206 = arith.constant 0 : i32
        %dma_wait3A_207 = arith.constant 0 : i32
        %dma_wait3A_208 = tpu.memref_slice %arg7[%dma_wait3A_206, %dma_wait3A_207] : memref<32x128xi32, #tpu.memory_space<vmem>> -> memref<32x128xi32, #tpu.memory_space<vmem>>
        %dma_wait3A_209 = arith.constant 0 : i32
        %dma_wait3A_210 = tpu.memref_slice %arg3[%add3A_136, %dma_wait3A_209] : memref<2560x128xi32, #tpu.memory_space<hbm>> -> memref<32x128xi32, #tpu.memory_space<hbm>>
        tpu.wait_dma2 semaphore(%run_scoped3A : memref<!tpu.dma_semaphore, #tpu.memory_space<semaphore_mem>>) src(%dma_wait3A_210 : memref<32x128xi32, #tpu.memory_space<hbm>>) dst(%dma_wait3A_208 : memref<32x128xi32, #tpu.memory_space<vmem>>)
        tpu.yield
      }) : () -> ()
      "tpu.region"() ({
        %run_scoped3A = tpu.sem_alloc : memref<!tpu.dma_semaphore, #tpu.memory_space<semaphore_mem>>
        %dma_start3A_191 = arith.constant 0 : i32
        %dma_start3A_192 = arith.constant 0 : i32
        %dma_start3A_193 = tpu.memref_slice %arg8[%dma_start3A_191, %dma_start3A_192] : memref<32x128xi32, #tpu.memory_space<vmem>> -> memref<32x128xi32, #tpu.memory_space<vmem>>
        %dma_start3A_194 = arith.constant 0 : i32
        %dma_start3A_195 = tpu.memref_slice %arg4[%add3A_136, %dma_start3A_194] : memref<2560x128xi32, #tpu.memory_space<hbm>> -> memref<32x128xi32, #tpu.memory_space<hbm>>
        %dma_start3A_196 = arith.constant 0 : i32
        %dma_start3A_197 = arith.constant 0 : i32
        %dma_start3A_198 = tpu.memref_slice %arg8[%dma_start3A_196, %dma_start3A_197] : memref<32x128xi32, #tpu.memory_space<vmem>> -> memref<32x128xi32, #tpu.memory_space<vmem>>
        %dma_start3A_199 = arith.constant 0 : i32
        %dma_start3A_200 = tpu.memref_slice %arg4[%add3A_136, %dma_start3A_199] : memref<2560x128xi32, #tpu.memory_space<hbm>> -> memref<32x128xi32, #tpu.memory_space<hbm>>
        tpu.enqueue_dma source(%dma_start3A_200 : memref<32x128xi32, #tpu.memory_space<hbm>>) target(%dma_start3A_198 : memref<32x128xi32, #tpu.memory_space<vmem>>) target_semaphore(%run_scoped3A : memref<!tpu.dma_semaphore, #tpu.memory_space<semaphore_mem>>)
        %dma_wait3A_201 = arith.constant 0 : i32
        %dma_wait3A_202 = arith.constant 0 : i32
        %dma_wait3A_203 = tpu.memref_slice %arg8[%dma_wait3A_201, %dma_wait3A_202] : memref<32x128xi32, #tpu.memory_space<vmem>> -> memref<32x128xi32, #tpu.memory_space<vmem>>
        %dma_wait3A_204 = arith.constant 0 : i32
        %dma_wait3A_205 = tpu.memref_slice %arg4[%add3A_136, %dma_wait3A_204] : memref<2560x128xi32, #tpu.memory_space<hbm>> -> memref<32x128xi32, #tpu.memory_space<hbm>>
        %dma_wait3A_206 = arith.constant 0 : i32
        %dma_wait3A_207 = arith.constant 0 : i32
        %dma_wait3A_208 = tpu.memref_slice %arg8[%dma_wait3A_206, %dma_wait3A_207] : memref<32x128xi32, #tpu.memory_space<vmem>> -> memref<32x128xi32, #tpu.memory_space<vmem>>
        %dma_wait3A_209 = arith.constant 0 : i32
        %dma_wait3A_210 = tpu.memref_slice %arg4[%add3A_136, %dma_wait3A_209] : memref<2560x128xi32, #tpu.memory_space<hbm>> -> memref<32x128xi32, #tpu.memory_space<hbm>>
        tpu.wait_dma2 semaphore(%run_scoped3A : memref<!tpu.dma_semaphore, #tpu.memory_space<semaphore_mem>>) src(%dma_wait3A_210 : memref<32x128xi32, #tpu.memory_space<hbm>>) dst(%dma_wait3A_208 : memref<32x128xi32, #tpu.memory_space<vmem>>)
        tpu.yield
      }) : () -> ()
      %dma_start3A_137 = arith.constant 0 : i32
      %dma_start3A_138 = arith.constant 0 : i32
      %dma_start3A_139 = tpu.memref_slice %arg7[%dma_start3A_137, %dma_start3A_138] : memref<32x128xi32, #tpu.memory_space<vmem>> -> memref<1x128xi32, #tpu.memory_space<vmem>>
      %dma_start3A_140 = tpu.memref_squeeze %dma_start3A_139 : memref<1x128xi32, #tpu.memory_space<vmem>> -> memref<128xi32, #tpu.memory_space<vmem>>
      %dma_start3A_141 = arith.constant 0 : i32
      %dma_start3A_142 = arith.constant 0 : i32
      %dma_start3A_143 = tpu.memref_slice %arg2[%dma_start3A_141, %dma_start3A_142] : memref<10240x128xf32, #tpu.memory_space<hbm>> -> memref<10240x128xf32, #tpu.memory_space<hbm>>
      tpu.enqueue_indirect_dma source(%dma_start3A_143 : memref<10240x128xf32, #tpu.memory_space<hbm>>) target(%arg9 : memref<128x128xf32, #tpu.memory_space<vmem>>) offsets(%dma_start3A_140 : memref<128xi32, #tpu.memory_space<vmem>>) semaphore(%arg14 : memref<!tpu.dma_semaphore, #tpu.memory_space<semaphore_mem>>)
      %scan3A_144 = arith.constant 0 : i32
      %scan3A_145 = arith.constant 0 : i32
      %scan3A_146 = arith.constant 16 : i32
      %scan3A_147 = arith.addi %scan3A_145, %scan3A_146 : i32
      %scan3A_148 = arith.constant 1 : i32
      scf.for %scan3A_191 = %scan3A_145 to %scan3A_147 step %scan3A_148  : i32 {
        %mul3A_192 = arith.constant 2 : i32
        %mul3A_193 = arith.muli %mul3A_192, %scan3A_191 : i32
        %add3A_194 = arith.constant 1 : i32
        %add3A_195 = arith.addi %mul3A_193, %add3A_194 : i32
        %dma_wait3A_196 = arith.constant 0 : i32
        %dma_wait3A_197 = tpu.memref_slice %arg7[%mul3A_193, %dma_wait3A_196] : memref<32x128xi32, #tpu.memory_space<vmem>> -> memref<1x128xi32, #tpu.memory_space<vmem>>
        %dma_wait3A_198 = tpu.memref_squeeze %dma_wait3A_197 : memref<1x128xi32, #tpu.memory_space<vmem>> -> memref<128xi32, #tpu.memory_space<vmem>>
        %dma_wait3A_199 = arith.constant 0 : i32
        %dma_wait3A_200 = arith.constant 0 : i32
        %dma_wait3A_201 = tpu.memref_slice %arg2[%dma_wait3A_199, %dma_wait3A_200] : memref<10240x128xf32, #tpu.memory_space<hbm>> -> memref<10240x128xf32, #tpu.memory_space<hbm>>
        tpu.wait_indirect_dma semaphore(%arg14 : memref<!tpu.dma_semaphore, #tpu.memory_space<semaphore_mem>>) src(%dma_wait3A_201 : memref<10240x128xf32, #tpu.memory_space<hbm>>) dst(%arg9 : memref<128x128xf32, #tpu.memory_space<vmem>>)
        %dma_start3A_202 = arith.constant 0 : i32
        %dma_start3A_203 = tpu.memref_slice %arg7[%add3A_195, %dma_start3A_202] : memref<32x128xi32, #tpu.memory_space<vmem>> -> memref<1x128xi32, #tpu.memory_space<vmem>>
        %dma_start3A_204 = tpu.memref_squeeze %dma_start3A_203 : memref<1x128xi32, #tpu.memory_space<vmem>> -> memref<128xi32, #tpu.memory_space<vmem>>
        %dma_start3A_205 = arith.constant 0 : i32
        %dma_start3A_206 = arith.constant 0 : i32
        %dma_start3A_207 = tpu.memref_slice %arg2[%dma_start3A_205, %dma_start3A_206] : memref<10240x128xf32, #tpu.memory_space<hbm>> -> memref<10240x128xf32, #tpu.memory_space<hbm>>
        tpu.enqueue_indirect_dma source(%dma_start3A_207 : memref<10240x128xf32, #tpu.memory_space<hbm>>) target(%arg10 : memref<128x128xf32, #tpu.memory_space<vmem>>) offsets(%dma_start3A_204 : memref<128xi32, #tpu.memory_space<vmem>>) semaphore(%arg14 : memref<!tpu.dma_semaphore, #tpu.memory_space<semaphore_mem>>)
        %dma_start3A_208 = arith.constant 0 : i32
        %dma_start3A_209 = tpu.memref_slice %arg8[%mul3A_193, %dma_start3A_208] : memref<32x128xi32, #tpu.memory_space<vmem>> -> memref<1x128xi32, #tpu.memory_space<vmem>>
        %dma_start3A_210 = tpu.memref_squeeze %dma_start3A_209 : memref<1x128xi32, #tpu.memory_space<vmem>> -> memref<128xi32, #tpu.memory_space<vmem>>
        %dma_start3A_211 = arith.constant 0 : i32
        %dma_start3A_212 = arith.constant 0 : i32
        %dma_start3A_213 = tpu.memref_slice %arg13[%dma_start3A_211, %dma_start3A_212] : memref<10240x128xf32, #tpu.memory_space<vmem_shared>> -> memref<10240x128xf32, #tpu.memory_space<vmem_shared>>
        tpu.enqueue_indirect_dma source(%arg9 : memref<128x128xf32, #tpu.memory_space<vmem>>) target(%dma_start3A_213 : memref<10240x128xf32, #tpu.memory_space<vmem_shared>>) offsets(%dma_start3A_210 : memref<128xi32, #tpu.memory_space<vmem>>) semaphore(%arg15 : memref<!tpu.dma_semaphore, #tpu.memory_space<semaphore_mem>>) {add = true}
        %gt3A = arith.constant 0 : i32
        %gt3A_214 = arith.cmpi sgt, %scan3A_191, %gt3A : i32
        %convert_element_type3A_215 = arith.extui %gt3A_214 : i1 to i32
        %cond3A_216 = arith.constant 0 : i32
        %cond3A_217 = arith.cmpi ne, %convert_element_type3A_215, %cond3A_216 : i32
        scf.if %cond3A_217 {
          %sub3A = arith.constant 2 : i32
          %sub3A_256 = arith.subi %mul3A_193, %sub3A : i32
          %dma_wait3A_257 = arith.constant 0 : i32
          %dma_wait3A_258 = tpu.memref_slice %arg8[%sub3A_256, %dma_wait3A_257] : memref<32x128xi32, #tpu.memory_space<vmem>> -> memref<1x128xi32, #tpu.memory_space<vmem>>
          %dma_wait3A_259 = tpu.memref_squeeze %dma_wait3A_258 : memref<1x128xi32, #tpu.memory_space<vmem>> -> memref<128xi32, #tpu.memory_space<vmem>>
          %dma_wait3A_260 = arith.constant 0 : i32
          %dma_wait3A_261 = tpu.memref_slice %arg16[%dma_wait3A_260] : memref<10240xf32, #tpu.memory_space<vmem_shared>> -> memref<10240xf32, #tpu.memory_space<vmem_shared>>
          tpu.wait_indirect_dma semaphore(%arg17 : memref<!tpu.dma_semaphore, #tpu.memory_space<semaphore_mem>>) src(%arg11 : memref<128xf32, #tpu.memory_space<vmem>>) dst(%dma_wait3A_261 : memref<10240xf32, #tpu.memory_space<vmem_shared>>)
          %sub3A_262 = arith.constant 2 : i32
          %sub3A_263 = arith.subi %add3A_195, %sub3A_262 : i32
          %dma_wait3A_264 = arith.constant 0 : i32
          %dma_wait3A_265 = tpu.memref_slice %arg8[%sub3A_263, %dma_wait3A_264] : memref<32x128xi32, #tpu.memory_space<vmem>> -> memref<1x128xi32, #tpu.memory_space<vmem>>
          %dma_wait3A_266 = tpu.memref_squeeze %dma_wait3A_265 : memref<1x128xi32, #tpu.memory_space<vmem>> -> memref<128xi32, #tpu.memory_space<vmem>>
          %dma_wait3A_267 = arith.constant 0 : i32
          %dma_wait3A_268 = tpu.memref_slice %arg16[%dma_wait3A_267] : memref<10240xf32, #tpu.memory_space<vmem_shared>> -> memref<10240xf32, #tpu.memory_space<vmem_shared>>
          tpu.wait_indirect_dma semaphore(%arg17 : memref<!tpu.dma_semaphore, #tpu.memory_space<semaphore_mem>>) src(%arg11 : memref<128xf32, #tpu.memory_space<vmem>>) dst(%dma_wait3A_268 : memref<10240xf32, #tpu.memory_space<vmem_shared>>)
        } else {
        }
        %dma_start3A_218 = arith.constant 0 : i32
        %dma_start3A_219 = tpu.memref_slice %arg8[%mul3A_193, %dma_start3A_218] : memref<32x128xi32, #tpu.memory_space<vmem>> -> memref<1x128xi32, #tpu.memory_space<vmem>>
        %dma_start3A_220 = tpu.memref_squeeze %dma_start3A_219 : memref<1x128xi32, #tpu.memory_space<vmem>> -> memref<128xi32, #tpu.memory_space<vmem>>
        %dma_start3A_221 = arith.constant 0 : i32
        %dma_start3A_222 = tpu.memref_slice %arg16[%dma_start3A_221] : memref<10240xf32, #tpu.memory_space<vmem_shared>> -> memref<10240xf32, #tpu.memory_space<vmem_shared>>
        tpu.enqueue_indirect_dma source(%arg11 : memref<128xf32, #tpu.memory_space<vmem>>) target(%dma_start3A_222 : memref<10240xf32, #tpu.memory_space<vmem_shared>>) offsets(%dma_start3A_220 : memref<128xi32, #tpu.memory_space<vmem>>) semaphore(%arg17 : memref<!tpu.dma_semaphore, #tpu.memory_space<semaphore_mem>>) {add = true}
        %dma_start3A_223 = arith.constant 0 : i32
        %dma_start3A_224 = tpu.memref_slice %arg8[%add3A_195, %dma_start3A_223] : memref<32x128xi32, #tpu.memory_space<vmem>> -> memref<1x128xi32, #tpu.memory_space<vmem>>
        %dma_start3A_225 = tpu.memref_squeeze %dma_start3A_224 : memref<1x128xi32, #tpu.memory_space<vmem>> -> memref<128xi32, #tpu.memory_space<vmem>>
        %dma_start3A_226 = arith.constant 0 : i32
        %dma_start3A_227 = tpu.memref_slice %arg16[%dma_start3A_226] : memref<10240xf32, #tpu.memory_space<vmem_shared>> -> memref<10240xf32, #tpu.memory_space<vmem_shared>>
        tpu.enqueue_indirect_dma source(%arg11 : memref<128xf32, #tpu.memory_space<vmem>>) target(%dma_start3A_227 : memref<10240xf32, #tpu.memory_space<vmem_shared>>) offsets(%dma_start3A_225 : memref<128xi32, #tpu.memory_space<vmem>>) semaphore(%arg17 : memref<!tpu.dma_semaphore, #tpu.memory_space<semaphore_mem>>) {add = true}
        %dma_wait3A_228 = arith.constant 0 : i32
        %dma_wait3A_229 = tpu.memref_slice %arg7[%add3A_195, %dma_wait3A_228] : memref<32x128xi32, #tpu.memory_space<vmem>> -> memref<1x128xi32, #tpu.memory_space<vmem>>
        %dma_wait3A_230 = tpu.memref_squeeze %dma_wait3A_229 : memref<1x128xi32, #tpu.memory_space<vmem>> -> memref<128xi32, #tpu.memory_space<vmem>>
        %dma_wait3A_231 = arith.constant 0 : i32
        %dma_wait3A_232 = arith.constant 0 : i32
        %dma_wait3A_233 = tpu.memref_slice %arg2[%dma_wait3A_231, %dma_wait3A_232] : memref<10240x128xf32, #tpu.memory_space<hbm>> -> memref<10240x128xf32, #tpu.memory_space<hbm>>
        tpu.wait_indirect_dma semaphore(%arg14 : memref<!tpu.dma_semaphore, #tpu.memory_space<semaphore_mem>>) src(%dma_wait3A_233 : memref<10240x128xf32, #tpu.memory_space<hbm>>) dst(%arg10 : memref<128x128xf32, #tpu.memory_space<vmem>>)
        %dma_wait3A_234 = arith.constant 0 : i32
        %dma_wait3A_235 = tpu.memref_slice %arg8[%mul3A_193, %dma_wait3A_234] : memref<32x128xi32, #tpu.memory_space<vmem>> -> memref<1x128xi32, #tpu.memory_space<vmem>>
        %dma_wait3A_236 = tpu.memref_squeeze %dma_wait3A_235 : memref<1x128xi32, #tpu.memory_space<vmem>> -> memref<128xi32, #tpu.memory_space<vmem>>
        %dma_wait3A_237 = arith.constant 0 : i32
        %dma_wait3A_238 = arith.constant 0 : i32
        %dma_wait3A_239 = tpu.memref_slice %arg13[%dma_wait3A_237, %dma_wait3A_238] : memref<10240x128xf32, #tpu.memory_space<vmem_shared>> -> memref<10240x128xf32, #tpu.memory_space<vmem_shared>>
        tpu.wait_indirect_dma semaphore(%arg15 : memref<!tpu.dma_semaphore, #tpu.memory_space<semaphore_mem>>) src(%arg9 : memref<128x128xf32, #tpu.memory_space<vmem>>) dst(%dma_wait3A_239 : memref<10240x128xf32, #tpu.memory_space<vmem_shared>>)
        %lt3A = arith.constant 15 : i32
        %lt3A_240 = arith.cmpi slt, %scan3A_191, %lt3A : i32
        %convert_element_type3A_241 = arith.extui %lt3A_240 : i1 to i32
        %cond3A_242 = arith.constant 0 : i32
        %cond3A_243 = arith.cmpi ne, %convert_element_type3A_241, %cond3A_242 : i32
        scf.if %cond3A_243 {
          %add3A_256 = arith.constant 2 : i32
          %add3A_257 = arith.addi %mul3A_193, %add3A_256 : i32
          %dma_start3A_258 = arith.constant 0 : i32
          %dma_start3A_259 = tpu.memref_slice %arg7[%add3A_257, %dma_start3A_258] : memref<32x128xi32, #tpu.memory_space<vmem>> -> memref<1x128xi32, #tpu.memory_space<vmem>>
          %dma_start3A_260 = tpu.memref_squeeze %dma_start3A_259 : memref<1x128xi32, #tpu.memory_space<vmem>> -> memref<128xi32, #tpu.memory_space<vmem>>
          %dma_start3A_261 = arith.constant 0 : i32
          %dma_start3A_262 = arith.constant 0 : i32
          %dma_start3A_263 = tpu.memref_slice %arg2[%dma_start3A_261, %dma_start3A_262] : memref<10240x128xf32, #tpu.memory_space<hbm>> -> memref<10240x128xf32, #tpu.memory_space<hbm>>
          tpu.enqueue_indirect_dma source(%dma_start3A_263 : memref<10240x128xf32, #tpu.memory_space<hbm>>) target(%arg9 : memref<128x128xf32, #tpu.memory_space<vmem>>) offsets(%dma_start3A_260 : memref<128xi32, #tpu.memory_space<vmem>>) semaphore(%arg14 : memref<!tpu.dma_semaphore, #tpu.memory_space<semaphore_mem>>)
        } else {
        }
        %dma_start3A_244 = arith.constant 0 : i32
        %dma_start3A_245 = tpu.memref_slice %arg8[%add3A_195, %dma_start3A_244] : memref<32x128xi32, #tpu.memory_space<vmem>> -> memref<1x128xi32, #tpu.memory_space<vmem>>
        %dma_start3A_246 = tpu.memref_squeeze %dma_start3A_245 : memref<1x128xi32, #tpu.memory_space<vmem>> -> memref<128xi32, #tpu.memory_space<vmem>>
        %dma_start3A_247 = arith.constant 0 : i32
        %dma_start3A_248 = arith.constant 0 : i32
        %dma_start3A_249 = tpu.memref_slice %arg13[%dma_start3A_247, %dma_start3A_248] : memref<10240x128xf32, #tpu.memory_space<vmem_shared>> -> memref<10240x128xf32, #tpu.memory_space<vmem_shared>>
        tpu.enqueue_indirect_dma source(%arg10 : memref<128x128xf32, #tpu.memory_space<vmem>>) target(%dma_start3A_249 : memref<10240x128xf32, #tpu.memory_space<vmem_shared>>) offsets(%dma_start3A_246 : memref<128xi32, #tpu.memory_space<vmem>>) semaphore(%arg15 : memref<!tpu.dma_semaphore, #tpu.memory_space<semaphore_mem>>) {add = true}
        %dma_wait3A_250 = arith.constant 0 : i32
        %dma_wait3A_251 = tpu.memref_slice %arg8[%add3A_195, %dma_wait3A_250] : memref<32x128xi32, #tpu.memory_space<vmem>> -> memref<1x128xi32, #tpu.memory_space<vmem>>
        %dma_wait3A_252 = tpu.memref_squeeze %dma_wait3A_251 : memref<1x128xi32, #tpu.memory_space<vmem>> -> memref<128xi32, #tpu.memory_space<vmem>>
        %dma_wait3A_253 = arith.constant 0 : i32
        %dma_wait3A_254 = arith.constant 0 : i32
        %dma_wait3A_255 = tpu.memref_slice %arg13[%dma_wait3A_253, %dma_wait3A_254] : memref<10240x128xf32, #tpu.memory_space<vmem_shared>> -> memref<10240x128xf32, #tpu.memory_space<vmem_shared>>
        tpu.wait_indirect_dma semaphore(%arg15 : memref<!tpu.dma_semaphore, #tpu.memory_space<semaphore_mem>>) src(%arg10 : memref<128x128xf32, #tpu.memory_space<vmem>>) dst(%dma_wait3A_255 : memref<10240x128xf32, #tpu.memory_space<vmem_shared>>)
      }
      %scan3A_149 = arith.constant 16 : i32
      %dma_wait3A_150 = arith.constant 30 : i32
      %dma_wait3A_151 = arith.constant 0 : i32
      %dma_wait3A_152 = tpu.memref_slice %arg8[%dma_wait3A_150, %dma_wait3A_151] : memref<32x128xi32, #tpu.memory_space<vmem>> -> memref<1x128xi32, #tpu.memory_space<vmem>>
      %dma_wait3A_153 = tpu.memref_squeeze %dma_wait3A_152 : memref<1x128xi32, #tpu.memory_space<vmem>> -> memref<128xi32, #tpu.memory_space<vmem>>
      %dma_wait3A_154 = arith.constant 0 : i32
      %dma_wait3A_155 = tpu.memref_slice %arg16[%dma_wait3A_154] : memref<10240xf32, #tpu.memory_space<vmem_shared>> -> memref<10240xf32, #tpu.memory_space<vmem_shared>>
      tpu.wait_indirect_dma semaphore(%arg17 : memref<!tpu.dma_semaphore, #tpu.memory_space<semaphore_mem>>) src(%arg11 : memref<128xf32, #tpu.memory_space<vmem>>) dst(%dma_wait3A_155 : memref<10240xf32, #tpu.memory_space<vmem_shared>>)
      %dma_wait3A_156 = arith.constant 31 : i32
      %dma_wait3A_157 = arith.constant 0 : i32
      %dma_wait3A_158 = tpu.memref_slice %arg8[%dma_wait3A_156, %dma_wait3A_157] : memref<32x128xi32, #tpu.memory_space<vmem>> -> memref<1x128xi32, #tpu.memory_space<vmem>>
      %dma_wait3A_159 = tpu.memref_squeeze %dma_wait3A_158 : memref<1x128xi32, #tpu.memory_space<vmem>> -> memref<128xi32, #tpu.memory_space<vmem>>
      %dma_wait3A_160 = arith.constant 0 : i32
      %dma_wait3A_161 = tpu.memref_slice %arg16[%dma_wait3A_160] : memref<10240xf32, #tpu.memory_space<vmem_shared>> -> memref<10240xf32, #tpu.memory_space<vmem_shared>>
      tpu.wait_indirect_dma semaphore(%arg17 : memref<!tpu.dma_semaphore, #tpu.memory_space<semaphore_mem>>) src(%arg11 : memref<128xf32, #tpu.memory_space<vmem>>) dst(%dma_wait3A_161 : memref<10240xf32, #tpu.memory_space<vmem_shared>>)
      %mul3A_162 = arith.constant 128 : i32
      %mul3A_163 = arith.muli %arg1, %mul3A_162 : i32
      %add3A_164 = arith.constant 96 : i32
      %add3A_165 = arith.addi %mul3A_163, %add3A_164 : i32
      "tpu.region"() ({
        %run_scoped3A = tpu.sem_alloc : memref<!tpu.dma_semaphore, #tpu.memory_space<semaphore_mem>>
        %dma_start3A_191 = arith.constant 0 : i32
        %dma_start3A_192 = arith.constant 0 : i32
        %dma_start3A_193 = tpu.memref_slice %arg7[%dma_start3A_191, %dma_start3A_192] : memref<32x128xi32, #tpu.memory_space<vmem>> -> memref<32x128xi32, #tpu.memory_space<vmem>>
        %dma_start3A_194 = arith.constant 0 : i32
        %dma_start3A_195 = tpu.memref_slice %arg3[%add3A_165, %dma_start3A_194] : memref<2560x128xi32, #tpu.memory_space<hbm>> -> memref<32x128xi32, #tpu.memory_space<hbm>>
        %dma_start3A_196 = arith.constant 0 : i32
        %dma_start3A_197 = arith.constant 0 : i32
        %dma_start3A_198 = tpu.memref_slice %arg7[%dma_start3A_196, %dma_start3A_197] : memref<32x128xi32, #tpu.memory_space<vmem>> -> memref<32x128xi32, #tpu.memory_space<vmem>>
        %dma_start3A_199 = arith.constant 0 : i32
        %dma_start3A_200 = tpu.memref_slice %arg3[%add3A_165, %dma_start3A_199] : memref<2560x128xi32, #tpu.memory_space<hbm>> -> memref<32x128xi32, #tpu.memory_space<hbm>>
        tpu.enqueue_dma source(%dma_start3A_200 : memref<32x128xi32, #tpu.memory_space<hbm>>) target(%dma_start3A_198 : memref<32x128xi32, #tpu.memory_space<vmem>>) target_semaphore(%run_scoped3A : memref<!tpu.dma_semaphore, #tpu.memory_space<semaphore_mem>>)
        %dma_wait3A_201 = arith.constant 0 : i32
        %dma_wait3A_202 = arith.constant 0 : i32
        %dma_wait3A_203 = tpu.memref_slice %arg7[%dma_wait3A_201, %dma_wait3A_202] : memref<32x128xi32, #tpu.memory_space<vmem>> -> memref<32x128xi32, #tpu.memory_space<vmem>>
        %dma_wait3A_204 = arith.constant 0 : i32
        %dma_wait3A_205 = tpu.memref_slice %arg3[%add3A_165, %dma_wait3A_204] : memref<2560x128xi32, #tpu.memory_space<hbm>> -> memref<32x128xi32, #tpu.memory_space<hbm>>
        %dma_wait3A_206 = arith.constant 0 : i32
        %dma_wait3A_207 = arith.constant 0 : i32
        %dma_wait3A_208 = tpu.memref_slice %arg7[%dma_wait3A_206, %dma_wait3A_207] : memref<32x128xi32, #tpu.memory_space<vmem>> -> memref<32x128xi32, #tpu.memory_space<vmem>>
        %dma_wait3A_209 = arith.constant 0 : i32
        %dma_wait3A_210 = tpu.memref_slice %arg3[%add3A_165, %dma_wait3A_209] : memref<2560x128xi32, #tpu.memory_space<hbm>> -> memref<32x128xi32, #tpu.memory_space<hbm>>
        tpu.wait_dma2 semaphore(%run_scoped3A : memref<!tpu.dma_semaphore, #tpu.memory_space<semaphore_mem>>) src(%dma_wait3A_210 : memref<32x128xi32, #tpu.memory_space<hbm>>) dst(%dma_wait3A_208 : memref<32x128xi32, #tpu.memory_space<vmem>>)
        tpu.yield
      }) : () -> ()
      "tpu.region"() ({
        %run_scoped3A = tpu.sem_alloc : memref<!tpu.dma_semaphore, #tpu.memory_space<semaphore_mem>>
        %dma_start3A_191 = arith.constant 0 : i32
        %dma_start3A_192 = arith.constant 0 : i32
        %dma_start3A_193 = tpu.memref_slice %arg8[%dma_start3A_191, %dma_start3A_192] : memref<32x128xi32, #tpu.memory_space<vmem>> -> memref<32x128xi32, #tpu.memory_space<vmem>>
        %dma_start3A_194 = arith.constant 0 : i32
        %dma_start3A_195 = tpu.memref_slice %arg4[%add3A_165, %dma_start3A_194] : memref<2560x128xi32, #tpu.memory_space<hbm>> -> memref<32x128xi32, #tpu.memory_space<hbm>>
        %dma_start3A_196 = arith.constant 0 : i32
        %dma_start3A_197 = arith.constant 0 : i32
        %dma_start3A_198 = tpu.memref_slice %arg8[%dma_start3A_196, %dma_start3A_197] : memref<32x128xi32, #tpu.memory_space<vmem>> -> memref<32x128xi32, #tpu.memory_space<vmem>>
        %dma_start3A_199 = arith.constant 0 : i32
        %dma_start3A_200 = tpu.memref_slice %arg4[%add3A_165, %dma_start3A_199] : memref<2560x128xi32, #tpu.memory_space<hbm>> -> memref<32x128xi32, #tpu.memory_space<hbm>>
        tpu.enqueue_dma source(%dma_start3A_200 : memref<32x128xi32, #tpu.memory_space<hbm>>) target(%dma_start3A_198 : memref<32x128xi32, #tpu.memory_space<vmem>>) target_semaphore(%run_scoped3A : memref<!tpu.dma_semaphore, #tpu.memory_space<semaphore_mem>>)
        %dma_wait3A_201 = arith.constant 0 : i32
        %dma_wait3A_202 = arith.constant 0 : i32
        %dma_wait3A_203 = tpu.memref_slice %arg8[%dma_wait3A_201, %dma_wait3A_202] : memref<32x128xi32, #tpu.memory_space<vmem>> -> memref<32x128xi32, #tpu.memory_space<vmem>>
        %dma_wait3A_204 = arith.constant 0 : i32
        %dma_wait3A_205 = tpu.memref_slice %arg4[%add3A_165, %dma_wait3A_204] : memref<2560x128xi32, #tpu.memory_space<hbm>> -> memref<32x128xi32, #tpu.memory_space<hbm>>
        %dma_wait3A_206 = arith.constant 0 : i32
        %dma_wait3A_207 = arith.constant 0 : i32
        %dma_wait3A_208 = tpu.memref_slice %arg8[%dma_wait3A_206, %dma_wait3A_207] : memref<32x128xi32, #tpu.memory_space<vmem>> -> memref<32x128xi32, #tpu.memory_space<vmem>>
        %dma_wait3A_209 = arith.constant 0 : i32
        %dma_wait3A_210 = tpu.memref_slice %arg4[%add3A_165, %dma_wait3A_209] : memref<2560x128xi32, #tpu.memory_space<hbm>> -> memref<32x128xi32, #tpu.memory_space<hbm>>
        tpu.wait_dma2 semaphore(%run_scoped3A : memref<!tpu.dma_semaphore, #tpu.memory_space<semaphore_mem>>) src(%dma_wait3A_210 : memref<32x128xi32, #tpu.memory_space<hbm>>) dst(%dma_wait3A_208 : memref<32x128xi32, #tpu.memory_space<vmem>>)
        tpu.yield
      }) : () -> ()
      %dma_start3A_166 = arith.constant 0 : i32
      %dma_start3A_167 = arith.constant 0 : i32
      %dma_start3A_168 = tpu.memref_slice %arg7[%dma_start3A_166, %dma_start3A_167] : memref<32x128xi32, #tpu.memory_space<vmem>> -> memref<1x128xi32, #tpu.memory_space<vmem>>
      %dma_start3A_169 = tpu.memref_squeeze %dma_start3A_168 : memref<1x128xi32, #tpu.memory_space<vmem>> -> memref<128xi32, #tpu.memory_space<vmem>>
      %dma_start3A_170 = arith.constant 0 : i32
      %dma_start3A_171 = arith.constant 0 : i32
      %dma_start3A_172 = tpu.memref_slice %arg2[%dma_start3A_170, %dma_start3A_171] : memref<10240x128xf32, #tpu.memory_space<hbm>> -> memref<10240x128xf32, #tpu.memory_space<hbm>>
      tpu.enqueue_indirect_dma source(%dma_start3A_172 : memref<10240x128xf32, #tpu.memory_space<hbm>>) target(%arg9 : memref<128x128xf32, #tpu.memory_space<vmem>>) offsets(%dma_start3A_169 : memref<128xi32, #tpu.memory_space<vmem>>) semaphore(%arg14 : memref<!tpu.dma_semaphore, #tpu.memory_space<semaphore_mem>>)
      %scan3A_173 = arith.constant 0 : i32
      %scan3A_174 = arith.constant 0 : i32
      %scan3A_175 = arith.constant 16 : i32
      %scan3A_176 = arith.addi %scan3A_174, %scan3A_175 : i32
      %scan3A_177 = arith.constant 1 : i32
      scf.for %scan3A_191 = %scan3A_174 to %scan3A_176 step %scan3A_177  : i32 {
        %mul3A_192 = arith.constant 2 : i32
        %mul3A_193 = arith.muli %mul3A_192, %scan3A_191 : i32
        %add3A_194 = arith.constant 1 : i32
        %add3A_195 = arith.addi %mul3A_193, %add3A_194 : i32
        %dma_wait3A_196 = arith.constant 0 : i32
        %dma_wait3A_197 = tpu.memref_slice %arg7[%mul3A_193, %dma_wait3A_196] : memref<32x128xi32, #tpu.memory_space<vmem>> -> memref<1x128xi32, #tpu.memory_space<vmem>>
        %dma_wait3A_198 = tpu.memref_squeeze %dma_wait3A_197 : memref<1x128xi32, #tpu.memory_space<vmem>> -> memref<128xi32, #tpu.memory_space<vmem>>
        %dma_wait3A_199 = arith.constant 0 : i32
        %dma_wait3A_200 = arith.constant 0 : i32
        %dma_wait3A_201 = tpu.memref_slice %arg2[%dma_wait3A_199, %dma_wait3A_200] : memref<10240x128xf32, #tpu.memory_space<hbm>> -> memref<10240x128xf32, #tpu.memory_space<hbm>>
        tpu.wait_indirect_dma semaphore(%arg14 : memref<!tpu.dma_semaphore, #tpu.memory_space<semaphore_mem>>) src(%dma_wait3A_201 : memref<10240x128xf32, #tpu.memory_space<hbm>>) dst(%arg9 : memref<128x128xf32, #tpu.memory_space<vmem>>)
        %dma_start3A_202 = arith.constant 0 : i32
        %dma_start3A_203 = tpu.memref_slice %arg7[%add3A_195, %dma_start3A_202] : memref<32x128xi32, #tpu.memory_space<vmem>> -> memref<1x128xi32, #tpu.memory_space<vmem>>
        %dma_start3A_204 = tpu.memref_squeeze %dma_start3A_203 : memref<1x128xi32, #tpu.memory_space<vmem>> -> memref<128xi32, #tpu.memory_space<vmem>>
        %dma_start3A_205 = arith.constant 0 : i32
        %dma_start3A_206 = arith.constant 0 : i32
        %dma_start3A_207 = tpu.memref_slice %arg2[%dma_start3A_205, %dma_start3A_206] : memref<10240x128xf32, #tpu.memory_space<hbm>> -> memref<10240x128xf32, #tpu.memory_space<hbm>>
        tpu.enqueue_indirect_dma source(%dma_start3A_207 : memref<10240x128xf32, #tpu.memory_space<hbm>>) target(%arg10 : memref<128x128xf32, #tpu.memory_space<vmem>>) offsets(%dma_start3A_204 : memref<128xi32, #tpu.memory_space<vmem>>) semaphore(%arg14 : memref<!tpu.dma_semaphore, #tpu.memory_space<semaphore_mem>>)
        %dma_start3A_208 = arith.constant 0 : i32
        %dma_start3A_209 = tpu.memref_slice %arg8[%mul3A_193, %dma_start3A_208] : memref<32x128xi32, #tpu.memory_space<vmem>> -> memref<1x128xi32, #tpu.memory_space<vmem>>
        %dma_start3A_210 = tpu.memref_squeeze %dma_start3A_209 : memref<1x128xi32, #tpu.memory_space<vmem>> -> memref<128xi32, #tpu.memory_space<vmem>>
        %dma_start3A_211 = arith.constant 0 : i32
        %dma_start3A_212 = arith.constant 0 : i32
        %dma_start3A_213 = tpu.memref_slice %arg13[%dma_start3A_211, %dma_start3A_212] : memref<10240x128xf32, #tpu.memory_space<vmem_shared>> -> memref<10240x128xf32, #tpu.memory_space<vmem_shared>>
        tpu.enqueue_indirect_dma source(%arg9 : memref<128x128xf32, #tpu.memory_space<vmem>>) target(%dma_start3A_213 : memref<10240x128xf32, #tpu.memory_space<vmem_shared>>) offsets(%dma_start3A_210 : memref<128xi32, #tpu.memory_space<vmem>>) semaphore(%arg15 : memref<!tpu.dma_semaphore, #tpu.memory_space<semaphore_mem>>) {add = true}
        %gt3A = arith.constant 0 : i32
        %gt3A_214 = arith.cmpi sgt, %scan3A_191, %gt3A : i32
        %convert_element_type3A_215 = arith.extui %gt3A_214 : i1 to i32
        %cond3A_216 = arith.constant 0 : i32
        %cond3A_217 = arith.cmpi ne, %convert_element_type3A_215, %cond3A_216 : i32
        scf.if %cond3A_217 {
          %sub3A = arith.constant 2 : i32
          %sub3A_256 = arith.subi %mul3A_193, %sub3A : i32
          %dma_wait3A_257 = arith.constant 0 : i32
          %dma_wait3A_258 = tpu.memref_slice %arg8[%sub3A_256, %dma_wait3A_257] : memref<32x128xi32, #tpu.memory_space<vmem>> -> memref<1x128xi32, #tpu.memory_space<vmem>>
          %dma_wait3A_259 = tpu.memref_squeeze %dma_wait3A_258 : memref<1x128xi32, #tpu.memory_space<vmem>> -> memref<128xi32, #tpu.memory_space<vmem>>
          %dma_wait3A_260 = arith.constant 0 : i32
          %dma_wait3A_261 = tpu.memref_slice %arg16[%dma_wait3A_260] : memref<10240xf32, #tpu.memory_space<vmem_shared>> -> memref<10240xf32, #tpu.memory_space<vmem_shared>>
          tpu.wait_indirect_dma semaphore(%arg17 : memref<!tpu.dma_semaphore, #tpu.memory_space<semaphore_mem>>) src(%arg11 : memref<128xf32, #tpu.memory_space<vmem>>) dst(%dma_wait3A_261 : memref<10240xf32, #tpu.memory_space<vmem_shared>>)
          %sub3A_262 = arith.constant 2 : i32
          %sub3A_263 = arith.subi %add3A_195, %sub3A_262 : i32
          %dma_wait3A_264 = arith.constant 0 : i32
          %dma_wait3A_265 = tpu.memref_slice %arg8[%sub3A_263, %dma_wait3A_264] : memref<32x128xi32, #tpu.memory_space<vmem>> -> memref<1x128xi32, #tpu.memory_space<vmem>>
          %dma_wait3A_266 = tpu.memref_squeeze %dma_wait3A_265 : memref<1x128xi32, #tpu.memory_space<vmem>> -> memref<128xi32, #tpu.memory_space<vmem>>
          %dma_wait3A_267 = arith.constant 0 : i32
          %dma_wait3A_268 = tpu.memref_slice %arg16[%dma_wait3A_267] : memref<10240xf32, #tpu.memory_space<vmem_shared>> -> memref<10240xf32, #tpu.memory_space<vmem_shared>>
          tpu.wait_indirect_dma semaphore(%arg17 : memref<!tpu.dma_semaphore, #tpu.memory_space<semaphore_mem>>) src(%arg11 : memref<128xf32, #tpu.memory_space<vmem>>) dst(%dma_wait3A_268 : memref<10240xf32, #tpu.memory_space<vmem_shared>>)
        } else {
        }
        %dma_start3A_218 = arith.constant 0 : i32
        %dma_start3A_219 = tpu.memref_slice %arg8[%mul3A_193, %dma_start3A_218] : memref<32x128xi32, #tpu.memory_space<vmem>> -> memref<1x128xi32, #tpu.memory_space<vmem>>
        %dma_start3A_220 = tpu.memref_squeeze %dma_start3A_219 : memref<1x128xi32, #tpu.memory_space<vmem>> -> memref<128xi32, #tpu.memory_space<vmem>>
        %dma_start3A_221 = arith.constant 0 : i32
        %dma_start3A_222 = tpu.memref_slice %arg16[%dma_start3A_221] : memref<10240xf32, #tpu.memory_space<vmem_shared>> -> memref<10240xf32, #tpu.memory_space<vmem_shared>>
        tpu.enqueue_indirect_dma source(%arg11 : memref<128xf32, #tpu.memory_space<vmem>>) target(%dma_start3A_222 : memref<10240xf32, #tpu.memory_space<vmem_shared>>) offsets(%dma_start3A_220 : memref<128xi32, #tpu.memory_space<vmem>>) semaphore(%arg17 : memref<!tpu.dma_semaphore, #tpu.memory_space<semaphore_mem>>) {add = true}
        %dma_start3A_223 = arith.constant 0 : i32
        %dma_start3A_224 = tpu.memref_slice %arg8[%add3A_195, %dma_start3A_223] : memref<32x128xi32, #tpu.memory_space<vmem>> -> memref<1x128xi32, #tpu.memory_space<vmem>>
        %dma_start3A_225 = tpu.memref_squeeze %dma_start3A_224 : memref<1x128xi32, #tpu.memory_space<vmem>> -> memref<128xi32, #tpu.memory_space<vmem>>
        %dma_start3A_226 = arith.constant 0 : i32
        %dma_start3A_227 = tpu.memref_slice %arg16[%dma_start3A_226] : memref<10240xf32, #tpu.memory_space<vmem_shared>> -> memref<10240xf32, #tpu.memory_space<vmem_shared>>
        tpu.enqueue_indirect_dma source(%arg11 : memref<128xf32, #tpu.memory_space<vmem>>) target(%dma_start3A_227 : memref<10240xf32, #tpu.memory_space<vmem_shared>>) offsets(%dma_start3A_225 : memref<128xi32, #tpu.memory_space<vmem>>) semaphore(%arg17 : memref<!tpu.dma_semaphore, #tpu.memory_space<semaphore_mem>>) {add = true}
        %dma_wait3A_228 = arith.constant 0 : i32
        %dma_wait3A_229 = tpu.memref_slice %arg7[%add3A_195, %dma_wait3A_228] : memref<32x128xi32, #tpu.memory_space<vmem>> -> memref<1x128xi32, #tpu.memory_space<vmem>>
        %dma_wait3A_230 = tpu.memref_squeeze %dma_wait3A_229 : memref<1x128xi32, #tpu.memory_space<vmem>> -> memref<128xi32, #tpu.memory_space<vmem>>
        %dma_wait3A_231 = arith.constant 0 : i32
        %dma_wait3A_232 = arith.constant 0 : i32
        %dma_wait3A_233 = tpu.memref_slice %arg2[%dma_wait3A_231, %dma_wait3A_232] : memref<10240x128xf32, #tpu.memory_space<hbm>> -> memref<10240x128xf32, #tpu.memory_space<hbm>>
        tpu.wait_indirect_dma semaphore(%arg14 : memref<!tpu.dma_semaphore, #tpu.memory_space<semaphore_mem>>) src(%dma_wait3A_233 : memref<10240x128xf32, #tpu.memory_space<hbm>>) dst(%arg10 : memref<128x128xf32, #tpu.memory_space<vmem>>)
        %dma_wait3A_234 = arith.constant 0 : i32
        %dma_wait3A_235 = tpu.memref_slice %arg8[%mul3A_193, %dma_wait3A_234] : memref<32x128xi32, #tpu.memory_space<vmem>> -> memref<1x128xi32, #tpu.memory_space<vmem>>
        %dma_wait3A_236 = tpu.memref_squeeze %dma_wait3A_235 : memref<1x128xi32, #tpu.memory_space<vmem>> -> memref<128xi32, #tpu.memory_space<vmem>>
        %dma_wait3A_237 = arith.constant 0 : i32
        %dma_wait3A_238 = arith.constant 0 : i32
        %dma_wait3A_239 = tpu.memref_slice %arg13[%dma_wait3A_237, %dma_wait3A_238] : memref<10240x128xf32, #tpu.memory_space<vmem_shared>> -> memref<10240x128xf32, #tpu.memory_space<vmem_shared>>
        tpu.wait_indirect_dma semaphore(%arg15 : memref<!tpu.dma_semaphore, #tpu.memory_space<semaphore_mem>>) src(%arg9 : memref<128x128xf32, #tpu.memory_space<vmem>>) dst(%dma_wait3A_239 : memref<10240x128xf32, #tpu.memory_space<vmem_shared>>)
        %lt3A = arith.constant 15 : i32
        %lt3A_240 = arith.cmpi slt, %scan3A_191, %lt3A : i32
        %convert_element_type3A_241 = arith.extui %lt3A_240 : i1 to i32
        %cond3A_242 = arith.constant 0 : i32
        %cond3A_243 = arith.cmpi ne, %convert_element_type3A_241, %cond3A_242 : i32
        scf.if %cond3A_243 {
          %add3A_256 = arith.constant 2 : i32
          %add3A_257 = arith.addi %mul3A_193, %add3A_256 : i32
          %dma_start3A_258 = arith.constant 0 : i32
          %dma_start3A_259 = tpu.memref_slice %arg7[%add3A_257, %dma_start3A_258] : memref<32x128xi32, #tpu.memory_space<vmem>> -> memref<1x128xi32, #tpu.memory_space<vmem>>
          %dma_start3A_260 = tpu.memref_squeeze %dma_start3A_259 : memref<1x128xi32, #tpu.memory_space<vmem>> -> memref<128xi32, #tpu.memory_space<vmem>>
          %dma_start3A_261 = arith.constant 0 : i32
          %dma_start3A_262 = arith.constant 0 : i32
          %dma_start3A_263 = tpu.memref_slice %arg2[%dma_start3A_261, %dma_start3A_262] : memref<10240x128xf32, #tpu.memory_space<hbm>> -> memref<10240x128xf32, #tpu.memory_space<hbm>>
          tpu.enqueue_indirect_dma source(%dma_start3A_263 : memref<10240x128xf32, #tpu.memory_space<hbm>>) target(%arg9 : memref<128x128xf32, #tpu.memory_space<vmem>>) offsets(%dma_start3A_260 : memref<128xi32, #tpu.memory_space<vmem>>) semaphore(%arg14 : memref<!tpu.dma_semaphore, #tpu.memory_space<semaphore_mem>>)
        } else {
        }
        %dma_start3A_244 = arith.constant 0 : i32
        %dma_start3A_245 = tpu.memref_slice %arg8[%add3A_195, %dma_start3A_244] : memref<32x128xi32, #tpu.memory_space<vmem>> -> memref<1x128xi32, #tpu.memory_space<vmem>>
        %dma_start3A_246 = tpu.memref_squeeze %dma_start3A_245 : memref<1x128xi32, #tpu.memory_space<vmem>> -> memref<128xi32, #tpu.memory_space<vmem>>
        %dma_start3A_247 = arith.constant 0 : i32
        %dma_start3A_248 = arith.constant 0 : i32
        %dma_start3A_249 = tpu.memref_slice %arg13[%dma_start3A_247, %dma_start3A_248] : memref<10240x128xf32, #tpu.memory_space<vmem_shared>> -> memref<10240x128xf32, #tpu.memory_space<vmem_shared>>
        tpu.enqueue_indirect_dma source(%arg10 : memref<128x128xf32, #tpu.memory_space<vmem>>) target(%dma_start3A_249 : memref<10240x128xf32, #tpu.memory_space<vmem_shared>>) offsets(%dma_start3A_246 : memref<128xi32, #tpu.memory_space<vmem>>) semaphore(%arg15 : memref<!tpu.dma_semaphore, #tpu.memory_space<semaphore_mem>>) {add = true}
        %dma_wait3A_250 = arith.constant 0 : i32
        %dma_wait3A_251 = tpu.memref_slice %arg8[%add3A_195, %dma_wait3A_250] : memref<32x128xi32, #tpu.memory_space<vmem>> -> memref<1x128xi32, #tpu.memory_space<vmem>>
        %dma_wait3A_252 = tpu.memref_squeeze %dma_wait3A_251 : memref<1x128xi32, #tpu.memory_space<vmem>> -> memref<128xi32, #tpu.memory_space<vmem>>
        %dma_wait3A_253 = arith.constant 0 : i32
        %dma_wait3A_254 = arith.constant 0 : i32
        %dma_wait3A_255 = tpu.memref_slice %arg13[%dma_wait3A_253, %dma_wait3A_254] : memref<10240x128xf32, #tpu.memory_space<vmem_shared>> -> memref<10240x128xf32, #tpu.memory_space<vmem_shared>>
        tpu.wait_indirect_dma semaphore(%arg15 : memref<!tpu.dma_semaphore, #tpu.memory_space<semaphore_mem>>) src(%arg10 : memref<128x128xf32, #tpu.memory_space<vmem>>) dst(%dma_wait3A_255 : memref<10240x128xf32, #tpu.memory_space<vmem_shared>>)
      }
      %scan3A_178 = arith.constant 16 : i32
      %dma_wait3A_179 = arith.constant 30 : i32
      %dma_wait3A_180 = arith.constant 0 : i32
      %dma_wait3A_181 = tpu.memref_slice %arg8[%dma_wait3A_179, %dma_wait3A_180] : memref<32x128xi32, #tpu.memory_space<vmem>> -> memref<1x128xi32, #tpu.memory_space<vmem>>
      %dma_wait3A_182 = tpu.memref_squeeze %dma_wait3A_181 : memref<1x128xi32, #tpu.memory_space<vmem>> -> memref<128xi32, #tpu.memory_space<vmem>>
      %dma_wait3A_183 = arith.constant 0 : i32
      %dma_wait3A_184 = tpu.memref_slice %arg16[%dma_wait3A_183] : memref<10240xf32, #tpu.memory_space<vmem_shared>> -> memref<10240xf32, #tpu.memory_space<vmem_shared>>
      tpu.wait_indirect_dma semaphore(%arg17 : memref<!tpu.dma_semaphore, #tpu.memory_space<semaphore_mem>>) src(%arg11 : memref<128xf32, #tpu.memory_space<vmem>>) dst(%dma_wait3A_184 : memref<10240xf32, #tpu.memory_space<vmem_shared>>)
      %dma_wait3A_185 = arith.constant 31 : i32
      %dma_wait3A_186 = arith.constant 0 : i32
      %dma_wait3A_187 = tpu.memref_slice %arg8[%dma_wait3A_185, %dma_wait3A_186] : memref<32x128xi32, #tpu.memory_space<vmem>> -> memref<1x128xi32, #tpu.memory_space<vmem>>
      %dma_wait3A_188 = tpu.memref_squeeze %dma_wait3A_187 : memref<1x128xi32, #tpu.memory_space<vmem>> -> memref<128xi32, #tpu.memory_space<vmem>>
      %dma_wait3A_189 = arith.constant 0 : i32
      %dma_wait3A_190 = tpu.memref_slice %arg16[%dma_wait3A_189] : memref<10240xf32, #tpu.memory_space<vmem_shared>> -> memref<10240xf32, #tpu.memory_space<vmem_shared>>
      tpu.wait_indirect_dma semaphore(%arg17 : memref<!tpu.dma_semaphore, #tpu.memory_space<semaphore_mem>>) src(%arg11 : memref<128xf32, #tpu.memory_space<vmem>>) dst(%dma_wait3A_190 : memref<10240xf32, #tpu.memory_space<vmem_shared>>)
    } else {
    }
    %eq3A_71 = arith.constant 1 : i32
    %eq3A_72 = arith.cmpi eq, %arg0, %eq3A_71 : i32
    %convert_element_type3A_73 = arith.extui %eq3A_72 : i1 to i32
    %cond3A_74 = arith.constant 0 : i32
    %cond3A_75 = arith.cmpi ne, %convert_element_type3A_73, %cond3A_74 : i32
    scf.if %cond3A_75 {
      %mul3A_77 = arith.constant 32 : i32
      %mul3A_78 = arith.muli %arg1, %mul3A_77 : i32
      %add3A_79 = arith.constant 2048 : i32
      %add3A_80 = arith.addi %add3A_79, %mul3A_78 : i32
      %add3A_81 = arith.constant 0 : i32
      %add3A_82 = arith.addi %add3A_80, %add3A_81 : i32
      "tpu.region"() ({
        %run_scoped3A = tpu.sem_alloc : memref<!tpu.dma_semaphore, #tpu.memory_space<semaphore_mem>>
        %dma_start3A = arith.constant 0 : i32
        %dma_start3A_89 = arith.constant 0 : i32
        %dma_start3A_90 = tpu.memref_slice %arg7[%dma_start3A, %dma_start3A_89] : memref<32x128xi32, #tpu.memory_space<vmem>> -> memref<32x128xi32, #tpu.memory_space<vmem>>
        %dma_start3A_91 = arith.constant 0 : i32
        %dma_start3A_92 = tpu.memref_slice %arg3[%add3A_82, %dma_start3A_91] : memref<2560x128xi32, #tpu.memory_space<hbm>> -> memref<32x128xi32, #tpu.memory_space<hbm>>
        %dma_start3A_93 = arith.constant 0 : i32
        %dma_start3A_94 = arith.constant 0 : i32
        %dma_start3A_95 = tpu.memref_slice %arg7[%dma_start3A_93, %dma_start3A_94] : memref<32x128xi32, #tpu.memory_space<vmem>> -> memref<32x128xi32, #tpu.memory_space<vmem>>
        %dma_start3A_96 = arith.constant 0 : i32
        %dma_start3A_97 = tpu.memref_slice %arg3[%add3A_82, %dma_start3A_96] : memref<2560x128xi32, #tpu.memory_space<hbm>> -> memref<32x128xi32, #tpu.memory_space<hbm>>
        tpu.enqueue_dma source(%dma_start3A_97 : memref<32x128xi32, #tpu.memory_space<hbm>>) target(%dma_start3A_95 : memref<32x128xi32, #tpu.memory_space<vmem>>) target_semaphore(%run_scoped3A : memref<!tpu.dma_semaphore, #tpu.memory_space<semaphore_mem>>)
        %dma_wait3A = arith.constant 0 : i32
        %dma_wait3A_98 = arith.constant 0 : i32
        %dma_wait3A_99 = tpu.memref_slice %arg7[%dma_wait3A, %dma_wait3A_98] : memref<32x128xi32, #tpu.memory_space<vmem>> -> memref<32x128xi32, #tpu.memory_space<vmem>>
        %dma_wait3A_100 = arith.constant 0 : i32
        %dma_wait3A_101 = tpu.memref_slice %arg3[%add3A_82, %dma_wait3A_100] : memref<2560x128xi32, #tpu.memory_space<hbm>> -> memref<32x128xi32, #tpu.memory_space<hbm>>
        %dma_wait3A_102 = arith.constant 0 : i32
        %dma_wait3A_103 = arith.constant 0 : i32
        %dma_wait3A_104 = tpu.memref_slice %arg7[%dma_wait3A_102, %dma_wait3A_103] : memref<32x128xi32, #tpu.memory_space<vmem>> -> memref<32x128xi32, #tpu.memory_space<vmem>>
        %dma_wait3A_105 = arith.constant 0 : i32
        %dma_wait3A_106 = tpu.memref_slice %arg3[%add3A_82, %dma_wait3A_105] : memref<2560x128xi32, #tpu.memory_space<hbm>> -> memref<32x128xi32, #tpu.memory_space<hbm>>
        tpu.wait_dma2 semaphore(%run_scoped3A : memref<!tpu.dma_semaphore, #tpu.memory_space<semaphore_mem>>) src(%dma_wait3A_106 : memref<32x128xi32, #tpu.memory_space<hbm>>) dst(%dma_wait3A_104 : memref<32x128xi32, #tpu.memory_space<vmem>>)
        tpu.yield
      }) : () -> ()
      "tpu.region"() ({
        %run_scoped3A = tpu.sem_alloc : memref<!tpu.dma_semaphore, #tpu.memory_space<semaphore_mem>>
        %dma_start3A = arith.constant 0 : i32
        %dma_start3A_89 = arith.constant 0 : i32
        %dma_start3A_90 = tpu.memref_slice %arg8[%dma_start3A, %dma_start3A_89] : memref<32x128xi32, #tpu.memory_space<vmem>> -> memref<32x128xi32, #tpu.memory_space<vmem>>
        %dma_start3A_91 = arith.constant 0 : i32
        %dma_start3A_92 = tpu.memref_slice %arg4[%add3A_82, %dma_start3A_91] : memref<2560x128xi32, #tpu.memory_space<hbm>> -> memref<32x128xi32, #tpu.memory_space<hbm>>
        %dma_start3A_93 = arith.constant 0 : i32
        %dma_start3A_94 = arith.constant 0 : i32
        %dma_start3A_95 = tpu.memref_slice %arg8[%dma_start3A_93, %dma_start3A_94] : memref<32x128xi32, #tpu.memory_space<vmem>> -> memref<32x128xi32, #tpu.memory_space<vmem>>
        %dma_start3A_96 = arith.constant 0 : i32
        %dma_start3A_97 = tpu.memref_slice %arg4[%add3A_82, %dma_start3A_96] : memref<2560x128xi32, #tpu.memory_space<hbm>> -> memref<32x128xi32, #tpu.memory_space<hbm>>
        tpu.enqueue_dma source(%dma_start3A_97 : memref<32x128xi32, #tpu.memory_space<hbm>>) target(%dma_start3A_95 : memref<32x128xi32, #tpu.memory_space<vmem>>) target_semaphore(%run_scoped3A : memref<!tpu.dma_semaphore, #tpu.memory_space<semaphore_mem>>)
        %dma_wait3A = arith.constant 0 : i32
        %dma_wait3A_98 = arith.constant 0 : i32
        %dma_wait3A_99 = tpu.memref_slice %arg8[%dma_wait3A, %dma_wait3A_98] : memref<32x128xi32, #tpu.memory_space<vmem>> -> memref<32x128xi32, #tpu.memory_space<vmem>>
        %dma_wait3A_100 = arith.constant 0 : i32
        %dma_wait3A_101 = tpu.memref_slice %arg4[%add3A_82, %dma_wait3A_100] : memref<2560x128xi32, #tpu.memory_space<hbm>> -> memref<32x128xi32, #tpu.memory_space<hbm>>
        %dma_wait3A_102 = arith.constant 0 : i32
        %dma_wait3A_103 = arith.constant 0 : i32
        %dma_wait3A_104 = tpu.memref_slice %arg8[%dma_wait3A_102, %dma_wait3A_103] : memref<32x128xi32, #tpu.memory_space<vmem>> -> memref<32x128xi32, #tpu.memory_space<vmem>>
        %dma_wait3A_105 = arith.constant 0 : i32
        %dma_wait3A_106 = tpu.memref_slice %arg4[%add3A_82, %dma_wait3A_105] : memref<2560x128xi32, #tpu.memory_space<hbm>> -> memref<32x128xi32, #tpu.memory_space<hbm>>
        tpu.wait_dma2 semaphore(%run_scoped3A : memref<!tpu.dma_semaphore, #tpu.memory_space<semaphore_mem>>) src(%dma_wait3A_106 : memref<32x128xi32, #tpu.memory_space<hbm>>) dst(%dma_wait3A_104 : memref<32x128xi32, #tpu.memory_space<vmem>>)
        tpu.yield
      }) : () -> ()
      %scan3A_83 = arith.constant 0 : i32
      %scan3A_84 = arith.constant 0 : i32
      %scan3A_85 = arith.constant 32 : i32
      %scan3A_86 = arith.addi %scan3A_84, %scan3A_85 : i32
      %scan3A_87 = arith.constant 1 : i32
      scf.for %scan3A_89 = %scan3A_84 to %scan3A_86 step %scan3A_87  : i32 {
        %dma_start3A = arith.constant 0 : i32
        %dma_start3A_90 = tpu.memref_slice %arg7[%scan3A_89, %dma_start3A] : memref<32x128xi32, #tpu.memory_space<vmem>> -> memref<1x128xi32, #tpu.memory_space<vmem>>
        %dma_start3A_91 = tpu.memref_squeeze %dma_start3A_90 : memref<1x128xi32, #tpu.memory_space<vmem>> -> memref<128xi32, #tpu.memory_space<vmem>>
        %dma_start3A_92 = arith.constant 0 : i32
        %dma_start3A_93 = arith.constant 0 : i32
        %dma_start3A_94 = tpu.memref_slice %arg2[%dma_start3A_92, %dma_start3A_93] : memref<10240x128xf32, #tpu.memory_space<hbm>> -> memref<10240x128xf32, #tpu.memory_space<hbm>>
        tpu.enqueue_indirect_dma source(%dma_start3A_94 : memref<10240x128xf32, #tpu.memory_space<hbm>>) target(%arg9 : memref<128x128xf32, #tpu.memory_space<vmem>>) offsets(%dma_start3A_91 : memref<128xi32, #tpu.memory_space<vmem>>) semaphore(%arg14 : memref<!tpu.dma_semaphore, #tpu.memory_space<semaphore_mem>>)
        %dma_wait3A = arith.constant 0 : i32
        %dma_wait3A_95 = tpu.memref_slice %arg7[%scan3A_89, %dma_wait3A] : memref<32x128xi32, #tpu.memory_space<vmem>> -> memref<1x128xi32, #tpu.memory_space<vmem>>
        %dma_wait3A_96 = tpu.memref_squeeze %dma_wait3A_95 : memref<1x128xi32, #tpu.memory_space<vmem>> -> memref<128xi32, #tpu.memory_space<vmem>>
        %dma_wait3A_97 = arith.constant 0 : i32
        %dma_wait3A_98 = arith.constant 0 : i32
        %dma_wait3A_99 = tpu.memref_slice %arg2[%dma_wait3A_97, %dma_wait3A_98] : memref<10240x128xf32, #tpu.memory_space<hbm>> -> memref<10240x128xf32, #tpu.memory_space<hbm>>
        tpu.wait_indirect_dma semaphore(%arg14 : memref<!tpu.dma_semaphore, #tpu.memory_space<semaphore_mem>>) src(%dma_wait3A_99 : memref<10240x128xf32, #tpu.memory_space<hbm>>) dst(%arg9 : memref<128x128xf32, #tpu.memory_space<vmem>>)
        "tpu.region"() ({
          %run_scoped3A = tpu.sem_alloc : memref<!tpu.dma_semaphore, #tpu.memory_space<semaphore_mem>>
          %dma_start3A_100 = arith.constant 0 : i32
          %dma_start3A_101 = tpu.memref_slice %arg8[%scan3A_89, %dma_start3A_100] : memref<32x128xi32, #tpu.memory_space<vmem>> -> memref<1x128xi32, #tpu.memory_space<vmem>>
          %dma_start3A_102 = tpu.memref_squeeze %dma_start3A_101 : memref<1x128xi32, #tpu.memory_space<vmem>> -> memref<128xi32, #tpu.memory_space<vmem>>
          %dma_start3A_103 = arith.constant 0 : i32
          %dma_start3A_104 = arith.constant 0 : i32
          %dma_start3A_105 = tpu.memref_slice %arg13[%dma_start3A_103, %dma_start3A_104] : memref<10240x128xf32, #tpu.memory_space<vmem_shared>> -> memref<10240x128xf32, #tpu.memory_space<vmem_shared>>
          tpu.enqueue_indirect_dma source(%arg9 : memref<128x128xf32, #tpu.memory_space<vmem>>) target(%dma_start3A_105 : memref<10240x128xf32, #tpu.memory_space<vmem_shared>>) offsets(%dma_start3A_102 : memref<128xi32, #tpu.memory_space<vmem>>) semaphore(%run_scoped3A : memref<!tpu.dma_semaphore, #tpu.memory_space<semaphore_mem>>) {add = true}
          %dma_wait3A_106 = arith.constant 0 : i32
          %dma_wait3A_107 = tpu.memref_slice %arg8[%scan3A_89, %dma_wait3A_106] : memref<32x128xi32, #tpu.memory_space<vmem>> -> memref<1x128xi32, #tpu.memory_space<vmem>>
          %dma_wait3A_108 = tpu.memref_squeeze %dma_wait3A_107 : memref<1x128xi32, #tpu.memory_space<vmem>> -> memref<128xi32, #tpu.memory_space<vmem>>
          %dma_wait3A_109 = arith.constant 0 : i32
          %dma_wait3A_110 = arith.constant 0 : i32
          %dma_wait3A_111 = tpu.memref_slice %arg13[%dma_wait3A_109, %dma_wait3A_110] : memref<10240x128xf32, #tpu.memory_space<vmem_shared>> -> memref<10240x128xf32, #tpu.memory_space<vmem_shared>>
          tpu.wait_indirect_dma semaphore(%run_scoped3A : memref<!tpu.dma_semaphore, #tpu.memory_space<semaphore_mem>>) src(%arg9 : memref<128x128xf32, #tpu.memory_space<vmem>>) dst(%dma_wait3A_111 : memref<10240x128xf32, #tpu.memory_space<vmem_shared>>)
          tpu.yield
        }) : () -> ()
        "tpu.region"() ({
          %run_scoped3A = tpu.sem_alloc : memref<!tpu.dma_semaphore, #tpu.memory_space<semaphore_mem>>
          %dma_start3A_100 = arith.constant 0 : i32
          %dma_start3A_101 = tpu.memref_slice %arg8[%scan3A_89, %dma_start3A_100] : memref<32x128xi32, #tpu.memory_space<vmem>> -> memref<1x128xi32, #tpu.memory_space<vmem>>
          %dma_start3A_102 = tpu.memref_squeeze %dma_start3A_101 : memref<1x128xi32, #tpu.memory_space<vmem>> -> memref<128xi32, #tpu.memory_space<vmem>>
          %dma_start3A_103 = arith.constant 0 : i32
          %dma_start3A_104 = tpu.memref_slice %arg16[%dma_start3A_103] : memref<10240xf32, #tpu.memory_space<vmem_shared>> -> memref<10240xf32, #tpu.memory_space<vmem_shared>>
          tpu.enqueue_indirect_dma source(%arg11 : memref<128xf32, #tpu.memory_space<vmem>>) target(%dma_start3A_104 : memref<10240xf32, #tpu.memory_space<vmem_shared>>) offsets(%dma_start3A_102 : memref<128xi32, #tpu.memory_space<vmem>>) semaphore(%run_scoped3A : memref<!tpu.dma_semaphore, #tpu.memory_space<semaphore_mem>>) {add = true}
          %dma_wait3A_105 = arith.constant 0 : i32
          %dma_wait3A_106 = tpu.memref_slice %arg8[%scan3A_89, %dma_wait3A_105] : memref<32x128xi32, #tpu.memory_space<vmem>> -> memref<1x128xi32, #tpu.memory_space<vmem>>
          %dma_wait3A_107 = tpu.memref_squeeze %dma_wait3A_106 : memref<1x128xi32, #tpu.memory_space<vmem>> -> memref<128xi32, #tpu.memory_space<vmem>>
          %dma_wait3A_108 = arith.constant 0 : i32
          %dma_wait3A_109 = tpu.memref_slice %arg16[%dma_wait3A_108] : memref<10240xf32, #tpu.memory_space<vmem_shared>> -> memref<10240xf32, #tpu.memory_space<vmem_shared>>
          tpu.wait_indirect_dma semaphore(%run_scoped3A : memref<!tpu.dma_semaphore, #tpu.memory_space<semaphore_mem>>) src(%arg11 : memref<128xf32, #tpu.memory_space<vmem>>) dst(%dma_wait3A_109 : memref<10240xf32, #tpu.memory_space<vmem_shared>>)
          tpu.yield
        }) : () -> ()
      }
      %scan3A_88 = arith.constant 32 : i32
    } else {
    }
    %barrier3A_76 = arith.constant 0 : index
    tpu.barrier barrier_id(%barrier3A_76)
    "tpu.region"() ({
      %run_scoped3A = tpu.sem_alloc : memref<!tpu.dma_semaphore, #tpu.memory_space<semaphore_mem>>
      %dma_start3A = arith.constant 0 : i32
      %dma_start3A_77 = tpu.memref_slice %arg5[%arg0, %mul3A_0, %dma_start3A] : memref<2x10240x128xf32, #tpu.memory_space<hbm>> -> memref<1x640x128xf32, #tpu.memory_space<hbm>>
      %dma_start3A_78 = tpu.memref_squeeze %dma_start3A_77 : memref<1x640x128xf32, #tpu.memory_space<hbm>> -> memref<640x128xf32, #tpu.memory_space<hbm>>
      %dma_start3A_79 = arith.constant 0 : i32
      %dma_start3A_80 = tpu.memref_slice %arg13[%mul3A_0, %dma_start3A_79] : memref<10240x128xf32, #tpu.memory_space<vmem_shared>> -> memref<640x128xf32, #tpu.memory_space<vmem_shared>>
      tpu.enqueue_dma source(%dma_start3A_80 : memref<640x128xf32, #tpu.memory_space<vmem_shared>>) target(%dma_start3A_78 : memref<640x128xf32, #tpu.memory_space<hbm>>) target_semaphore(%run_scoped3A : memref<!tpu.dma_semaphore, #tpu.memory_space<semaphore_mem>>)
      %dma_wait3A = arith.constant 0 : i32
      %dma_wait3A_81 = tpu.memref_slice %arg5[%arg0, %mul3A_0, %dma_wait3A] : memref<2x10240x128xf32, #tpu.memory_space<hbm>> -> memref<1x640x128xf32, #tpu.memory_space<hbm>>
      %dma_wait3A_82 = tpu.memref_squeeze %dma_wait3A_81 : memref<1x640x128xf32, #tpu.memory_space<hbm>> -> memref<640x128xf32, #tpu.memory_space<hbm>>
      %dma_wait3A_83 = arith.constant 0 : i32
      %dma_wait3A_84 = tpu.memref_slice %arg13[%mul3A_0, %dma_wait3A_83] : memref<10240x128xf32, #tpu.memory_space<vmem_shared>> -> memref<640x128xf32, #tpu.memory_space<vmem_shared>>
      tpu.wait_dma2 semaphore(%run_scoped3A : memref<!tpu.dma_semaphore, #tpu.memory_space<semaphore_mem>>) src(%dma_wait3A_84 : memref<640x128xf32, #tpu.memory_space<vmem_shared>>) dst(%dma_wait3A_82 : memref<640x128xf32, #tpu.memory_space<hbm>>)
      tpu.yield
    }) : () -> ()
    "tpu.region"() ({
      %run_scoped3A = tpu.sem_alloc : memref<!tpu.dma_semaphore, #tpu.memory_space<semaphore_mem>>
      %dma_start3A = tpu.memref_slice %arg6[%arg0, %mul3A_0] : memref<2x10240xf32, #tpu.memory_space<hbm>> -> memref<1x640xf32, #tpu.memory_space<hbm>>
      %dma_start3A_77 = tpu.memref_squeeze %dma_start3A : memref<1x640xf32, #tpu.memory_space<hbm>> -> memref<640xf32, #tpu.memory_space<hbm>>
      %dma_start3A_78 = tpu.memref_slice %arg16[%mul3A_0] : memref<10240xf32, #tpu.memory_space<vmem_shared>> -> memref<640xf32, #tpu.memory_space<vmem_shared>>
      tpu.enqueue_dma source(%dma_start3A_78 : memref<640xf32, #tpu.memory_space<vmem_shared>>) target(%dma_start3A_77 : memref<640xf32, #tpu.memory_space<hbm>>) target_semaphore(%run_scoped3A : memref<!tpu.dma_semaphore, #tpu.memory_space<semaphore_mem>>)
      %dma_wait3A = tpu.memref_slice %arg6[%arg0, %mul3A_0] : memref<2x10240xf32, #tpu.memory_space<hbm>> -> memref<1x640xf32, #tpu.memory_space<hbm>>
      %dma_wait3A_79 = tpu.memref_squeeze %dma_wait3A : memref<1x640xf32, #tpu.memory_space<hbm>> -> memref<640xf32, #tpu.memory_space<hbm>>
      %dma_wait3A_80 = tpu.memref_slice %arg16[%mul3A_0] : memref<10240xf32, #tpu.memory_space<vmem_shared>> -> memref<640xf32, #tpu.memory_space<vmem_shared>>
      tpu.wait_dma2 semaphore(%run_scoped3A : memref<!tpu.dma_semaphore, #tpu.memory_space<semaphore_mem>>) src(%dma_wait3A_80 : memref<640xf32, #tpu.memory_space<vmem_shared>>) dst(%dma_wait3A_79 : memref<640xf32, #tpu.memory_space<hbm>>)
      tpu.yield
    }) : () -> ()
    return
  }
}

#map = affine_map<(d0, d1) -> (0, 0)>
#map1 = affine_map<(d0, d1) -> (0, 0, 0)>
module attributes {stable_mosaic.version = 14 : i64} {
  func.func @body_rest(%arg0: i32, %arg1: i32, %arg2: memref<10240x128xf32, #tpu.memory_space<hbm>>, %arg3: memref<2560x128xi32, #tpu.memory_space<hbm>>, %arg4: memref<2560x128xi32, #tpu.memory_space<hbm>>, %arg5: memref<2x10240x128xf32, #tpu.memory_space<hbm>>, %arg6: memref<32x128xi32, #tpu.memory_space<vmem>>, %arg7: memref<32x128xi32, #tpu.memory_space<vmem>>, %arg8: memref<128x128xf32, #tpu.memory_space<vmem>>, %arg9: memref<128x128xf32, #tpu.memory_space<vmem>>, %arg10: memref<128xf32, #tpu.memory_space<vmem>>, %arg11: memref<640xf32, #tpu.memory_space<vmem>>, %arg12: memref<10240x128xf32, #tpu.memory_space<vmem_shared>>, %arg13: memref<!tpu.dma_semaphore, #tpu.memory_space<semaphore_mem>>, %arg14: memref<!tpu.dma_semaphore, #tpu.memory_space<semaphore_mem>>) attributes {dimension_semantics = [#tpu.dimension_semantics<core_parallel>, #tpu.dimension_semantics<subcore_parallel>], iteration_bounds = array<i64: 2, 16>, scalar_prefetch = 0 : i64, scratch_operands = 9 : i64, tpu.core_type = #tpu.core_type<sc_vector_subcore>, window_params = [{transform_indices = #map}, {transform_indices = #map}, {transform_indices = #map}, {transform_indices = #map1}]} {
    %mul3A = arith.constant 640 : i32
    %mul3A_0 = arith.muli %arg1, %mul3A : i32
    %broadcast_in_dim3A = arith.constant 0.000000e+00 : f32
    %broadcast_in_dim3A_1 = vector.broadcast %broadcast_in_dim3A : f32 to vector<16xf32>
    %scan3A = arith.constant 0 : i32
    %scan3A_2 = arith.constant 0 : i32
    %scan3A_3 = arith.constant 128 : i32
    %scan3A_4 = arith.addi %scan3A_2, %scan3A_3 : i32
    %scan3A_5 = arith.constant 1 : i32
    scf.for %scan3A_71 = %scan3A_2 to %scan3A_4 step %scan3A_5  : i32 {
      %swap3A_72 = arith.index_cast %scan3A_71 : i32 to index
      %swap3A_73 = arith.constant 0 : index
      %swap3A_74 = tpu.vector_load %arg8[%swap3A_72, %swap3A_73] {strides = array<i32>} : memref<128x128xf32, #tpu.memory_space<vmem>>, vector<1x16xf32>,
      %swap3A_75 = vector.shape_cast %swap3A_74 : vector<1x16xf32> to vector<16xf32>
      %swap3A_76 = vector.shape_cast %broadcast_in_dim3A_1 : vector<16xf32> to vector<1x16xf32>
      tpu.vector_store %arg8[%swap3A_72, %swap3A_73], %swap3A_76 {strides = array<i32>} : memref<128x128xf32, #tpu.memory_space<vmem>>, vector<1x16xf32>,
      %swap3A_77 = arith.index_cast %scan3A_71 : i32 to index
      %swap3A_78 = arith.constant 16 : index
      %swap3A_79 = tpu.vector_load %arg8[%swap3A_77, %swap3A_78] {strides = array<i32>} : memref<128x128xf32, #tpu.memory_space<vmem>>, vector<1x16xf32>,
      %swap3A_80 = vector.shape_cast %swap3A_79 : vector<1x16xf32> to vector<16xf32>
      %swap3A_81 = vector.shape_cast %broadcast_in_dim3A_1 : vector<16xf32> to vector<1x16xf32>
      tpu.vector_store %arg8[%swap3A_77, %swap3A_78], %swap3A_81 {strides = array<i32>} : memref<128x128xf32, #tpu.memory_space<vmem>>, vector<1x16xf32>,
      %swap3A_82 = arith.index_cast %scan3A_71 : i32 to index
      %swap3A_83 = arith.constant 32 : index
      %swap3A_84 = tpu.vector_load %arg8[%swap3A_82, %swap3A_83] {strides = array<i32>} : memref<128x128xf32, #tpu.memory_space<vmem>>, vector<1x16xf32>,
      %swap3A_85 = vector.shape_cast %swap3A_84 : vector<1x16xf32> to vector<16xf32>
      %swap3A_86 = vector.shape_cast %broadcast_in_dim3A_1 : vector<16xf32> to vector<1x16xf32>
      tpu.vector_store %arg8[%swap3A_82, %swap3A_83], %swap3A_86 {strides = array<i32>} : memref<128x128xf32, #tpu.memory_space<vmem>>, vector<1x16xf32>,
      %swap3A_87 = arith.index_cast %scan3A_71 : i32 to index
      %swap3A_88 = arith.constant 48 : index
      %swap3A_89 = tpu.vector_load %arg8[%swap3A_87, %swap3A_88] {strides = array<i32>} : memref<128x128xf32, #tpu.memory_space<vmem>>, vector<1x16xf32>,
      %swap3A_90 = vector.shape_cast %swap3A_89 : vector<1x16xf32> to vector<16xf32>
      %swap3A_91 = vector.shape_cast %broadcast_in_dim3A_1 : vector<16xf32> to vector<1x16xf32>
      tpu.vector_store %arg8[%swap3A_87, %swap3A_88], %swap3A_91 {strides = array<i32>} : memref<128x128xf32, #tpu.memory_space<vmem>>, vector<1x16xf32>,
      %swap3A_92 = arith.index_cast %scan3A_71 : i32 to index
      %swap3A_93 = arith.constant 64 : index
      %swap3A_94 = tpu.vector_load %arg8[%swap3A_92, %swap3A_93] {strides = array<i32>} : memref<128x128xf32, #tpu.memory_space<vmem>>, vector<1x16xf32>,
      %swap3A_95 = vector.shape_cast %swap3A_94 : vector<1x16xf32> to vector<16xf32>
      %swap3A_96 = vector.shape_cast %broadcast_in_dim3A_1 : vector<16xf32> to vector<1x16xf32>
      tpu.vector_store %arg8[%swap3A_92, %swap3A_93], %swap3A_96 {strides = array<i32>} : memref<128x128xf32, #tpu.memory_space<vmem>>, vector<1x16xf32>,
      %swap3A_97 = arith.index_cast %scan3A_71 : i32 to index
      %swap3A_98 = arith.constant 80 : index
      %swap3A_99 = tpu.vector_load %arg8[%swap3A_97, %swap3A_98] {strides = array<i32>} : memref<128x128xf32, #tpu.memory_space<vmem>>, vector<1x16xf32>,
      %swap3A_100 = vector.shape_cast %swap3A_99 : vector<1x16xf32> to vector<16xf32>
      %swap3A_101 = vector.shape_cast %broadcast_in_dim3A_1 : vector<16xf32> to vector<1x16xf32>
      tpu.vector_store %arg8[%swap3A_97, %swap3A_98], %swap3A_101 {strides = array<i32>} : memref<128x128xf32, #tpu.memory_space<vmem>>, vector<1x16xf32>,
      %swap3A_102 = arith.index_cast %scan3A_71 : i32 to index
      %swap3A_103 = arith.constant 96 : index
      %swap3A_104 = tpu.vector_load %arg8[%swap3A_102, %swap3A_103] {strides = array<i32>} : memref<128x128xf32, #tpu.memory_space<vmem>>, vector<1x16xf32>,
      %swap3A_105 = vector.shape_cast %swap3A_104 : vector<1x16xf32> to vector<16xf32>
      %swap3A_106 = vector.shape_cast %broadcast_in_dim3A_1 : vector<16xf32> to vector<1x16xf32>
      tpu.vector_store %arg8[%swap3A_102, %swap3A_103], %swap3A_106 {strides = array<i32>} : memref<128x128xf32, #tpu.memory_space<vmem>>, vector<1x16xf32>,
      %swap3A_107 = arith.index_cast %scan3A_71 : i32 to index
      %swap3A_108 = arith.constant 112 : index
      %swap3A_109 = tpu.vector_load %arg8[%swap3A_107, %swap3A_108] {strides = array<i32>} : memref<128x128xf32, #tpu.memory_space<vmem>>, vector<1x16xf32>,
      %swap3A_110 = vector.shape_cast %swap3A_109 : vector<1x16xf32> to vector<16xf32>
      %swap3A_111 = vector.shape_cast %broadcast_in_dim3A_1 : vector<16xf32> to vector<1x16xf32>
      tpu.vector_store %arg8[%swap3A_107, %swap3A_108], %swap3A_111 {strides = array<i32>} : memref<128x128xf32, #tpu.memory_space<vmem>>, vector<1x16xf32>,
    }
    %scan3A_6 = arith.constant 128 : i32
    %broadcast_in_dim3A_7 = arith.constant 1.000000e+00 : f32
    %broadcast_in_dim3A_8 = vector.broadcast %broadcast_in_dim3A_7 : f32 to vector<16xf32>
    %swap3A = arith.constant 0 : index
    %swap3A_9 = tpu.vector_load %arg10[%swap3A] {strides = array<i32>} : memref<128xf32, #tpu.memory_space<vmem>>, vector<16xf32>,
    %swap3A_10 = vector.shape_cast %swap3A_9 : vector<16xf32> to vector<16xf32>
    %swap3A_11 = vector.shape_cast %broadcast_in_dim3A_8 : vector<16xf32> to vector<16xf32>
    tpu.vector_store %arg10[%swap3A], %swap3A_11 {strides = array<i32>} : memref<128xf32, #tpu.memory_space<vmem>>, vector<16xf32>,
    %broadcast_in_dim3A_12 = arith.constant 1.000000e+00 : f32
    %broadcast_in_dim3A_13 = vector.broadcast %broadcast_in_dim3A_12 : f32 to vector<16xf32>
    %swap3A_14 = arith.constant 16 : index
    %swap3A_15 = tpu.vector_load %arg10[%swap3A_14] {strides = array<i32>} : memref<128xf32, #tpu.memory_space<vmem>>, vector<16xf32>,
    %swap3A_16 = vector.shape_cast %swap3A_15 : vector<16xf32> to vector<16xf32>
    %swap3A_17 = vector.shape_cast %broadcast_in_dim3A_13 : vector<16xf32> to vector<16xf32>
    tpu.vector_store %arg10[%swap3A_14], %swap3A_17 {strides = array<i32>} : memref<128xf32, #tpu.memory_space<vmem>>, vector<16xf32>,
    %broadcast_in_dim3A_18 = arith.constant 1.000000e+00 : f32
    %broadcast_in_dim3A_19 = vector.broadcast %broadcast_in_dim3A_18 : f32 to vector<16xf32>
    %swap3A_20 = arith.constant 32 : index
    %swap3A_21 = tpu.vector_load %arg10[%swap3A_20] {strides = array<i32>} : memref<128xf32, #tpu.memory_space<vmem>>, vector<16xf32>,
    %swap3A_22 = vector.shape_cast %swap3A_21 : vector<16xf32> to vector<16xf32>
    %swap3A_23 = vector.shape_cast %broadcast_in_dim3A_19 : vector<16xf32> to vector<16xf32>
    tpu.vector_store %arg10[%swap3A_20], %swap3A_23 {strides = array<i32>} : memref<128xf32, #tpu.memory_space<vmem>>, vector<16xf32>,
    %broadcast_in_dim3A_24 = arith.constant 1.000000e+00 : f32
    %broadcast_in_dim3A_25 = vector.broadcast %broadcast_in_dim3A_24 : f32 to vector<16xf32>
    %swap3A_26 = arith.constant 48 : index
    %swap3A_27 = tpu.vector_load %arg10[%swap3A_26] {strides = array<i32>} : memref<128xf32, #tpu.memory_space<vmem>>, vector<16xf32>,
    %swap3A_28 = vector.shape_cast %swap3A_27 : vector<16xf32> to vector<16xf32>
    %swap3A_29 = vector.shape_cast %broadcast_in_dim3A_25 : vector<16xf32> to vector<16xf32>
    tpu.vector_store %arg10[%swap3A_26], %swap3A_29 {strides = array<i32>} : memref<128xf32, #tpu.memory_space<vmem>>, vector<16xf32>,
    %broadcast_in_dim3A_30 = arith.constant 1.000000e+00 : f32
    %broadcast_in_dim3A_31 = vector.broadcast %broadcast_in_dim3A_30 : f32 to vector<16xf32>
    %swap3A_32 = arith.constant 64 : index
    %swap3A_33 = tpu.vector_load %arg10[%swap3A_32] {strides = array<i32>} : memref<128xf32, #tpu.memory_space<vmem>>, vector<16xf32>,
    %swap3A_34 = vector.shape_cast %swap3A_33 : vector<16xf32> to vector<16xf32>
    %swap3A_35 = vector.shape_cast %broadcast_in_dim3A_31 : vector<16xf32> to vector<16xf32>
    tpu.vector_store %arg10[%swap3A_32], %swap3A_35 {strides = array<i32>} : memref<128xf32, #tpu.memory_space<vmem>>, vector<16xf32>,
    %broadcast_in_dim3A_36 = arith.constant 1.000000e+00 : f32
    %broadcast_in_dim3A_37 = vector.broadcast %broadcast_in_dim3A_36 : f32 to vector<16xf32>
    %swap3A_38 = arith.constant 80 : index
    %swap3A_39 = tpu.vector_load %arg10[%swap3A_38] {strides = array<i32>} : memref<128xf32, #tpu.memory_space<vmem>>, vector<16xf32>,
    %swap3A_40 = vector.shape_cast %swap3A_39 : vector<16xf32> to vector<16xf32>
    %swap3A_41 = vector.shape_cast %broadcast_in_dim3A_37 : vector<16xf32> to vector<16xf32>
    tpu.vector_store %arg10[%swap3A_38], %swap3A_41 {strides = array<i32>} : memref<128xf32, #tpu.memory_space<vmem>>, vector<16xf32>,
    %broadcast_in_dim3A_42 = arith.constant 1.000000e+00 : f32
    %broadcast_in_dim3A_43 = vector.broadcast %broadcast_in_dim3A_42 : f32 to vector<16xf32>
    %swap3A_44 = arith.constant 96 : index
    %swap3A_45 = tpu.vector_load %arg10[%swap3A_44] {strides = array<i32>} : memref<128xf32, #tpu.memory_space<vmem>>, vector<16xf32>,
    %swap3A_46 = vector.shape_cast %swap3A_45 : vector<16xf32> to vector<16xf32>
    %swap3A_47 = vector.shape_cast %broadcast_in_dim3A_43 : vector<16xf32> to vector<16xf32>
    tpu.vector_store %arg10[%swap3A_44], %swap3A_47 {strides = array<i32>} : memref<128xf32, #tpu.memory_space<vmem>>, vector<16xf32>,
    %broadcast_in_dim3A_48 = arith.constant 1.000000e+00 : f32
    %broadcast_in_dim3A_49 = vector.broadcast %broadcast_in_dim3A_48 : f32 to vector<16xf32>
    %swap3A_50 = arith.constant 112 : index
    %swap3A_51 = tpu.vector_load %arg10[%swap3A_50] {strides = array<i32>} : memref<128xf32, #tpu.memory_space<vmem>>, vector<16xf32>,
    %swap3A_52 = vector.shape_cast %swap3A_51 : vector<16xf32> to vector<16xf32>
    %swap3A_53 = vector.shape_cast %broadcast_in_dim3A_49 : vector<16xf32> to vector<16xf32>
    tpu.vector_store %arg10[%swap3A_50], %swap3A_53 {strides = array<i32>} : memref<128xf32, #tpu.memory_space<vmem>>, vector<16xf32>,
    %add3A = arith.constant 0 : i32
    %add3A_54 = arith.addi %mul3A_0, %add3A : i32
    "tpu.region"() ({
      %run_scoped3A = tpu.sem_alloc : memref<!tpu.dma_semaphore, #tpu.memory_space<semaphore_mem>>
      %dma_start3A = arith.constant 0 : i32
      %dma_start3A_71 = tpu.memref_slice %arg12[%add3A_54, %dma_start3A] : memref<10240x128xf32, #tpu.memory_space<vmem_shared>> -> memref<128x128xf32, #tpu.memory_space<vmem_shared>>
      %dma_start3A_72 = arith.constant 0 : i32
      %dma_start3A_73 = tpu.memref_slice %arg12[%add3A_54, %dma_start3A_72] : memref<10240x128xf32, #tpu.memory_space<vmem_shared>> -> memref<128x128xf32, #tpu.memory_space<vmem_shared>>
      tpu.enqueue_dma source(%arg8 : memref<128x128xf32, #tpu.memory_space<vmem>>) target(%dma_start3A_73 : memref<128x128xf32, #tpu.memory_space<vmem_shared>>) target_semaphore(%run_scoped3A : memref<!tpu.dma_semaphore, #tpu.memory_space<semaphore_mem>>)
      %dma_wait3A = arith.constant 0 : i32
      %dma_wait3A_74 = tpu.memref_slice %arg12[%add3A_54, %dma_wait3A] : memref<10240x128xf32, #tpu.memory_space<vmem_shared>> -> memref<128x128xf32, #tpu.memory_space<vmem_shared>>
      %dma_wait3A_75 = arith.constant 0 : i32
      %dma_wait3A_76 = tpu.memref_slice %arg12[%add3A_54, %dma_wait3A_75] : memref<10240x128xf32, #tpu.memory_space<vmem_shared>> -> memref<128x128xf32, #tpu.memory_space<vmem_shared>>
      tpu.wait_dma2 semaphore(%run_scoped3A : memref<!tpu.dma_semaphore, #tpu.memory_space<semaphore_mem>>) src(%arg8 : memref<128x128xf32, #tpu.memory_space<vmem>>) dst(%dma_wait3A_76 : memref<128x128xf32, #tpu.memory_space<vmem_shared>>)
      tpu.yield
    }) : () -> ()
    %add3A_55 = arith.constant 128 : i32
    %add3A_56 = arith.addi %mul3A_0, %add3A_55 : i32
    "tpu.region"() ({
      %run_scoped3A = tpu.sem_alloc : memref<!tpu.dma_semaphore, #tpu.memory_space<semaphore_mem>>
      %dma_start3A = arith.constant 0 : i32
      %dma_start3A_71 = tpu.memref_slice %arg12[%add3A_56, %dma_start3A] : memref<10240x128xf32, #tpu.memory_space<vmem_shared>> -> memref<128x128xf32, #tpu.memory_space<vmem_shared>>
      %dma_start3A_72 = arith.constant 0 : i32
      %dma_start3A_73 = tpu.memref_slice %arg12[%add3A_56, %dma_start3A_72] : memref<10240x128xf32, #tpu.memory_space<vmem_shared>> -> memref<128x128xf32, #tpu.memory_space<vmem_shared>>
      tpu.enqueue_dma source(%arg8 : memref<128x128xf32, #tpu.memory_space<vmem>>) target(%dma_start3A_73 : memref<128x128xf32, #tpu.memory_space<vmem_shared>>) target_semaphore(%run_scoped3A : memref<!tpu.dma_semaphore, #tpu.memory_space<semaphore_mem>>)
      %dma_wait3A = arith.constant 0 : i32
      %dma_wait3A_74 = tpu.memref_slice %arg12[%add3A_56, %dma_wait3A] : memref<10240x128xf32, #tpu.memory_space<vmem_shared>> -> memref<128x128xf32, #tpu.memory_space<vmem_shared>>
      %dma_wait3A_75 = arith.constant 0 : i32
      %dma_wait3A_76 = tpu.memref_slice %arg12[%add3A_56, %dma_wait3A_75] : memref<10240x128xf32, #tpu.memory_space<vmem_shared>> -> memref<128x128xf32, #tpu.memory_space<vmem_shared>>
      tpu.wait_dma2 semaphore(%run_scoped3A : memref<!tpu.dma_semaphore, #tpu.memory_space<semaphore_mem>>) src(%arg8 : memref<128x128xf32, #tpu.memory_space<vmem>>) dst(%dma_wait3A_76 : memref<128x128xf32, #tpu.memory_space<vmem_shared>>)
      tpu.yield
    }) : () -> ()
    %add3A_57 = arith.constant 256 : i32
    %add3A_58 = arith.addi %mul3A_0, %add3A_57 : i32
    "tpu.region"() ({
      %run_scoped3A = tpu.sem_alloc : memref<!tpu.dma_semaphore, #tpu.memory_space<semaphore_mem>>
      %dma_start3A = arith.constant 0 : i32
      %dma_start3A_71 = tpu.memref_slice %arg12[%add3A_58, %dma_start3A] : memref<10240x128xf32, #tpu.memory_space<vmem_shared>> -> memref<128x128xf32, #tpu.memory_space<vmem_shared>>
      %dma_start3A_72 = arith.constant 0 : i32
      %dma_start3A_73 = tpu.memref_slice %arg12[%add3A_58, %dma_start3A_72] : memref<10240x128xf32, #tpu.memory_space<vmem_shared>> -> memref<128x128xf32, #tpu.memory_space<vmem_shared>>
      tpu.enqueue_dma source(%arg8 : memref<128x128xf32, #tpu.memory_space<vmem>>) target(%dma_start3A_73 : memref<128x128xf32, #tpu.memory_space<vmem_shared>>) target_semaphore(%run_scoped3A : memref<!tpu.dma_semaphore, #tpu.memory_space<semaphore_mem>>)
      %dma_wait3A = arith.constant 0 : i32
      %dma_wait3A_74 = tpu.memref_slice %arg12[%add3A_58, %dma_wait3A] : memref<10240x128xf32, #tpu.memory_space<vmem_shared>> -> memref<128x128xf32, #tpu.memory_space<vmem_shared>>
      %dma_wait3A_75 = arith.constant 0 : i32
      %dma_wait3A_76 = tpu.memref_slice %arg12[%add3A_58, %dma_wait3A_75] : memref<10240x128xf32, #tpu.memory_space<vmem_shared>> -> memref<128x128xf32, #tpu.memory_space<vmem_shared>>
      tpu.wait_dma2 semaphore(%run_scoped3A : memref<!tpu.dma_semaphore, #tpu.memory_space<semaphore_mem>>) src(%arg8 : memref<128x128xf32, #tpu.memory_space<vmem>>) dst(%dma_wait3A_76 : memref<128x128xf32, #tpu.memory_space<vmem_shared>>)
      tpu.yield
    }) : () -> ()
    %add3A_59 = arith.constant 384 : i32
    %add3A_60 = arith.addi %mul3A_0, %add3A_59 : i32
    "tpu.region"() ({
      %run_scoped3A = tpu.sem_alloc : memref<!tpu.dma_semaphore, #tpu.memory_space<semaphore_mem>>
      %dma_start3A = arith.constant 0 : i32
      %dma_start3A_71 = tpu.memref_slice %arg12[%add3A_60, %dma_start3A] : memref<10240x128xf32, #tpu.memory_space<vmem_shared>> -> memref<128x128xf32, #tpu.memory_space<vmem_shared>>
      %dma_start3A_72 = arith.constant 0 : i32
      %dma_start3A_73 = tpu.memref_slice %arg12[%add3A_60, %dma_start3A_72] : memref<10240x128xf32, #tpu.memory_space<vmem_shared>> -> memref<128x128xf32, #tpu.memory_space<vmem_shared>>
      tpu.enqueue_dma source(%arg8 : memref<128x128xf32, #tpu.memory_space<vmem>>) target(%dma_start3A_73 : memref<128x128xf32, #tpu.memory_space<vmem_shared>>) target_semaphore(%run_scoped3A : memref<!tpu.dma_semaphore, #tpu.memory_space<semaphore_mem>>)
      %dma_wait3A = arith.constant 0 : i32
      %dma_wait3A_74 = tpu.memref_slice %arg12[%add3A_60, %dma_wait3A] : memref<10240x128xf32, #tpu.memory_space<vmem_shared>> -> memref<128x128xf32, #tpu.memory_space<vmem_shared>>
      %dma_wait3A_75 = arith.constant 0 : i32
      %dma_wait3A_76 = tpu.memref_slice %arg12[%add3A_60, %dma_wait3A_75] : memref<10240x128xf32, #tpu.memory_space<vmem_shared>> -> memref<128x128xf32, #tpu.memory_space<vmem_shared>>
      tpu.wait_dma2 semaphore(%run_scoped3A : memref<!tpu.dma_semaphore, #tpu.memory_space<semaphore_mem>>) src(%arg8 : memref<128x128xf32, #tpu.memory_space<vmem>>) dst(%dma_wait3A_76 : memref<128x128xf32, #tpu.memory_space<vmem_shared>>)
      tpu.yield
    }) : () -> ()
    %add3A_61 = arith.constant 512 : i32
    %add3A_62 = arith.addi %mul3A_0, %add3A_61 : i32
    "tpu.region"() ({
      %run_scoped3A = tpu.sem_alloc : memref<!tpu.dma_semaphore, #tpu.memory_space<semaphore_mem>>
      %dma_start3A = arith.constant 0 : i32
      %dma_start3A_71 = tpu.memref_slice %arg12[%add3A_62, %dma_start3A] : memref<10240x128xf32, #tpu.memory_space<vmem_shared>> -> memref<128x128xf32, #tpu.memory_space<vmem_shared>>
      %dma_start3A_72 = arith.constant 0 : i32
      %dma_start3A_73 = tpu.memref_slice %arg12[%add3A_62, %dma_start3A_72] : memref<10240x128xf32, #tpu.memory_space<vmem_shared>> -> memref<128x128xf32, #tpu.memory_space<vmem_shared>>
      tpu.enqueue_dma source(%arg8 : memref<128x128xf32, #tpu.memory_space<vmem>>) target(%dma_start3A_73 : memref<128x128xf32, #tpu.memory_space<vmem_shared>>) target_semaphore(%run_scoped3A : memref<!tpu.dma_semaphore, #tpu.memory_space<semaphore_mem>>)
      %dma_wait3A = arith.constant 0 : i32
      %dma_wait3A_74 = tpu.memref_slice %arg12[%add3A_62, %dma_wait3A] : memref<10240x128xf32, #tpu.memory_space<vmem_shared>> -> memref<128x128xf32, #tpu.memory_space<vmem_shared>>
      %dma_wait3A_75 = arith.constant 0 : i32
      %dma_wait3A_76 = tpu.memref_slice %arg12[%add3A_62, %dma_wait3A_75] : memref<10240x128xf32, #tpu.memory_space<vmem_shared>> -> memref<128x128xf32, #tpu.memory_space<vmem_shared>>
      tpu.wait_dma2 semaphore(%run_scoped3A : memref<!tpu.dma_semaphore, #tpu.memory_space<semaphore_mem>>) src(%arg8 : memref<128x128xf32, #tpu.memory_space<vmem>>) dst(%dma_wait3A_76 : memref<128x128xf32, #tpu.memory_space<vmem_shared>>)
      tpu.yield
    }) : () -> ()
    %barrier3A = arith.constant 0 : index
    tpu.barrier barrier_id(%barrier3A)
    %eq3A = arith.constant 0 : i32
    %eq3A_63 = arith.cmpi eq, %arg0, %eq3A : i32
    %convert_element_type3A = arith.extui %eq3A_63 : i1 to i32
    %cond3A = arith.constant 0 : i32
    %cond3A_64 = arith.cmpi ne, %convert_element_type3A, %cond3A : i32
    scf.if %cond3A_64 {
      %mul3A_71 = arith.constant 128 : i32
      %mul3A_72 = arith.muli %arg1, %mul3A_71 : i32
      %add3A_73 = arith.constant 0 : i32
      %add3A_74 = arith.addi %mul3A_72, %add3A_73 : i32
      "tpu.region"() ({
        %run_scoped3A = tpu.sem_alloc : memref<!tpu.dma_semaphore, #tpu.memory_space<semaphore_mem>>
        %dma_start3A_138 = arith.constant 0 : i32
        %dma_start3A_139 = arith.constant 0 : i32
        %dma_start3A_140 = tpu.memref_slice %arg6[%dma_start3A_138, %dma_start3A_139] : memref<32x128xi32, #tpu.memory_space<vmem>> -> memref<32x128xi32, #tpu.memory_space<vmem>>
        %dma_start3A_141 = arith.constant 0 : i32
        %dma_start3A_142 = tpu.memref_slice %arg3[%add3A_74, %dma_start3A_141] : memref<2560x128xi32, #tpu.memory_space<hbm>> -> memref<32x128xi32, #tpu.memory_space<hbm>>
        %dma_start3A_143 = arith.constant 0 : i32
        %dma_start3A_144 = arith.constant 0 : i32
        %dma_start3A_145 = tpu.memref_slice %arg6[%dma_start3A_143, %dma_start3A_144] : memref<32x128xi32, #tpu.memory_space<vmem>> -> memref<32x128xi32, #tpu.memory_space<vmem>>
        %dma_start3A_146 = arith.constant 0 : i32
        %dma_start3A_147 = tpu.memref_slice %arg3[%add3A_74, %dma_start3A_146] : memref<2560x128xi32, #tpu.memory_space<hbm>> -> memref<32x128xi32, #tpu.memory_space<hbm>>
        tpu.enqueue_dma source(%dma_start3A_147 : memref<32x128xi32, #tpu.memory_space<hbm>>) target(%dma_start3A_145 : memref<32x128xi32, #tpu.memory_space<vmem>>) target_semaphore(%run_scoped3A : memref<!tpu.dma_semaphore, #tpu.memory_space<semaphore_mem>>)
        %dma_wait3A = arith.constant 0 : i32
        %dma_wait3A_148 = arith.constant 0 : i32
        %dma_wait3A_149 = tpu.memref_slice %arg6[%dma_wait3A, %dma_wait3A_148] : memref<32x128xi32, #tpu.memory_space<vmem>> -> memref<32x128xi32, #tpu.memory_space<vmem>>
        %dma_wait3A_150 = arith.constant 0 : i32
        %dma_wait3A_151 = tpu.memref_slice %arg3[%add3A_74, %dma_wait3A_150] : memref<2560x128xi32, #tpu.memory_space<hbm>> -> memref<32x128xi32, #tpu.memory_space<hbm>>
        %dma_wait3A_152 = arith.constant 0 : i32
        %dma_wait3A_153 = arith.constant 0 : i32
        %dma_wait3A_154 = tpu.memref_slice %arg6[%dma_wait3A_152, %dma_wait3A_153] : memref<32x128xi32, #tpu.memory_space<vmem>> -> memref<32x128xi32, #tpu.memory_space<vmem>>
        %dma_wait3A_155 = arith.constant 0 : i32
        %dma_wait3A_156 = tpu.memref_slice %arg3[%add3A_74, %dma_wait3A_155] : memref<2560x128xi32, #tpu.memory_space<hbm>> -> memref<32x128xi32, #tpu.memory_space<hbm>>
        tpu.wait_dma2 semaphore(%run_scoped3A : memref<!tpu.dma_semaphore, #tpu.memory_space<semaphore_mem>>) src(%dma_wait3A_156 : memref<32x128xi32, #tpu.memory_space<hbm>>) dst(%dma_wait3A_154 : memref<32x128xi32, #tpu.memory_space<vmem>>)
        tpu.yield
      }) : () -> ()
      "tpu.region"() ({
        %run_scoped3A = tpu.sem_alloc : memref<!tpu.dma_semaphore, #tpu.memory_space<semaphore_mem>>
        %dma_start3A_138 = arith.constant 0 : i32
        %dma_start3A_139 = arith.constant 0 : i32
        %dma_start3A_140 = tpu.memref_slice %arg7[%dma_start3A_138, %dma_start3A_139] : memref<32x128xi32, #tpu.memory_space<vmem>> -> memref<32x128xi32, #tpu.memory_space<vmem>>
        %dma_start3A_141 = arith.constant 0 : i32
        %dma_start3A_142 = tpu.memref_slice %arg4[%add3A_74, %dma_start3A_141] : memref<2560x128xi32, #tpu.memory_space<hbm>> -> memref<32x128xi32, #tpu.memory_space<hbm>>
        %dma_start3A_143 = arith.constant 0 : i32
        %dma_start3A_144 = arith.constant 0 : i32
        %dma_start3A_145 = tpu.memref_slice %arg7[%dma_start3A_143, %dma_start3A_144] : memref<32x128xi32, #tpu.memory_space<vmem>> -> memref<32x128xi32, #tpu.memory_space<vmem>>
        %dma_start3A_146 = arith.constant 0 : i32
        %dma_start3A_147 = tpu.memref_slice %arg4[%add3A_74, %dma_start3A_146] : memref<2560x128xi32, #tpu.memory_space<hbm>> -> memref<32x128xi32, #tpu.memory_space<hbm>>
        tpu.enqueue_dma source(%dma_start3A_147 : memref<32x128xi32, #tpu.memory_space<hbm>>) target(%dma_start3A_145 : memref<32x128xi32, #tpu.memory_space<vmem>>) target_semaphore(%run_scoped3A : memref<!tpu.dma_semaphore, #tpu.memory_space<semaphore_mem>>)
        %dma_wait3A = arith.constant 0 : i32
        %dma_wait3A_148 = arith.constant 0 : i32
        %dma_wait3A_149 = tpu.memref_slice %arg7[%dma_wait3A, %dma_wait3A_148] : memref<32x128xi32, #tpu.memory_space<vmem>> -> memref<32x128xi32, #tpu.memory_space<vmem>>
        %dma_wait3A_150 = arith.constant 0 : i32
        %dma_wait3A_151 = tpu.memref_slice %arg4[%add3A_74, %dma_wait3A_150] : memref<2560x128xi32, #tpu.memory_space<hbm>> -> memref<32x128xi32, #tpu.memory_space<hbm>>
        %dma_wait3A_152 = arith.constant 0 : i32
        %dma_wait3A_153 = arith.constant 0 : i32
        %dma_wait3A_154 = tpu.memref_slice %arg7[%dma_wait3A_152, %dma_wait3A_153] : memref<32x128xi32, #tpu.memory_space<vmem>> -> memref<32x128xi32, #tpu.memory_space<vmem>>
        %dma_wait3A_155 = arith.constant 0 : i32
        %dma_wait3A_156 = tpu.memref_slice %arg4[%add3A_74, %dma_wait3A_155] : memref<2560x128xi32, #tpu.memory_space<hbm>> -> memref<32x128xi32, #tpu.memory_space<hbm>>
        tpu.wait_dma2 semaphore(%run_scoped3A : memref<!tpu.dma_semaphore, #tpu.memory_space<semaphore_mem>>) src(%dma_wait3A_156 : memref<32x128xi32, #tpu.memory_space<hbm>>) dst(%dma_wait3A_154 : memref<32x128xi32, #tpu.memory_space<vmem>>)
        tpu.yield
      }) : () -> ()
      %dma_start3A = arith.constant 0 : i32
      %dma_start3A_75 = arith.constant 0 : i32
      %dma_start3A_76 = tpu.memref_slice %arg6[%dma_start3A, %dma_start3A_75] : memref<32x128xi32, #tpu.memory_space<vmem>> -> memref<1x128xi32, #tpu.memory_space<vmem>>
      %dma_start3A_77 = tpu.memref_squeeze %dma_start3A_76 : memref<1x128xi32, #tpu.memory_space<vmem>> -> memref<128xi32, #tpu.memory_space<vmem>>
      %dma_start3A_78 = arith.constant 0 : i32
      %dma_start3A_79 = arith.constant 0 : i32
      %dma_start3A_80 = tpu.memref_slice %arg2[%dma_start3A_78, %dma_start3A_79] : memref<10240x128xf32, #tpu.memory_space<hbm>> -> memref<10240x128xf32, #tpu.memory_space<hbm>>
      tpu.enqueue_indirect_dma source(%dma_start3A_80 : memref<10240x128xf32, #tpu.memory_space<hbm>>) target(%arg8 : memref<128x128xf32, #tpu.memory_space<vmem>>) offsets(%dma_start3A_77 : memref<128xi32, #tpu.memory_space<vmem>>) semaphore(%arg13 : memref<!tpu.dma_semaphore, #tpu.memory_space<semaphore_mem>>)
      %scan3A_81 = arith.constant 0 : i32
      %scan3A_82 = arith.constant 0 : i32
      %scan3A_83 = arith.constant 16 : i32
      %scan3A_84 = arith.addi %scan3A_82, %scan3A_83 : i32
      %scan3A_85 = arith.constant 1 : i32
      scf.for %scan3A_138 = %scan3A_82 to %scan3A_84 step %scan3A_85  : i32 {
        %mul3A_139 = arith.constant 2 : i32
        %mul3A_140 = arith.muli %mul3A_139, %scan3A_138 : i32
        %add3A_141 = arith.constant 1 : i32
        %add3A_142 = arith.addi %mul3A_140, %add3A_141 : i32
        %dma_wait3A = arith.constant 0 : i32
        %dma_wait3A_143 = tpu.memref_slice %arg6[%mul3A_140, %dma_wait3A] : memref<32x128xi32, #tpu.memory_space<vmem>> -> memref<1x128xi32, #tpu.memory_space<vmem>>
        %dma_wait3A_144 = tpu.memref_squeeze %dma_wait3A_143 : memref<1x128xi32, #tpu.memory_space<vmem>> -> memref<128xi32, #tpu.memory_space<vmem>>
        %dma_wait3A_145 = arith.constant 0 : i32
        %dma_wait3A_146 = arith.constant 0 : i32
        %dma_wait3A_147 = tpu.memref_slice %arg2[%dma_wait3A_145, %dma_wait3A_146] : memref<10240x128xf32, #tpu.memory_space<hbm>> -> memref<10240x128xf32, #tpu.memory_space<hbm>>
        tpu.wait_indirect_dma semaphore(%arg13 : memref<!tpu.dma_semaphore, #tpu.memory_space<semaphore_mem>>) src(%dma_wait3A_147 : memref<10240x128xf32, #tpu.memory_space<hbm>>) dst(%arg8 : memref<128x128xf32, #tpu.memory_space<vmem>>)
        %dma_start3A_148 = arith.constant 0 : i32
        %dma_start3A_149 = tpu.memref_slice %arg6[%add3A_142, %dma_start3A_148] : memref<32x128xi32, #tpu.memory_space<vmem>> -> memref<1x128xi32, #tpu.memory_space<vmem>>
        %dma_start3A_150 = tpu.memref_squeeze %dma_start3A_149 : memref<1x128xi32, #tpu.memory_space<vmem>> -> memref<128xi32, #tpu.memory_space<vmem>>
        %dma_start3A_151 = arith.constant 0 : i32
        %dma_start3A_152 = arith.constant 0 : i32
        %dma_start3A_153 = tpu.memref_slice %arg2[%dma_start3A_151, %dma_start3A_152] : memref<10240x128xf32, #tpu.memory_space<hbm>> -> memref<10240x128xf32, #tpu.memory_space<hbm>>
        tpu.enqueue_indirect_dma source(%dma_start3A_153 : memref<10240x128xf32, #tpu.memory_space<hbm>>) target(%arg9 : memref<128x128xf32, #tpu.memory_space<vmem>>) offsets(%dma_start3A_150 : memref<128xi32, #tpu.memory_space<vmem>>) semaphore(%arg13 : memref<!tpu.dma_semaphore, #tpu.memory_space<semaphore_mem>>)
        %dma_start3A_154 = arith.constant 0 : i32
        %dma_start3A_155 = tpu.memref_slice %arg7[%mul3A_140, %dma_start3A_154] : memref<32x128xi32, #tpu.memory_space<vmem>> -> memref<1x128xi32, #tpu.memory_space<vmem>>
        %dma_start3A_156 = tpu.memref_squeeze %dma_start3A_155 : memref<1x128xi32, #tpu.memory_space<vmem>> -> memref<128xi32, #tpu.memory_space<vmem>>
        %dma_start3A_157 = arith.constant 0 : i32
        %dma_start3A_158 = arith.constant 0 : i32
        %dma_start3A_159 = tpu.memref_slice %arg12[%dma_start3A_157, %dma_start3A_158] : memref<10240x128xf32, #tpu.memory_space<vmem_shared>> -> memref<10240x128xf32, #tpu.memory_space<vmem_shared>>
        tpu.enqueue_indirect_dma source(%arg8 : memref<128x128xf32, #tpu.memory_space<vmem>>) target(%dma_start3A_159 : memref<10240x128xf32, #tpu.memory_space<vmem_shared>>) offsets(%dma_start3A_156 : memref<128xi32, #tpu.memory_space<vmem>>) semaphore(%arg14 : memref<!tpu.dma_semaphore, #tpu.memory_space<semaphore_mem>>) {add = true}
        %dma_wait3A_160 = arith.constant 0 : i32
        %dma_wait3A_161 = tpu.memref_slice %arg6[%add3A_142, %dma_wait3A_160] : memref<32x128xi32, #tpu.memory_space<vmem>> -> memref<1x128xi32, #tpu.memory_space<vmem>>
        %dma_wait3A_162 = tpu.memref_squeeze %dma_wait3A_161 : memref<1x128xi32, #tpu.memory_space<vmem>> -> memref<128xi32, #tpu.memory_space<vmem>>
        %dma_wait3A_163 = arith.constant 0 : i32
        %dma_wait3A_164 = arith.constant 0 : i32
        %dma_wait3A_165 = tpu.memref_slice %arg2[%dma_wait3A_163, %dma_wait3A_164] : memref<10240x128xf32, #tpu.memory_space<hbm>> -> memref<10240x128xf32, #tpu.memory_space<hbm>>
        tpu.wait_indirect_dma semaphore(%arg13 : memref<!tpu.dma_semaphore, #tpu.memory_space<semaphore_mem>>) src(%dma_wait3A_165 : memref<10240x128xf32, #tpu.memory_space<hbm>>) dst(%arg9 : memref<128x128xf32, #tpu.memory_space<vmem>>)
        %dma_wait3A_166 = arith.constant 0 : i32
        %dma_wait3A_167 = tpu.memref_slice %arg7[%mul3A_140, %dma_wait3A_166] : memref<32x128xi32, #tpu.memory_space<vmem>> -> memref<1x128xi32, #tpu.memory_space<vmem>>
        %dma_wait3A_168 = tpu.memref_squeeze %dma_wait3A_167 : memref<1x128xi32, #tpu.memory_space<vmem>> -> memref<128xi32, #tpu.memory_space<vmem>>
        %dma_wait3A_169 = arith.constant 0 : i32
        %dma_wait3A_170 = arith.constant 0 : i32
        %dma_wait3A_171 = tpu.memref_slice %arg12[%dma_wait3A_169, %dma_wait3A_170] : memref<10240x128xf32, #tpu.memory_space<vmem_shared>> -> memref<10240x128xf32, #tpu.memory_space<vmem_shared>>
        tpu.wait_indirect_dma semaphore(%arg14 : memref<!tpu.dma_semaphore, #tpu.memory_space<semaphore_mem>>) src(%arg8 : memref<128x128xf32, #tpu.memory_space<vmem>>) dst(%dma_wait3A_171 : memref<10240x128xf32, #tpu.memory_space<vmem_shared>>)
        %lt3A = arith.constant 15 : i32
        %lt3A_172 = arith.cmpi slt, %scan3A_138, %lt3A : i32
        %convert_element_type3A_173 = arith.extui %lt3A_172 : i1 to i32
        %cond3A_174 = arith.constant 0 : i32
        %cond3A_175 = arith.cmpi ne, %convert_element_type3A_173, %cond3A_174 : i32
        scf.if %cond3A_175 {
          %add3A_188 = arith.constant 2 : i32
          %add3A_189 = arith.addi %mul3A_140, %add3A_188 : i32
          %dma_start3A_190 = arith.constant 0 : i32
          %dma_start3A_191 = tpu.memref_slice %arg6[%add3A_189, %dma_start3A_190] : memref<32x128xi32, #tpu.memory_space<vmem>> -> memref<1x128xi32, #tpu.memory_space<vmem>>
          %dma_start3A_192 = tpu.memref_squeeze %dma_start3A_191 : memref<1x128xi32, #tpu.memory_space<vmem>> -> memref<128xi32, #tpu.memory_space<vmem>>
          %dma_start3A_193 = arith.constant 0 : i32
          %dma_start3A_194 = arith.constant 0 : i32
          %dma_start3A_195 = tpu.memref_slice %arg2[%dma_start3A_193, %dma_start3A_194] : memref<10240x128xf32, #tpu.memory_space<hbm>> -> memref<10240x128xf32, #tpu.memory_space<hbm>>
          tpu.enqueue_indirect_dma source(%dma_start3A_195 : memref<10240x128xf32, #tpu.memory_space<hbm>>) target(%arg8 : memref<128x128xf32, #tpu.memory_space<vmem>>) offsets(%dma_start3A_192 : memref<128xi32, #tpu.memory_space<vmem>>) semaphore(%arg13 : memref<!tpu.dma_semaphore, #tpu.memory_space<semaphore_mem>>)
        } else {
        }
        %dma_start3A_176 = arith.constant 0 : i32
        %dma_start3A_177 = tpu.memref_slice %arg7[%add3A_142, %dma_start3A_176] : memref<32x128xi32, #tpu.memory_space<vmem>> -> memref<1x128xi32, #tpu.memory_space<vmem>>
        %dma_start3A_178 = tpu.memref_squeeze %dma_start3A_177 : memref<1x128xi32, #tpu.memory_space<vmem>> -> memref<128xi32, #tpu.memory_space<vmem>>
        %dma_start3A_179 = arith.constant 0 : i32
        %dma_start3A_180 = arith.constant 0 : i32
        %dma_start3A_181 = tpu.memref_slice %arg12[%dma_start3A_179, %dma_start3A_180] : memref<10240x128xf32, #tpu.memory_space<vmem_shared>> -> memref<10240x128xf32, #tpu.memory_space<vmem_shared>>
        tpu.enqueue_indirect_dma source(%arg9 : memref<128x128xf32, #tpu.memory_space<vmem>>) target(%dma_start3A_181 : memref<10240x128xf32, #tpu.memory_space<vmem_shared>>) offsets(%dma_start3A_178 : memref<128xi32, #tpu.memory_space<vmem>>) semaphore(%arg14 : memref<!tpu.dma_semaphore, #tpu.memory_space<semaphore_mem>>) {add = true}
        %dma_wait3A_182 = arith.constant 0 : i32
        %dma_wait3A_183 = tpu.memref_slice %arg7[%add3A_142, %dma_wait3A_182] : memref<32x128xi32, #tpu.memory_space<vmem>> -> memref<1x128xi32, #tpu.memory_space<vmem>>
        %dma_wait3A_184 = tpu.memref_squeeze %dma_wait3A_183 : memref<1x128xi32, #tpu.memory_space<vmem>> -> memref<128xi32, #tpu.memory_space<vmem>>
        %dma_wait3A_185 = arith.constant 0 : i32
        %dma_wait3A_186 = arith.constant 0 : i32
        %dma_wait3A_187 = tpu.memref_slice %arg12[%dma_wait3A_185, %dma_wait3A_186] : memref<10240x128xf32, #tpu.memory_space<vmem_shared>> -> memref<10240x128xf32, #tpu.memory_space<vmem_shared>>
        tpu.wait_indirect_dma semaphore(%arg14 : memref<!tpu.dma_semaphore, #tpu.memory_space<semaphore_mem>>) src(%arg9 : memref<128x128xf32, #tpu.memory_space<vmem>>) dst(%dma_wait3A_187 : memref<10240x128xf32, #tpu.memory_space<vmem_shared>>)
      }
      %scan3A_86 = arith.constant 16 : i32
      %mul3A_87 = arith.constant 128 : i32
      %mul3A_88 = arith.muli %arg1, %mul3A_87 : i32
      %add3A_89 = arith.constant 32 : i32
      %add3A_90 = arith.addi %mul3A_88, %add3A_89 : i32
      "tpu.region"() ({
        %run_scoped3A = tpu.sem_alloc : memref<!tpu.dma_semaphore, #tpu.memory_space<semaphore_mem>>
        %dma_start3A_138 = arith.constant 0 : i32
        %dma_start3A_139 = arith.constant 0 : i32
        %dma_start3A_140 = tpu.memref_slice %arg6[%dma_start3A_138, %dma_start3A_139] : memref<32x128xi32, #tpu.memory_space<vmem>> -> memref<32x128xi32, #tpu.memory_space<vmem>>
        %dma_start3A_141 = arith.constant 0 : i32
        %dma_start3A_142 = tpu.memref_slice %arg3[%add3A_90, %dma_start3A_141] : memref<2560x128xi32, #tpu.memory_space<hbm>> -> memref<32x128xi32, #tpu.memory_space<hbm>>
        %dma_start3A_143 = arith.constant 0 : i32
        %dma_start3A_144 = arith.constant 0 : i32
        %dma_start3A_145 = tpu.memref_slice %arg6[%dma_start3A_143, %dma_start3A_144] : memref<32x128xi32, #tpu.memory_space<vmem>> -> memref<32x128xi32, #tpu.memory_space<vmem>>
        %dma_start3A_146 = arith.constant 0 : i32
        %dma_start3A_147 = tpu.memref_slice %arg3[%add3A_90, %dma_start3A_146] : memref<2560x128xi32, #tpu.memory_space<hbm>> -> memref<32x128xi32, #tpu.memory_space<hbm>>
        tpu.enqueue_dma source(%dma_start3A_147 : memref<32x128xi32, #tpu.memory_space<hbm>>) target(%dma_start3A_145 : memref<32x128xi32, #tpu.memory_space<vmem>>) target_semaphore(%run_scoped3A : memref<!tpu.dma_semaphore, #tpu.memory_space<semaphore_mem>>)
        %dma_wait3A = arith.constant 0 : i32
        %dma_wait3A_148 = arith.constant 0 : i32
        %dma_wait3A_149 = tpu.memref_slice %arg6[%dma_wait3A, %dma_wait3A_148] : memref<32x128xi32, #tpu.memory_space<vmem>> -> memref<32x128xi32, #tpu.memory_space<vmem>>
        %dma_wait3A_150 = arith.constant 0 : i32
        %dma_wait3A_151 = tpu.memref_slice %arg3[%add3A_90, %dma_wait3A_150] : memref<2560x128xi32, #tpu.memory_space<hbm>> -> memref<32x128xi32, #tpu.memory_space<hbm>>
        %dma_wait3A_152 = arith.constant 0 : i32
        %dma_wait3A_153 = arith.constant 0 : i32
        %dma_wait3A_154 = tpu.memref_slice %arg6[%dma_wait3A_152, %dma_wait3A_153] : memref<32x128xi32, #tpu.memory_space<vmem>> -> memref<32x128xi32, #tpu.memory_space<vmem>>
        %dma_wait3A_155 = arith.constant 0 : i32
        %dma_wait3A_156 = tpu.memref_slice %arg3[%add3A_90, %dma_wait3A_155] : memref<2560x128xi32, #tpu.memory_space<hbm>> -> memref<32x128xi32, #tpu.memory_space<hbm>>
        tpu.wait_dma2 semaphore(%run_scoped3A : memref<!tpu.dma_semaphore, #tpu.memory_space<semaphore_mem>>) src(%dma_wait3A_156 : memref<32x128xi32, #tpu.memory_space<hbm>>) dst(%dma_wait3A_154 : memref<32x128xi32, #tpu.memory_space<vmem>>)
        tpu.yield
      }) : () -> ()
      "tpu.region"() ({
        %run_scoped3A = tpu.sem_alloc : memref<!tpu.dma_semaphore, #tpu.memory_space<semaphore_mem>>
        %dma_start3A_138 = arith.constant 0 : i32
        %dma_start3A_139 = arith.constant 0 : i32
        %dma_start3A_140 = tpu.memref_slice %arg7[%dma_start3A_138, %dma_start3A_139] : memref<32x128xi32, #tpu.memory_space<vmem>> -> memref<32x128xi32, #tpu.memory_space<vmem>>
        %dma_start3A_141 = arith.constant 0 : i32
        %dma_start3A_142 = tpu.memref_slice %arg4[%add3A_90, %dma_start3A_141] : memref<2560x128xi32, #tpu.memory_space<hbm>> -> memref<32x128xi32, #tpu.memory_space<hbm>>
        %dma_start3A_143 = arith.constant 0 : i32
        %dma_start3A_144 = arith.constant 0 : i32
        %dma_start3A_145 = tpu.memref_slice %arg7[%dma_start3A_143, %dma_start3A_144] : memref<32x128xi32, #tpu.memory_space<vmem>> -> memref<32x128xi32, #tpu.memory_space<vmem>>
        %dma_start3A_146 = arith.constant 0 : i32
        %dma_start3A_147 = tpu.memref_slice %arg4[%add3A_90, %dma_start3A_146] : memref<2560x128xi32, #tpu.memory_space<hbm>> -> memref<32x128xi32, #tpu.memory_space<hbm>>
        tpu.enqueue_dma source(%dma_start3A_147 : memref<32x128xi32, #tpu.memory_space<hbm>>) target(%dma_start3A_145 : memref<32x128xi32, #tpu.memory_space<vmem>>) target_semaphore(%run_scoped3A : memref<!tpu.dma_semaphore, #tpu.memory_space<semaphore_mem>>)
        %dma_wait3A = arith.constant 0 : i32
        %dma_wait3A_148 = arith.constant 0 : i32
        %dma_wait3A_149 = tpu.memref_slice %arg7[%dma_wait3A, %dma_wait3A_148] : memref<32x128xi32, #tpu.memory_space<vmem>> -> memref<32x128xi32, #tpu.memory_space<vmem>>
        %dma_wait3A_150 = arith.constant 0 : i32
        %dma_wait3A_151 = tpu.memref_slice %arg4[%add3A_90, %dma_wait3A_150] : memref<2560x128xi32, #tpu.memory_space<hbm>> -> memref<32x128xi32, #tpu.memory_space<hbm>>
        %dma_wait3A_152 = arith.constant 0 : i32
        %dma_wait3A_153 = arith.constant 0 : i32
        %dma_wait3A_154 = tpu.memref_slice %arg7[%dma_wait3A_152, %dma_wait3A_153] : memref<32x128xi32, #tpu.memory_space<vmem>> -> memref<32x128xi32, #tpu.memory_space<vmem>>
        %dma_wait3A_155 = arith.constant 0 : i32
        %dma_wait3A_156 = tpu.memref_slice %arg4[%add3A_90, %dma_wait3A_155] : memref<2560x128xi32, #tpu.memory_space<hbm>> -> memref<32x128xi32, #tpu.memory_space<hbm>>
        tpu.wait_dma2 semaphore(%run_scoped3A : memref<!tpu.dma_semaphore, #tpu.memory_space<semaphore_mem>>) src(%dma_wait3A_156 : memref<32x128xi32, #tpu.memory_space<hbm>>) dst(%dma_wait3A_154 : memref<32x128xi32, #tpu.memory_space<vmem>>)
        tpu.yield
      }) : () -> ()
      %dma_start3A_91 = arith.constant 0 : i32
      %dma_start3A_92 = arith.constant 0 : i32
      %dma_start3A_93 = tpu.memref_slice %arg6[%dma_start3A_91, %dma_start3A_92] : memref<32x128xi32, #tpu.memory_space<vmem>> -> memref<1x128xi32, #tpu.memory_space<vmem>>
      %dma_start3A_94 = tpu.memref_squeeze %dma_start3A_93 : memref<1x128xi32, #tpu.memory_space<vmem>> -> memref<128xi32, #tpu.memory_space<vmem>>
      %dma_start3A_95 = arith.constant 0 : i32
      %dma_start3A_96 = arith.constant 0 : i32
      %dma_start3A_97 = tpu.memref_slice %arg2[%dma_start3A_95, %dma_start3A_96] : memref<10240x128xf32, #tpu.memory_space<hbm>> -> memref<10240x128xf32, #tpu.memory_space<hbm>>
      tpu.enqueue_indirect_dma source(%dma_start3A_97 : memref<10240x128xf32, #tpu.memory_space<hbm>>) target(%arg8 : memref<128x128xf32, #tpu.memory_space<vmem>>) offsets(%dma_start3A_94 : memref<128xi32, #tpu.memory_space<vmem>>) semaphore(%arg13 : memref<!tpu.dma_semaphore, #tpu.memory_space<semaphore_mem>>)
      %scan3A_98 = arith.constant 0 : i32
      %scan3A_99 = arith.constant 0 : i32
      %scan3A_100 = arith.constant 16 : i32
      %scan3A_101 = arith.addi %scan3A_99, %scan3A_100 : i32
      %scan3A_102 = arith.constant 1 : i32
      scf.for %scan3A_138 = %scan3A_99 to %scan3A_101 step %scan3A_102  : i32 {
        %mul3A_139 = arith.constant 2 : i32
        %mul3A_140 = arith.muli %mul3A_139, %scan3A_138 : i32
        %add3A_141 = arith.constant 1 : i32
        %add3A_142 = arith.addi %mul3A_140, %add3A_141 : i32
        %dma_wait3A = arith.constant 0 : i32
        %dma_wait3A_143 = tpu.memref_slice %arg6[%mul3A_140, %dma_wait3A] : memref<32x128xi32, #tpu.memory_space<vmem>> -> memref<1x128xi32, #tpu.memory_space<vmem>>
        %dma_wait3A_144 = tpu.memref_squeeze %dma_wait3A_143 : memref<1x128xi32, #tpu.memory_space<vmem>> -> memref<128xi32, #tpu.memory_space<vmem>>
        %dma_wait3A_145 = arith.constant 0 : i32
        %dma_wait3A_146 = arith.constant 0 : i32
        %dma_wait3A_147 = tpu.memref_slice %arg2[%dma_wait3A_145, %dma_wait3A_146] : memref<10240x128xf32, #tpu.memory_space<hbm>> -> memref<10240x128xf32, #tpu.memory_space<hbm>>
        tpu.wait_indirect_dma semaphore(%arg13 : memref<!tpu.dma_semaphore, #tpu.memory_space<semaphore_mem>>) src(%dma_wait3A_147 : memref<10240x128xf32, #tpu.memory_space<hbm>>) dst(%arg8 : memref<128x128xf32, #tpu.memory_space<vmem>>)
        %dma_start3A_148 = arith.constant 0 : i32
        %dma_start3A_149 = tpu.memref_slice %arg6[%add3A_142, %dma_start3A_148] : memref<32x128xi32, #tpu.memory_space<vmem>> -> memref<1x128xi32, #tpu.memory_space<vmem>>
        %dma_start3A_150 = tpu.memref_squeeze %dma_start3A_149 : memref<1x128xi32, #tpu.memory_space<vmem>> -> memref<128xi32, #tpu.memory_space<vmem>>
        %dma_start3A_151 = arith.constant 0 : i32
        %dma_start3A_152 = arith.constant 0 : i32
        %dma_start3A_153 = tpu.memref_slice %arg2[%dma_start3A_151, %dma_start3A_152] : memref<10240x128xf32, #tpu.memory_space<hbm>> -> memref<10240x128xf32, #tpu.memory_space<hbm>>
        tpu.enqueue_indirect_dma source(%dma_start3A_153 : memref<10240x128xf32, #tpu.memory_space<hbm>>) target(%arg9 : memref<128x128xf32, #tpu.memory_space<vmem>>) offsets(%dma_start3A_150 : memref<128xi32, #tpu.memory_space<vmem>>) semaphore(%arg13 : memref<!tpu.dma_semaphore, #tpu.memory_space<semaphore_mem>>)
        %dma_start3A_154 = arith.constant 0 : i32
        %dma_start3A_155 = tpu.memref_slice %arg7[%mul3A_140, %dma_start3A_154] : memref<32x128xi32, #tpu.memory_space<vmem>> -> memref<1x128xi32, #tpu.memory_space<vmem>>
        %dma_start3A_156 = tpu.memref_squeeze %dma_start3A_155 : memref<1x128xi32, #tpu.memory_space<vmem>> -> memref<128xi32, #tpu.memory_space<vmem>>
        %dma_start3A_157 = arith.constant 0 : i32
        %dma_start3A_158 = arith.constant 0 : i32
        %dma_start3A_159 = tpu.memref_slice %arg12[%dma_start3A_157, %dma_start3A_158] : memref<10240x128xf32, #tpu.memory_space<vmem_shared>> -> memref<10240x128xf32, #tpu.memory_space<vmem_shared>>
        tpu.enqueue_indirect_dma source(%arg8 : memref<128x128xf32, #tpu.memory_space<vmem>>) target(%dma_start3A_159 : memref<10240x128xf32, #tpu.memory_space<vmem_shared>>) offsets(%dma_start3A_156 : memref<128xi32, #tpu.memory_space<vmem>>) semaphore(%arg14 : memref<!tpu.dma_semaphore, #tpu.memory_space<semaphore_mem>>) {add = true}
        %dma_wait3A_160 = arith.constant 0 : i32
        %dma_wait3A_161 = tpu.memref_slice %arg6[%add3A_142, %dma_wait3A_160] : memref<32x128xi32, #tpu.memory_space<vmem>> -> memref<1x128xi32, #tpu.memory_space<vmem>>
        %dma_wait3A_162 = tpu.memref_squeeze %dma_wait3A_161 : memref<1x128xi32, #tpu.memory_space<vmem>> -> memref<128xi32, #tpu.memory_space<vmem>>
        %dma_wait3A_163 = arith.constant 0 : i32
        %dma_wait3A_164 = arith.constant 0 : i32
        %dma_wait3A_165 = tpu.memref_slice %arg2[%dma_wait3A_163, %dma_wait3A_164] : memref<10240x128xf32, #tpu.memory_space<hbm>> -> memref<10240x128xf32, #tpu.memory_space<hbm>>
        tpu.wait_indirect_dma semaphore(%arg13 : memref<!tpu.dma_semaphore, #tpu.memory_space<semaphore_mem>>) src(%dma_wait3A_165 : memref<10240x128xf32, #tpu.memory_space<hbm>>) dst(%arg9 : memref<128x128xf32, #tpu.memory_space<vmem>>)
        %dma_wait3A_166 = arith.constant 0 : i32
        %dma_wait3A_167 = tpu.memref_slice %arg7[%mul3A_140, %dma_wait3A_166] : memref<32x128xi32, #tpu.memory_space<vmem>> -> memref<1x128xi32, #tpu.memory_space<vmem>>
        %dma_wait3A_168 = tpu.memref_squeeze %dma_wait3A_167 : memref<1x128xi32, #tpu.memory_space<vmem>> -> memref<128xi32, #tpu.memory_space<vmem>>
        %dma_wait3A_169 = arith.constant 0 : i32
        %dma_wait3A_170 = arith.constant 0 : i32
        %dma_wait3A_171 = tpu.memref_slice %arg12[%dma_wait3A_169, %dma_wait3A_170] : memref<10240x128xf32, #tpu.memory_space<vmem_shared>> -> memref<10240x128xf32, #tpu.memory_space<vmem_shared>>
        tpu.wait_indirect_dma semaphore(%arg14 : memref<!tpu.dma_semaphore, #tpu.memory_space<semaphore_mem>>) src(%arg8 : memref<128x128xf32, #tpu.memory_space<vmem>>) dst(%dma_wait3A_171 : memref<10240x128xf32, #tpu.memory_space<vmem_shared>>)
        %lt3A = arith.constant 15 : i32
        %lt3A_172 = arith.cmpi slt, %scan3A_138, %lt3A : i32
        %convert_element_type3A_173 = arith.extui %lt3A_172 : i1 to i32
        %cond3A_174 = arith.constant 0 : i32
        %cond3A_175 = arith.cmpi ne, %convert_element_type3A_173, %cond3A_174 : i32
        scf.if %cond3A_175 {
          %add3A_188 = arith.constant 2 : i32
          %add3A_189 = arith.addi %mul3A_140, %add3A_188 : i32
          %dma_start3A_190 = arith.constant 0 : i32
          %dma_start3A_191 = tpu.memref_slice %arg6[%add3A_189, %dma_start3A_190] : memref<32x128xi32, #tpu.memory_space<vmem>> -> memref<1x128xi32, #tpu.memory_space<vmem>>
          %dma_start3A_192 = tpu.memref_squeeze %dma_start3A_191 : memref<1x128xi32, #tpu.memory_space<vmem>> -> memref<128xi32, #tpu.memory_space<vmem>>
          %dma_start3A_193 = arith.constant 0 : i32
          %dma_start3A_194 = arith.constant 0 : i32
          %dma_start3A_195 = tpu.memref_slice %arg2[%dma_start3A_193, %dma_start3A_194] : memref<10240x128xf32, #tpu.memory_space<hbm>> -> memref<10240x128xf32, #tpu.memory_space<hbm>>
          tpu.enqueue_indirect_dma source(%dma_start3A_195 : memref<10240x128xf32, #tpu.memory_space<hbm>>) target(%arg8 : memref<128x128xf32, #tpu.memory_space<vmem>>) offsets(%dma_start3A_192 : memref<128xi32, #tpu.memory_space<vmem>>) semaphore(%arg13 : memref<!tpu.dma_semaphore, #tpu.memory_space<semaphore_mem>>)
        } else {
        }
        %dma_start3A_176 = arith.constant 0 : i32
        %dma_start3A_177 = tpu.memref_slice %arg7[%add3A_142, %dma_start3A_176] : memref<32x128xi32, #tpu.memory_space<vmem>> -> memref<1x128xi32, #tpu.memory_space<vmem>>
        %dma_start3A_178 = tpu.memref_squeeze %dma_start3A_177 : memref<1x128xi32, #tpu.memory_space<vmem>> -> memref<128xi32, #tpu.memory_space<vmem>>
        %dma_start3A_179 = arith.constant 0 : i32
        %dma_start3A_180 = arith.constant 0 : i32
        %dma_start3A_181 = tpu.memref_slice %arg12[%dma_start3A_179, %dma_start3A_180] : memref<10240x128xf32, #tpu.memory_space<vmem_shared>> -> memref<10240x128xf32, #tpu.memory_space<vmem_shared>>
        tpu.enqueue_indirect_dma source(%arg9 : memref<128x128xf32, #tpu.memory_space<vmem>>) target(%dma_start3A_181 : memref<10240x128xf32, #tpu.memory_space<vmem_shared>>) offsets(%dma_start3A_178 : memref<128xi32, #tpu.memory_space<vmem>>) semaphore(%arg14 : memref<!tpu.dma_semaphore, #tpu.memory_space<semaphore_mem>>) {add = true}
        %dma_wait3A_182 = arith.constant 0 : i32
        %dma_wait3A_183 = tpu.memref_slice %arg7[%add3A_142, %dma_wait3A_182] : memref<32x128xi32, #tpu.memory_space<vmem>> -> memref<1x128xi32, #tpu.memory_space<vmem>>
        %dma_wait3A_184 = tpu.memref_squeeze %dma_wait3A_183 : memref<1x128xi32, #tpu.memory_space<vmem>> -> memref<128xi32, #tpu.memory_space<vmem>>
        %dma_wait3A_185 = arith.constant 0 : i32
        %dma_wait3A_186 = arith.constant 0 : i32
        %dma_wait3A_187 = tpu.memref_slice %arg12[%dma_wait3A_185, %dma_wait3A_186] : memref<10240x128xf32, #tpu.memory_space<vmem_shared>> -> memref<10240x128xf32, #tpu.memory_space<vmem_shared>>
        tpu.wait_indirect_dma semaphore(%arg14 : memref<!tpu.dma_semaphore, #tpu.memory_space<semaphore_mem>>) src(%arg9 : memref<128x128xf32, #tpu.memory_space<vmem>>) dst(%dma_wait3A_187 : memref<10240x128xf32, #tpu.memory_space<vmem_shared>>)
      }
      %scan3A_103 = arith.constant 16 : i32
      %mul3A_104 = arith.constant 128 : i32
      %mul3A_105 = arith.muli %arg1, %mul3A_104 : i32
      %add3A_106 = arith.constant 64 : i32
      %add3A_107 = arith.addi %mul3A_105, %add3A_106 : i32
      "tpu.region"() ({
        %run_scoped3A = tpu.sem_alloc : memref<!tpu.dma_semaphore, #tpu.memory_space<semaphore_mem>>
        %dma_start3A_138 = arith.constant 0 : i32
        %dma_start3A_139 = arith.constant 0 : i32
        %dma_start3A_140 = tpu.memref_slice %arg6[%dma_start3A_138, %dma_start3A_139] : memref<32x128xi32, #tpu.memory_space<vmem>> -> memref<32x128xi32, #tpu.memory_space<vmem>>
        %dma_start3A_141 = arith.constant 0 : i32
        %dma_start3A_142 = tpu.memref_slice %arg3[%add3A_107, %dma_start3A_141] : memref<2560x128xi32, #tpu.memory_space<hbm>> -> memref<32x128xi32, #tpu.memory_space<hbm>>
        %dma_start3A_143 = arith.constant 0 : i32
        %dma_start3A_144 = arith.constant 0 : i32
        %dma_start3A_145 = tpu.memref_slice %arg6[%dma_start3A_143, %dma_start3A_144] : memref<32x128xi32, #tpu.memory_space<vmem>> -> memref<32x128xi32, #tpu.memory_space<vmem>>
        %dma_start3A_146 = arith.constant 0 : i32
        %dma_start3A_147 = tpu.memref_slice %arg3[%add3A_107, %dma_start3A_146] : memref<2560x128xi32, #tpu.memory_space<hbm>> -> memref<32x128xi32, #tpu.memory_space<hbm>>
        tpu.enqueue_dma source(%dma_start3A_147 : memref<32x128xi32, #tpu.memory_space<hbm>>) target(%dma_start3A_145 : memref<32x128xi32, #tpu.memory_space<vmem>>) target_semaphore(%run_scoped3A : memref<!tpu.dma_semaphore, #tpu.memory_space<semaphore_mem>>)
        %dma_wait3A = arith.constant 0 : i32
        %dma_wait3A_148 = arith.constant 0 : i32
        %dma_wait3A_149 = tpu.memref_slice %arg6[%dma_wait3A, %dma_wait3A_148] : memref<32x128xi32, #tpu.memory_space<vmem>> -> memref<32x128xi32, #tpu.memory_space<vmem>>
        %dma_wait3A_150 = arith.constant 0 : i32
        %dma_wait3A_151 = tpu.memref_slice %arg3[%add3A_107, %dma_wait3A_150] : memref<2560x128xi32, #tpu.memory_space<hbm>> -> memref<32x128xi32, #tpu.memory_space<hbm>>
        %dma_wait3A_152 = arith.constant 0 : i32
        %dma_wait3A_153 = arith.constant 0 : i32
        %dma_wait3A_154 = tpu.memref_slice %arg6[%dma_wait3A_152, %dma_wait3A_153] : memref<32x128xi32, #tpu.memory_space<vmem>> -> memref<32x128xi32, #tpu.memory_space<vmem>>
        %dma_wait3A_155 = arith.constant 0 : i32
        %dma_wait3A_156 = tpu.memref_slice %arg3[%add3A_107, %dma_wait3A_155] : memref<2560x128xi32, #tpu.memory_space<hbm>> -> memref<32x128xi32, #tpu.memory_space<hbm>>
        tpu.wait_dma2 semaphore(%run_scoped3A : memref<!tpu.dma_semaphore, #tpu.memory_space<semaphore_mem>>) src(%dma_wait3A_156 : memref<32x128xi32, #tpu.memory_space<hbm>>) dst(%dma_wait3A_154 : memref<32x128xi32, #tpu.memory_space<vmem>>)
        tpu.yield
      }) : () -> ()
      "tpu.region"() ({
        %run_scoped3A = tpu.sem_alloc : memref<!tpu.dma_semaphore, #tpu.memory_space<semaphore_mem>>
        %dma_start3A_138 = arith.constant 0 : i32
        %dma_start3A_139 = arith.constant 0 : i32
        %dma_start3A_140 = tpu.memref_slice %arg7[%dma_start3A_138, %dma_start3A_139] : memref<32x128xi32, #tpu.memory_space<vmem>> -> memref<32x128xi32, #tpu.memory_space<vmem>>
        %dma_start3A_141 = arith.constant 0 : i32
        %dma_start3A_142 = tpu.memref_slice %arg4[%add3A_107, %dma_start3A_141] : memref<2560x128xi32, #tpu.memory_space<hbm>> -> memref<32x128xi32, #tpu.memory_space<hbm>>
        %dma_start3A_143 = arith.constant 0 : i32
        %dma_start3A_144 = arith.constant 0 : i32
        %dma_start3A_145 = tpu.memref_slice %arg7[%dma_start3A_143, %dma_start3A_144] : memref<32x128xi32, #tpu.memory_space<vmem>> -> memref<32x128xi32, #tpu.memory_space<vmem>>
        %dma_start3A_146 = arith.constant 0 : i32
        %dma_start3A_147 = tpu.memref_slice %arg4[%add3A_107, %dma_start3A_146] : memref<2560x128xi32, #tpu.memory_space<hbm>> -> memref<32x128xi32, #tpu.memory_space<hbm>>
        tpu.enqueue_dma source(%dma_start3A_147 : memref<32x128xi32, #tpu.memory_space<hbm>>) target(%dma_start3A_145 : memref<32x128xi32, #tpu.memory_space<vmem>>) target_semaphore(%run_scoped3A : memref<!tpu.dma_semaphore, #tpu.memory_space<semaphore_mem>>)
        %dma_wait3A = arith.constant 0 : i32
        %dma_wait3A_148 = arith.constant 0 : i32
        %dma_wait3A_149 = tpu.memref_slice %arg7[%dma_wait3A, %dma_wait3A_148] : memref<32x128xi32, #tpu.memory_space<vmem>> -> memref<32x128xi32, #tpu.memory_space<vmem>>
        %dma_wait3A_150 = arith.constant 0 : i32
        %dma_wait3A_151 = tpu.memref_slice %arg4[%add3A_107, %dma_wait3A_150] : memref<2560x128xi32, #tpu.memory_space<hbm>> -> memref<32x128xi32, #tpu.memory_space<hbm>>
        %dma_wait3A_152 = arith.constant 0 : i32
        %dma_wait3A_153 = arith.constant 0 : i32
        %dma_wait3A_154 = tpu.memref_slice %arg7[%dma_wait3A_152, %dma_wait3A_153] : memref<32x128xi32, #tpu.memory_space<vmem>> -> memref<32x128xi32, #tpu.memory_space<vmem>>
        %dma_wait3A_155 = arith.constant 0 : i32
        %dma_wait3A_156 = tpu.memref_slice %arg4[%add3A_107, %dma_wait3A_155] : memref<2560x128xi32, #tpu.memory_space<hbm>> -> memref<32x128xi32, #tpu.memory_space<hbm>>
        tpu.wait_dma2 semaphore(%run_scoped3A : memref<!tpu.dma_semaphore, #tpu.memory_space<semaphore_mem>>) src(%dma_wait3A_156 : memref<32x128xi32, #tpu.memory_space<hbm>>) dst(%dma_wait3A_154 : memref<32x128xi32, #tpu.memory_space<vmem>>)
        tpu.yield
      }) : () -> ()
      %dma_start3A_108 = arith.constant 0 : i32
      %dma_start3A_109 = arith.constant 0 : i32
      %dma_start3A_110 = tpu.memref_slice %arg6[%dma_start3A_108, %dma_start3A_109] : memref<32x128xi32, #tpu.memory_space<vmem>> -> memref<1x128xi32, #tpu.memory_space<vmem>>
      %dma_start3A_111 = tpu.memref_squeeze %dma_start3A_110 : memref<1x128xi32, #tpu.memory_space<vmem>> -> memref<128xi32, #tpu.memory_space<vmem>>
      %dma_start3A_112 = arith.constant 0 : i32
      %dma_start3A_113 = arith.constant 0 : i32
      %dma_start3A_114 = tpu.memref_slice %arg2[%dma_start3A_112, %dma_start3A_113] : memref<10240x128xf32, #tpu.memory_space<hbm>> -> memref<10240x128xf32, #tpu.memory_space<hbm>>
      tpu.enqueue_indirect_dma source(%dma_start3A_114 : memref<10240x128xf32, #tpu.memory_space<hbm>>) target(%arg8 : memref<128x128xf32, #tpu.memory_space<vmem>>) offsets(%dma_start3A_111 : memref<128xi32, #tpu.memory_space<vmem>>) semaphore(%arg13 : memref<!tpu.dma_semaphore, #tpu.memory_space<semaphore_mem>>)
      %scan3A_115 = arith.constant 0 : i32
      %scan3A_116 = arith.constant 0 : i32
      %scan3A_117 = arith.constant 16 : i32
      %scan3A_118 = arith.addi %scan3A_116, %scan3A_117 : i32
      %scan3A_119 = arith.constant 1 : i32
      scf.for %scan3A_138 = %scan3A_116 to %scan3A_118 step %scan3A_119  : i32 {
        %mul3A_139 = arith.constant 2 : i32
        %mul3A_140 = arith.muli %mul3A_139, %scan3A_138 : i32
        %add3A_141 = arith.constant 1 : i32
        %add3A_142 = arith.addi %mul3A_140, %add3A_141 : i32
        %dma_wait3A = arith.constant 0 : i32
        %dma_wait3A_143 = tpu.memref_slice %arg6[%mul3A_140, %dma_wait3A] : memref<32x128xi32, #tpu.memory_space<vmem>> -> memref<1x128xi32, #tpu.memory_space<vmem>>
        %dma_wait3A_144 = tpu.memref_squeeze %dma_wait3A_143 : memref<1x128xi32, #tpu.memory_space<vmem>> -> memref<128xi32, #tpu.memory_space<vmem>>
        %dma_wait3A_145 = arith.constant 0 : i32
        %dma_wait3A_146 = arith.constant 0 : i32
        %dma_wait3A_147 = tpu.memref_slice %arg2[%dma_wait3A_145, %dma_wait3A_146] : memref<10240x128xf32, #tpu.memory_space<hbm>> -> memref<10240x128xf32, #tpu.memory_space<hbm>>
        tpu.wait_indirect_dma semaphore(%arg13 : memref<!tpu.dma_semaphore, #tpu.memory_space<semaphore_mem>>) src(%dma_wait3A_147 : memref<10240x128xf32, #tpu.memory_space<hbm>>) dst(%arg8 : memref<128x128xf32, #tpu.memory_space<vmem>>)
        %dma_start3A_148 = arith.constant 0 : i32
        %dma_start3A_149 = tpu.memref_slice %arg6[%add3A_142, %dma_start3A_148] : memref<32x128xi32, #tpu.memory_space<vmem>> -> memref<1x128xi32, #tpu.memory_space<vmem>>
        %dma_start3A_150 = tpu.memref_squeeze %dma_start3A_149 : memref<1x128xi32, #tpu.memory_space<vmem>> -> memref<128xi32, #tpu.memory_space<vmem>>
        %dma_start3A_151 = arith.constant 0 : i32
        %dma_start3A_152 = arith.constant 0 : i32
        %dma_start3A_153 = tpu.memref_slice %arg2[%dma_start3A_151, %dma_start3A_152] : memref<10240x128xf32, #tpu.memory_space<hbm>> -> memref<10240x128xf32, #tpu.memory_space<hbm>>
        tpu.enqueue_indirect_dma source(%dma_start3A_153 : memref<10240x128xf32, #tpu.memory_space<hbm>>) target(%arg9 : memref<128x128xf32, #tpu.memory_space<vmem>>) offsets(%dma_start3A_150 : memref<128xi32, #tpu.memory_space<vmem>>) semaphore(%arg13 : memref<!tpu.dma_semaphore, #tpu.memory_space<semaphore_mem>>)
        %dma_start3A_154 = arith.constant 0 : i32
        %dma_start3A_155 = tpu.memref_slice %arg7[%mul3A_140, %dma_start3A_154] : memref<32x128xi32, #tpu.memory_space<vmem>> -> memref<1x128xi32, #tpu.memory_space<vmem>>
        %dma_start3A_156 = tpu.memref_squeeze %dma_start3A_155 : memref<1x128xi32, #tpu.memory_space<vmem>> -> memref<128xi32, #tpu.memory_space<vmem>>
        %dma_start3A_157 = arith.constant 0 : i32
        %dma_start3A_158 = arith.constant 0 : i32
        %dma_start3A_159 = tpu.memref_slice %arg12[%dma_start3A_157, %dma_start3A_158] : memref<10240x128xf32, #tpu.memory_space<vmem_shared>> -> memref<10240x128xf32, #tpu.memory_space<vmem_shared>>
        tpu.enqueue_indirect_dma source(%arg8 : memref<128x128xf32, #tpu.memory_space<vmem>>) target(%dma_start3A_159 : memref<10240x128xf32, #tpu.memory_space<vmem_shared>>) offsets(%dma_start3A_156 : memref<128xi32, #tpu.memory_space<vmem>>) semaphore(%arg14 : memref<!tpu.dma_semaphore, #tpu.memory_space<semaphore_mem>>) {add = true}
        %dma_wait3A_160 = arith.constant 0 : i32
        %dma_wait3A_161 = tpu.memref_slice %arg6[%add3A_142, %dma_wait3A_160] : memref<32x128xi32, #tpu.memory_space<vmem>> -> memref<1x128xi32, #tpu.memory_space<vmem>>
        %dma_wait3A_162 = tpu.memref_squeeze %dma_wait3A_161 : memref<1x128xi32, #tpu.memory_space<vmem>> -> memref<128xi32, #tpu.memory_space<vmem>>
        %dma_wait3A_163 = arith.constant 0 : i32
        %dma_wait3A_164 = arith.constant 0 : i32
        %dma_wait3A_165 = tpu.memref_slice %arg2[%dma_wait3A_163, %dma_wait3A_164] : memref<10240x128xf32, #tpu.memory_space<hbm>> -> memref<10240x128xf32, #tpu.memory_space<hbm>>
        tpu.wait_indirect_dma semaphore(%arg13 : memref<!tpu.dma_semaphore, #tpu.memory_space<semaphore_mem>>) src(%dma_wait3A_165 : memref<10240x128xf32, #tpu.memory_space<hbm>>) dst(%arg9 : memref<128x128xf32, #tpu.memory_space<vmem>>)
        %dma_wait3A_166 = arith.constant 0 : i32
        %dma_wait3A_167 = tpu.memref_slice %arg7[%mul3A_140, %dma_wait3A_166] : memref<32x128xi32, #tpu.memory_space<vmem>> -> memref<1x128xi32, #tpu.memory_space<vmem>>
        %dma_wait3A_168 = tpu.memref_squeeze %dma_wait3A_167 : memref<1x128xi32, #tpu.memory_space<vmem>> -> memref<128xi32, #tpu.memory_space<vmem>>
        %dma_wait3A_169 = arith.constant 0 : i32
        %dma_wait3A_170 = arith.constant 0 : i32
        %dma_wait3A_171 = tpu.memref_slice %arg12[%dma_wait3A_169, %dma_wait3A_170] : memref<10240x128xf32, #tpu.memory_space<vmem_shared>> -> memref<10240x128xf32, #tpu.memory_space<vmem_shared>>
        tpu.wait_indirect_dma semaphore(%arg14 : memref<!tpu.dma_semaphore, #tpu.memory_space<semaphore_mem>>) src(%arg8 : memref<128x128xf32, #tpu.memory_space<vmem>>) dst(%dma_wait3A_171 : memref<10240x128xf32, #tpu.memory_space<vmem_shared>>)
        %lt3A = arith.constant 15 : i32
        %lt3A_172 = arith.cmpi slt, %scan3A_138, %lt3A : i32
        %convert_element_type3A_173 = arith.extui %lt3A_172 : i1 to i32
        %cond3A_174 = arith.constant 0 : i32
        %cond3A_175 = arith.cmpi ne, %convert_element_type3A_173, %cond3A_174 : i32
        scf.if %cond3A_175 {
          %add3A_188 = arith.constant 2 : i32
          %add3A_189 = arith.addi %mul3A_140, %add3A_188 : i32
          %dma_start3A_190 = arith.constant 0 : i32
          %dma_start3A_191 = tpu.memref_slice %arg6[%add3A_189, %dma_start3A_190] : memref<32x128xi32, #tpu.memory_space<vmem>> -> memref<1x128xi32, #tpu.memory_space<vmem>>
          %dma_start3A_192 = tpu.memref_squeeze %dma_start3A_191 : memref<1x128xi32, #tpu.memory_space<vmem>> -> memref<128xi32, #tpu.memory_space<vmem>>
          %dma_start3A_193 = arith.constant 0 : i32
          %dma_start3A_194 = arith.constant 0 : i32
          %dma_start3A_195 = tpu.memref_slice %arg2[%dma_start3A_193, %dma_start3A_194] : memref<10240x128xf32, #tpu.memory_space<hbm>> -> memref<10240x128xf32, #tpu.memory_space<hbm>>
          tpu.enqueue_indirect_dma source(%dma_start3A_195 : memref<10240x128xf32, #tpu.memory_space<hbm>>) target(%arg8 : memref<128x128xf32, #tpu.memory_space<vmem>>) offsets(%dma_start3A_192 : memref<128xi32, #tpu.memory_space<vmem>>) semaphore(%arg13 : memref<!tpu.dma_semaphore, #tpu.memory_space<semaphore_mem>>)
        } else {
        }
        %dma_start3A_176 = arith.constant 0 : i32
        %dma_start3A_177 = tpu.memref_slice %arg7[%add3A_142, %dma_start3A_176] : memref<32x128xi32, #tpu.memory_space<vmem>> -> memref<1x128xi32, #tpu.memory_space<vmem>>
        %dma_start3A_178 = tpu.memref_squeeze %dma_start3A_177 : memref<1x128xi32, #tpu.memory_space<vmem>> -> memref<128xi32, #tpu.memory_space<vmem>>
        %dma_start3A_179 = arith.constant 0 : i32
        %dma_start3A_180 = arith.constant 0 : i32
        %dma_start3A_181 = tpu.memref_slice %arg12[%dma_start3A_179, %dma_start3A_180] : memref<10240x128xf32, #tpu.memory_space<vmem_shared>> -> memref<10240x128xf32, #tpu.memory_space<vmem_shared>>
        tpu.enqueue_indirect_dma source(%arg9 : memref<128x128xf32, #tpu.memory_space<vmem>>) target(%dma_start3A_181 : memref<10240x128xf32, #tpu.memory_space<vmem_shared>>) offsets(%dma_start3A_178 : memref<128xi32, #tpu.memory_space<vmem>>) semaphore(%arg14 : memref<!tpu.dma_semaphore, #tpu.memory_space<semaphore_mem>>) {add = true}
        %dma_wait3A_182 = arith.constant 0 : i32
        %dma_wait3A_183 = tpu.memref_slice %arg7[%add3A_142, %dma_wait3A_182] : memref<32x128xi32, #tpu.memory_space<vmem>> -> memref<1x128xi32, #tpu.memory_space<vmem>>
        %dma_wait3A_184 = tpu.memref_squeeze %dma_wait3A_183 : memref<1x128xi32, #tpu.memory_space<vmem>> -> memref<128xi32, #tpu.memory_space<vmem>>
        %dma_wait3A_185 = arith.constant 0 : i32
        %dma_wait3A_186 = arith.constant 0 : i32
        %dma_wait3A_187 = tpu.memref_slice %arg12[%dma_wait3A_185, %dma_wait3A_186] : memref<10240x128xf32, #tpu.memory_space<vmem_shared>> -> memref<10240x128xf32, #tpu.memory_space<vmem_shared>>
        tpu.wait_indirect_dma semaphore(%arg14 : memref<!tpu.dma_semaphore, #tpu.memory_space<semaphore_mem>>) src(%arg9 : memref<128x128xf32, #tpu.memory_space<vmem>>) dst(%dma_wait3A_187 : memref<10240x128xf32, #tpu.memory_space<vmem_shared>>)
      }
      %scan3A_120 = arith.constant 16 : i32
      %mul3A_121 = arith.constant 128 : i32
      %mul3A_122 = arith.muli %arg1, %mul3A_121 : i32
      %add3A_123 = arith.constant 96 : i32
      %add3A_124 = arith.addi %mul3A_122, %add3A_123 : i32
      "tpu.region"() ({
        %run_scoped3A = tpu.sem_alloc : memref<!tpu.dma_semaphore, #tpu.memory_space<semaphore_mem>>
        %dma_start3A_138 = arith.constant 0 : i32
        %dma_start3A_139 = arith.constant 0 : i32
        %dma_start3A_140 = tpu.memref_slice %arg6[%dma_start3A_138, %dma_start3A_139] : memref<32x128xi32, #tpu.memory_space<vmem>> -> memref<32x128xi32, #tpu.memory_space<vmem>>
        %dma_start3A_141 = arith.constant 0 : i32
        %dma_start3A_142 = tpu.memref_slice %arg3[%add3A_124, %dma_start3A_141] : memref<2560x128xi32, #tpu.memory_space<hbm>> -> memref<32x128xi32, #tpu.memory_space<hbm>>
        %dma_start3A_143 = arith.constant 0 : i32
        %dma_start3A_144 = arith.constant 0 : i32
        %dma_start3A_145 = tpu.memref_slice %arg6[%dma_start3A_143, %dma_start3A_144] : memref<32x128xi32, #tpu.memory_space<vmem>> -> memref<32x128xi32, #tpu.memory_space<vmem>>
        %dma_start3A_146 = arith.constant 0 : i32
        %dma_start3A_147 = tpu.memref_slice %arg3[%add3A_124, %dma_start3A_146] : memref<2560x128xi32, #tpu.memory_space<hbm>> -> memref<32x128xi32, #tpu.memory_space<hbm>>
        tpu.enqueue_dma source(%dma_start3A_147 : memref<32x128xi32, #tpu.memory_space<hbm>>) target(%dma_start3A_145 : memref<32x128xi32, #tpu.memory_space<vmem>>) target_semaphore(%run_scoped3A : memref<!tpu.dma_semaphore, #tpu.memory_space<semaphore_mem>>)
        %dma_wait3A = arith.constant 0 : i32
        %dma_wait3A_148 = arith.constant 0 : i32
        %dma_wait3A_149 = tpu.memref_slice %arg6[%dma_wait3A, %dma_wait3A_148] : memref<32x128xi32, #tpu.memory_space<vmem>> -> memref<32x128xi32, #tpu.memory_space<vmem>>
        %dma_wait3A_150 = arith.constant 0 : i32
        %dma_wait3A_151 = tpu.memref_slice %arg3[%add3A_124, %dma_wait3A_150] : memref<2560x128xi32, #tpu.memory_space<hbm>> -> memref<32x128xi32, #tpu.memory_space<hbm>>
        %dma_wait3A_152 = arith.constant 0 : i32
        %dma_wait3A_153 = arith.constant 0 : i32
        %dma_wait3A_154 = tpu.memref_slice %arg6[%dma_wait3A_152, %dma_wait3A_153] : memref<32x128xi32, #tpu.memory_space<vmem>> -> memref<32x128xi32, #tpu.memory_space<vmem>>
        %dma_wait3A_155 = arith.constant 0 : i32
        %dma_wait3A_156 = tpu.memref_slice %arg3[%add3A_124, %dma_wait3A_155] : memref<2560x128xi32, #tpu.memory_space<hbm>> -> memref<32x128xi32, #tpu.memory_space<hbm>>
        tpu.wait_dma2 semaphore(%run_scoped3A : memref<!tpu.dma_semaphore, #tpu.memory_space<semaphore_mem>>) src(%dma_wait3A_156 : memref<32x128xi32, #tpu.memory_space<hbm>>) dst(%dma_wait3A_154 : memref<32x128xi32, #tpu.memory_space<vmem>>)
        tpu.yield
      }) : () -> ()
      "tpu.region"() ({
        %run_scoped3A = tpu.sem_alloc : memref<!tpu.dma_semaphore, #tpu.memory_space<semaphore_mem>>
        %dma_start3A_138 = arith.constant 0 : i32
        %dma_start3A_139 = arith.constant 0 : i32
        %dma_start3A_140 = tpu.memref_slice %arg7[%dma_start3A_138, %dma_start3A_139] : memref<32x128xi32, #tpu.memory_space<vmem>> -> memref<32x128xi32, #tpu.memory_space<vmem>>
        %dma_start3A_141 = arith.constant 0 : i32
        %dma_start3A_142 = tpu.memref_slice %arg4[%add3A_124, %dma_start3A_141] : memref<2560x128xi32, #tpu.memory_space<hbm>> -> memref<32x128xi32, #tpu.memory_space<hbm>>
        %dma_start3A_143 = arith.constant 0 : i32
        %dma_start3A_144 = arith.constant 0 : i32
        %dma_start3A_145 = tpu.memref_slice %arg7[%dma_start3A_143, %dma_start3A_144] : memref<32x128xi32, #tpu.memory_space<vmem>> -> memref<32x128xi32, #tpu.memory_space<vmem>>
        %dma_start3A_146 = arith.constant 0 : i32
        %dma_start3A_147 = tpu.memref_slice %arg4[%add3A_124, %dma_start3A_146] : memref<2560x128xi32, #tpu.memory_space<hbm>> -> memref<32x128xi32, #tpu.memory_space<hbm>>
        tpu.enqueue_dma source(%dma_start3A_147 : memref<32x128xi32, #tpu.memory_space<hbm>>) target(%dma_start3A_145 : memref<32x128xi32, #tpu.memory_space<vmem>>) target_semaphore(%run_scoped3A : memref<!tpu.dma_semaphore, #tpu.memory_space<semaphore_mem>>)
        %dma_wait3A = arith.constant 0 : i32
        %dma_wait3A_148 = arith.constant 0 : i32
        %dma_wait3A_149 = tpu.memref_slice %arg7[%dma_wait3A, %dma_wait3A_148] : memref<32x128xi32, #tpu.memory_space<vmem>> -> memref<32x128xi32, #tpu.memory_space<vmem>>
        %dma_wait3A_150 = arith.constant 0 : i32
        %dma_wait3A_151 = tpu.memref_slice %arg4[%add3A_124, %dma_wait3A_150] : memref<2560x128xi32, #tpu.memory_space<hbm>> -> memref<32x128xi32, #tpu.memory_space<hbm>>
        %dma_wait3A_152 = arith.constant 0 : i32
        %dma_wait3A_153 = arith.constant 0 : i32
        %dma_wait3A_154 = tpu.memref_slice %arg7[%dma_wait3A_152, %dma_wait3A_153] : memref<32x128xi32, #tpu.memory_space<vmem>> -> memref<32x128xi32, #tpu.memory_space<vmem>>
        %dma_wait3A_155 = arith.constant 0 : i32
        %dma_wait3A_156 = tpu.memref_slice %arg4[%add3A_124, %dma_wait3A_155] : memref<2560x128xi32, #tpu.memory_space<hbm>> -> memref<32x128xi32, #tpu.memory_space<hbm>>
        tpu.wait_dma2 semaphore(%run_scoped3A : memref<!tpu.dma_semaphore, #tpu.memory_space<semaphore_mem>>) src(%dma_wait3A_156 : memref<32x128xi32, #tpu.memory_space<hbm>>) dst(%dma_wait3A_154 : memref<32x128xi32, #tpu.memory_space<vmem>>)
        tpu.yield
      }) : () -> ()
      %dma_start3A_125 = arith.constant 0 : i32
      %dma_start3A_126 = arith.constant 0 : i32
      %dma_start3A_127 = tpu.memref_slice %arg6[%dma_start3A_125, %dma_start3A_126] : memref<32x128xi32, #tpu.memory_space<vmem>> -> memref<1x128xi32, #tpu.memory_space<vmem>>
      %dma_start3A_128 = tpu.memref_squeeze %dma_start3A_127 : memref<1x128xi32, #tpu.memory_space<vmem>> -> memref<128xi32, #tpu.memory_space<vmem>>
      %dma_start3A_129 = arith.constant 0 : i32
      %dma_start3A_130 = arith.constant 0 : i32
      %dma_start3A_131 = tpu.memref_slice %arg2[%dma_start3A_129, %dma_start3A_130] : memref<10240x128xf32, #tpu.memory_space<hbm>> -> memref<10240x128xf32, #tpu.memory_space<hbm>>
      tpu.enqueue_indirect_dma source(%dma_start3A_131 : memref<10240x128xf32, #tpu.memory_space<hbm>>) target(%arg8 : memref<128x128xf32, #tpu.memory_space<vmem>>) offsets(%dma_start3A_128 : memref<128xi32, #tpu.memory_space<vmem>>) semaphore(%arg13 : memref<!tpu.dma_semaphore, #tpu.memory_space<semaphore_mem>>)
      %scan3A_132 = arith.constant 0 : i32
      %scan3A_133 = arith.constant 0 : i32
      %scan3A_134 = arith.constant 16 : i32
      %scan3A_135 = arith.addi %scan3A_133, %scan3A_134 : i32
      %scan3A_136 = arith.constant 1 : i32
      scf.for %scan3A_138 = %scan3A_133 to %scan3A_135 step %scan3A_136  : i32 {
        %mul3A_139 = arith.constant 2 : i32
        %mul3A_140 = arith.muli %mul3A_139, %scan3A_138 : i32
        %add3A_141 = arith.constant 1 : i32
        %add3A_142 = arith.addi %mul3A_140, %add3A_141 : i32
        %dma_wait3A = arith.constant 0 : i32
        %dma_wait3A_143 = tpu.memref_slice %arg6[%mul3A_140, %dma_wait3A] : memref<32x128xi32, #tpu.memory_space<vmem>> -> memref<1x128xi32, #tpu.memory_space<vmem>>
        %dma_wait3A_144 = tpu.memref_squeeze %dma_wait3A_143 : memref<1x128xi32, #tpu.memory_space<vmem>> -> memref<128xi32, #tpu.memory_space<vmem>>
        %dma_wait3A_145 = arith.constant 0 : i32
        %dma_wait3A_146 = arith.constant 0 : i32
        %dma_wait3A_147 = tpu.memref_slice %arg2[%dma_wait3A_145, %dma_wait3A_146] : memref<10240x128xf32, #tpu.memory_space<hbm>> -> memref<10240x128xf32, #tpu.memory_space<hbm>>
        tpu.wait_indirect_dma semaphore(%arg13 : memref<!tpu.dma_semaphore, #tpu.memory_space<semaphore_mem>>) src(%dma_wait3A_147 : memref<10240x128xf32, #tpu.memory_space<hbm>>) dst(%arg8 : memref<128x128xf32, #tpu.memory_space<vmem>>)
        %dma_start3A_148 = arith.constant 0 : i32
        %dma_start3A_149 = tpu.memref_slice %arg6[%add3A_142, %dma_start3A_148] : memref<32x128xi32, #tpu.memory_space<vmem>> -> memref<1x128xi32, #tpu.memory_space<vmem>>
        %dma_start3A_150 = tpu.memref_squeeze %dma_start3A_149 : memref<1x128xi32, #tpu.memory_space<vmem>> -> memref<128xi32, #tpu.memory_space<vmem>>
        %dma_start3A_151 = arith.constant 0 : i32
        %dma_start3A_152 = arith.constant 0 : i32
        %dma_start3A_153 = tpu.memref_slice %arg2[%dma_start3A_151, %dma_start3A_152] : memref<10240x128xf32, #tpu.memory_space<hbm>> -> memref<10240x128xf32, #tpu.memory_space<hbm>>
        tpu.enqueue_indirect_dma source(%dma_start3A_153 : memref<10240x128xf32, #tpu.memory_space<hbm>>) target(%arg9 : memref<128x128xf32, #tpu.memory_space<vmem>>) offsets(%dma_start3A_150 : memref<128xi32, #tpu.memory_space<vmem>>) semaphore(%arg13 : memref<!tpu.dma_semaphore, #tpu.memory_space<semaphore_mem>>)
        %dma_start3A_154 = arith.constant 0 : i32
        %dma_start3A_155 = tpu.memref_slice %arg7[%mul3A_140, %dma_start3A_154] : memref<32x128xi32, #tpu.memory_space<vmem>> -> memref<1x128xi32, #tpu.memory_space<vmem>>
        %dma_start3A_156 = tpu.memref_squeeze %dma_start3A_155 : memref<1x128xi32, #tpu.memory_space<vmem>> -> memref<128xi32, #tpu.memory_space<vmem>>
        %dma_start3A_157 = arith.constant 0 : i32
        %dma_start3A_158 = arith.constant 0 : i32
        %dma_start3A_159 = tpu.memref_slice %arg12[%dma_start3A_157, %dma_start3A_158] : memref<10240x128xf32, #tpu.memory_space<vmem_shared>> -> memref<10240x128xf32, #tpu.memory_space<vmem_shared>>
        tpu.enqueue_indirect_dma source(%arg8 : memref<128x128xf32, #tpu.memory_space<vmem>>) target(%dma_start3A_159 : memref<10240x128xf32, #tpu.memory_space<vmem_shared>>) offsets(%dma_start3A_156 : memref<128xi32, #tpu.memory_space<vmem>>) semaphore(%arg14 : memref<!tpu.dma_semaphore, #tpu.memory_space<semaphore_mem>>) {add = true}
        %dma_wait3A_160 = arith.constant 0 : i32
        %dma_wait3A_161 = tpu.memref_slice %arg6[%add3A_142, %dma_wait3A_160] : memref<32x128xi32, #tpu.memory_space<vmem>> -> memref<1x128xi32, #tpu.memory_space<vmem>>
        %dma_wait3A_162 = tpu.memref_squeeze %dma_wait3A_161 : memref<1x128xi32, #tpu.memory_space<vmem>> -> memref<128xi32, #tpu.memory_space<vmem>>
        %dma_wait3A_163 = arith.constant 0 : i32
        %dma_wait3A_164 = arith.constant 0 : i32
        %dma_wait3A_165 = tpu.memref_slice %arg2[%dma_wait3A_163, %dma_wait3A_164] : memref<10240x128xf32, #tpu.memory_space<hbm>> -> memref<10240x128xf32, #tpu.memory_space<hbm>>
        tpu.wait_indirect_dma semaphore(%arg13 : memref<!tpu.dma_semaphore, #tpu.memory_space<semaphore_mem>>) src(%dma_wait3A_165 : memref<10240x128xf32, #tpu.memory_space<hbm>>) dst(%arg9 : memref<128x128xf32, #tpu.memory_space<vmem>>)
        %dma_wait3A_166 = arith.constant 0 : i32
        %dma_wait3A_167 = tpu.memref_slice %arg7[%mul3A_140, %dma_wait3A_166] : memref<32x128xi32, #tpu.memory_space<vmem>> -> memref<1x128xi32, #tpu.memory_space<vmem>>
        %dma_wait3A_168 = tpu.memref_squeeze %dma_wait3A_167 : memref<1x128xi32, #tpu.memory_space<vmem>> -> memref<128xi32, #tpu.memory_space<vmem>>
        %dma_wait3A_169 = arith.constant 0 : i32
        %dma_wait3A_170 = arith.constant 0 : i32
        %dma_wait3A_171 = tpu.memref_slice %arg12[%dma_wait3A_169, %dma_wait3A_170] : memref<10240x128xf32, #tpu.memory_space<vmem_shared>> -> memref<10240x128xf32, #tpu.memory_space<vmem_shared>>
        tpu.wait_indirect_dma semaphore(%arg14 : memref<!tpu.dma_semaphore, #tpu.memory_space<semaphore_mem>>) src(%arg8 : memref<128x128xf32, #tpu.memory_space<vmem>>) dst(%dma_wait3A_171 : memref<10240x128xf32, #tpu.memory_space<vmem_shared>>)
        %lt3A = arith.constant 15 : i32
        %lt3A_172 = arith.cmpi slt, %scan3A_138, %lt3A : i32
        %convert_element_type3A_173 = arith.extui %lt3A_172 : i1 to i32
        %cond3A_174 = arith.constant 0 : i32
        %cond3A_175 = arith.cmpi ne, %convert_element_type3A_173, %cond3A_174 : i32
        scf.if %cond3A_175 {
          %add3A_188 = arith.constant 2 : i32
          %add3A_189 = arith.addi %mul3A_140, %add3A_188 : i32
          %dma_start3A_190 = arith.constant 0 : i32
          %dma_start3A_191 = tpu.memref_slice %arg6[%add3A_189, %dma_start3A_190] : memref<32x128xi32, #tpu.memory_space<vmem>> -> memref<1x128xi32, #tpu.memory_space<vmem>>
          %dma_start3A_192 = tpu.memref_squeeze %dma_start3A_191 : memref<1x128xi32, #tpu.memory_space<vmem>> -> memref<128xi32, #tpu.memory_space<vmem>>
          %dma_start3A_193 = arith.constant 0 : i32
          %dma_start3A_194 = arith.constant 0 : i32
          %dma_start3A_195 = tpu.memref_slice %arg2[%dma_start3A_193, %dma_start3A_194] : memref<10240x128xf32, #tpu.memory_space<hbm>> -> memref<10240x128xf32, #tpu.memory_space<hbm>>
          tpu.enqueue_indirect_dma source(%dma_start3A_195 : memref<10240x128xf32, #tpu.memory_space<hbm>>) target(%arg8 : memref<128x128xf32, #tpu.memory_space<vmem>>) offsets(%dma_start3A_192 : memref<128xi32, #tpu.memory_space<vmem>>) semaphore(%arg13 : memref<!tpu.dma_semaphore, #tpu.memory_space<semaphore_mem>>)
        } else {
        }
        %dma_start3A_176 = arith.constant 0 : i32
        %dma_start3A_177 = tpu.memref_slice %arg7[%add3A_142, %dma_start3A_176] : memref<32x128xi32, #tpu.memory_space<vmem>> -> memref<1x128xi32, #tpu.memory_space<vmem>>
        %dma_start3A_178 = tpu.memref_squeeze %dma_start3A_177 : memref<1x128xi32, #tpu.memory_space<vmem>> -> memref<128xi32, #tpu.memory_space<vmem>>
        %dma_start3A_179 = arith.constant 0 : i32
        %dma_start3A_180 = arith.constant 0 : i32
        %dma_start3A_181 = tpu.memref_slice %arg12[%dma_start3A_179, %dma_start3A_180] : memref<10240x128xf32, #tpu.memory_space<vmem_shared>> -> memref<10240x128xf32, #tpu.memory_space<vmem_shared>>
        tpu.enqueue_indirect_dma source(%arg9 : memref<128x128xf32, #tpu.memory_space<vmem>>) target(%dma_start3A_181 : memref<10240x128xf32, #tpu.memory_space<vmem_shared>>) offsets(%dma_start3A_178 : memref<128xi32, #tpu.memory_space<vmem>>) semaphore(%arg14 : memref<!tpu.dma_semaphore, #tpu.memory_space<semaphore_mem>>) {add = true}
        %dma_wait3A_182 = arith.constant 0 : i32
        %dma_wait3A_183 = tpu.memref_slice %arg7[%add3A_142, %dma_wait3A_182] : memref<32x128xi32, #tpu.memory_space<vmem>> -> memref<1x128xi32, #tpu.memory_space<vmem>>
        %dma_wait3A_184 = tpu.memref_squeeze %dma_wait3A_183 : memref<1x128xi32, #tpu.memory_space<vmem>> -> memref<128xi32, #tpu.memory_space<vmem>>
        %dma_wait3A_185 = arith.constant 0 : i32
        %dma_wait3A_186 = arith.constant 0 : i32
        %dma_wait3A_187 = tpu.memref_slice %arg12[%dma_wait3A_185, %dma_wait3A_186] : memref<10240x128xf32, #tpu.memory_space<vmem_shared>> -> memref<10240x128xf32, #tpu.memory_space<vmem_shared>>
        tpu.wait_indirect_dma semaphore(%arg14 : memref<!tpu.dma_semaphore, #tpu.memory_space<semaphore_mem>>) src(%arg9 : memref<128x128xf32, #tpu.memory_space<vmem>>) dst(%dma_wait3A_187 : memref<10240x128xf32, #tpu.memory_space<vmem_shared>>)
      }
      %scan3A_137 = arith.constant 16 : i32
    } else {
    }
    %eq3A_65 = arith.constant 1 : i32
    %eq3A_66 = arith.cmpi eq, %arg0, %eq3A_65 : i32
    %convert_element_type3A_67 = arith.extui %eq3A_66 : i1 to i32
    %cond3A_68 = arith.constant 0 : i32
    %cond3A_69 = arith.cmpi ne, %convert_element_type3A_67, %cond3A_68 : i32
    scf.if %cond3A_69 {
      %mul3A_71 = arith.constant 32 : i32
      %mul3A_72 = arith.muli %arg1, %mul3A_71 : i32
      %add3A_73 = arith.constant 2048 : i32
      %add3A_74 = arith.addi %add3A_73, %mul3A_72 : i32
      %add3A_75 = arith.constant 0 : i32
      %add3A_76 = arith.addi %add3A_74, %add3A_75 : i32
      "tpu.region"() ({
        %run_scoped3A = tpu.sem_alloc : memref<!tpu.dma_semaphore, #tpu.memory_space<semaphore_mem>>
        %dma_start3A = arith.constant 0 : i32
        %dma_start3A_83 = arith.constant 0 : i32
        %dma_start3A_84 = tpu.memref_slice %arg6[%dma_start3A, %dma_start3A_83] : memref<32x128xi32, #tpu.memory_space<vmem>> -> memref<32x128xi32, #tpu.memory_space<vmem>>
        %dma_start3A_85 = arith.constant 0 : i32
        %dma_start3A_86 = tpu.memref_slice %arg3[%add3A_76, %dma_start3A_85] : memref<2560x128xi32, #tpu.memory_space<hbm>> -> memref<32x128xi32, #tpu.memory_space<hbm>>
        %dma_start3A_87 = arith.constant 0 : i32
        %dma_start3A_88 = arith.constant 0 : i32
        %dma_start3A_89 = tpu.memref_slice %arg6[%dma_start3A_87, %dma_start3A_88] : memref<32x128xi32, #tpu.memory_space<vmem>> -> memref<32x128xi32, #tpu.memory_space<vmem>>
        %dma_start3A_90 = arith.constant 0 : i32
        %dma_start3A_91 = tpu.memref_slice %arg3[%add3A_76, %dma_start3A_90] : memref<2560x128xi32, #tpu.memory_space<hbm>> -> memref<32x128xi32, #tpu.memory_space<hbm>>
        tpu.enqueue_dma source(%dma_start3A_91 : memref<32x128xi32, #tpu.memory_space<hbm>>) target(%dma_start3A_89 : memref<32x128xi32, #tpu.memory_space<vmem>>) target_semaphore(%run_scoped3A : memref<!tpu.dma_semaphore, #tpu.memory_space<semaphore_mem>>)
        %dma_wait3A = arith.constant 0 : i32
        %dma_wait3A_92 = arith.constant 0 : i32
        %dma_wait3A_93 = tpu.memref_slice %arg6[%dma_wait3A, %dma_wait3A_92] : memref<32x128xi32, #tpu.memory_space<vmem>> -> memref<32x128xi32, #tpu.memory_space<vmem>>
        %dma_wait3A_94 = arith.constant 0 : i32
        %dma_wait3A_95 = tpu.memref_slice %arg3[%add3A_76, %dma_wait3A_94] : memref<2560x128xi32, #tpu.memory_space<hbm>> -> memref<32x128xi32, #tpu.memory_space<hbm>>
        %dma_wait3A_96 = arith.constant 0 : i32
        %dma_wait3A_97 = arith.constant 0 : i32
        %dma_wait3A_98 = tpu.memref_slice %arg6[%dma_wait3A_96, %dma_wait3A_97] : memref<32x128xi32, #tpu.memory_space<vmem>> -> memref<32x128xi32, #tpu.memory_space<vmem>>
        %dma_wait3A_99 = arith.constant 0 : i32
        %dma_wait3A_100 = tpu.memref_slice %arg3[%add3A_76, %dma_wait3A_99] : memref<2560x128xi32, #tpu.memory_space<hbm>> -> memref<32x128xi32, #tpu.memory_space<hbm>>
        tpu.wait_dma2 semaphore(%run_scoped3A : memref<!tpu.dma_semaphore, #tpu.memory_space<semaphore_mem>>) src(%dma_wait3A_100 : memref<32x128xi32, #tpu.memory_space<hbm>>) dst(%dma_wait3A_98 : memref<32x128xi32, #tpu.memory_space<vmem>>)
        tpu.yield
      }) : () -> ()
      "tpu.region"() ({
        %run_scoped3A = tpu.sem_alloc : memref<!tpu.dma_semaphore, #tpu.memory_space<semaphore_mem>>
        %dma_start3A = arith.constant 0 : i32
        %dma_start3A_83 = arith.constant 0 : i32
        %dma_start3A_84 = tpu.memref_slice %arg7[%dma_start3A, %dma_start3A_83] : memref<32x128xi32, #tpu.memory_space<vmem>> -> memref<32x128xi32, #tpu.memory_space<vmem>>
        %dma_start3A_85 = arith.constant 0 : i32
        %dma_start3A_86 = tpu.memref_slice %arg4[%add3A_76, %dma_start3A_85] : memref<2560x128xi32, #tpu.memory_space<hbm>> -> memref<32x128xi32, #tpu.memory_space<hbm>>
        %dma_start3A_87 = arith.constant 0 : i32
        %dma_start3A_88 = arith.constant 0 : i32
        %dma_start3A_89 = tpu.memref_slice %arg7[%dma_start3A_87, %dma_start3A_88] : memref<32x128xi32, #tpu.memory_space<vmem>> -> memref<32x128xi32, #tpu.memory_space<vmem>>
        %dma_start3A_90 = arith.constant 0 : i32
        %dma_start3A_91 = tpu.memref_slice %arg4[%add3A_76, %dma_start3A_90] : memref<2560x128xi32, #tpu.memory_space<hbm>> -> memref<32x128xi32, #tpu.memory_space<hbm>>
        tpu.enqueue_dma source(%dma_start3A_91 : memref<32x128xi32, #tpu.memory_space<hbm>>) target(%dma_start3A_89 : memref<32x128xi32, #tpu.memory_space<vmem>>) target_semaphore(%run_scoped3A : memref<!tpu.dma_semaphore, #tpu.memory_space<semaphore_mem>>)
        %dma_wait3A = arith.constant 0 : i32
        %dma_wait3A_92 = arith.constant 0 : i32
        %dma_wait3A_93 = tpu.memref_slice %arg7[%dma_wait3A, %dma_wait3A_92] : memref<32x128xi32, #tpu.memory_space<vmem>> -> memref<32x128xi32, #tpu.memory_space<vmem>>
        %dma_wait3A_94 = arith.constant 0 : i32
        %dma_wait3A_95 = tpu.memref_slice %arg4[%add3A_76, %dma_wait3A_94] : memref<2560x128xi32, #tpu.memory_space<hbm>> -> memref<32x128xi32, #tpu.memory_space<hbm>>
        %dma_wait3A_96 = arith.constant 0 : i32
        %dma_wait3A_97 = arith.constant 0 : i32
        %dma_wait3A_98 = tpu.memref_slice %arg7[%dma_wait3A_96, %dma_wait3A_97] : memref<32x128xi32, #tpu.memory_space<vmem>> -> memref<32x128xi32, #tpu.memory_space<vmem>>
        %dma_wait3A_99 = arith.constant 0 : i32
        %dma_wait3A_100 = tpu.memref_slice %arg4[%add3A_76, %dma_wait3A_99] : memref<2560x128xi32, #tpu.memory_space<hbm>> -> memref<32x128xi32, #tpu.memory_space<hbm>>
        tpu.wait_dma2 semaphore(%run_scoped3A : memref<!tpu.dma_semaphore, #tpu.memory_space<semaphore_mem>>) src(%dma_wait3A_100 : memref<32x128xi32, #tpu.memory_space<hbm>>) dst(%dma_wait3A_98 : memref<32x128xi32, #tpu.memory_space<vmem>>)
        tpu.yield
      }) : () -> ()
      %scan3A_77 = arith.constant 0 : i32
      %scan3A_78 = arith.constant 0 : i32
      %scan3A_79 = arith.constant 32 : i32
      %scan3A_80 = arith.addi %scan3A_78, %scan3A_79 : i32
      %scan3A_81 = arith.constant 1 : i32
      scf.for %scan3A_83 = %scan3A_78 to %scan3A_80 step %scan3A_81  : i32 {
        %dma_start3A = arith.constant 0 : i32
        %dma_start3A_84 = tpu.memref_slice %arg6[%scan3A_83, %dma_start3A] : memref<32x128xi32, #tpu.memory_space<vmem>> -> memref<1x128xi32, #tpu.memory_space<vmem>>
        %dma_start3A_85 = tpu.memref_squeeze %dma_start3A_84 : memref<1x128xi32, #tpu.memory_space<vmem>> -> memref<128xi32, #tpu.memory_space<vmem>>
        %dma_start3A_86 = arith.constant 0 : i32
        %dma_start3A_87 = arith.constant 0 : i32
        %dma_start3A_88 = tpu.memref_slice %arg2[%dma_start3A_86, %dma_start3A_87] : memref<10240x128xf32, #tpu.memory_space<hbm>> -> memref<10240x128xf32, #tpu.memory_space<hbm>>
        tpu.enqueue_indirect_dma source(%dma_start3A_88 : memref<10240x128xf32, #tpu.memory_space<hbm>>) target(%arg8 : memref<128x128xf32, #tpu.memory_space<vmem>>) offsets(%dma_start3A_85 : memref<128xi32, #tpu.memory_space<vmem>>) semaphore(%arg13 : memref<!tpu.dma_semaphore, #tpu.memory_space<semaphore_mem>>)
        %dma_wait3A = arith.constant 0 : i32
        %dma_wait3A_89 = tpu.memref_slice %arg6[%scan3A_83, %dma_wait3A] : memref<32x128xi32, #tpu.memory_space<vmem>> -> memref<1x128xi32, #tpu.memory_space<vmem>>
        %dma_wait3A_90 = tpu.memref_squeeze %dma_wait3A_89 : memref<1x128xi32, #tpu.memory_space<vmem>> -> memref<128xi32, #tpu.memory_space<vmem>>
        %dma_wait3A_91 = arith.constant 0 : i32
        %dma_wait3A_92 = arith.constant 0 : i32
        %dma_wait3A_93 = tpu.memref_slice %arg2[%dma_wait3A_91, %dma_wait3A_92] : memref<10240x128xf32, #tpu.memory_space<hbm>> -> memref<10240x128xf32, #tpu.memory_space<hbm>>
        tpu.wait_indirect_dma semaphore(%arg13 : memref<!tpu.dma_semaphore, #tpu.memory_space<semaphore_mem>>) src(%dma_wait3A_93 : memref<10240x128xf32, #tpu.memory_space<hbm>>) dst(%arg8 : memref<128x128xf32, #tpu.memory_space<vmem>>)
        "tpu.region"() ({
          %run_scoped3A = tpu.sem_alloc : memref<!tpu.dma_semaphore, #tpu.memory_space<semaphore_mem>>
          %dma_start3A_94 = arith.constant 0 : i32
          %dma_start3A_95 = tpu.memref_slice %arg7[%scan3A_83, %dma_start3A_94] : memref<32x128xi32, #tpu.memory_space<vmem>> -> memref<1x128xi32, #tpu.memory_space<vmem>>
          %dma_start3A_96 = tpu.memref_squeeze %dma_start3A_95 : memref<1x128xi32, #tpu.memory_space<vmem>> -> memref<128xi32, #tpu.memory_space<vmem>>
          %dma_start3A_97 = arith.constant 0 : i32
          %dma_start3A_98 = arith.constant 0 : i32
          %dma_start3A_99 = tpu.memref_slice %arg12[%dma_start3A_97, %dma_start3A_98] : memref<10240x128xf32, #tpu.memory_space<vmem_shared>> -> memref<10240x128xf32, #tpu.memory_space<vmem_shared>>
          tpu.enqueue_indirect_dma source(%arg8 : memref<128x128xf32, #tpu.memory_space<vmem>>) target(%dma_start3A_99 : memref<10240x128xf32, #tpu.memory_space<vmem_shared>>) offsets(%dma_start3A_96 : memref<128xi32, #tpu.memory_space<vmem>>) semaphore(%run_scoped3A : memref<!tpu.dma_semaphore, #tpu.memory_space<semaphore_mem>>) {add = true}
          %dma_wait3A_100 = arith.constant 0 : i32
          %dma_wait3A_101 = tpu.memref_slice %arg7[%scan3A_83, %dma_wait3A_100] : memref<32x128xi32, #tpu.memory_space<vmem>> -> memref<1x128xi32, #tpu.memory_space<vmem>>
          %dma_wait3A_102 = tpu.memref_squeeze %dma_wait3A_101 : memref<1x128xi32, #tpu.memory_space<vmem>> -> memref<128xi32, #tpu.memory_space<vmem>>
          %dma_wait3A_103 = arith.constant 0 : i32
          %dma_wait3A_104 = arith.constant 0 : i32
          %dma_wait3A_105 = tpu.memref_slice %arg12[%dma_wait3A_103, %dma_wait3A_104] : memref<10240x128xf32, #tpu.memory_space<vmem_shared>> -> memref<10240x128xf32, #tpu.memory_space<vmem_shared>>
          tpu.wait_indirect_dma semaphore(%run_scoped3A : memref<!tpu.dma_semaphore, #tpu.memory_space<semaphore_mem>>) src(%arg8 : memref<128x128xf32, #tpu.memory_space<vmem>>) dst(%dma_wait3A_105 : memref<10240x128xf32, #tpu.memory_space<vmem_shared>>)
          tpu.yield
        }) : () -> ()
      }
      %scan3A_82 = arith.constant 32 : i32
    } else {
    }
    %barrier3A_70 = arith.constant 0 : index
    tpu.barrier barrier_id(%barrier3A_70)
    "tpu.region"() ({
      %run_scoped3A = tpu.sem_alloc : memref<!tpu.dma_semaphore, #tpu.memory_space<semaphore_mem>>
      %dma_start3A = arith.constant 0 : i32
      %dma_start3A_71 = tpu.memref_slice %arg5[%arg0, %mul3A_0, %dma_start3A] : memref<2x10240x128xf32, #tpu.memory_space<hbm>> -> memref<1x640x128xf32, #tpu.memory_space<hbm>>
      %dma_start3A_72 = tpu.memref_squeeze %dma_start3A_71 : memref<1x640x128xf32, #tpu.memory_space<hbm>> -> memref<640x128xf32, #tpu.memory_space<hbm>>
      %dma_start3A_73 = arith.constant 0 : i32
      %dma_start3A_74 = tpu.memref_slice %arg12[%mul3A_0, %dma_start3A_73] : memref<10240x128xf32, #tpu.memory_space<vmem_shared>> -> memref<640x128xf32, #tpu.memory_space<vmem_shared>>
      tpu.enqueue_dma source(%dma_start3A_74 : memref<640x128xf32, #tpu.memory_space<vmem_shared>>) target(%dma_start3A_72 : memref<640x128xf32, #tpu.memory_space<hbm>>) target_semaphore(%run_scoped3A : memref<!tpu.dma_semaphore, #tpu.memory_space<semaphore_mem>>)
      %dma_wait3A = arith.constant 0 : i32
      %dma_wait3A_75 = tpu.memref_slice %arg5[%arg0, %mul3A_0, %dma_wait3A] : memref<2x10240x128xf32, #tpu.memory_space<hbm>> -> memref<1x640x128xf32, #tpu.memory_space<hbm>>
      %dma_wait3A_76 = tpu.memref_squeeze %dma_wait3A_75 : memref<1x640x128xf32, #tpu.memory_space<hbm>> -> memref<640x128xf32, #tpu.memory_space<hbm>>
      %dma_wait3A_77 = arith.constant 0 : i32
      %dma_wait3A_78 = tpu.memref_slice %arg12[%mul3A_0, %dma_wait3A_77] : memref<10240x128xf32, #tpu.memory_space<vmem_shared>> -> memref<640x128xf32, #tpu.memory_space<vmem_shared>>
      tpu.wait_dma2 semaphore(%run_scoped3A : memref<!tpu.dma_semaphore, #tpu.memory_space<semaphore_mem>>) src(%dma_wait3A_78 : memref<640x128xf32, #tpu.memory_space<vmem_shared>>) dst(%dma_wait3A_76 : memref<640x128xf32, #tpu.memory_space<hbm>>)
      tpu.yield
    }) : () -> ()
    return
  }
}

module attributes {stable_mosaic.version = 14 : i64} {
  func.func @tc_body(%arg0: i32, %arg1: memref<512x128xf32, #tpu.memory_space<vmem>>, %arg2: memref<512x128xf32, #tpu.memory_space<vmem>>, %arg3: memref<512x128xf32, #tpu.memory_space<vmem>>, %arg4: memref<512x1xf32, #tpu.memory_space<vmem>>, %arg5: memref<512x1xf32, #tpu.memory_space<vmem>>, %arg6: memref<128x128xf32, #tpu.memory_space<vmem>>, %arg7: memref<128x128xf32, #tpu.memory_space<vmem>>, %arg8: memref<1x128xf32, #tpu.memory_space<vmem>>, %arg9: memref<512x128xf32, #tpu.memory_space<vmem>>) attributes {dimension_semantics = [#tpu.dimension_semantics<arbitrary>], iteration_bounds = array<i64: 20>, scalar_prefetch = 0 : i64, scratch_operands = 0 : i64, tpu.core_type = #tpu.core_type<tc>, window_params = [{transform_indices = @transform_0, window_bounds = array<i64: 512, 128>}, {transform_indices = @transform_1, window_bounds = array<i64: 512, 128>}, {transform_indices = @transform_2, window_bounds = array<i64: 512, 128>}, {transform_indices = @transform_3, window_bounds = array<i64: 512, 1>}, {transform_indices = @transform_4, window_bounds = array<i64: 512, 1>}, {pipeline_mode = #tpu.pipeline_mode<synchronous>, transform_indices = @transform_5, window_bounds = array<i64: 128, 128>}, {pipeline_mode = #tpu.pipeline_mode<synchronous>, transform_indices = @transform_6, window_bounds = array<i64: 128, 128>}, {pipeline_mode = #tpu.pipeline_mode<synchronous>, transform_indices = @transform_7, window_bounds = array<i64: 1, 128>}, {transform_indices = @transform_8, window_bounds = array<i64: 512, 128>}]} {
    %get3A = arith.constant 0 : index
    %get3A_0 = arith.constant 0 : index
    %get3A_1 = vector.load %arg4[%get3A, %get3A_0] : memref<512x1xf32, #tpu.memory_space<vmem>>, vector<512x1xf32>
    %get3A_2 = arith.constant 0 : index
    %get3A_3 = arith.constant 0 : index
    %get3A_4 = vector.load %arg5[%get3A_2, %get3A_3] : memref<512x1xf32, #tpu.memory_space<vmem>>, vector<512x1xf32>
    %add3A = arith.addf %get3A_1, %get3A_4 : vector<512x1xf32>
    %max3A = arith.constant 1.000000e+00 : f32
    %max3A_5 = vector.broadcast %max3A : f32 to vector<512x1xf32>
    %max3A_6 = arith.maximumf %add3A, %max3A_5 : vector<512x1xf32>
    %div3A = arith.constant 1.000000e+00 : f32
    %div3A_7 = vector.broadcast %div3A : f32 to vector<512x1xf32>
    %div3A_8 = arith.divf %div3A_7, %max3A_6 : vector<512x1xf32>
    %get3A_9 = arith.constant 0 : index
    %get3A_10 = arith.constant 0 : index
    %get3A_11 = vector.load %arg2[%get3A_9, %get3A_10] : memref<512x128xf32, #tpu.memory_space<vmem>>, vector<512x128xf32>
    %get3A_12 = arith.constant 0 : index
    %get3A_13 = arith.constant 0 : index
    %get3A_14 = vector.load %arg3[%get3A_12, %get3A_13] : memref<512x128xf32, #tpu.memory_space<vmem>>, vector<512x128xf32>
    %add3A_15 = arith.addf %get3A_11, %get3A_14 : vector<512x128xf32>
    %mul3A = vector.broadcast %div3A_8 : vector<512x1xf32> to vector<512x128xf32>
    %mul3A_16 = arith.mulf %add3A_15, %mul3A : vector<512x128xf32>
    %get3A_17 = arith.constant 0 : index
    %get3A_18 = arith.constant 0 : index
    %get3A_19 = vector.load %arg1[%get3A_17, %get3A_18] : memref<512x128xf32, #tpu.memory_space<vmem>>, vector<512x128xf32>
    %get3A_20 = arith.constant 0 : index
    %get3A_21 = arith.constant 0 : index
    %get3A_22 = vector.load %arg6[%get3A_20, %get3A_21] : memref<128x128xf32, #tpu.memory_space<vmem>>, vector<128x128xf32>
    %dot_general3A = arith.constant dense<0.000000e+00> : vector<512x128xf32>
    %dot_general3A_23 = tpu.matmul %get3A_19, %get3A_22, %dot_general3A {dimension_numbers = #tpu.dot_dimension_numbers<[1], [0], [0], [1], [0, 0, 1, 1], [], []>, transpose_lhs_hint = false} : vector<512x128xf32>, vector<128x128xf32>, vector<512x128xf32> -> vector<512x128xf32>
    %get3A_24 = arith.constant 0 : index
    %get3A_25 = arith.constant 0 : index
    %get3A_26 = vector.load %arg7[%get3A_24, %get3A_25] : memref<128x128xf32, #tpu.memory_space<vmem>>, vector<128x128xf32>
    %dot_general3A_27 = arith.constant dense<0.000000e+00> : vector<512x128xf32>
    %dot_general3A_28 = tpu.matmul %mul3A_16, %get3A_26, %dot_general3A_27 {dimension_numbers = #tpu.dot_dimension_numbers<[1], [0], [0], [1], [0, 0, 1, 1], [], []>, transpose_lhs_hint = false} : vector<512x128xf32>, vector<128x128xf32>, vector<512x128xf32> -> vector<512x128xf32>
    %add3A_29 = arith.addf %dot_general3A_23, %dot_general3A_28 : vector<512x128xf32>
    %get3A_30 = arith.constant 0 : index
    %get3A_31 = arith.constant 0 : index
    %get3A_32 = vector.load %arg8[%get3A_30, %get3A_31] : memref<1x128xf32, #tpu.memory_space<vmem>>, vector<1x128xf32>
    %add3A_33 = vector.broadcast %get3A_32 : vector<1x128xf32> to vector<512x128xf32>
    %add3A_34 = arith.addf %add3A_29, %add3A_33 : vector<512x128xf32>
    %max3A_35 = arith.constant 0.000000e+00 : f32
    %max3A_36 = vector.broadcast %max3A_35 : f32 to vector<512x128xf32>
    %max3A_37 = arith.maximumf %add3A_34, %max3A_36 : vector<512x128xf32>
    %swap3A = arith.constant 0 : index
    %swap3A_38 = arith.constant 0 : index
    %swap3A_39 = vector.load %arg9[%swap3A, %swap3A_38] : memref<512x128xf32, #tpu.memory_space<vmem>>, vector<512x128xf32>
    tpu.vector_store %arg9[%swap3A, %swap3A_38], %max3A_37 {strides = array<i32>} : memref<512x128xf32, #tpu.memory_space<vmem>>, vector<512x128xf32>,
    return
  }
  func.func @transform_0(%arg0: i32) -> (i32, i32) {
    %c0_i32 = arith.constant 0 : i32
    %c0_i32_0 = arith.constant 0 : i32
    return %arg0, %c0_i32 : i32, i32
  }
  func.func @transform_1(%arg0: i32) -> (i32, i32) {
    %c0_i32 = arith.constant 0 : i32
    %c0_i32_0 = arith.constant 0 : i32
    return %arg0, %c0_i32 : i32, i32
  }
  func.func @transform_2(%arg0: i32) -> (i32, i32) {
    %c0_i32 = arith.constant 0 : i32
    %c0_i32_0 = arith.constant 0 : i32
    return %arg0, %c0_i32 : i32, i32
  }
  func.func @transform_3(%arg0: i32) -> (i32, i32) {
    %c0_i32 = arith.constant 0 : i32
    %c0_i32_0 = arith.constant 0 : i32
    return %arg0, %c0_i32 : i32, i32
  }
  func.func @transform_4(%arg0: i32) -> (i32, i32) {
    %c0_i32 = arith.constant 0 : i32
    %c0_i32_0 = arith.constant 0 : i32
    return %arg0, %c0_i32 : i32, i32
  }
  func.func @transform_5(%arg0: i32) -> (i32, i32) {
    %c0_i32 = arith.constant 0 : i32
    %c0_i32_0 = arith.constant 0 : i32
    %c0_i32_1 = arith.constant 0 : i32
    return %c0_i32, %c0_i32_0 : i32, i32
  }
  func.func @transform_6(%arg0: i32) -> (i32, i32) {
    %c0_i32 = arith.constant 0 : i32
    %c0_i32_0 = arith.constant 0 : i32
    %c0_i32_1 = arith.constant 0 : i32
    return %c0_i32, %c0_i32_0 : i32, i32
  }
  func.func @transform_7(%arg0: i32) -> (i32, i32) {
    %c0_i32 = arith.constant 0 : i32
    %c0_i32_0 = arith.constant 0 : i32
    %c0_i32_1 = arith.constant 0 : i32
    return %c0_i32, %c0_i32_0 : i32, i32
  }
  func.func @transform_8(%arg0: i32) -> (i32, i32) {
    %c0_i32 = arith.constant 0 : i32
    %c0_i32_0 = arith.constant 0 : i32
    return %arg0, %c0_i32 : i32, i32
  }
}

</mosaic_0001>

<sc_bundles>
// kernel: kernel.11.cloned.1.call-start
scs
__scs_entry_jumppad:
0x0: {  	(pc) =	sbr.rel $0x88, $3  }
0x1: {  	(tag) =	ssettag $0x0;
	lr =	simm.s32 $0x1  }
0x2: {  	[smem:$0x3F96] =	sst lr;
	_ =	strace $0xD0000000  }
0x3: {  	_ = 	snop  }
0x4: {  	_ = 	snop  }
0x5: {  	_ = 	snop  }
0x6: {  	_ = 	snop  }
0x7: {  	_ = 	snop  }
__scs_overlays_trampoline_lowered:
0x8: {  	[smem:$0x3FA5] =	sst s0  }
0x9: {  	[smem:$0x3FA6] =	sst s1  }
0xa: {  	[smem:$0x3FA7] =	sst s2  }
0xb: {  	[smem:$0x3FA8] =	sst s3  }
0xc: {  	[smem:$0x3FA9] =	sst s4  }
0xd: {  	[smem:$0x3FAA] =	sst s5  }
0xe: {  	[smem:$0x3FAB] =	sst s6  }
0xf: {  	[smem:$0x3FAC] =	sst s7  }
0x10: {  	[smem:$0x3FAD] =	sst s8  }
0x11: {  	[smem:$0x3FAE] =	sst s9;
	s0 =	simm.s32 @!p0 $0x0  }
0x12: {  	s1 =	sld [smem:$0x3F94];
	s0 =	simm.s32 @p0 $0x1  }
0x13: {  	[smem:$0x3FAF] =	sst s0;
	s0 =	simm.s32 @!p1 $0x0  }
0x14: {  	s2 =	sld [smem:$0x3F93];
	s0 =	simm.s32 @p1 $0x1  }
0x15: {  	[smem:$0x3FB0] =	sst s0;
	s0 =	simm.s32 @!p2 $0x0  }
0x16: {  	s3 =	sld [smem:$0x3FDB];
	s0 =	simm.s32 @p2 $0x1  }
0x17: {  	s4 =	simm.s32 $0x1BF5;
	[smem:$0x3FB2] =	sst s0  }
0x18: {  	s0 =	sld [smem:$0x3F95];
	_ =	swait.ge [sflag:s4], $0x0  }
0x19: {  	s7 =	sld [smem:$0x3F96]  }
0x1a: {  	s8 =	sadd.s32 $0xFFFFE003, lr  }
0x1b: {  	s9 =	sadd.s32 $0xFFFFFEF7, lr;
	s5 =	simm.s32 $0xFFFFFFFF;
	p2 =	slt.u32 s8, $0xFFFFF086  }
0x1c: {  	p1 =	slt.u32 s9, $0xF7A;
	s5 =	simm.s32 @!p2 $0x0  }
0x1d: {  	s5 =	simm.s32 @p1 $0x1;
	p0 =	seq.s32 s7, s2  }
0x1e: {  	s7 =	smul.u32 @!p0 $0xF7A, s2;
	p2 =	seq.s32 @!p0 s5, $0x0  }
0x1f: {  	s9 =	smul.u32 $0xF7A, s1;
	s8 =	simm.s32 @!p0 $0x1BF5;
	p2 =	por !p2, p0  }
0x20: {  	[sflag:s8] =	ssyncset.s32 @!p0 $0xFFFFF086;
	s6 =	sadd.s32 @!p0 s3, s7;
	s7 =	simm.s32 @!p0 $0x108  }
0x21: {  	s3 =	sadd.s32 s3, s9;
	s6 =	sadd.s32 @!p0 $0x88, s6;
	s7 =	simm.s32 @p2 $0x1082  }
0x22: {  	[simem:s7], [sflag:s8] =	dma.local @!p0 [hbm:s6], $0xF7A  }
0x23: {  	s9 =	sor.u32 $0xD0000000, s2;
	s6 =	simm.s32 $0x108;
	_ =	swait.ge @!p0 [sflag:s8], $0x0  }
0x24: {  	s3 =	sadd.s32 $0x88, s3;
	s6 =	simm.s32 @!p1 $0x1082;
	[sflag:s4] =	ssyncset.s32 $0xFFFFF086  }
0x25: {  	[simem:s6], [sflag:s4] =	dma.local [hbm:s3], $0xF7A  }
0x26: {  	[smem:$0x3F96] =	sst s1;
	(tag) =	ssettag s2;
	_ =	strace s9  }
0x27: {  	s1 =	sld [smem:$0x3FA6]  }
0x28: {  	s2 =	sld [smem:$0x3FA7]  }
0x29: {  	s4 =	sld [smem:$0x3FA9]  }
0x2a: {  	p0 =	seq.s32 s5, $0x0;
	s5 =	sld [smem:$0x3FAA]  }
0x2b: {  	s6 =	sld [smem:$0x3FAB]  }
0x2c: {  	s7 =	sld [smem:$0x3FAC]  }
0x2d: {  	s3 =	simm.s32 $0x108;
	s8 =	sld [smem:$0x3FAD]  }
0x2e: {  	s3 =	simm.s32 @!p0 $0x1082;
	s9 =	sld [smem:$0x3FAE]  }
0x2f: {  	lr =	sadd.s32 s0, s3;
	s0 =	sld [smem:$0x3FA5]  }
0x30: {  	s3 =	sld [smem:$0x3FA8]  }
0x31: {  	[smem:$0x3FB1] =	sst s10  }
0x32: {  	s10 =	sld [smem:$0x3FAF];
	_ =	sdelay $0x3  }
0x33: {  	p0 =	seq.s32 s10, $0x1;
	s10 =	sld [smem:$0x3FB1];
	_ =	sdelay $0x3  }
0x34: {  	[smem:$0x3FB1] =	sst s10  }
0x35: {  	s10 =	sld [smem:$0x3FB0];
	_ =	sdelay $0x3  }
0x36: {  	p1 =	seq.s32 s10, $0x1;
	s10 =	sld [smem:$0x3FB1];
	_ =	sdelay $0x3  }
0x37: {  	[smem:$0x3FB1] =	sst s10  }
0x38: {  	s10 =	sld [smem:$0x3FB2]  }
0x39: {  	_ = 	snop;
	(pc) =	sbr.ind lr, $3  }
0x3a: {  	_ = 	snop  }
0x3b: {  	_ = 	snop  }
0x3c: {  	p2 =	seq.s32 s10, $0x1;
	s10 =	sld [smem:$0x3FB1]  }
0x3d: {  	_ =	shalt  }
0x3e: {  	_ =	shalt  }
0x3f: {  	_ =	shalt  }
0x40: {  	_ =	shalt  }
0x41: {  	_ =	shalt  }
0x42: {  	_ =	shalt  }
0x43: {  	_ =	shalt  }
0x44: {  	_ =	shalt  }
0x45: {  	_ =	shalt  }
0x46: {  	_ =	shalt  }
0x47: {  	_ =	shalt  }
0x48: {  	_ =	shalt  }
0x49: {  	_ =	shalt  }
0x4a: {  	_ =	shalt  }
0x4b: {  	_ =	shalt  }
0x4c: {  	_ =	shalt  }
0x4d: {  	_ =	shalt  }
0x4e: {  	_ =	shalt  }
0x4f: {  	_ =	shalt  }
0x50: {  	_ =	shalt  }
0x51: {  	_ =	shalt  }
0x52: {  	_ =	shalt  }
0x53: {  	_ =	shalt  }
0x54: {  	_ =	shalt  }
0x55: {  	_ =	shalt  }
0x56: {  	_ =	shalt  }
0x57: {  	_ =	shalt  }
0x58: {  	_ =	shalt  }
0x59: {  	_ =	shalt  }
0x5a: {  	_ =	shalt  }
0x5b: {  	_ =	shalt  }
0x5c: {  	_ =	shalt  }
0x5d: {  	_ =	shalt  }
0x5e: {  	_ =	shalt  }
0x5f: {  	_ =	shalt  }
0x60: {  	_ =	shalt  }
0x61: {  	_ =	shalt  }
0x62: {  	_ =	shalt  }
0x63: {  	_ =	shalt  }
0x64: {  	_ =	shalt  }
0x65: {  	_ =	shalt  }
0x66: {  	_ =	shalt  }
0x67: {  	_ =	shalt  }
0x68: {  	_ =	shalt  }
0x69: {  	_ =	shalt  }
0x6a: {  	_ =	shalt  }
0x6b: {  	_ =	shalt  }
0x6c: {  	_ =	shalt  }
0x6d: {  	_ =	shalt  }
0x6e: {  	_ =	shalt  }
0x6f: {  	_ =	shalt  }
0x70: {  	_ =	shalt  }
0x71: {  	_ =	shalt  }
0x72: {  	_ =	shalt  }
0x73: {  	_ =	shalt  }
0x74: {  	_ =	shalt  }
0x75: {  	_ =	shalt  }
0x76: {  	_ =	shalt  }
0x77: {  	_ =	shalt  }
0x78: {  	_ =	shalt  }
0x79: {  	_ =	shalt  }
0x7a: {  	_ =	shalt  }
0x7b: {  	_ =	shalt  }
0x7c: {  	_ =	shalt  }
0x7d: {  	_ =	shalt  }
0x7e: {  	_ =	shalt  }
0x7f: {  	_ =	shalt  }
0x80: {  	_ =	shalt  }
0x81: {  	_ =	shalt  }
0x82: {  	_ =	shalt  }
0x83: {  	_ =	shalt  }
0x84: {  	_ =	shalt  }
0x85: {  	_ =	shalt  }
0x86: {  	_ =	shalt  }
0x87: {  	_ =	shalt  }
.Lfunc_end0:
.L_simem_size_0:
called_computation.1_lowered:
.L_overlay_start_0:
0x88: {  	s2 =	sld [smem:$0x3FD9]  }
0x89: {  	s3 =	sld [smem:$0x3FFE];
	_ =	sdelay $0x1  }
0x8a: {  	s1 =	srdreg.scid  }
0x8b: {  	s0 =	sand.u32 $0x1, s1  }
0x8c: {  	s17 =	sshll.u32 s0, $0xA;
	s2 =	sadd.s32 s3, s2  }
0x8d: {  	s2 =	sadd.s32 s2, s17  }
0x8e: {  	[smem:$0x3FBD] =	sst s2  }
0x8f: {  	_ = 	snop  }
0x90: {  	s2 =	sld [smem:$0x3FD0];
	(tm) =	ssettm $0x1  }
0x91: {  	s18 =	sld [smem:$0x3FFB];
	_ =	sdelay $0x3  }
0x92: {  	_ =	strace s18  }
0x93: {  	s3 =	sld [smem:$0x3FFC];
	_ =	sdelay $0x3  }
0x94: {  	_ =	strace s3  }
0x95: {  	s3 =	sld [smem:$0x3FFD];
	_ =	sdelay $0x3  }
0x96: {  	_ =	strace s3  }
0x97: {  	_ =	strace $0x8FFFFFFF  }
0x98: {  	s19 =	sld [smem:$0x3FDB];
	_ =	sdelay $0x1  }
0x99: {  	s4 =	simm.s32 $_scs_section_size  }
0x9a: {  	s5 =	simm.s32 $_size__tile_overlayer_lowered;
	s6 =	simm.s32 $_tile_overlayer_lowered  }
0x9b: {  	s22 =	simm.s32 $0x1BFF;
	s21 =	sshll.u32 s6, $0x1;
	s3 =	sadd.s32 s4, s19  }
0x9c: {  	s7 =	simm.s32 $0x0;
	s20 =	sshll.u32 s5, $0x1;
	s5 =	sadd.s32 s21, s3  }
0x9d: {  	[timem:s7], [sflag:s22] =	dma.local [hbm:s5], s20  }
0x9e: {  	_ =	swait.ge [sflag:s22], s20  }
0x9f: {  	s4 =	ssub.s32 $0x0, s20;
	[sflag:s22] =	ssyncset.done $0x0  }
0xa0: {  	[sflag:s22] =	ssyncadd.s32 s4;
	_ =	sdelay $0x1  }
0xa1: {  	s23 =	simm.s32 $0x1B8B  }
0xa2: {  	_ =	swait.ge [sflag:s23], $0x1  }
0xa3: {  	[sflag:s23] =	ssyncset.done $0x0  }
0xa4: {  	s25 =	simm.s32 $0x1B8E;
	s24 =	sld [smem:$0x3FFE];
	[sflag:s23] =	ssyncadd.s32 $0xFFFFFFFF  }
0xa5: {  	s26 =	simm.s32 $execute0_lowered;
	[smem:$0x3FD2] =	sst s25  }
0xa6: {  	s5 =	sshll.u32 s26, $0x1;
	_ =	strace $0x80000049;
	[dreg:$0x1] =	wrdreg $0xFFFFFFFF  }
0xa7: {  	s28 =	simm.s32 $_size_execute0_lowered;
	s3 =	sadd.s32 s3, s5;
	[dreg:$0x0] =	wrdreg $0x0  }
0xa8: {  	s5 =	sshll.u32 s28, $0x1;
	[dreg:$0x2] =	wrdreg s3  }
0xa9: {  	[dreg:$0x3] =	wrdreg s5  }
0xaa: {  	[dreg:$0x4] =	wrdreg $0xC0  }
0xab: {  	_ =	task [dreg:s7], $0x5FFFF  }
0xac: {  	[dreg:$0x1] =	wrdreg $0xFFFFFFFF  }
0xad: {  	[dreg:$0x0] =	wrdreg $0x60  }
0xae: {  	[dreg:$0x2] =	wrdreg s24  }
0xaf: {  	[dreg:$0x3] =	wrdreg s2  }
0xb0: {  	[dreg:$0x4] =	wrdreg $0xA0800  }
0xb1: {  	[dreg:$0x5] =	wrdreg $0x9  }
0xb2: {  	_ =	task.clear_ibuf [dreg:s7], $0x6FFFF;
	_ =	strace $0x90000049  }
0xb3: {  	s29 =	simm.s32 $0x9;
	_ =	strace $0x8000004B  }
0xb4: {  	_ =	swait.ge [sflag:s29], $0x1  }
0xb5: {  	[sflag:s29] =	ssyncadd.s32 $0xFFFFFFFF  }
0xb6: {  	_ =	strace $0x9000004B  }
0xb7: {  	_ =	sfence  }
0xb8: {  	s30 =	sld [smem:$0x0];
	_ =	sdelay $0x2  }
0xb9: {  	s31 =	sshll.u32 s1, $0xD;
	s1 =	sshrl.u32 s1, $0x2  }
0xba: {  	s3 =	sand.u32 $0x4000, s31;
	s1 =	sadd.s32 s1, s30  }
0xbb: {  	s0 =	sor.u32 s3, s0;
	s1 =	sshll.u32 s1, $0x11  }
0xbc: {  	s0 =	sor.u32 s1, s0  }
0xbd: {  	s0 =	sadd.s32 $0x8F2B, s0  }
0xbe: {  	[sflag:s0] =	ssyncadd.remote.s32 $0x1  }
0xbf: {  	_ =	sfence.sel $0xFFFF  }
0xc0: {  	[dreg:$0x0] =	wrdreg $0xFFFFFFFF;
	(pc) =	sbr.abs _section_cstart, $3  }
0xc1: {  	[dreg:$0x1] =	wrdreg $0xFFFFFFFF  }
0xc2: {  	_ =	task.clear_ibuf [dreg:s7], $0x2FFFF;
	_ =	strace $0x9FFFFFFF  }
0xc3: {  	(tm) =	ssettm $0x7FFFFFFF  }
tec
execute0_lowered:
.L_overlay_start_1:
0x0: {  	(tag) =	ssettag $0x1  }
0x1: {  	s0 =	rddreg [dreg:$0x0]  }
0x2: {  	s10 =	rddreg [dreg:$0x1]  }
0x3: {  	s1 =	rddreg [dreg:$0x2]  }
0x4: {  	s2 =	srdreg.scid;
	s3 =	simm.s32 $0x0;
	s28 =	simm.s32 $0x6000  }
0x5: {  	s29 =	simm.s32 $0x2;
	s30 =	simm.s32 $0xF80;
	s11 =	sand.u32 $0x1, s2  }
0x6: {  	s31 =	simm.s32 $0x1F00;
	s2 =	stileid.u32;
	s5 =	smul.u32 $0x140000, s11  }
0x7: {  	[smem:$0x7FF] =	sst s3;
	s4 =	sadd.s32 $0xDE00, s0;
	s6 =	smul.u32 $0x14000, s2  }
0x8: {  	s18 =	sadd.s32 $0x3E00, s0;
	_ =	strace $0x8000004A;
	s7 =	smul.u32 $0x50000, s2  }
0x9: {  	s22 =	ssub.s32 $0x2, s11;
	p0 =	seq.s32 s11, $0x1;
	s23 =	sshll.u32 s2, $0xB  }
0xa: {  	s17 =	sshll.u32 s2, $0x9;
	s8 =	sshrl.u32 s22, $0x1;
	s12 =	sadd.s32 s18, s23  }
0xb: {  	s24 =	sadd.s32 s10, s23;
	s13 =	sor.u32 $0x200, s23;
	s15 =	sor.u32 $0x400, s23  }
0xc: {  	s11 =	sor.u32 $0x600, s23;
	s19 =	sor.u32 $0x8000, s17;
	s23 =	simm.s32 $0x3  }
0xd: {  	s5 =	sadd.s32 s6, s5;
	s7 =	sshrl.u32 s7, $0x2;
	[dreg:$0x4] =	wrdreg s12  }
0xe: {  	s21 =	ssub.s32 s22, s8;
	[dreg:$0x5] =	wrdreg s24;
	s25 =	sadd.s32 s18, s13  }
0xf: {  	s26 =	sadd.s32 s10, s13;
	s14 =	sadd.s32 s18, s15;
	s15 =	sadd.s32 s10, s15  }
0x10: {  	s16 =	sadd.s32 s18, s11;
	s17 =	sadd.s32 s10, s11;
	s18 =	sadd.s32 s18, s19  }
0x11: {  	s19 =	sadd.s32 s10, s19;
	s22 =	simm.s32 $0x2000;
	s24 =	simm.s32 $0x1000  }
.Ltmp0:
0x12: {  	s5 =	sshrl.u32 s5, $0x3;
	[dreg:$0x6] =	wrdreg s25;
	(pc) =	sbr.rel .LBB2_1-.Ltmp0, $4  }
0x13: {  	[dreg:$0x7] =	wrdreg s26;
	s21 =	smax.u32 s21, $0x1;
	s25 =	simm.s32 $0x80  }
0x14: {  	s26 =	simm.s32 $0x1;
	s0 =	sadd.s32 s5, s0;
	s5 =	sadd.s32 s7, s1  }
0x15: {  	s6 =	sadd.s32 $0x4000, s5;
	s7 =	sadd.s32 $0x8000, s5;
	s8 =	sadd.s32 $0xC000, s5  }
0x16: {  	v0 =	vimm.f32 $0.0e+00;
	v1 =	vimm.f32 $1.000000000e+00;
	s9 =	sadd.s32 $0x10000, s5;
	s20 =	sadd.s32 $0x85E00, s0;
	s0 =	simm.s32 $0x1F80  }
.LBB2_12:
0x17: {  	[sflag:s29] =	ssyncadd.s32 $0xFFFFC000  }
0x18: {  	_ =	swait.ge [sflag:s26], $0x4000  }
0x19: {  	[sflag:s26] =	ssyncset.done $0x0  }
0x1a: {  	[sflag:s26] =	ssyncadd.s32 $0xFFFFC000  }
0x1b: {  	[tilespmem:s28], [sflag:$0x1] =	stream.indirect.gather [hbm4b:s4+s25], $0x80, s30, s25, $0xb8;
	[tilespmem:$0x1E080] =	vst v63  }
0x1c: {  	_ = 	snop  }
0x1d: {  	[spmem:s1] =	stream.indirect.scatter.add.f32 [tilespmem:s22], [sflag:$0x2], $0x80, s31, s25, $0xb8;
	[tilespmem:$0x1E080] =	vst v63  }
0x1e: {  	_ =	swait.ge [sflag:s26], $0x4000  }
0x1f: {  	[sflag:s26] =	ssyncset.done $0x0  }
0x20: {  	[sflag:s26] =	ssyncadd.s32 $0xFFFFC000  }
0x21: {  	_ =	swait.ge [sflag:s29], $0x4000  }
0x22: {  	[sflag:s29] =	ssyncset.done $0x0  }
0x23: {  	[sflag:s29] =	ssyncadd.s32 $0xFFFFC000  }
0x24: {  	[spmem:s1] =	stream.indirect.scatter.add.f32 [tilespmem:s28], [sflag:$0x2], $0x80, s0, s25, $0xb8;
	[tilespmem:$0x1E080] =	vst v63  }
0x25: {  	_ =	swait.ge [sflag:s29], $0x4000  }
0x26: {  	[sflag:s29] =	ssyncset.done $0x0  }
0x27: {  	[sflag:s29] =	ssyncadd.s32 $0xFFFFC000  }
.LBB2_16:
0x28: {  	s3 =	sadd.s32 $0x1, s3  }
0x29: {  	s10 =	sshll.u32 s2, $0x6;
	[bflag:$0x0] =	sbarrier.arrive $0xFFFF;
	p1 =	sne.s32 s3, s21  }
.Ltmp1:
0x2a: {  	s11 =	sshrl.u32 s5, $0x3;
	s10 =	sor.u32 $0x1C03, s10;
	(pc) =	sbr.rel @!p1 .LBB2_17-.Ltmp1, $4  }
0x2b: {  	[hbm:s20], [sflag:s10] =	dma.local [spmem:s11], $0x2800  }
0x2c: {  	_ =	swait.ge [sflag:s23], $0x2800  }
0x2d: {  	[sflag:s23] =	ssyncset.done $0x0  }
0x2e: {  	[sflag:s23] =	ssyncadd.s32 $0xFFFFD800  }
.LBB2_1:
0x2f: {  	s10 =	simm.s32 $0x0;
	s11 =	simm.s32 $0x200  }
.LBB2_2:
0x30: {  	p1 =	sne.s32 s11, $0xFE00;
	[tilespmem:s10+$0x2070] =	vst v0  }
0x31: {  	[tilespmem:s10+$0x2000] =	vst v0  }
0x32: {  	[tilespmem:s10+$0x2010] =	vst v0  }
.Ltmp2:
0x33: {  	[tilespmem:s10+$0x2020] =	vst v0;
	(pc) =	sbr.rel @p1 .LBB2_2-.Ltmp2, $4  }
0x34: {  	[tilespmem:s10+$0x2030] =	vst v0  }
0x35: {  	[tilespmem:s10+$0x2040] =	vst v0  }
0x36: {  	[tilespmem:s10+$0x2050] =	vst v0  }
0x37: {  	[tilespmem:s10+$0x2060] =	vst v0;
	s10 =	sshra.s32 s11, $0x2;
	s11 =	sadd.s32 $0x200, s11  }
0x38: {  	[tilespmem:s10+$0x2070] =	vst v0  }
0x39: {  	[tilespmem:s10+$0x2000] =	vst v0  }
0x3a: {  	[tilespmem:s10+$0x2010] =	vst v0  }
0x3b: {  	[tilespmem:s10+$0x2020] =	vst v0  }
0x3c: {  	[tilespmem:s10+$0x2030] =	vst v0  }
0x3d: {  	[tilespmem:s10+$0x2040] =	vst v0  }
0x3e: {  	[tilespmem:s10+$0x2050] =	vst v0  }
0x3f: {  	[tilespmem:s10+$0x2060] =	vst v0  }
0x40: {  	[tilespmem:$0xA000] =	vst v1  }
0x41: {  	[tilespmem:$0xA010] =	vst v1  }
0x42: {  	[tilespmem:$0xA020] =	vst v1  }
0x43: {  	[tilespmem:$0xA030] =	vst v1  }
0x44: {  	[tilespmem:$0xA040] =	vst v1  }
0x45: {  	[tilespmem:$0xA050] =	vst v1  }
0x46: {  	[tilespmem:$0xA060] =	vst v1  }
0x47: {  	[tilespmem:$0xA070] =	vst v1  }
0x48: {  	[spmem:s5] =	stream.linear.scatter [tilespmem:s22], [sflag:$0x3], $0x4000, $0x38;
	[tilespmem:$0x1E080] =	vst v63  }
0x49: {  	_ =	swait.ge [sflag:s23], $0x4000  }
0x4a: {  	[sflag:s23] =	ssyncset.done $0x0  }
0x4b: {  	[sflag:s23] =	ssyncadd.s32 $0xFFFFC000  }
0x4c: {  	[spmem:s6] =	stream.linear.scatter [tilespmem:s22], [sflag:$0x3], $0x4000, $0x38;
	[tilespmem:$0x1E080] =	vst v63  }
0x4d: {  	_ =	swait.ge [sflag:s23], $0x4000  }
0x4e: {  	[sflag:s23] =	ssyncset.done $0x0  }
0x4f: {  	[sflag:s23] =	ssyncadd.s32 $0xFFFFC000  }
0x50: {  	[spmem:s7] =	stream.linear.scatter [tilespmem:s22], [sflag:$0x3], $0x4000, $0x38;
	[tilespmem:$0x1E080] =	vst v63  }
0x51: {  	_ =	swait.ge [sflag:s23], $0x4000  }
0x52: {  	[sflag:s23] =	ssyncset.done $0x0  }
0x53: {  	[sflag:s23] =	ssyncadd.s32 $0xFFFFC000  }
0x54: {  	[spmem:s8] =	stream.linear.scatter [tilespmem:s22], [sflag:$0x3], $0x4000, $0x38;
	[tilespmem:$0x1E080] =	vst v63  }
0x55: {  	_ =	swait.ge [sflag:s23], $0x4000  }
0x56: {  	[sflag:s23] =	ssyncset.done $0x0  }
0x57: {  	[sflag:s23] =	ssyncadd.s32 $0xFFFFC000  }
0x58: {  	[spmem:s9] =	stream.linear.scatter [tilespmem:s22], [sflag:$0x3], $0x4000, $0x38;
	[tilespmem:$0x1E080] =	vst v63  }
.Ltmp3:
0x59: {  	_ =	swait.ge [sflag:s23], $0x4000;
	(pc) =	sbr.rel @!p0 .LBB2_4-.Ltmp3, $4  }
0x5a: {  	[sflag:s23] =	ssyncset.done $0x0  }
0x5b: {  	[sflag:s23] =	ssyncadd.s32 $0xFFFFC000  }
0x5c: {  	[bflag:$0x0] =	sbarrier.arrive $0xFFFF  }
0x5d: {  	s10 =	simm.s32 $0x0  }
0x5e: {  	[tilespmem:s10], [sflag:$0x3] =	stream.linear.gather [hbm4b:s18+s10], $0x1000, $0x38;
	[tilespmem:$0x1E080] =	vst v63  }
0x5f: {  	_ =	swait.ge [sflag:s23], $0x1000  }
0x60: {  	[sflag:s23] =	ssyncset.done $0x0  }
0x61: {  	[sflag:s23] =	ssyncadd.s32 $0xFFFFF000  }
0x62: {  	[tilespmem:s24], [sflag:$0x3] =	stream.linear.gather [hbm4b:s19+s10], $0x1000, $0x38;
	[tilespmem:$0x1E080] =	vst v63  }
0x63: {  	_ =	swait.ge [sflag:s23], $0x1000  }
0x64: {  	[sflag:s23] =	ssyncset.done $0x0  }
0x65: {  	s12 =	simm.s32 $0x0;
	[sflag:s23] =	ssyncadd.s32 $0xFFFFF000  }
0x66: {  	[tilespmem:s22], [sflag:$0x1] =	stream.indirect.gather [hbm4b:s4+s25], $0x80, s12, s25, $0xb8;
	[tilespmem:$0x1E080] =	vst v63  }
0x67: {  	_ =	swait.ge [sflag:s26], $0x4000  }
0x68: {  	[sflag:s26] =	ssyncset.done $0x0  }
0x69: {  	s13 =	simm.s32 $0x1000;
	[sflag:s26] =	ssyncadd.s32 $0xFFFFC000  }
0x6a: {  	[spmem:s1] =	stream.indirect.scatter.add.f32 [tilespmem:s22], [sflag:$0x3], $0x80, s13, s25, $0xb8;
	[tilespmem:$0x1E080] =	vst v63  }
0x6b: {  	_ =	swait.ge [sflag:s23], $0x4000  }
0x6c: {  	s11 =	simm.s32 $0x400;
	s10 =	simm.s32 $0x200;
	[sflag:s23] =	ssyncset.done $0x0  }
.LBB2_14:
0x6d: {  	s12 =	sshra.s32 s10, $0x2  }
0x6e: {  	[sflag:s23] =	ssyncadd.s32 $0xFFFFC000;
	s10 =	smov.u32 s11;
	s13 =	sadd.s32 $0x200, s11  }
0x6f: {  	[tilespmem:s22], [sflag:$0x1] =	stream.indirect.gather [hbm4b:s4+s25], $0x80, s12, s25, $0xb8;
	[tilespmem:$0x1E080] =	vst v63  }
0x70: {  	p1 =	seq.s32 s11, $0x3E00;
	_ =	swait.ge [sflag:s26], $0x4000  }
.Ltmp4:
0x71: {  	[sflag:s26] =	ssyncset.done $0x0;
	(pc) =	sbr.rel @!p1 .LBB2_14-.Ltmp4, $4  }
0x72: {  	s11 =	sadd.s32 $0x1000, s12;
	[sflag:s26] =	ssyncadd.s32 $0xFFFFC000  }
0x73: {  	[spmem:s1] =	stream.indirect.scatter.add.f32 [tilespmem:s22], [sflag:$0x3], $0x80, s11, s25, $0xb8;
	[tilespmem:$0x1E080] =	vst v63  }
0x74: {  	_ =	swait.ge [sflag:s23], $0x4000  }
0x75: {  	s11 =	smov.u32 s13;
	[sflag:s23] =	ssyncset.done $0x0  }
0x76: {  	s10 =	sshra.s32 s10, $0x2;
	[sflag:s23] =	ssyncadd.s32 $0xFFFFC000  }
0x77: {  	[tilespmem:s22], [sflag:$0x1] =	stream.indirect.gather [hbm4b:s4+s25], $0x80, s10, s25, $0xb8;
	[tilespmem:$0x1E080] =	vst v63  }
0x78: {  	_ =	swait.ge [sflag:s26], $0x4000  }
0x79: {  	[sflag:s26] =	ssyncset.done $0x0  }
.Ltmp5:
0x7a: {  	s10 =	sadd.s32 $0x1000, s10;
	[sflag:s26] =	ssyncadd.s32 $0xFFFFC000;
	(pc) =	sbr.rel .LBB2_16-.Ltmp5, $4  }
0x7b: {  	[spmem:s1] =	stream.indirect.scatter.add.f32 [tilespmem:s22], [sflag:$0x3], $0x80, s10, s25, $0xb8;
	[tilespmem:$0x1E080] =	vst v63  }
0x7c: {  	_ =	swait.ge [sflag:s23], $0x4000  }
0x7d: {  	[sflag:s23] =	ssyncset.done $0x0  }
0x7e: {  	[sflag:s23] =	ssyncadd.s32 $0xFFFFC000  }
.LBB2_4:
0x7f: {  	s11 =	rddreg [dreg:$0x4]  }
0x80: {  	[tilespmem:s10], [sflag:$0x3] =	stream.linear.gather [hbm4b:s11+s10], $0x1000, $0x38;
	[tilespmem:$0x1E080] =	vst v63  }
0x81: {  	_ =	swait.ge [sflag:s23], $0x1000  }
0x82: {  	[sflag:s23] =	ssyncset.done $0x0  }
0x83: {  	s12 =	rddreg [dreg:$0x5];
	[sflag:s23] =	ssyncadd.s32 $0xFFFFF000  }
0x84: {  	[tilespmem:s24], [sflag:$0x3] =	stream.linear.gather [hbm4b:s12+s10], $0x1000, $0x38;
	[tilespmem:$0x1E080] =	vst v63  }
0x85: {  	_ =	swait.ge [sflag:s23], $0x1000  }
0x86: {  	[sflag:s23] =	ssyncset.done $0x0  }
0x87: {  	[sflag:s23] =	ssyncadd.s32 $0xFFFFF000  }
0x88: {  	[tilespmem:s22], [sflag:$0x1] =	stream.indirect.gather [hbm4b:s4+s25], $0x80, s10, s25, $0xb8;
	[tilespmem:$0x1E080] =	vst v63  }
0x89: {  	_ =	swait.ge [sflag:s26], $0x4000  }
0x8a: {  	[sflag:s26] =	ssyncset.done $0x0  }
0x8b: {  	s13 =	simm.s32 $0x80;
	[sflag:s26] =	ssyncadd.s32 $0xFFFFC000  }
0x8c: {  	[tilespmem:s28], [sflag:$0x1] =	stream.indirect.gather [hbm4b:s4+s25], $0x80, s13, s25, $0xb8;
	[tilespmem:$0x1E080] =	vst v63  }
0x8d: {  	s11 =	simm.s32 $0x1000  }
0x8e: {  	[spmem:s1] =	stream.indirect.scatter.add.f32 [tilespmem:s22], [sflag:$0x2], $0x80, s11, s25, $0xb8;
	[tilespmem:$0x1E080] =	vst v63  }
0x8f: {  	_ =	swait.ge [sflag:s26], $0x4000  }
0x90: {  	[sflag:s26] =	ssyncset.done $0x0  }
0x91: {  	[sflag:s26] =	ssyncadd.s32 $0xFFFFC000  }
0x92: {  	_ =	swait.ge [sflag:s29], $0x4000  }
0x93: {  	[sflag:s29] =	ssyncset.done $0x0  }
0x94: {  	s12 =	simm.s32 $0x100;
	[sflag:s29] =	ssyncadd.s32 $0xFFFFC000  }
0x95: {  	[tilespmem:s22], [sflag:$0x1] =	stream.indirect.gather [hbm4b:s4+s25], $0x80, s12, s25, $0xb8;
	[tilespmem:$0x1E080] =	vst v63  }
0x96: {  	s13 =	simm.s32 $0x1080  }
0x97: {  	[spmem:s1] =	stream.indirect.scatter.add.f32 [tilespmem:s28], [sflag:$0x2], $0x80, s13, s25, $0xb8;
	[tilespmem:$0x1E080] =	vst v63  }
0x98: {  	_ =	swait.ge [sflag:s29], $0x4000  }
0x99: {  	s10 =	simm.s32 $0x400;
	[sflag:s29] =	ssyncset.done $0x0  }
.LBB2_5:
0x9a: {  	p1 =	sne.s32 s10, $0x3800  }
0x9b: {  	[sflag:s29] =	ssyncadd.s32 $0xFFFFC000;
	s11 =	smov.u32 s10;
	s10 =	sadd.s32 $0x400, s10  }
0x9c: {  	_ = 	snop  }
0x9d: {  	_ =	swait.ge [sflag:s26], $0x4000  }
0x9e: {  	s11 =	sshra.s32 s11, $0x2;
	[sflag:s26] =	ssyncset.done $0x0  }
0x9f: {  	s12 =	sadd.s32 $0x80, s11;
	[sflag:s26] =	ssyncadd.s32 $0xFFFFC000  }
0xa0: {  	[tilespmem:s28], [sflag:$0x1] =	stream.indirect.gather [hbm4b:s4+s25], $0x80, s12, s25, $0xb8;
	[tilespmem:$0x1E080] =	vst v63  }
0xa1: {  	s12 =	sadd.s32 $0x1000, s11  }
0xa2: {  	[spmem:s1] =	stream.indirect.scatter.add.f32 [tilespmem:s22], [sflag:$0x2], $0x80, s12, s25, $0xb8;
	[tilespmem:$0x1E080] =	vst v63  }
0xa3: {  	_ =	swait.ge [sflag:s26], $0x4000  }
0xa4: {  	[sflag:s26] =	ssyncset.done $0x0  }
0xa5: {  	[sflag:s26] =	ssyncadd.s32 $0xFFFFC000  }
0xa6: {  	_ =	swait.ge [sflag:s29], $0x4000  }
0xa7: {  	[sflag:s29] =	ssyncset.done $0x0  }
0xa8: {  	s12 =	sadd.s32 $0x100, s11;
	[sflag:s29] =	ssyncadd.s32 $0xFFFFC000  }
0xa9: {  	[tilespmem:s22], [sflag:$0x1] =	stream.indirect.gather [hbm4b:s4+s25], $0x80, s12, s25, $0xb8;
	[tilespmem:$0x1E080] =	vst v63  }
.Ltmp6:
0xaa: {  	_ = 	snop;
	(pc) =	sbr.rel @p1 .LBB2_5-.Ltmp6, $4  }
0xab: {  	s11 =	sadd.s32 $0x1080, s11  }
0xac: {  	[spmem:s1] =	stream.indirect.scatter.add.f32 [tilespmem:s28], [sflag:$0x2], $0x80, s11, s25, $0xb8;
	[tilespmem:$0x1E080] =	vst v63  }
0xad: {  	_ =	swait.ge [sflag:s29], $0x4000  }
0xae: {  	[sflag:s29] =	ssyncset.done $0x0  }
0xaf: {  	[sflag:s29] =	ssyncadd.s32 $0xFFFFC000  }
0xb0: {  	_ =	swait.ge [sflag:s26], $0x4000  }
0xb1: {  	[sflag:s26] =	ssyncset.done $0x0  }
0xb2: {  	[sflag:s26] =	ssyncadd.s32 $0xFFFFC000  }
0xb3: {  	[tilespmem:s28], [sflag:$0x1] =	stream.indirect.gather [hbm4b:s4+s25], $0x80, s30, s25, $0xb8;
	[tilespmem:$0x1E080] =	vst v63  }
0xb4: {  	_ = 	snop  }
0xb5: {  	[spmem:s1] =	stream.indirect.scatter.add.f32 [tilespmem:s22], [sflag:$0x2], $0x80, s31, s25, $0xb8;
	[tilespmem:$0x1E080] =	vst v63  }
0xb6: {  	_ =	swait.ge [sflag:s26], $0x4000  }
0xb7: {  	[sflag:s26] =	ssyncset.done $0x0  }
0xb8: {  	[sflag:s26] =	ssyncadd.s32 $0xFFFFC000  }
0xb9: {  	_ =	swait.ge [sflag:s29], $0x4000  }
0xba: {  	[sflag:s29] =	ssyncset.done $0x0  }
0xbb: {  	[sflag:s29] =	ssyncadd.s32 $0xFFFFC000  }
0xbc: {  	[spmem:s1] =	stream.indirect.scatter.add.f32 [tilespmem:s28], [sflag:$0x2], $0x80, s0, s25, $0xb8;
	[tilespmem:$0x1E080] =	vst v63  }
0xbd: {  	_ =	swait.ge [sflag:s29], $0x4000  }
0xbe: {  	[sflag:s29] =	ssyncset.done $0x0  }
0xbf: {  	s10 =	simm.s32 $0x0;
	s11 =	rddreg [dreg:$0x6];
	[sflag:s29] =	ssyncadd.s32 $0xFFFFC000  }
0xc0: {  	[tilespmem:s10], [sflag:$0x3] =	stream.linear.gather [hbm4b:s11+s10], $0x1000, $0x38;
	[tilespmem:$0x1E080] =	vst v63  }
0xc1: {  	_ =	swait.ge [sflag:s23], $0x1000  }
0xc2: {  	[sflag:s23] =	ssyncset.done $0x0  }
0xc3: {  	s12 =	rddreg [dreg:$0x7];
	[sflag:s23] =	ssyncadd.s32 $0xFFFFF000  }
0xc4: {  	[tilespmem:s24], [sflag:$0x3] =	stream.linear.gather [hbm4b:s12+s10], $0x1000, $0x38;
	[tilespmem:$0x1E080] =	vst v63  }
0xc5: {  	_ =	swait.ge [sflag:s23], $0x1000  }
0xc6: {  	[sflag:s23] =	ssyncset.done $0x0  }
0xc7: {  	[sflag:s23] =	ssyncadd.s32 $0xFFFFF000  }
0xc8: {  	[tilespmem:s22], [sflag:$0x1] =	stream.indirect.gather [hbm4b:s4+s25], $0x80, s10, s25, $0xb8;
	[tilespmem:$0x1E080] =	vst v63  }
0xc9: {  	_ =	swait.ge [sflag:s26], $0x4000  }
0xca: {  	[sflag:s26] =	ssyncset.done $0x0  }
0xcb: {  	s13 =	simm.s32 $0x80;
	[sflag:s26] =	ssyncadd.s32 $0xFFFFC000  }
0xcc: {  	[tilespmem:s28], [sflag:$0x1] =	stream.indirect.gather [hbm4b:s4+s25], $0x80, s13, s25, $0xb8;
	[tilespmem:$0x1E080] =	vst v63  }
0xcd: {  	s11 =	simm.s32 $0x1000  }
0xce: {  	[spmem:s1] =	stream.indirect.scatter.add.f32 [tilespmem:s22], [sflag:$0x2], $0x80, s11, s25, $0xb8;
	[tilespmem:$0x1E080] =	vst v63  }
0xcf: {  	_ =	swait.ge [sflag:s26], $0x4000  }
0xd0: {  	[sflag:s26] =	ssyncset.done $0x0  }
0xd1: {  	[sflag:s26] =	ssyncadd.s32 $0xFFFFC000  }
0xd2: {  	_ =	swait.ge [sflag:s29], $0x4000  }
0xd3: {  	[sflag:s29] =	ssyncset.done $0x0  }
0xd4: {  	s12 =	simm.s32 $0x100;
	[sflag:s29] =	ssyncadd.s32 $0xFFFFC000  }
0xd5: {  	[tilespmem:s22], [sflag:$0x1] =	stream.indirect.gather [hbm4b:s4+s25], $0x80, s12, s25, $0xb8;
	[tilespmem:$0x1E080] =	vst v63  }
0xd6: {  	s13 =	simm.s32 $0x1080  }
0xd7: {  	[spmem:s1] =	stream.indirect.scatter.add.f32 [tilespmem:s28], [sflag:$0x2], $0x80, s13, s25, $0xb8;
	[tilespmem:$0x1E080] =	vst v63  }
0xd8: {  	_ =	swait.ge [sflag:s29], $0x4000  }
0xd9: {  	s10 =	simm.s32 $0x400;
	[sflag:s29] =	ssyncset.done $0x0  }
.LBB2_7:
0xda: {  	p1 =	sne.s32 s10, $0x3800  }
0xdb: {  	[sflag:s29] =	ssyncadd.s32 $0xFFFFC000;
	s11 =	smov.u32 s10;
	s10 =	sadd.s32 $0x400, s10  }
0xdc: {  	_ = 	snop  }
0xdd: {  	_ =	swait.ge [sflag:s26], $0x4000  }
0xde: {  	s11 =	sshra.s32 s11, $0x2;
	[sflag:s26] =	ssyncset.done $0x0  }
0xdf: {  	s12 =	sadd.s32 $0x80, s11;
	[sflag:s26] =	ssyncadd.s32 $0xFFFFC000  }
0xe0: {  	[tilespmem:s28], [sflag:$0x1] =	stream.indirect.gather [hbm4b:s4+s25], $0x80, s12, s25, $0xb8;
	[tilespmem:$0x1E080] =	vst v63  }
0xe1: {  	s12 =	sadd.s32 $0x1000, s11  }
0xe2: {  	[spmem:s1] =	stream.indirect.scatter.add.f32 [tilespmem:s22], [sflag:$0x2], $0x80, s12, s25, $0xb8;
	[tilespmem:$0x1E080] =	vst v63  }
0xe3: {  	_ =	swait.ge [sflag:s26], $0x4000  }
0xe4: {  	[sflag:s26] =	ssyncset.done $0x0  }
0xe5: {  	[sflag:s26] =	ssyncadd.s32 $0xFFFFC000  }
0xe6: {  	_ =	swait.ge [sflag:s29], $0x4000  }
0xe7: {  	[sflag:s29] =	ssyncset.done $0x0  }
0xe8: {  	s12 =	sadd.s32 $0x100, s11;
	[sflag:s29] =	ssyncadd.s32 $0xFFFFC000  }
0xe9: {  	[tilespmem:s22], [sflag:$0x1] =	stream.indirect.gather [hbm4b:s4+s25], $0x80, s12, s25, $0xb8;
	[tilespmem:$0x1E080] =	vst v63  }
.Ltmp7:
0xea: {  	_ = 	snop;
	(pc) =	sbr.rel @p1 .LBB2_7-.Ltmp7, $4  }
0xeb: {  	s11 =	sadd.s32 $0x1080, s11  }
0xec: {  	[spmem:s1] =	stream.indirect.scatter.add.f32 [tilespmem:s28], [sflag:$0x2], $0x80, s11, s25, $0xb8;
	[tilespmem:$0x1E080] =	vst v63  }
0xed: {  	_ =	swait.ge [sflag:s29], $0x4000  }
0xee: {  	[sflag:s29] =	ssyncset.done $0x0  }
0xef: {  	[sflag:s29] =	ssyncadd.s32 $0xFFFFC000  }
0xf0: {  	_ =	swait.ge [sflag:s26], $0x4000  }
0xf1: {  	[sflag:s26] =	ssyncset.done $0x0  }
0xf2: {  	[sflag:s26] =	ssyncadd.s32 $0xFFFFC000  }
0xf3: {  	[tilespmem:s28], [sflag:$0x1] =	stream.indirect.gather [hbm4b:s4+s25], $0x80, s30, s25, $0xb8;
	[tilespmem:$0x1E080] =	vst v63  }
0xf4: {  	_ = 	snop  }
0xf5: {  	[spmem:s1] =	stream.indirect.scatter.add.f32 [tilespmem:s22], [sflag:$0x2], $0x80, s31, s25, $0xb8;
	[tilespmem:$0x1E080] =	vst v63  }
0xf6: {  	_ =	swait.ge [sflag:s26], $0x4000  }
0xf7: {  	[sflag:s26] =	ssyncset.done $0x0  }
0xf8: {  	[sflag:s26] =	ssyncadd.s32 $0xFFFFC000  }
0xf9: {  	_ =	swait.ge [sflag:s29], $0x4000  }
0xfa: {  	[sflag:s29] =	ssyncset.done $0x0  }
0xfb: {  	[sflag:s29] =	ssyncadd.s32 $0xFFFFC000  }
0xfc: {  	[spmem:s1] =	stream.indirect.scatter.add.f32 [tilespmem:s28], [sflag:$0x2], $0x80, s0, s25, $0xb8;
	[tilespmem:$0x1E080] =	vst v63  }
0xfd: {  	_ =	swait.ge [sflag:s29], $0x4000  }
0xfe: {  	[sflag:s29] =	ssyncset.done $0x0  }
0xff: {  	s10 =	simm.s32 $0x0;
	[sflag:s29] =	ssyncadd.s32 $0xFFFFC000  }
0x100: {  	[tilespmem:s10], [sflag:$0x3] =	stream.linear.gather [hbm4b:s14+s10], $0x1000, $0x38;
	[tilespmem:$0x1E080] =	vst v63  }
0x101: {  	_ =	swait.ge [sflag:s23], $0x1000  }
0x102: {  	[sflag:s23] =	ssyncset.done $0x0  }
0x103: {  	[sflag:s23] =	ssyncadd.s32 $0xFFFFF000  }
0x104: {  	[tilespmem:s24], [sflag:$0x3] =	stream.linear.gather [hbm4b:s15+s10], $0x1000, $0x38;
	[tilespmem:$0x1E080] =	vst v63  }
0x105: {  	_ =	swait.ge [sflag:s23], $0x1000  }
0x106: {  	[sflag:s23] =	ssyncset.done $0x0  }
0x107: {  	[sflag:s23] =	ssyncadd.s32 $0xFFFFF000  }
0x108: {  	[tilespmem:s22], [sflag:$0x1] =	stream.indirect.gather [hbm4b:s4+s25], $0x80, s10, s25, $0xb8;
	[tilespmem:$0x1E080] =	vst v63  }
0x109: {  	_ =	swait.ge [sflag:s26], $0x4000  }
0x10a: {  	[sflag:s26] =	ssyncset.done $0x0  }
0x10b: {  	s13 =	simm.s32 $0x80;
	[sflag:s26] =	ssyncadd.s32 $0xFFFFC000  }
0x10c: {  	[tilespmem:s28], [sflag:$0x1] =	stream.indirect.gather [hbm4b:s4+s25], $0x80, s13, s25, $0xb8;
	[tilespmem:$0x1E080] =	vst v63  }
0x10d: {  	s11 =	simm.s32 $0x1000  }
0x10e: {  	[spmem:s1] =	stream.indirect.scatter.add.f32 [tilespmem:s22], [sflag:$0x2], $0x80, s11, s25, $0xb8;
	[tilespmem:$0x1E080] =	vst v63  }
0x10f: {  	_ =	swait.ge [sflag:s26], $0x4000  }
0x110: {  	[sflag:s26] =	ssyncset.done $0x0  }
0x111: {  	[sflag:s26] =	ssyncadd.s32 $0xFFFFC000  }
0x112: {  	_ =	swait.ge [sflag:s29], $0x4000  }
0x113: {  	[sflag:s29] =	ssyncset.done $0x0  }
0x114: {  	s12 =	simm.s32 $0x100;
	[sflag:s29] =	ssyncadd.s32 $0xFFFFC000  }
0x115: {  	[tilespmem:s22], [sflag:$0x1] =	stream.indirect.gather [hbm4b:s4+s25], $0x80, s12, s25, $0xb8;
	[tilespmem:$0x1E080] =	vst v63  }
0x116: {  	s13 =	simm.s32 $0x1080  }
0x117: {  	[spmem:s1] =	stream.indirect.scatter.add.f32 [tilespmem:s28], [sflag:$0x2], $0x80, s13, s25, $0xb8;
	[tilespmem:$0x1E080] =	vst v63  }
0x118: {  	_ =	swait.ge [sflag:s29], $0x4000  }
0x119: {  	s10 =	simm.s32 $0x400;
	[sflag:s29] =	ssyncset.done $0x0  }
.LBB2_9:
0x11a: {  	p1 =	sne.s32 s10, $0x3800  }
0x11b: {  	[sflag:s29] =	ssyncadd.s32 $0xFFFFC000;
	s11 =	smov.u32 s10;
	s10 =	sadd.s32 $0x400, s10  }
0x11c: {  	_ = 	snop  }
0x11d: {  	_ =	swait.ge [sflag:s26], $0x4000  }
0x11e: {  	s11 =	sshra.s32 s11, $0x2;
	[sflag:s26] =	ssyncset.done $0x0  }
0x11f: {  	s12 =	sadd.s32 $0x80, s11;
	[sflag:s26] =	ssyncadd.s32 $0xFFFFC000  }
0x120: {  	[tilespmem:s28], [sflag:$0x1] =	stream.indirect.gather [hbm4b:s4+s25], $0x80, s12, s25, $0xb8;
	[tilespmem:$0x1E080] =	vst v63  }
0x121: {  	s12 =	sadd.s32 $0x1000, s11  }
0x122: {  	[spmem:s1] =	stream.indirect.scatter.add.f32 [tilespmem:s22], [sflag:$0x2], $0x80, s12, s25, $0xb8;
	[tilespmem:$0x1E080] =	vst v63  }
0x123: {  	_ =	swait.ge [sflag:s26], $0x4000  }
0x124: {  	[sflag:s26] =	ssyncset.done $0x0  }
0x125: {  	[sflag:s26] =	ssyncadd.s32 $0xFFFFC000  }
0x126: {  	_ =	swait.ge [sflag:s29], $0x4000  }
0x127: {  	[sflag:s29] =	ssyncset.done $0x0  }
0x128: {  	s12 =	sadd.s32 $0x100, s11;
	[sflag:s29] =	ssyncadd.s32 $0xFFFFC000  }
0x129: {  	[tilespmem:s22], [sflag:$0x1] =	stream.indirect.gather [hbm4b:s4+s25], $0x80, s12, s25, $0xb8;
	[tilespmem:$0x1E080] =	vst v63  }
.Ltmp8:
0x12a: {  	_ = 	snop;
	(pc) =	sbr.rel @p1 .LBB2_9-.Ltmp8, $4  }
0x12b: {  	s11 =	sadd.s32 $0x1080, s11  }
0x12c: {  	[spmem:s1] =	stream.indirect.scatter.add.f32 [tilespmem:s28], [sflag:$0x2], $0x80, s11, s25, $0xb8;
	[tilespmem:$0x1E080] =	vst v63  }
0x12d: {  	_ =	swait.ge [sflag:s29], $0x4000  }
0x12e: {  	[sflag:s29] =	ssyncset.done $0x0  }
0x12f: {  	[sflag:s29] =	ssyncadd.s32 $0xFFFFC000  }
0x130: {  	_ =	swait.ge [sflag:s26], $0x4000  }
0x131: {  	[sflag:s26] =	ssyncset.done $0x0  }
0x132: {  	[sflag:s26] =	ssyncadd.s32 $0xFFFFC000  }
0x133: {  	[tilespmem:s28], [sflag:$0x1] =	stream.indirect.gather [hbm4b:s4+s25], $0x80, s30, s25, $0xb8;
	[tilespmem:$0x1E080] =	vst v63  }
0x134: {  	_ = 	snop  }
0x135: {  	[spmem:s1] =	stream.indirect.scatter.add.f32 [tilespmem:s22], [sflag:$0x2], $0x80, s31, s25, $0xb8;
	[tilespmem:$0x1E080] =	vst v63  }
0x136: {  	_ =	swait.ge [sflag:s26], $0x4000  }
0x137: {  	[sflag:s26] =	ssyncset.done $0x0  }
0x138: {  	[sflag:s26] =	ssyncadd.s32 $0xFFFFC000  }
0x139: {  	_ =	swait.ge [sflag:s29], $0x4000  }
0x13a: {  	[sflag:s29] =	ssyncset.done $0x0  }
0x13b: {  	[sflag:s29] =	ssyncadd.s32 $0xFFFFC000  }
0x13c: {  	[spmem:s1] =	stream.indirect.scatter.add.f32 [tilespmem:s28], [sflag:$0x2], $0x80, s0, s25, $0xb8;
	[tilespmem:$0x1E080] =	vst v63  }
0x13d: {  	_ =	swait.ge [sflag:s29], $0x4000  }
0x13e: {  	[sflag:s29] =	ssyncset.done $0x0  }
0x13f: {  	s10 =	simm.s32 $0x0;
	[sflag:s29] =	ssyncadd.s32 $0xFFFFC000  }
0x140: {  	[tilespmem:s10], [sflag:$0x3] =	stream.linear.gather [hbm4b:s16+s10], $0x1000, $0x38;
	[tilespmem:$0x1E080] =	vst v63  }
0x141: {  	_ =	swait.ge [sflag:s23], $0x1000  }
0x142: {  	[sflag:s23] =	ssyncset.done $0x0  }
0x143: {  	[sflag:s23] =	ssyncadd.s32 $0xFFFFF000  }
0x144: {  	[tilespmem:s24], [sflag:$0x3] =	stream.linear.gather [hbm4b:s17+s10], $0x1000, $0x38;
	[tilespmem:$0x1E080] =	vst v63  }
0x145: {  	_ =	swait.ge [sflag:s23], $0x1000  }
0x146: {  	[sflag:s23] =	ssyncset.done $0x0  }
0x147: {  	[sflag:s23] =	ssyncadd.s32 $0xFFFFF000  }
0x148: {  	[tilespmem:s22], [sflag:$0x1] =	stream.indirect.gather [hbm4b:s4+s25], $0x80, s10, s25, $0xb8;
	[tilespmem:$0x1E080] =	vst v63  }
0x149: {  	_ =	swait.ge [sflag:s26], $0x4000  }
0x14a: {  	[sflag:s26] =	ssyncset.done $0x0  }
0x14b: {  	s13 =	simm.s32 $0x80;
	[sflag:s26] =	ssyncadd.s32 $0xFFFFC000  }
0x14c: {  	[tilespmem:s28], [sflag:$0x1] =	stream.indirect.gather [hbm4b:s4+s25], $0x80, s13, s25, $0xb8;
	[tilespmem:$0x1E080] =	vst v63  }
0x14d: {  	s11 =	simm.s32 $0x1000  }
0x14e: {  	[spmem:s1] =	stream.indirect.scatter.add.f32 [tilespmem:s22], [sflag:$0x2], $0x80, s11, s25, $0xb8;
	[tilespmem:$0x1E080] =	vst v63  }
0x14f: {  	_ =	swait.ge [sflag:s26], $0x4000  }
0x150: {  	[sflag:s26] =	ssyncset.done $0x0  }
0x151: {  	[sflag:s26] =	ssyncadd.s32 $0xFFFFC000  }
0x152: {  	_ =	swait.ge [sflag:s29], $0x4000  }
0x153: {  	[sflag:s29] =	ssyncset.done $0x0  }
0x154: {  	s12 =	simm.s32 $0x100;
	[sflag:s29] =	ssyncadd.s32 $0xFFFFC000  }
0x155: {  	[tilespmem:s22], [sflag:$0x1] =	stream.indirect.gather [hbm4b:s4+s25], $0x80, s12, s25, $0xb8;
	[tilespmem:$0x1E080] =	vst v63  }
0x156: {  	s13 =	simm.s32 $0x1080  }
0x157: {  	[spmem:s1] =	stream.indirect.scatter.add.f32 [tilespmem:s28], [sflag:$0x2], $0x80, s13, s25, $0xb8;
	[tilespmem:$0x1E080] =	vst v63  }
0x158: {  	_ =	swait.ge [sflag:s29], $0x4000  }
0x159: {  	s10 =	simm.s32 $0x400;
	[sflag:s29] =	ssyncset.done $0x0  }
.LBB2_11:
0x15a: {  	p1 =	seq.s32 s10, $0x3800  }
0x15b: {  	[sflag:s29] =	ssyncadd.s32 $0xFFFFC000;
	s11 =	smov.u32 s10;
	s10 =	sadd.s32 $0x400, s10  }
0x15c: {  	_ = 	snop  }
0x15d: {  	_ =	swait.ge [sflag:s26], $0x4000  }
0x15e: {  	s11 =	sshra.s32 s11, $0x2;
	[sflag:s26] =	ssyncset.done $0x0  }
0x15f: {  	s12 =	sadd.s32 $0x80, s11;
	[sflag:s26] =	ssyncadd.s32 $0xFFFFC000  }
0x160: {  	[tilespmem:s28], [sflag:$0x1] =	stream.indirect.gather [hbm4b:s4+s25], $0x80, s12, s25, $0xb8;
	[tilespmem:$0x1E080] =	vst v63  }
0x161: {  	s12 =	sadd.s32 $0x1000, s11  }
0x162: {  	[spmem:s1] =	stream.indirect.scatter.add.f32 [tilespmem:s22], [sflag:$0x2], $0x80, s12, s25, $0xb8;
	[tilespmem:$0x1E080] =	vst v63  }
0x163: {  	_ =	swait.ge [sflag:s26], $0x4000  }
0x164: {  	[sflag:s26] =	ssyncset.done $0x0  }
0x165: {  	[sflag:s26] =	ssyncadd.s32 $0xFFFFC000  }
0x166: {  	_ =	swait.ge [sflag:s29], $0x4000  }
0x167: {  	[sflag:s29] =	ssyncset.done $0x0  }
0x168: {  	s12 =	sadd.s32 $0x100, s11;
	[sflag:s29] =	ssyncadd.s32 $0xFFFFC000  }
0x169: {  	[tilespmem:s22], [sflag:$0x1] =	stream.indirect.gather [hbm4b:s4+s25], $0x80, s12, s25, $0xb8;
	[tilespmem:$0x1E080] =	vst v63  }
.Ltmp9:
0x16a: {  	_ = 	snop;
	(pc) =	sbr.rel @!p1 .LBB2_11-.Ltmp9, $4  }
0x16b: {  	s11 =	sadd.s32 $0x1080, s11  }
0x16c: {  	[spmem:s1] =	stream.indirect.scatter.add.f32 [tilespmem:s28], [sflag:$0x2], $0x80, s11, s25, $0xb8;
	[tilespmem:$0x1E080] =	vst v63  }
0x16d: {  	_ =	swait.ge [sflag:s29], $0x4000  }
0x16e: {  	[sflag:s29] =	ssyncset.done $0x0  }
.Ltmp10:
0x16f: {  	_ = 	snop;
	(pc) =	sbr.rel .LBB2_12-.Ltmp10, $1  }
0x170: {  	_ =	sdelay $0x3  }
.LBB2_17:
0x171: {  	_ =	sfence.sel $0x180000  }
0x172: {  	[bflag:$0x0] =	sbarrier.arrive $0xFFFF  }
0x173: {  	_ =	strace $0x9000004A  }
0x174: {  	[bflag:$0x2] =	sbarrier.arrive $0xFFFF  }
0x175: {  	p0 =	sne.s32 s2, $0x0;
	s0 =	rddreg [dreg:$0x3]  }
0x176: {  	s0 =	sadd.s32 @!p0 $0x100000, s0  }
0x177: {  	[sflag:s0] =	ssyncadd.tile.s32 @!p0 $0x1;
	_ =	shalt  }
.Lfunc_end2:
_tile_overlayer_lowered:
.L_overlay_start_2:
0x178: {  	(tag) =	ssettag $0x2  }
0x179: {  	s0 =	rddreg [dreg:$0x0];
	s2 =	stileid.u32  }
0x17a: {  	s1 =	rddreg [dreg:$0x1];
	p0 =	sne.s32 s2, $0x0  }
0x17b: {  	s3 =	rddreg [dreg:$0x2];
	[bflag:$0x3] =	sbarrier.arrive $0xFFFF;
	s2 =	simm.s32 @!p0 $0x1C03  }
0x17c: {  	[timem:s3], [sflag:s2] =	dma.local @!p0 [hbm:s0], s1  }
0x17d: {  	s0 =	simm.s32 @!p0 $0x3  }
0x17e: {  	_ =	swait.ge @!p0 [sflag:s0], s1  }
0x17f: {  	s1 =	ssub.s32 @!p0 $0x0, s1;
	[sflag:s0] =	ssyncset.done @!p0 $0x0  }
0x180: {  	[sflag:s0] =	ssyncadd.s32 @!p0 s1  }
0x181: {  	[bflag:$0x3] =	sbarrier.arrive $0xFFFF  }
0x182: {  	_ =	shalt  }

// kernel: kernel.14.cloned.1.call-start
scs
__scs_entry_jumppad:
0x0: {  	(pc) =	sbr.rel $0x88, $3  }
0x1: {  	(tag) =	ssettag $0x0;
	lr =	simm.s32 $0x1  }
0x2: {  	[smem:$0x3F96] =	sst lr;
	_ =	strace $0xD0000000  }
0x3: {  	_ = 	snop  }
0x4: {  	_ = 	snop  }
0x5: {  	_ = 	snop  }
0x6: {  	_ = 	snop  }
0x7: {  	_ = 	snop  }
__scs_overlays_trampoline_lowered:
0x8: {  	[smem:$0x3FA5] =	sst s0  }
0x9: {  	[smem:$0x3FA6] =	sst s1  }
0xa: {  	[smem:$0x3FA7] =	sst s2  }
0xb: {  	[smem:$0x3FA8] =	sst s3  }
0xc: {  	[smem:$0x3FA9] =	sst s4  }
0xd: {  	[smem:$0x3FAA] =	sst s5  }
0xe: {  	[smem:$0x3FAB] =	sst s6  }
0xf: {  	[smem:$0x3FAC] =	sst s7  }
0x10: {  	[smem:$0x3FAD] =	sst s8  }
0x11: {  	[smem:$0x3FAE] =	sst s9;
	s0 =	simm.s32 @!p0 $0x0  }
0x12: {  	s1 =	sld [smem:$0x3F94];
	s0 =	simm.s32 @p0 $0x1  }
0x13: {  	[smem:$0x3FAF] =	sst s0;
	s0 =	simm.s32 @!p1 $0x0  }
0x14: {  	s2 =	sld [smem:$0x3F93];
	s0 =	simm.s32 @p1 $0x1  }
0x15: {  	[smem:$0x3FB0] =	sst s0;
	s0 =	simm.s32 @!p2 $0x0  }
0x16: {  	s3 =	sld [smem:$0x3FDB];
	s0 =	simm.s32 @p2 $0x1  }
0x17: {  	s4 =	simm.s32 $0x1BF5;
	[smem:$0x3FB2] =	sst s0  }
0x18: {  	s0 =	sld [smem:$0x3F95];
	_ =	swait.ge [sflag:s4], $0x0  }
0x19: {  	s7 =	sld [smem:$0x3F96]  }
0x1a: {  	s8 =	sadd.s32 $0xFFFFE003, lr  }
0x1b: {  	s9 =	sadd.s32 $0xFFFFFEF7, lr;
	s5 =	simm.s32 $0xFFFFFFFF;
	p2 =	slt.u32 s8, $0xFFFFF086  }
0x1c: {  	p1 =	slt.u32 s9, $0xF7A;
	s5 =	simm.s32 @!p2 $0x0  }
0x1d: {  	s5 =	simm.s32 @p1 $0x1;
	p0 =	seq.s32 s7, s2  }
0x1e: {  	s7 =	smul.u32 @!p0 $0xF7A, s2;
	p2 =	seq.s32 @!p0 s5, $0x0  }
0x1f: {  	s9 =	smul.u32 $0xF7A, s1;
	s8 =	simm.s32 @!p0 $0x1BF5;
	p2 =	por !p2, p0  }
0x20: {  	[sflag:s8] =	ssyncset.s32 @!p0 $0xFFFFF086;
	s6 =	sadd.s32 @!p0 s3, s7;
	s7 =	simm.s32 @!p0 $0x108  }
0x21: {  	s3 =	sadd.s32 s3, s9;
	s6 =	sadd.s32 @!p0 $0x88, s6;
	s7 =	simm.s32 @p2 $0x1082  }
0x22: {  	[simem:s7], [sflag:s8] =	dma.local @!p0 [hbm:s6], $0xF7A  }
0x23: {  	s9 =	sor.u32 $0xD0000000, s2;
	s6 =	simm.s32 $0x108;
	_ =	swait.ge @!p0 [sflag:s8], $0x0  }
0x24: {  	s3 =	sadd.s32 $0x88, s3;
	s6 =	simm.s32 @!p1 $0x1082;
	[sflag:s4] =	ssyncset.s32 $0xFFFFF086  }
0x25: {  	[simem:s6], [sflag:s4] =	dma.local [hbm:s3], $0xF7A  }
0x26: {  	[smem:$0x3F96] =	sst s1;
	(tag) =	ssettag s2;
	_ =	strace s9  }
0x27: {  	s1 =	sld [smem:$0x3FA6]  }
0x28: {  	s2 =	sld [smem:$0x3FA7]  }
0x29: {  	s4 =	sld [smem:$0x3FA9]  }
0x2a: {  	p0 =	seq.s32 s5, $0x0;
	s5 =	sld [smem:$0x3FAA]  }
0x2b: {  	s6 =	sld [smem:$0x3FAB]  }
0x2c: {  	s7 =	sld [smem:$0x3FAC]  }
0x2d: {  	s3 =	simm.s32 $0x108;
	s8 =	sld [smem:$0x3FAD]  }
0x2e: {  	s3 =	simm.s32 @!p0 $0x1082;
	s9 =	sld [smem:$0x3FAE]  }
0x2f: {  	lr =	sadd.s32 s0, s3;
	s0 =	sld [smem:$0x3FA5]  }
0x30: {  	s3 =	sld [smem:$0x3FA8]  }
0x31: {  	[smem:$0x3FB1] =	sst s10  }
0x32: {  	s10 =	sld [smem:$0x3FAF];
	_ =	sdelay $0x3  }
0x33: {  	p0 =	seq.s32 s10, $0x1;
	s10 =	sld [smem:$0x3FB1];
	_ =	sdelay $0x3  }
0x34: {  	[smem:$0x3FB1] =	sst s10  }
0x35: {  	s10 =	sld [smem:$0x3FB0];
	_ =	sdelay $0x3  }
0x36: {  	p1 =	seq.s32 s10, $0x1;
	s10 =	sld [smem:$0x3FB1];
	_ =	sdelay $0x3  }
0x37: {  	[smem:$0x3FB1] =	sst s10  }
0x38: {  	s10 =	sld [smem:$0x3FB2]  }
0x39: {  	_ = 	snop;
	(pc) =	sbr.ind lr, $3  }
0x3a: {  	_ = 	snop  }
0x3b: {  	_ = 	snop  }
0x3c: {  	p2 =	seq.s32 s10, $0x1;
	s10 =	sld [smem:$0x3FB1]  }
0x3d: {  	_ =	shalt  }
0x3e: {  	_ =	shalt  }
0x3f: {  	_ =	shalt  }
0x40: {  	_ =	shalt  }
0x41: {  	_ =	shalt  }
0x42: {  	_ =	shalt  }
0x43: {  	_ =	shalt  }
0x44: {  	_ =	shalt  }
0x45: {  	_ =	shalt  }
0x46: {  	_ =	shalt  }
0x47: {  	_ =	shalt  }
0x48: {  	_ =	shalt  }
0x49: {  	_ =	shalt  }
0x4a: {  	_ =	shalt  }
0x4b: {  	_ =	shalt  }
0x4c: {  	_ =	shalt  }
0x4d: {  	_ =	shalt  }
0x4e: {  	_ =	shalt  }
0x4f: {  	_ =	shalt  }
0x50: {  	_ =	shalt  }
0x51: {  	_ =	shalt  }
0x52: {  	_ =	shalt  }
0x53: {  	_ =	shalt  }
0x54: {  	_ =	shalt  }
0x55: {  	_ =	shalt  }
0x56: {  	_ =	shalt  }
0x57: {  	_ =	shalt  }
0x58: {  	_ =	shalt  }
0x59: {  	_ =	shalt  }
0x5a: {  	_ =	shalt  }
0x5b: {  	_ =	shalt  }
0x5c: {  	_ =	shalt  }
0x5d: {  	_ =	shalt  }
0x5e: {  	_ =	shalt  }
0x5f: {  	_ =	shalt  }
0x60: {  	_ =	shalt  }
0x61: {  	_ =	shalt  }
0x62: {  	_ =	shalt  }
0x63: {  	_ =	shalt  }
0x64: {  	_ =	shalt  }
0x65: {  	_ =	shalt  }
0x66: {  	_ =	shalt  }
0x67: {  	_ =	shalt  }
0x68: {  	_ =	shalt  }
0x69: {  	_ =	shalt  }
0x6a: {  	_ =	shalt  }
0x6b: {  	_ =	shalt  }
0x6c: {  	_ =	shalt  }
0x6d: {  	_ =	shalt  }
0x6e: {  	_ =	shalt  }
0x6f: {  	_ =	shalt  }
0x70: {  	_ =	shalt  }
0x71: {  	_ =	shalt  }
0x72: {  	_ =	shalt  }
0x73: {  	_ =	shalt  }
0x74: {  	_ =	shalt  }
0x75: {  	_ =	shalt  }
0x76: {  	_ =	shalt  }
0x77: {  	_ =	shalt  }
0x78: {  	_ =	shalt  }
0x79: {  	_ =	shalt  }
0x7a: {  	_ =	shalt  }
0x7b: {  	_ =	shalt  }
0x7c: {  	_ =	shalt  }
0x7d: {  	_ =	shalt  }
0x7e: {  	_ =	shalt  }
0x7f: {  	_ =	shalt  }
0x80: {  	_ =	shalt  }
0x81: {  	_ =	shalt  }
0x82: {  	_ =	shalt  }
0x83: {  	_ =	shalt  }
0x84: {  	_ =	shalt  }
0x85: {  	_ =	shalt  }
0x86: {  	_ =	shalt  }
0x87: {  	_ =	shalt  }
.Lfunc_end0:
.L_simem_size_0:
called_computation.2_lowered:
.L_overlay_start_0:
0x88: {  	s2 =	sld [smem:$0x3FD9]  }
0x89: {  	s3 =	sld [smem:$0x3FFE];
	_ =	sdelay $0x1  }
0x8a: {  	s1 =	srdreg.scid  }
0x8b: {  	s0 =	sand.u32 $0x1, s1  }
0x8c: {  	s17 =	sshll.u32 s0, $0xA;
	s2 =	sadd.s32 s3, s2  }
0x8d: {  	s2 =	sadd.s32 s2, s17  }
0x8e: {  	[smem:$0x3FBD] =	sst s2  }
0x8f: {  	_ = 	snop  }
0x90: {  	s2 =	sld [smem:$0x3FD0];
	(tm) =	ssettm $0x1  }
0x91: {  	s18 =	sld [smem:$0x3FFB];
	_ =	sdelay $0x3  }
0x92: {  	_ =	strace s18  }
0x93: {  	s3 =	sld [smem:$0x3FFC];
	_ =	sdelay $0x3  }
0x94: {  	_ =	strace s3  }
0x95: {  	s3 =	sld [smem:$0x3FFD];
	_ =	sdelay $0x3  }
0x96: {  	_ =	strace s3  }
0x97: {  	_ =	strace $0x8FFFFFFF  }
0x98: {  	s19 =	sld [smem:$0x3FDB];
	_ =	sdelay $0x1  }
0x99: {  	s4 =	simm.s32 $_scs_section_size  }
0x9a: {  	s5 =	simm.s32 $_size__tile_overlayer_lowered;
	s6 =	simm.s32 $_tile_overlayer_lowered  }
0x9b: {  	s22 =	simm.s32 $0x1BFF;
	s21 =	sshll.u32 s6, $0x1;
	s3 =	sadd.s32 s4, s19  }
0x9c: {  	s7 =	simm.s32 $0x0;
	s20 =	sshll.u32 s5, $0x1;
	s5 =	sadd.s32 s21, s3  }
0x9d: {  	[timem:s7], [sflag:s22] =	dma.local [hbm:s5], s20  }
0x9e: {  	_ =	swait.ge [sflag:s22], s20  }
0x9f: {  	s4 =	ssub.s32 $0x0, s20;
	[sflag:s22] =	ssyncset.done $0x0  }
0xa0: {  	[sflag:s22] =	ssyncadd.s32 s4;
	_ =	sdelay $0x1  }
0xa1: {  	s23 =	simm.s32 $0x1B8B  }
0xa2: {  	_ =	swait.ge [sflag:s23], $0x1  }
0xa3: {  	[sflag:s23] =	ssyncset.done $0x0  }
0xa4: {  	s25 =	simm.s32 $0x1B8E;
	s24 =	sld [smem:$0x3FFE];
	[sflag:s23] =	ssyncadd.s32 $0xFFFFFFFF  }
0xa5: {  	s26 =	simm.s32 $execute0_lowered;
	[smem:$0x3FD2] =	sst s25  }
0xa6: {  	s5 =	sshll.u32 s26, $0x1;
	_ =	strace $0x8000004C;
	[dreg:$0x1] =	wrdreg $0xFFFFFFFF  }
0xa7: {  	s28 =	simm.s32 $_size_execute0_lowered;
	s3 =	sadd.s32 s3, s5;
	[dreg:$0x0] =	wrdreg $0x0  }
0xa8: {  	s5 =	sshll.u32 s28, $0x1;
	[dreg:$0x2] =	wrdreg s3  }
0xa9: {  	[dreg:$0x3] =	wrdreg s5  }
0xaa: {  	[dreg:$0x4] =	wrdreg $0xC0  }
0xab: {  	_ =	task [dreg:s7], $0x5FFFF  }
0xac: {  	[dreg:$0x1] =	wrdreg $0xFFFFFFFF  }
0xad: {  	[dreg:$0x0] =	wrdreg $0x60  }
0xae: {  	[dreg:$0x2] =	wrdreg s24  }
0xaf: {  	[dreg:$0x3] =	wrdreg s2  }
0xb0: {  	[dreg:$0x4] =	wrdreg $0xA0800  }
0xb1: {  	[dreg:$0x5] =	wrdreg $0x9  }
0xb2: {  	_ =	task.clear_ibuf [dreg:s7], $0x6FFFF;
	_ =	strace $0x9000004C  }
0xb3: {  	s29 =	simm.s32 $0x9;
	_ =	strace $0x8000004E  }
0xb4: {  	_ =	swait.ge [sflag:s29], $0x1  }
0xb5: {  	[sflag:s29] =	ssyncadd.s32 $0xFFFFFFFF  }
0xb6: {  	_ =	strace $0x9000004E  }
0xb7: {  	_ =	sfence  }
0xb8: {  	s30 =	sld [smem:$0x0];
	_ =	sdelay $0x2  }
0xb9: {  	s31 =	sshll.u32 s1, $0xD;
	s1 =	sshrl.u32 s1, $0x2  }
0xba: {  	s3 =	sand.u32 $0x4000, s31;
	s1 =	sadd.s32 s1, s30  }
0xbb: {  	s0 =	sor.u32 s3, s0;
	s1 =	sshll.u32 s1, $0x11  }
0xbc: {  	s0 =	sor.u32 s1, s0  }
0xbd: {  	s0 =	sadd.s32 $0x8F2B, s0  }
0xbe: {  	[sflag:s0] =	ssyncadd.remote.s32 $0x1  }
0xbf: {  	_ =	sfence.sel $0xFFFF  }
0xc0: {  	[dreg:$0x0] =	wrdreg $0xFFFFFFFF;
	(pc) =	sbr.abs _section_cstart, $3  }
0xc1: {  	[dreg:$0x1] =	wrdreg $0xFFFFFFFF  }
0xc2: {  	_ =	task.clear_ibuf [dreg:s7], $0x2FFFF;
	_ =	strace $0x9FFFFFFF  }
0xc3: {  	(tm) =	ssettm $0x7FFFFFFF  }
tec
execute0_lowered:
.L_overlay_start_1:
0x0: {  	(tag) =	ssettag $0x1  }
0x1: {  	s0 =	rddreg [dreg:$0x0]  }
0x2: {  	s10 =	rddreg [dreg:$0x1]  }
0x3: {  	s1 =	rddreg [dreg:$0x2]  }
0x4: {  	s2 =	srdreg.scid;
	s3 =	simm.s32 $0x0;
	s28 =	simm.s32 $0x6000  }
0x5: {  	s29 =	simm.s32 $0x2;
	s30 =	simm.s32 $0xF80;
	s11 =	sand.u32 $0x1, s2  }
0x6: {  	s31 =	simm.s32 $0x1F00;
	s2 =	stileid.u32;
	s5 =	smul.u32 $0x140000, s11  }
0x7: {  	[smem:$0x7FF] =	sst s3;
	s4 =	sadd.s32 $0xDE00, s0;
	s6 =	smul.u32 $0x14000, s2  }
0x8: {  	s18 =	sadd.s32 $0x3E00, s0;
	_ =	strace $0x8000004D;
	s7 =	smul.u32 $0x50000, s2  }
0x9: {  	s22 =	ssub.s32 $0x2, s11;
	p0 =	seq.s32 s11, $0x1;
	s23 =	sshll.u32 s2, $0xB  }
0xa: {  	s17 =	sshll.u32 s2, $0x9;
	s8 =	sshrl.u32 s22, $0x1;
	s12 =	sadd.s32 s18, s23  }
0xb: {  	s24 =	sadd.s32 s10, s23;
	s13 =	sor.u32 $0x200, s23;
	s15 =	sor.u32 $0x400, s23  }
0xc: {  	s11 =	sor.u32 $0x600, s23;
	s19 =	sor.u32 $0x8000, s17;
	s23 =	simm.s32 $0x3  }
0xd: {  	s5 =	sadd.s32 s6, s5;
	s7 =	sshrl.u32 s7, $0x2;
	[dreg:$0x4] =	wrdreg s12  }
0xe: {  	s21 =	ssub.s32 s22, s8;
	[dreg:$0x5] =	wrdreg s24;
	s25 =	sadd.s32 s18, s13  }
0xf: {  	s26 =	sadd.s32 s10, s13;
	s14 =	sadd.s32 s18, s15;
	s15 =	sadd.s32 s10, s15  }
0x10: {  	s16 =	sadd.s32 s18, s11;
	s17 =	sadd.s32 s10, s11;
	s18 =	sadd.s32 s18, s19  }
0x11: {  	s19 =	sadd.s32 s10, s19;
	s22 =	simm.s32 $0x2000;
	s24 =	simm.s32 $0x1000  }
.Ltmp0:
0x12: {  	s5 =	sshrl.u32 s5, $0x3;
	[dreg:$0x6] =	wrdreg s25;
	(pc) =	sbr.rel .LBB2_1-.Ltmp0, $4  }
0x13: {  	[dreg:$0x7] =	wrdreg s26;
	s21 =	smax.u32 s21, $0x1;
	s25 =	simm.s32 $0x80  }
0x14: {  	s26 =	simm.s32 $0x1;
	s0 =	sadd.s32 s5, s0;
	s5 =	sadd.s32 s7, s1  }
0x15: {  	s6 =	sadd.s32 $0x4000, s5;
	s7 =	sadd.s32 $0x8000, s5;
	s8 =	sadd.s32 $0xC000, s5  }
0x16: {  	v0 =	vimm.f32 $0.0e+00;
	v1 =	vimm.f32 $1.000000000e+00;
	s9 =	sadd.s32 $0x10000, s5;
	s20 =	sadd.s32 $0x85E00, s0;
	s0 =	simm.s32 $0x1F80  }
.LBB2_12:
0x17: {  	[sflag:s29] =	ssyncadd.s32 $0xFFFFC000  }
0x18: {  	_ =	swait.ge [sflag:s26], $0x4000  }
0x19: {  	[sflag:s26] =	ssyncset.done $0x0  }
0x1a: {  	[sflag:s26] =	ssyncadd.s32 $0xFFFFC000  }
0x1b: {  	[tilespmem:s28], [sflag:$0x1] =	stream.indirect.gather [hbm4b:s4+s25], $0x80, s30, s25, $0xb8;
	[tilespmem:$0x1E080] =	vst v63  }
0x1c: {  	_ = 	snop  }
0x1d: {  	[spmem:s1] =	stream.indirect.scatter.add.f32 [tilespmem:s22], [sflag:$0x2], $0x80, s31, s25, $0xb8;
	[tilespmem:$0x1E080] =	vst v63  }
0x1e: {  	_ =	swait.ge [sflag:s26], $0x4000  }
0x1f: {  	[sflag:s26] =	ssyncset.done $0x0  }
0x20: {  	[sflag:s26] =	ssyncadd.s32 $0xFFFFC000  }
0x21: {  	_ =	swait.ge [sflag:s29], $0x4000  }
0x22: {  	[sflag:s29] =	ssyncset.done $0x0  }
0x23: {  	[sflag:s29] =	ssyncadd.s32 $0xFFFFC000  }
0x24: {  	[spmem:s1] =	stream.indirect.scatter.add.f32 [tilespmem:s28], [sflag:$0x2], $0x80, s0, s25, $0xb8;
	[tilespmem:$0x1E080] =	vst v63  }
0x25: {  	_ =	swait.ge [sflag:s29], $0x4000  }
0x26: {  	[sflag:s29] =	ssyncset.done $0x0  }
0x27: {  	[sflag:s29] =	ssyncadd.s32 $0xFFFFC000  }
.LBB2_16:
0x28: {  	s3 =	sadd.s32 $0x1, s3  }
0x29: {  	s10 =	sshll.u32 s2, $0x6;
	[bflag:$0x0] =	sbarrier.arrive $0xFFFF;
	p1 =	sne.s32 s3, s21  }
.Ltmp1:
0x2a: {  	s11 =	sshrl.u32 s5, $0x3;
	s10 =	sor.u32 $0x1C03, s10;
	(pc) =	sbr.rel @!p1 .LBB2_17-.Ltmp1, $4  }
0x2b: {  	[hbm:s20], [sflag:s10] =	dma.local [spmem:s11], $0x2800  }
0x2c: {  	_ =	swait.ge [sflag:s23], $0x2800  }
0x2d: {  	[sflag:s23] =	ssyncset.done $0x0  }
0x2e: {  	[sflag:s23] =	ssyncadd.s32 $0xFFFFD800  }
.LBB2_1:
0x2f: {  	s10 =	simm.s32 $0x0;
	s11 =	simm.s32 $0x200  }
.LBB2_2:
0x30: {  	p1 =	sne.s32 s11, $0xFE00;
	[tilespmem:s10+$0x2070] =	vst v0  }
0x31: {  	[tilespmem:s10+$0x2000] =	vst v0  }
0x32: {  	[tilespmem:s10+$0x2010] =	vst v0  }
.Ltmp2:
0x33: {  	[tilespmem:s10+$0x2020] =	vst v0;
	(pc) =	sbr.rel @p1 .LBB2_2-.Ltmp2, $4  }
0x34: {  	[tilespmem:s10+$0x2030] =	vst v0  }
0x35: {  	[tilespmem:s10+$0x2040] =	vst v0  }
0x36: {  	[tilespmem:s10+$0x2050] =	vst v0  }
0x37: {  	[tilespmem:s10+$0x2060] =	vst v0;
	s10 =	sshra.s32 s11, $0x2;
	s11 =	sadd.s32 $0x200, s11  }
0x38: {  	[tilespmem:s10+$0x2070] =	vst v0  }
0x39: {  	[tilespmem:s10+$0x2000] =	vst v0  }
0x3a: {  	[tilespmem:s10+$0x2010] =	vst v0  }
0x3b: {  	[tilespmem:s10+$0x2020] =	vst v0  }
0x3c: {  	[tilespmem:s10+$0x2030] =	vst v0  }
0x3d: {  	[tilespmem:s10+$0x2040] =	vst v0  }
0x3e: {  	[tilespmem:s10+$0x2050] =	vst v0  }
0x3f: {  	[tilespmem:s10+$0x2060] =	vst v0  }
0x40: {  	[tilespmem:$0xA000] =	vst v1  }
0x41: {  	[tilespmem:$0xA010] =	vst v1  }
0x42: {  	[tilespmem:$0xA020] =	vst v1  }
0x43: {  	[tilespmem:$0xA030] =	vst v1  }
0x44: {  	[tilespmem:$0xA040] =	vst v1  }
0x45: {  	[tilespmem:$0xA050] =	vst v1  }
0x46: {  	[tilespmem:$0xA060] =	vst v1  }
0x47: {  	[tilespmem:$0xA070] =	vst v1  }
0x48: {  	[spmem:s5] =	stream.linear.scatter [tilespmem:s22], [sflag:$0x3], $0x4000, $0x38;
	[tilespmem:$0x1E080] =	vst v63  }
0x49: {  	_ =	swait.ge [sflag:s23], $0x4000  }
0x4a: {  	[sflag:s23] =	ssyncset.done $0x0  }
0x4b: {  	[sflag:s23] =	ssyncadd.s32 $0xFFFFC000  }
0x4c: {  	[spmem:s6] =	stream.linear.scatter [tilespmem:s22], [sflag:$0x3], $0x4000, $0x38;
	[tilespmem:$0x1E080] =	vst v63  }
0x4d: {  	_ =	swait.ge [sflag:s23], $0x4000  }
0x4e: {  	[sflag:s23] =	ssyncset.done $0x0  }
0x4f: {  	[sflag:s23] =	ssyncadd.s32 $0xFFFFC000  }
0x50: {  	[spmem:s7] =	stream.linear.scatter [tilespmem:s22], [sflag:$0x3], $0x4000, $0x38;
	[tilespmem:$0x1E080] =	vst v63  }
0x51: {  	_ =	swait.ge [sflag:s23], $0x4000  }
0x52: {  	[sflag:s23] =	ssyncset.done $0x0  }
0x53: {  	[sflag:s23] =	ssyncadd.s32 $0xFFFFC000  }
0x54: {  	[spmem:s8] =	stream.linear.scatter [tilespmem:s22], [sflag:$0x3], $0x4000, $0x38;
	[tilespmem:$0x1E080] =	vst v63  }
0x55: {  	_ =	swait.ge [sflag:s23], $0x4000  }
0x56: {  	[sflag:s23] =	ssyncset.done $0x0  }
0x57: {  	[sflag:s23] =	ssyncadd.s32 $0xFFFFC000  }
0x58: {  	[spmem:s9] =	stream.linear.scatter [tilespmem:s22], [sflag:$0x3], $0x4000, $0x38;
	[tilespmem:$0x1E080] =	vst v63  }
.Ltmp3:
0x59: {  	_ =	swait.ge [sflag:s23], $0x4000;
	(pc) =	sbr.rel @!p0 .LBB2_4-.Ltmp3, $4  }
0x5a: {  	[sflag:s23] =	ssyncset.done $0x0  }
0x5b: {  	[sflag:s23] =	ssyncadd.s32 $0xFFFFC000  }
0x5c: {  	[bflag:$0x0] =	sbarrier.arrive $0xFFFF  }
0x5d: {  	s10 =	simm.s32 $0x0  }
0x5e: {  	[tilespmem:s10], [sflag:$0x3] =	stream.linear.gather [hbm4b:s18+s10], $0x1000, $0x38;
	[tilespmem:$0x1E080] =	vst v63  }
0x5f: {  	_ =	swait.ge [sflag:s23], $0x1000  }
0x60: {  	[sflag:s23] =	ssyncset.done $0x0  }
0x61: {  	[sflag:s23] =	ssyncadd.s32 $0xFFFFF000  }
0x62: {  	[tilespmem:s24], [sflag:$0x3] =	stream.linear.gather [hbm4b:s19+s10], $0x1000, $0x38;
	[tilespmem:$0x1E080] =	vst v63  }
0x63: {  	_ =	swait.ge [sflag:s23], $0x1000  }
0x64: {  	[sflag:s23] =	ssyncset.done $0x0  }
0x65: {  	s12 =	simm.s32 $0x0;
	[sflag:s23] =	ssyncadd.s32 $0xFFFFF000  }
0x66: {  	[tilespmem:s22], [sflag:$0x1] =	stream.indirect.gather [hbm4b:s4+s25], $0x80, s12, s25, $0xb8;
	[tilespmem:$0x1E080] =	vst v63  }
0x67: {  	_ =	swait.ge [sflag:s26], $0x4000  }
0x68: {  	[sflag:s26] =	ssyncset.done $0x0  }
0x69: {  	s13 =	simm.s32 $0x1000;
	[sflag:s26] =	ssyncadd.s32 $0xFFFFC000  }
0x6a: {  	[spmem:s1] =	stream.indirect.scatter.add.f32 [tilespmem:s22], [sflag:$0x3], $0x80, s13, s25, $0xb8;
	[tilespmem:$0x1E080] =	vst v63  }
0x6b: {  	_ =	swait.ge [sflag:s23], $0x4000  }
0x6c: {  	s11 =	simm.s32 $0x400;
	s10 =	simm.s32 $0x200;
	[sflag:s23] =	ssyncset.done $0x0  }
.LBB2_14:
0x6d: {  	s12 =	sshra.s32 s10, $0x2  }
0x6e: {  	[sflag:s23] =	ssyncadd.s32 $0xFFFFC000;
	s10 =	smov.u32 s11;
	s13 =	sadd.s32 $0x200, s11  }
0x6f: {  	[tilespmem:s22], [sflag:$0x1] =	stream.indirect.gather [hbm4b:s4+s25], $0x80, s12, s25, $0xb8;
	[tilespmem:$0x1E080] =	vst v63  }
0x70: {  	p1 =	seq.s32 s11, $0x3E00;
	_ =	swait.ge [sflag:s26], $0x4000  }
.Ltmp4:
0x71: {  	[sflag:s26] =	ssyncset.done $0x0;
	(pc) =	sbr.rel @!p1 .LBB2_14-.Ltmp4, $4  }
0x72: {  	s11 =	sadd.s32 $0x1000, s12;
	[sflag:s26] =	ssyncadd.s32 $0xFFFFC000  }
0x73: {  	[spmem:s1] =	stream.indirect.scatter.add.f32 [tilespmem:s22], [sflag:$0x3], $0x80, s11, s25, $0xb8;
	[tilespmem:$0x1E080] =	vst v63  }
0x74: {  	_ =	swait.ge [sflag:s23], $0x4000  }
0x75: {  	s11 =	smov.u32 s13;
	[sflag:s23] =	ssyncset.done $0x0  }
0x76: {  	s10 =	sshra.s32 s10, $0x2;
	[sflag:s23] =	ssyncadd.s32 $0xFFFFC000  }
0x77: {  	[tilespmem:s22], [sflag:$0x1] =	stream.indirect.gather [hbm4b:s4+s25], $0x80, s10, s25, $0xb8;
	[tilespmem:$0x1E080] =	vst v63  }
0x78: {  	_ =	swait.ge [sflag:s26], $0x4000  }
0x79: {  	[sflag:s26] =	ssyncset.done $0x0  }
.Ltmp5:
0x7a: {  	s10 =	sadd.s32 $0x1000, s10;
	[sflag:s26] =	ssyncadd.s32 $0xFFFFC000;
	(pc) =	sbr.rel .LBB2_16-.Ltmp5, $4  }
0x7b: {  	[spmem:s1] =	stream.indirect.scatter.add.f32 [tilespmem:s22], [sflag:$0x3], $0x80, s10, s25, $0xb8;
	[tilespmem:$0x1E080] =	vst v63  }
0x7c: {  	_ =	swait.ge [sflag:s23], $0x4000  }
0x7d: {  	[sflag:s23] =	ssyncset.done $0x0  }
0x7e: {  	[sflag:s23] =	ssyncadd.s32 $0xFFFFC000  }
.LBB2_4:
0x7f: {  	s11 =	rddreg [dreg:$0x4]  }
0x80: {  	[tilespmem:s10], [sflag:$0x3] =	stream.linear.gather [hbm4b:s11+s10], $0x1000, $0x38;
	[tilespmem:$0x1E080] =	vst v63  }
0x81: {  	_ =	swait.ge [sflag:s23], $0x1000  }
0x82: {  	[sflag:s23] =	ssyncset.done $0x0  }
0x83: {  	s12 =	rddreg [dreg:$0x5];
	[sflag:s23] =	ssyncadd.s32 $0xFFFFF000  }
0x84: {  	[tilespmem:s24], [sflag:$0x3] =	stream.linear.gather [hbm4b:s12+s10], $0x1000, $0x38;
	[tilespmem:$0x1E080] =	vst v63  }
0x85: {  	_ =	swait.ge [sflag:s23], $0x1000  }
0x86: {  	[sflag:s23] =	ssyncset.done $0x0  }
0x87: {  	[sflag:s23] =	ssyncadd.s32 $0xFFFFF000  }
0x88: {  	[tilespmem:s22], [sflag:$0x1] =	stream.indirect.gather [hbm4b:s4+s25], $0x80, s10, s25, $0xb8;
	[tilespmem:$0x1E080] =	vst v63  }
0x89: {  	_ =	swait.ge [sflag:s26], $0x4000  }
0x8a: {  	[sflag:s26] =	ssyncset.done $0x0  }
0x8b: {  	s13 =	simm.s32 $0x80;
	[sflag:s26] =	ssyncadd.s32 $0xFFFFC000  }
0x8c: {  	[tilespmem:s28], [sflag:$0x1] =	stream.indirect.gather [hbm4b:s4+s25], $0x80, s13, s25, $0xb8;
	[tilespmem:$0x1E080] =	vst v63  }
0x8d: {  	s11 =	simm.s32 $0x1000  }
0x8e: {  	[spmem:s1] =	stream.indirect.scatter.add.f32 [tilespmem:s22], [sflag:$0x2], $0x80, s11, s25, $0xb8;
	[tilespmem:$0x1E080] =	vst v63  }
0x8f: {  	_ =	swait.ge [sflag:s26], $0x4000  }
0x90: {  	[sflag:s26] =	ssyncset.done $0x0  }
0x91: {  	[sflag:s26] =	ssyncadd.s32 $0xFFFFC000  }
0x92: {  	_ =	swait.ge [sflag:s29], $0x4000  }
0x93: {  	[sflag:s29] =	ssyncset.done $0x0  }
0x94: {  	s12 =	simm.s32 $0x100;
	[sflag:s29] =	ssyncadd.s32 $0xFFFFC000  }
0x95: {  	[tilespmem:s22], [sflag:$0x1] =	stream.indirect.gather [hbm4b:s4+s25], $0x80, s12, s25, $0xb8;
	[tilespmem:$0x1E080] =	vst v63  }
0x96: {  	s13 =	simm.s32 $0x1080  }
0x97: {  	[spmem:s1] =	stream.indirect.scatter.add.f32 [tilespmem:s28], [sflag:$0x2], $0x80, s13, s25, $0xb8;
	[tilespmem:$0x1E080] =	vst v63  }
0x98: {  	_ =	swait.ge [sflag:s29], $0x4000  }
0x99: {  	s10 =	simm.s32 $0x400;
	[sflag:s29] =	ssyncset.done $0x0  }
.LBB2_5:
0x9a: {  	p1 =	sne.s32 s10, $0x3800  }
0x9b: {  	[sflag:s29] =	ssyncadd.s32 $0xFFFFC000;
	s11 =	smov.u32 s10;
	s10 =	sadd.s32 $0x400, s10  }
0x9c: {  	_ = 	snop  }
0x9d: {  	_ =	swait.ge [sflag:s26], $0x4000  }
0x9e: {  	s11 =	sshra.s32 s11, $0x2;
	[sflag:s26] =	ssyncset.done $0x0  }
0x9f: {  	s12 =	sadd.s32 $0x80, s11;
	[sflag:s26] =	ssyncadd.s32 $0xFFFFC000  }
0xa0: {  	[tilespmem:s28], [sflag:$0x1] =	stream.indirect.gather [hbm4b:s4+s25], $0x80, s12, s25, $0xb8;
	[tilespmem:$0x1E080] =	vst v63  }
0xa1: {  	s12 =	sadd.s32 $0x1000, s11  }
0xa2: {  	[spmem:s1] =	stream.indirect.scatter.add.f32 [tilespmem:s22], [sflag:$0x2], $0x80, s12, s25, $0xb8;
	[tilespmem:$0x1E080] =	vst v63  }
0xa3: {  	_ =	swait.ge [sflag:s26], $0x4000  }
0xa4: {  	[sflag:s26] =	ssyncset.done $0x0  }
0xa5: {  	[sflag:s26] =	ssyncadd.s32 $0xFFFFC000  }
0xa6: {  	_ =	swait.ge [sflag:s29], $0x4000  }
0xa7: {  	[sflag:s29] =	ssyncset.done $0x0  }
0xa8: {  	s12 =	sadd.s32 $0x100, s11;
	[sflag:s29] =	ssyncadd.s32 $0xFFFFC000  }
0xa9: {  	[tilespmem:s22], [sflag:$0x1] =	stream.indirect.gather [hbm4b:s4+s25], $0x80, s12, s25, $0xb8;
	[tilespmem:$0x1E080] =	vst v63  }
.Ltmp6:
0xaa: {  	_ = 	snop;
	(pc) =	sbr.rel @p1 .LBB2_5-.Ltmp6, $4  }
0xab: {  	s11 =	sadd.s32 $0x1080, s11  }
0xac: {  	[spmem:s1] =	stream.indirect.scatter.add.f32 [tilespmem:s28], [sflag:$0x2], $0x80, s11, s25, $0xb8;
	[tilespmem:$0x1E080] =	vst v63  }
0xad: {  	_ =	swait.ge [sflag:s29], $0x4000  }
0xae: {  	[sflag:s29] =	ssyncset.done $0x0  }
0xaf: {  	[sflag:s29] =	ssyncadd.s32 $0xFFFFC000  }
0xb0: {  	_ =	swait.ge [sflag:s26], $0x4000  }
0xb1: {  	[sflag:s26] =	ssyncset.done $0x0  }
0xb2: {  	[sflag:s26] =	ssyncadd.s32 $0xFFFFC000  }
0xb3: {  	[tilespmem:s28], [sflag:$0x1] =	stream.indirect.gather [hbm4b:s4+s25], $0x80, s30, s25, $0xb8;
	[tilespmem:$0x1E080] =	vst v63  }
0xb4: {  	_ = 	snop  }
0xb5: {  	[spmem:s1] =	stream.indirect.scatter.add.f32 [tilespmem:s22], [sflag:$0x2], $0x80, s31, s25, $0xb8;
	[tilespmem:$0x1E080] =	vst v63  }
0xb6: {  	_ =	swait.ge [sflag:s26], $0x4000  }
0xb7: {  	[sflag:s26] =	ssyncset.done $0x0  }
0xb8: {  	[sflag:s26] =	ssyncadd.s32 $0xFFFFC000  }
0xb9: {  	_ =	swait.ge [sflag:s29], $0x4000  }
0xba: {  	[sflag:s29] =	ssyncset.done $0x0  }
0xbb: {  	[sflag:s29] =	ssyncadd.s32 $0xFFFFC000  }
0xbc: {  	[spmem:s1] =	stream.indirect.scatter.add.f32 [tilespmem:s28], [sflag:$0x2], $0x80, s0, s25, $0xb8;
	[tilespmem:$0x1E080] =	vst v63  }
0xbd: {  	_ =	swait.ge [sflag:s29], $0x4000  }
0xbe: {  	[sflag:s29] =	ssyncset.done $0x0  }
0xbf: {  	s10 =	simm.s32 $0x0;
	s11 =	rddreg [dreg:$0x6];
	[sflag:s29] =	ssyncadd.s32 $0xFFFFC000  }
0xc0: {  	[tilespmem:s10], [sflag:$0x3] =	stream.linear.gather [hbm4b:s11+s10], $0x1000, $0x38;
	[tilespmem:$0x1E080] =	vst v63  }
0xc1: {  	_ =	swait.ge [sflag:s23], $0x1000  }
0xc2: {  	[sflag:s23] =	ssyncset.done $0x0  }
0xc3: {  	s12 =	rddreg [dreg:$0x7];
	[sflag:s23] =	ssyncadd.s32 $0xFFFFF000  }
0xc4: {  	[tilespmem:s24], [sflag:$0x3] =	stream.linear.gather [hbm4b:s12+s10], $0x1000, $0x38;
	[tilespmem:$0x1E080] =	vst v63  }
0xc5: {  	_ =	swait.ge [sflag:s23], $0x1000  }
0xc6: {  	[sflag:s23] =	ssyncset.done $0x0  }
0xc7: {  	[sflag:s23] =	ssyncadd.s32 $0xFFFFF000  }
0xc8: {  	[tilespmem:s22], [sflag:$0x1] =	stream.indirect.gather [hbm4b:s4+s25], $0x80, s10, s25, $0xb8;
	[tilespmem:$0x1E080] =	vst v63  }
0xc9: {  	_ =	swait.ge [sflag:s26], $0x4000  }
0xca: {  	[sflag:s26] =	ssyncset.done $0x0  }
0xcb: {  	s13 =	simm.s32 $0x80;
	[sflag:s26] =	ssyncadd.s32 $0xFFFFC000  }
0xcc: {  	[tilespmem:s28], [sflag:$0x1] =	stream.indirect.gather [hbm4b:s4+s25], $0x80, s13, s25, $0xb8;
	[tilespmem:$0x1E080] =	vst v63  }
0xcd: {  	s11 =	simm.s32 $0x1000  }
0xce: {  	[spmem:s1] =	stream.indirect.scatter.add.f32 [tilespmem:s22], [sflag:$0x2], $0x80, s11, s25, $0xb8;
	[tilespmem:$0x1E080] =	vst v63  }
0xcf: {  	_ =	swait.ge [sflag:s26], $0x4000  }
0xd0: {  	[sflag:s26] =	ssyncset.done $0x0  }
0xd1: {  	[sflag:s26] =	ssyncadd.s32 $0xFFFFC000  }
0xd2: {  	_ =	swait.ge [sflag:s29], $0x4000  }
0xd3: {  	[sflag:s29] =	ssyncset.done $0x0  }
0xd4: {  	s12 =	simm.s32 $0x100;
	[sflag:s29] =	ssyncadd.s32 $0xFFFFC000  }
0xd5: {  	[tilespmem:s22], [sflag:$0x1] =	stream.indirect.gather [hbm4b:s4+s25], $0x80, s12, s25, $0xb8;
	[tilespmem:$0x1E080] =	vst v63  }
0xd6: {  	s13 =	simm.s32 $0x1080  }
0xd7: {  	[spmem:s1] =	stream.indirect.scatter.add.f32 [tilespmem:s28], [sflag:$0x2], $0x80, s13, s25, $0xb8;
	[tilespmem:$0x1E080] =	vst v63  }
0xd8: {  	_ =	swait.ge [sflag:s29], $0x4000  }
0xd9: {  	s10 =	simm.s32 $0x400;
	[sflag:s29] =	ssyncset.done $0x0  }
.LBB2_7:
0xda: {  	p1 =	sne.s32 s10, $0x3800  }
0xdb: {  	[sflag:s29] =	ssyncadd.s32 $0xFFFFC000;
	s11 =	smov.u32 s10;
	s10 =	sadd.s32 $0x400, s10  }
0xdc: {  	_ = 	snop  }
0xdd: {  	_ =	swait.ge [sflag:s26], $0x4000  }
0xde: {  	s11 =	sshra.s32 s11, $0x2;
	[sflag:s26] =	ssyncset.done $0x0  }
0xdf: {  	s12 =	sadd.s32 $0x80, s11;
	[sflag:s26] =	ssyncadd.s32 $0xFFFFC000  }
0xe0: {  	[tilespmem:s28], [sflag:$0x1] =	stream.indirect.gather [hbm4b:s4+s25], $0x80, s12, s25, $0xb8;
	[tilespmem:$0x1E080] =	vst v63  }
0xe1: {  	s12 =	sadd.s32 $0x1000, s11  }
0xe2: {  	[spmem:s1] =	stream.indirect.scatter.add.f32 [tilespmem:s22], [sflag:$0x2], $0x80, s12, s25, $0xb8;
	[tilespmem:$0x1E080] =	vst v63  }
0xe3: {  	_ =	swait.ge [sflag:s26], $0x4000  }
0xe4: {  	[sflag:s26] =	ssyncset.done $0x0  }
0xe5: {  	[sflag:s26] =	ssyncadd.s32 $0xFFFFC000  }
0xe6: {  	_ =	swait.ge [sflag:s29], $0x4000  }
0xe7: {  	[sflag:s29] =	ssyncset.done $0x0  }
0xe8: {  	s12 =	sadd.s32 $0x100, s11;
	[sflag:s29] =	ssyncadd.s32 $0xFFFFC000  }
0xe9: {  	[tilespmem:s22], [sflag:$0x1] =	stream.indirect.gather [hbm4b:s4+s25], $0x80, s12, s25, $0xb8;
	[tilespmem:$0x1E080] =	vst v63  }
.Ltmp7:
0xea: {  	_ = 	snop;
	(pc) =	sbr.rel @p1 .LBB2_7-.Ltmp7, $4  }
0xeb: {  	s11 =	sadd.s32 $0x1080, s11  }
0xec: {  	[spmem:s1] =	stream.indirect.scatter.add.f32 [tilespmem:s28], [sflag:$0x2], $0x80, s11, s25, $0xb8;
	[tilespmem:$0x1E080] =	vst v63  }
0xed: {  	_ =	swait.ge [sflag:s29], $0x4000  }
0xee: {  	[sflag:s29] =	ssyncset.done $0x0  }
0xef: {  	[sflag:s29] =	ssyncadd.s32 $0xFFFFC000  }
0xf0: {  	_ =	swait.ge [sflag:s26], $0x4000  }
0xf1: {  	[sflag:s26] =	ssyncset.done $0x0  }
0xf2: {  	[sflag:s26] =	ssyncadd.s32 $0xFFFFC000  }
0xf3: {  	[tilespmem:s28], [sflag:$0x1] =	stream.indirect.gather [hbm4b:s4+s25], $0x80, s30, s25, $0xb8;
	[tilespmem:$0x1E080] =	vst v63  }
0xf4: {  	_ = 	snop  }
0xf5: {  	[spmem:s1] =	stream.indirect.scatter.add.f32 [tilespmem:s22], [sflag:$0x2], $0x80, s31, s25, $0xb8;
	[tilespmem:$0x1E080] =	vst v63  }
0xf6: {  	_ =	swait.ge [sflag:s26], $0x4000  }
0xf7: {  	[sflag:s26] =	ssyncset.done $0x0  }
0xf8: {  	[sflag:s26] =	ssyncadd.s32 $0xFFFFC000  }
0xf9: {  	_ =	swait.ge [sflag:s29], $0x4000  }
0xfa: {  	[sflag:s29] =	ssyncset.done $0x0  }
0xfb: {  	[sflag:s29] =	ssyncadd.s32 $0xFFFFC000  }
0xfc: {  	[spmem:s1] =	stream.indirect.scatter.add.f32 [tilespmem:s28], [sflag:$0x2], $0x80, s0, s25, $0xb8;
	[tilespmem:$0x1E080] =	vst v63  }
0xfd: {  	_ =	swait.ge [sflag:s29], $0x4000  }
0xfe: {  	[sflag:s29] =	ssyncset.done $0x0  }
0xff: {  	s10 =	simm.s32 $0x0;
	[sflag:s29] =	ssyncadd.s32 $0xFFFFC000  }
0x100: {  	[tilespmem:s10], [sflag:$0x3] =	stream.linear.gather [hbm4b:s14+s10], $0x1000, $0x38;
	[tilespmem:$0x1E080] =	vst v63  }
0x101: {  	_ =	swait.ge [sflag:s23], $0x1000  }
0x102: {  	[sflag:s23] =	ssyncset.done $0x0  }
0x103: {  	[sflag:s23] =	ssyncadd.s32 $0xFFFFF000  }
0x104: {  	[tilespmem:s24], [sflag:$0x3] =	stream.linear.gather [hbm4b:s15+s10], $0x1000, $0x38;
	[tilespmem:$0x1E080] =	vst v63  }
0x105: {  	_ =	swait.ge [sflag:s23], $0x1000  }
0x106: {  	[sflag:s23] =	ssyncset.done $0x0  }
0x107: {  	[sflag:s23] =	ssyncadd.s32 $0xFFFFF000  }
0x108: {  	[tilespmem:s22], [sflag:$0x1] =	stream.indirect.gather [hbm4b:s4+s25], $0x80, s10, s25, $0xb8;
	[tilespmem:$0x1E080] =	vst v63  }
0x109: {  	_ =	swait.ge [sflag:s26], $0x4000  }
0x10a: {  	[sflag:s26] =	ssyncset.done $0x0  }
0x10b: {  	s13 =	simm.s32 $0x80;
	[sflag:s26] =	ssyncadd.s32 $0xFFFFC000  }
0x10c: {  	[tilespmem:s28], [sflag:$0x1] =	stream.indirect.gather [hbm4b:s4+s25], $0x80, s13, s25, $0xb8;
	[tilespmem:$0x1E080] =	vst v63  }
0x10d: {  	s11 =	simm.s32 $0x1000  }
0x10e: {  	[spmem:s1] =	stream.indirect.scatter.add.f32 [tilespmem:s22], [sflag:$0x2], $0x80, s11, s25, $0xb8;
	[tilespmem:$0x1E080] =	vst v63  }
0x10f: {  	_ =	swait.ge [sflag:s26], $0x4000  }
0x110: {  	[sflag:s26] =	ssyncset.done $0x0  }
0x111: {  	[sflag:s26] =	ssyncadd.s32 $0xFFFFC000  }
0x112: {  	_ =	swait.ge [sflag:s29], $0x4000  }
0x113: {  	[sflag:s29] =	ssyncset.done $0x0  }
0x114: {  	s12 =	simm.s32 $0x100;
	[sflag:s29] =	ssyncadd.s32 $0xFFFFC000  }
0x115: {  	[tilespmem:s22], [sflag:$0x1] =	stream.indirect.gather [hbm4b:s4+s25], $0x80, s12, s25, $0xb8;
	[tilespmem:$0x1E080] =	vst v63  }
0x116: {  	s13 =	simm.s32 $0x1080  }
0x117: {  	[spmem:s1] =	stream.indirect.scatter.add.f32 [tilespmem:s28], [sflag:$0x2], $0x80, s13, s25, $0xb8;
	[tilespmem:$0x1E080] =	vst v63  }
0x118: {  	_ =	swait.ge [sflag:s29], $0x4000  }
0x119: {  	s10 =	simm.s32 $0x400;
	[sflag:s29] =	ssyncset.done $0x0  }
.LBB2_9:
0x11a: {  	p1 =	sne.s32 s10, $0x3800  }
0x11b: {  	[sflag:s29] =	ssyncadd.s32 $0xFFFFC000;
	s11 =	smov.u32 s10;
	s10 =	sadd.s32 $0x400, s10  }
0x11c: {  	_ = 	snop  }
0x11d: {  	_ =	swait.ge [sflag:s26], $0x4000  }
0x11e: {  	s11 =	sshra.s32 s11, $0x2;
	[sflag:s26] =	ssyncset.done $0x0  }
0x11f: {  	s12 =	sadd.s32 $0x80, s11;
	[sflag:s26] =	ssyncadd.s32 $0xFFFFC000  }
0x120: {  	[tilespmem:s28], [sflag:$0x1] =	stream.indirect.gather [hbm4b:s4+s25], $0x80, s12, s25, $0xb8;
	[tilespmem:$0x1E080] =	vst v63  }
0x121: {  	s12 =	sadd.s32 $0x1000, s11  }
0x122: {  	[spmem:s1] =	stream.indirect.scatter.add.f32 [tilespmem:s22], [sflag:$0x2], $0x80, s12, s25, $0xb8;
	[tilespmem:$0x1E080] =	vst v63  }
0x123: {  	_ =	swait.ge [sflag:s26], $0x4000  }
0x124: {  	[sflag:s26] =	ssyncset.done $0x0  }
0x125: {  	[sflag:s26] =	ssyncadd.s32 $0xFFFFC000  }
0x126: {  	_ =	swait.ge [sflag:s29], $0x4000  }
0x127: {  	[sflag:s29] =	ssyncset.done $0x0  }
0x128: {  	s12 =	sadd.s32 $0x100, s11;
	[sflag:s29] =	ssyncadd.s32 $0xFFFFC000  }
0x129: {  	[tilespmem:s22], [sflag:$0x1] =	stream.indirect.gather [hbm4b:s4+s25], $0x80, s12, s25, $0xb8;
	[tilespmem:$0x1E080] =	vst v63  }
.Ltmp8:
0x12a: {  	_ = 	snop;
	(pc) =	sbr.rel @p1 .LBB2_9-.Ltmp8, $4  }
0x12b: {  	s11 =	sadd.s32 $0x1080, s11  }
0x12c: {  	[spmem:s1] =	stream.indirect.scatter.add.f32 [tilespmem:s28], [sflag:$0x2], $0x80, s11, s25, $0xb8;
	[tilespmem:$0x1E080] =	vst v63  }
0x12d: {  	_ =	swait.ge [sflag:s29], $0x4000  }
0x12e: {  	[sflag:s29] =	ssyncset.done $0x0  }
0x12f: {  	[sflag:s29] =	ssyncadd.s32 $0xFFFFC000  }
0x130: {  	_ =	swait.ge [sflag:s26], $0x4000  }
0x131: {  	[sflag:s26] =	ssyncset.done $0x0  }
0x132: {  	[sflag:s26] =	ssyncadd.s32 $0xFFFFC000  }
0x133: {  	[tilespmem:s28], [sflag:$0x1] =	stream.indirect.gather [hbm4b:s4+s25], $0x80, s30, s25, $0xb8;
	[tilespmem:$0x1E080] =	vst v63  }
0x134: {  	_ = 	snop  }
0x135: {  	[spmem:s1] =	stream.indirect.scatter.add.f32 [tilespmem:s22], [sflag:$0x2], $0x80, s31, s25, $0xb8;
	[tilespmem:$0x1E080] =	vst v63  }
0x136: {  	_ =	swait.ge [sflag:s26], $0x4000  }
0x137: {  	[sflag:s26] =	ssyncset.done $0x0  }
0x138: {  	[sflag:s26] =	ssyncadd.s32 $0xFFFFC000  }
0x139: {  	_ =	swait.ge [sflag:s29], $0x4000  }
0x13a: {  	[sflag:s29] =	ssyncset.done $0x0  }
0x13b: {  	[sflag:s29] =	ssyncadd.s32 $0xFFFFC000  }
0x13c: {  	[spmem:s1] =	stream.indirect.scatter.add.f32 [tilespmem:s28], [sflag:$0x2], $0x80, s0, s25, $0xb8;
	[tilespmem:$0x1E080] =	vst v63  }
0x13d: {  	_ =	swait.ge [sflag:s29], $0x4000  }
0x13e: {  	[sflag:s29] =	ssyncset.done $0x0  }
0x13f: {  	s10 =	simm.s32 $0x0;
	[sflag:s29] =	ssyncadd.s32 $0xFFFFC000  }
0x140: {  	[tilespmem:s10], [sflag:$0x3] =	stream.linear.gather [hbm4b:s16+s10], $0x1000, $0x38;
	[tilespmem:$0x1E080] =	vst v63  }
0x141: {  	_ =	swait.ge [sflag:s23], $0x1000  }
0x142: {  	[sflag:s23] =	ssyncset.done $0x0  }
0x143: {  	[sflag:s23] =	ssyncadd.s32 $0xFFFFF000  }
0x144: {  	[tilespmem:s24], [sflag:$0x3] =	stream.linear.gather [hbm4b:s17+s10], $0x1000, $0x38;
	[tilespmem:$0x1E080] =	vst v63  }
0x145: {  	_ =	swait.ge [sflag:s23], $0x1000  }
0x146: {  	[sflag:s23] =	ssyncset.done $0x0  }
0x147: {  	[sflag:s23] =	ssyncadd.s32 $0xFFFFF000  }
0x148: {  	[tilespmem:s22], [sflag:$0x1] =	stream.indirect.gather [hbm4b:s4+s25], $0x80, s10, s25, $0xb8;
	[tilespmem:$0x1E080] =	vst v63  }
0x149: {  	_ =	swait.ge [sflag:s26], $0x4000  }
0x14a: {  	[sflag:s26] =	ssyncset.done $0x0  }
0x14b: {  	s13 =	simm.s32 $0x80;
	[sflag:s26] =	ssyncadd.s32 $0xFFFFC000  }
0x14c: {  	[tilespmem:s28], [sflag:$0x1] =	stream.indirect.gather [hbm4b:s4+s25], $0x80, s13, s25, $0xb8;
	[tilespmem:$0x1E080] =	vst v63  }
0x14d: {  	s11 =	simm.s32 $0x1000  }
0x14e: {  	[spmem:s1] =	stream.indirect.scatter.add.f32 [tilespmem:s22], [sflag:$0x2], $0x80, s11, s25, $0xb8;
	[tilespmem:$0x1E080] =	vst v63  }
0x14f: {  	_ =	swait.ge [sflag:s26], $0x4000  }
0x150: {  	[sflag:s26] =	ssyncset.done $0x0  }
0x151: {  	[sflag:s26] =	ssyncadd.s32 $0xFFFFC000  }
0x152: {  	_ =	swait.ge [sflag:s29], $0x4000  }
0x153: {  	[sflag:s29] =	ssyncset.done $0x0  }
0x154: {  	s12 =	simm.s32 $0x100;
	[sflag:s29] =	ssyncadd.s32 $0xFFFFC000  }
0x155: {  	[tilespmem:s22], [sflag:$0x1] =	stream.indirect.gather [hbm4b:s4+s25], $0x80, s12, s25, $0xb8;
	[tilespmem:$0x1E080] =	vst v63  }
0x156: {  	s13 =	simm.s32 $0x1080  }
0x157: {  	[spmem:s1] =	stream.indirect.scatter.add.f32 [tilespmem:s28], [sflag:$0x2], $0x80, s13, s25, $0xb8;
	[tilespmem:$0x1E080] =	vst v63  }
0x158: {  	_ =	swait.ge [sflag:s29], $0x4000  }
0x159: {  	s10 =	simm.s32 $0x400;
	[sflag:s29] =	ssyncset.done $0x0  }
.LBB2_11:
0x15a: {  	p1 =	seq.s32 s10, $0x3800  }
0x15b: {  	[sflag:s29] =	ssyncadd.s32 $0xFFFFC000;
	s11 =	smov.u32 s10;
	s10 =	sadd.s32 $0x400, s10  }
0x15c: {  	_ = 	snop  }
0x15d: {  	_ =	swait.ge [sflag:s26], $0x4000  }
0x15e: {  	s11 =	sshra.s32 s11, $0x2;
	[sflag:s26] =	ssyncset.done $0x0  }
0x15f: {  	s12 =	sadd.s32 $0x80, s11;
	[sflag:s26] =	ssyncadd.s32 $0xFFFFC000  }
0x160: {  	[tilespmem:s28], [sflag:$0x1] =	stream.indirect.gather [hbm4b:s4+s25], $0x80, s12, s25, $0xb8;
	[tilespmem:$0x1E080] =	vst v63  }
0x161: {  	s12 =	sadd.s32 $0x1000, s11  }
0x162: {  	[spmem:s1] =	stream.indirect.scatter.add.f32 [tilespmem:s22], [sflag:$0x2], $0x80, s12, s25, $0xb8;
	[tilespmem:$0x1E080] =	vst v63  }
0x163: {  	_ =	swait.ge [sflag:s26], $0x4000  }
0x164: {  	[sflag:s26] =	ssyncset.done $0x0  }
0x165: {  	[sflag:s26] =	ssyncadd.s32 $0xFFFFC000  }
0x166: {  	_ =	swait.ge [sflag:s29], $0x4000  }
0x167: {  	[sflag:s29] =	ssyncset.done $0x0  }
0x168: {  	s12 =	sadd.s32 $0x100, s11;
	[sflag:s29] =	ssyncadd.s32 $0xFFFFC000  }
0x169: {  	[tilespmem:s22], [sflag:$0x1] =	stream.indirect.gather [hbm4b:s4+s25], $0x80, s12, s25, $0xb8;
	[tilespmem:$0x1E080] =	vst v63  }
.Ltmp9:
0x16a: {  	_ = 	snop;
	(pc) =	sbr.rel @!p1 .LBB2_11-.Ltmp9, $4  }
0x16b: {  	s11 =	sadd.s32 $0x1080, s11  }
0x16c: {  	[spmem:s1] =	stream.indirect.scatter.add.f32 [tilespmem:s28], [sflag:$0x2], $0x80, s11, s25, $0xb8;
	[tilespmem:$0x1E080] =	vst v63  }
0x16d: {  	_ =	swait.ge [sflag:s29], $0x4000  }
0x16e: {  	[sflag:s29] =	ssyncset.done $0x0  }
.Ltmp10:
0x16f: {  	_ = 	snop;
	(pc) =	sbr.rel .LBB2_12-.Ltmp10, $1  }
0x170: {  	_ =	sdelay $0x3  }
.LBB2_17:
0x171: {  	_ =	sfence.sel $0x180000  }
0x172: {  	[bflag:$0x0] =	sbarrier.arrive $0xFFFF  }
0x173: {  	_ =	strace $0x9000004D  }
0x174: {  	[bflag:$0x2] =	sbarrier.arrive $0xFFFF  }
0x175: {  	p0 =	sne.s32 s2, $0x0;
	s0 =	rddreg [dreg:$0x3]  }
0x176: {  	s0 =	sadd.s32 @!p0 $0x100000, s0  }
0x177: {  	[sflag:s0] =	ssyncadd.tile.s32 @!p0 $0x1;
	_ =	shalt  }
.Lfunc_end2:
_tile_overlayer_lowered:
.L_overlay_start_2:
0x178: {  	(tag) =	ssettag $0x2  }
0x179: {  	s0 =	rddreg [dreg:$0x0];
	s2 =	stileid.u32  }
0x17a: {  	s1 =	rddreg [dreg:$0x1];
	p0 =	sne.s32 s2, $0x0  }
0x17b: {  	s3 =	rddreg [dreg:$0x2];
	[bflag:$0x3] =	sbarrier.arrive $0xFFFF;
	s2 =	simm.s32 @!p0 $0x1C03  }
0x17c: {  	[timem:s3], [sflag:s2] =	dma.local @!p0 [hbm:s0], s1  }
0x17d: {  	s0 =	simm.s32 @!p0 $0x3  }
0x17e: {  	_ =	swait.ge @!p0 [sflag:s0], s1  }
0x17f: {  	s1 =	ssub.s32 @!p0 $0x0, s1;
	[sflag:s0] =	ssyncset.done @!p0 $0x0  }
0x180: {  	[sflag:s0] =	ssyncadd.s32 @!p0 s1  }
0x181: {  	[bflag:$0x3] =	sbarrier.arrive $0xFFFF  }
0x182: {  	_ =	shalt  }

// kernel: kernel.8.cloned.1.call-start
scs
__scs_entry_jumppad:
0x0: {  	(pc) =	sbr.rel $0x88, $3  }
0x1: {  	(tag) =	ssettag $0x0;
	lr =	simm.s32 $0x1  }
0x2: {  	[smem:$0x3F96] =	sst lr;
	_ =	strace $0xD0000000  }
0x3: {  	_ = 	snop  }
0x4: {  	_ = 	snop  }
0x5: {  	_ = 	snop  }
0x6: {  	_ = 	snop  }
0x7: {  	_ = 	snop  }
__scs_overlays_trampoline_lowered:
0x8: {  	[smem:$0x3FA5] =	sst s0  }
0x9: {  	[smem:$0x3FA6] =	sst s1  }
0xa: {  	[smem:$0x3FA7] =	sst s2  }
0xb: {  	[smem:$0x3FA8] =	sst s3  }
0xc: {  	[smem:$0x3FA9] =	sst s4  }
0xd: {  	[smem:$0x3FAA] =	sst s5  }
0xe: {  	[smem:$0x3FAB] =	sst s6  }
0xf: {  	[smem:$0x3FAC] =	sst s7  }
0x10: {  	[smem:$0x3FAD] =	sst s8  }
0x11: {  	[smem:$0x3FAE] =	sst s9;
	s0 =	simm.s32 @!p0 $0x0  }
0x12: {  	s1 =	sld [smem:$0x3F94];
	s0 =	simm.s32 @p0 $0x1  }
0x13: {  	[smem:$0x3FAF] =	sst s0;
	s0 =	simm.s32 @!p1 $0x0  }
0x14: {  	s2 =	sld [smem:$0x3F93];
	s0 =	simm.s32 @p1 $0x1  }
0x15: {  	[smem:$0x3FB0] =	sst s0;
	s0 =	simm.s32 @!p2 $0x0  }
0x16: {  	s3 =	sld [smem:$0x3FDB];
	s0 =	simm.s32 @p2 $0x1  }
0x17: {  	s4 =	simm.s32 $0x1BF5;
	[smem:$0x3FB2] =	sst s0  }
0x18: {  	s0 =	sld [smem:$0x3F95];
	_ =	swait.ge [sflag:s4], $0x0  }
0x19: {  	s7 =	sld [smem:$0x3F96]  }
0x1a: {  	s8 =	sadd.s32 $0xFFFFE003, lr  }
0x1b: {  	s9 =	sadd.s32 $0xFFFFFEF7, lr;
	s5 =	simm.s32 $0xFFFFFFFF;
	p2 =	slt.u32 s8, $0xFFFFF086  }
0x1c: {  	p1 =	slt.u32 s9, $0xF7A;
	s5 =	simm.s32 @!p2 $0x0  }
0x1d: {  	s5 =	simm.s32 @p1 $0x1;
	p0 =	seq.s32 s7, s2  }
0x1e: {  	s7 =	smul.u32 @!p0 $0xF7A, s2;
	p2 =	seq.s32 @!p0 s5, $0x0  }
0x1f: {  	s9 =	smul.u32 $0xF7A, s1;
	s8 =	simm.s32 @!p0 $0x1BF5;
	p2 =	por !p2, p0  }
0x20: {  	[sflag:s8] =	ssyncset.s32 @!p0 $0xFFFFF086;
	s6 =	sadd.s32 @!p0 s3, s7;
	s7 =	simm.s32 @!p0 $0x108  }
0x21: {  	s3 =	sadd.s32 s3, s9;
	s6 =	sadd.s32 @!p0 $0x88, s6;
	s7 =	simm.s32 @p2 $0x1082  }
0x22: {  	[simem:s7], [sflag:s8] =	dma.local @!p0 [hbm:s6], $0xF7A  }
0x23: {  	s9 =	sor.u32 $0xD0000000, s2;
	s6 =	simm.s32 $0x108;
	_ =	swait.ge @!p0 [sflag:s8], $0x0  }
0x24: {  	s3 =	sadd.s32 $0x88, s3;
	s6 =	simm.s32 @!p1 $0x1082;
	[sflag:s4] =	ssyncset.s32 $0xFFFFF086  }
0x25: {  	[simem:s6], [sflag:s4] =	dma.local [hbm:s3], $0xF7A  }
0x26: {  	[smem:$0x3F96] =	sst s1;
	(tag) =	ssettag s2;
	_ =	strace s9  }
0x27: {  	s1 =	sld [smem:$0x3FA6]  }
0x28: {  	s2 =	sld [smem:$0x3FA7]  }
0x29: {  	s4 =	sld [smem:$0x3FA9]  }
0x2a: {  	p0 =	seq.s32 s5, $0x0;
	s5 =	sld [smem:$0x3FAA]  }
0x2b: {  	s6 =	sld [smem:$0x3FAB]  }
0x2c: {  	s7 =	sld [smem:$0x3FAC]  }
0x2d: {  	s3 =	simm.s32 $0x108;
	s8 =	sld [smem:$0x3FAD]  }
0x2e: {  	s3 =	simm.s32 @!p0 $0x1082;
	s9 =	sld [smem:$0x3FAE]  }
0x2f: {  	lr =	sadd.s32 s0, s3;
	s0 =	sld [smem:$0x3FA5]  }
0x30: {  	s3 =	sld [smem:$0x3FA8]  }
0x31: {  	[smem:$0x3FB1] =	sst s10  }
0x32: {  	s10 =	sld [smem:$0x3FAF];
	_ =	sdelay $0x3  }
0x33: {  	p0 =	seq.s32 s10, $0x1;
	s10 =	sld [smem:$0x3FB1];
	_ =	sdelay $0x3  }
0x34: {  	[smem:$0x3FB1] =	sst s10  }
0x35: {  	s10 =	sld [smem:$0x3FB0];
	_ =	sdelay $0x3  }
0x36: {  	p1 =	seq.s32 s10, $0x1;
	s10 =	sld [smem:$0x3FB1];
	_ =	sdelay $0x3  }
0x37: {  	[smem:$0x3FB1] =	sst s10  }
0x38: {  	s10 =	sld [smem:$0x3FB2]  }
0x39: {  	_ = 	snop;
	(pc) =	sbr.ind lr, $3  }
0x3a: {  	_ = 	snop  }
0x3b: {  	_ = 	snop  }
0x3c: {  	p2 =	seq.s32 s10, $0x1;
	s10 =	sld [smem:$0x3FB1]  }
0x3d: {  	_ =	shalt  }
0x3e: {  	_ =	shalt  }
0x3f: {  	_ =	shalt  }
0x40: {  	_ =	shalt  }
0x41: {  	_ =	shalt  }
0x42: {  	_ =	shalt  }
0x43: {  	_ =	shalt  }
0x44: {  	_ =	shalt  }
0x45: {  	_ =	shalt  }
0x46: {  	_ =	shalt  }
0x47: {  	_ =	shalt  }
0x48: {  	_ =	shalt  }
0x49: {  	_ =	shalt  }
0x4a: {  	_ =	shalt  }
0x4b: {  	_ =	shalt  }
0x4c: {  	_ =	shalt  }
0x4d: {  	_ =	shalt  }
0x4e: {  	_ =	shalt  }
0x4f: {  	_ =	shalt  }
0x50: {  	_ =	shalt  }
0x51: {  	_ =	shalt  }
0x52: {  	_ =	shalt  }
0x53: {  	_ =	shalt  }
0x54: {  	_ =	shalt  }
0x55: {  	_ =	shalt  }
0x56: {  	_ =	shalt  }
0x57: {  	_ =	shalt  }
0x58: {  	_ =	shalt  }
0x59: {  	_ =	shalt  }
0x5a: {  	_ =	shalt  }
0x5b: {  	_ =	shalt  }
0x5c: {  	_ =	shalt  }
0x5d: {  	_ =	shalt  }
0x5e: {  	_ =	shalt  }
0x5f: {  	_ =	shalt  }
0x60: {  	_ =	shalt  }
0x61: {  	_ =	shalt  }
0x62: {  	_ =	shalt  }
0x63: {  	_ =	shalt  }
0x64: {  	_ =	shalt  }
0x65: {  	_ =	shalt  }
0x66: {  	_ =	shalt  }
0x67: {  	_ =	shalt  }
0x68: {  	_ =	shalt  }
0x69: {  	_ =	shalt  }
0x6a: {  	_ =	shalt  }
0x6b: {  	_ =	shalt  }
0x6c: {  	_ =	shalt  }
0x6d: {  	_ =	shalt  }
0x6e: {  	_ =	shalt  }
0x6f: {  	_ =	shalt  }
0x70: {  	_ =	shalt  }
0x71: {  	_ =	shalt  }
0x72: {  	_ =	shalt  }
0x73: {  	_ =	shalt  }
0x74: {  	_ =	shalt  }
0x75: {  	_ =	shalt  }
0x76: {  	_ =	shalt  }
0x77: {  	_ =	shalt  }
0x78: {  	_ =	shalt  }
0x79: {  	_ =	shalt  }
0x7a: {  	_ =	shalt  }
0x7b: {  	_ =	shalt  }
0x7c: {  	_ =	shalt  }
0x7d: {  	_ =	shalt  }
0x7e: {  	_ =	shalt  }
0x7f: {  	_ =	shalt  }
0x80: {  	_ =	shalt  }
0x81: {  	_ =	shalt  }
0x82: {  	_ =	shalt  }
0x83: {  	_ =	shalt  }
0x84: {  	_ =	shalt  }
0x85: {  	_ =	shalt  }
0x86: {  	_ =	shalt  }
0x87: {  	_ =	shalt  }
.Lfunc_end0:
.L_simem_size_0:
called_computation_lowered:
.L_overlay_start_0:
0x88: {  	s2 =	sld [smem:$0x3FD9]  }
0x89: {  	s3 =	sld [smem:$0x3FFE];
	_ =	sdelay $0x1  }
0x8a: {  	s1 =	srdreg.scid  }
0x8b: {  	s0 =	sand.u32 $0x1, s1  }
0x8c: {  	s17 =	sshll.u32 s0, $0xA;
	s2 =	sadd.s32 s3, s2  }
0x8d: {  	s2 =	sadd.s32 s2, s17  }
0x8e: {  	[smem:$0x3FBD] =	sst s2  }
0x8f: {  	_ = 	snop  }
0x90: {  	s2 =	sld [smem:$0x3FD0];
	(tm) =	ssettm $0x1  }
0x91: {  	s18 =	sld [smem:$0x3FFB];
	_ =	sdelay $0x3  }
0x92: {  	_ =	strace s18  }
0x93: {  	s3 =	sld [smem:$0x3FFC];
	_ =	sdelay $0x3  }
0x94: {  	_ =	strace s3  }
0x95: {  	s3 =	sld [smem:$0x3FFD];
	_ =	sdelay $0x3  }
0x96: {  	_ =	strace s3  }
0x97: {  	_ =	strace $0x8FFFFFFF  }
0x98: {  	s19 =	sld [smem:$0x3FDB];
	_ =	sdelay $0x1  }
0x99: {  	s4 =	simm.s32 $_scs_section_size  }
0x9a: {  	s5 =	simm.s32 $_size__tile_overlayer_lowered;
	s6 =	simm.s32 $_tile_overlayer_lowered  }
0x9b: {  	s22 =	simm.s32 $0x1BFF;
	s21 =	sshll.u32 s6, $0x1;
	s3 =	sadd.s32 s4, s19  }
0x9c: {  	s7 =	simm.s32 $0x0;
	s20 =	sshll.u32 s5, $0x1;
	s5 =	sadd.s32 s21, s3  }
0x9d: {  	[timem:s7], [sflag:s22] =	dma.local [hbm:s5], s20  }
0x9e: {  	_ =	swait.ge [sflag:s22], s20  }
0x9f: {  	s4 =	ssub.s32 $0x0, s20;
	[sflag:s22] =	ssyncset.done $0x0  }
0xa0: {  	[sflag:s22] =	ssyncadd.s32 s4;
	_ =	sdelay $0x1  }
0xa1: {  	s23 =	simm.s32 $0x1B8B  }
0xa2: {  	_ =	swait.ge [sflag:s23], $0x1  }
0xa3: {  	[sflag:s23] =	ssyncset.done $0x0  }
0xa4: {  	s25 =	simm.s32 $0x1B8E;
	s24 =	sld [smem:$0x3FFE];
	[sflag:s23] =	ssyncadd.s32 $0xFFFFFFFF  }
0xa5: {  	s26 =	simm.s32 $execute0_lowered;
	[smem:$0x3FD2] =	sst s25  }
0xa6: {  	s5 =	sshll.u32 s26, $0x1;
	_ =	strace $0x80000046;
	[dreg:$0x1] =	wrdreg $0xFFFFFFFF  }
0xa7: {  	s28 =	simm.s32 $_size_execute0_lowered;
	s3 =	sadd.s32 s3, s5;
	[dreg:$0x0] =	wrdreg $0x0  }
0xa8: {  	s5 =	sshll.u32 s28, $0x1;
	[dreg:$0x2] =	wrdreg s3  }
0xa9: {  	[dreg:$0x3] =	wrdreg s5  }
0xaa: {  	[dreg:$0x4] =	wrdreg $0xC0  }
0xab: {  	_ =	task [dreg:s7], $0x5FFFF  }
0xac: {  	[dreg:$0x1] =	wrdreg $0xFFFFFFFF  }
0xad: {  	[dreg:$0x0] =	wrdreg $0x60  }
0xae: {  	[dreg:$0x2] =	wrdreg s24  }
0xaf: {  	[dreg:$0x3] =	wrdreg s2  }
0xb0: {  	[dreg:$0x4] =	wrdreg $0xA3000  }
0xb1: {  	[dreg:$0x5] =	wrdreg $0x1E3000  }
0xb2: {  	[dreg:$0x6] =	wrdreg $0x9  }
0xb3: {  	_ =	task.clear_ibuf [dreg:s7], $0x7FFFF;
	_ =	strace $0x90000046  }
0xb4: {  	s29 =	simm.s32 $0x9;
	_ =	strace $0x80000048  }
0xb5: {  	_ =	swait.ge [sflag:s29], $0x1  }
0xb6: {  	[sflag:s29] =	ssyncadd.s32 $0xFFFFFFFF  }
0xb7: {  	_ =	strace $0x90000048  }
0xb8: {  	_ =	sfence  }
0xb9: {  	s30 =	sld [smem:$0x0];
	_ =	sdelay $0x2  }
0xba: {  	s31 =	sshll.u32 s1, $0xD;
	s1 =	sshrl.u32 s1, $0x2  }
0xbb: {  	s3 =	sand.u32 $0x4000, s31;
	s1 =	sadd.s32 s1, s30  }
0xbc: {  	s0 =	sor.u32 s3, s0;
	s1 =	sshll.u32 s1, $0x11  }
0xbd: {  	s0 =	sor.u32 s1, s0  }
0xbe: {  	s0 =	sadd.s32 $0x8F2B, s0  }
0xbf: {  	[sflag:s0] =	ssyncadd.remote.s32 $0x1  }
0xc0: {  	_ =	sfence.sel $0xFFFF  }
0xc1: {  	[dreg:$0x0] =	wrdreg $0xFFFFFFFF;
	(pc) =	sbr.abs _section_cstart, $3  }
0xc2: {  	[dreg:$0x1] =	wrdreg $0xFFFFFFFF  }
0xc3: {  	_ =	task.clear_ibuf [dreg:s7], $0x2FFFF;
	_ =	strace $0x9FFFFFFF  }
0xc4: {  	(tm) =	ssettm $0x7FFFFFFF  }
0xc5: {  	_ =	shalt  }
tec
execute0_lowered:
.L_overlay_start_1:
0x0: {  	(tag) =	ssettag $0x1  }
0x1: {  	s0 =	rddreg [dreg:$0x0]  }
0x2: {  	s12 =	rddreg [dreg:$0x1]  }
0x3: {  	s1 =	rddreg [dreg:$0x2]  }
0x4: {  	s2 =	rddreg [dreg:$0x3]  }
0x5: {  	s3 =	srdreg.scid;
	s4 =	simm.s32 $0x0;
	s29 =	simm.s32 $0x1000  }
0x6: {  	s30 =	simm.s32 $0x80;
	s31 =	simm.s32 $0x1;
	s13 =	sand.u32 $0x1, s3  }
0x7: {  	s28 =	simm.s32 $0x1080;
	s3 =	stileid.u32;
	s6 =	smul.u32 $0x140000, s13  }
0x8: {  	[smem:$0x7FF] =	sst s4;
	s5 =	sadd.s32 $0xDE00, s0;
	s7 =	smul.u32 $0x14000, s3  }
0x9: {  	s14 =	sadd.s32 $0x3E00, s0;
	_ =	strace $0x80000047;
	s8 =	smul.u32 $0x500, s3  }
0xa: {  	s16 =	sshll.u32 s13, $0x7;
	s17 =	smul.u32 $0x50000, s3;
	s19 =	ssub.s32 $0x2, s13  }
0xb: {  	s11 =	smul.u32 $0xA00, s3;
	p0 =	seq.s32 s13, $0x1;
	s23 =	sshll.u32 s3, $0xB  }
0xc: {  	s21 =	sshrl.u32 s19, $0x1;
	s24 =	sadd.s32 s14, s23;
	s25 =	sadd.s32 s12, s23  }
0xd: {  	s13 =	sor.u32 $0x600, s23;
	s6 =	sadd.s32 s7, s6;
	s7 =	sor.u32 s16, s8  }
0xe: {  	s20 =	sshrl.u32 s17, $0x2;
	s16 =	ssub.s32 s19, s21;
	[dreg:$0x6] =	wrdreg s24  }
0xf: {  	s11 =	sshrl.u32 s11, $0x2;
	[dreg:$0x7] =	wrdreg s25;
	s17 =	sor.u32 $0x200, s23  }
0x10: {  	s19 =	sor.u32 $0x400, s23;
	s24 =	sadd.s32 s12, s13;
	s6 =	sshrl.u32 s6, $0x3  }
0x11: {  	s18 =	sshrl.u32 s7, $0x3;
	s11 =	sadd.s32 s11, s2;
	s26 =	sadd.s32 s14, s17  }
0x12: {  	s21 =	sadd.s32 s12, s19;
	[dreg:$0xd] =	wrdreg s24;
	s24 =	smax.u32 s16, $0x1  }
0x13: {  	s16 =	simm.s32 $0xF80;
	s15 =	sadd.s32 s6, s0;
	s0 =	sadd.s32 s18, s0  }
0x14: {  	s6 =	sadd.s32 s20, s1;
	[dreg:$0x8] =	wrdreg s26;
	s18 =	sadd.s32 s12, s17  }
0x15: {  	s20 =	sadd.s32 s14, s19;
	[dreg:$0xb] =	wrdreg s21;
	s17 =	simm.s32 $0x1F00  }
0x16: {  	s19 =	simm.s32 $0x0;
	s22 =	sadd.s32 $0x4000, s6;
	[dreg:$0x9] =	wrdreg s18  }
0x17: {  	s8 =	sadd.s32 $0x8000, s6;
	s9 =	sadd.s32 $0xC000, s6;
	[dreg:$0xa] =	wrdreg s20  }
0x18: {  	s10 =	sadd.s32 $0x10000, s6;
	s18 =	sshll.u32 s3, $0x9;
	[dreg:$0x5] =	wrdreg s22  }
0x19: {  	s22 =	sadd.s32 s14, s13;
	s23 =	sor.u32 $0x8000, s18;
	s13 =	simm.s32 $0x2  }
.Ltmp0:
0x1a: {  	s18 =	simm.s32 $0x1F80;
	[dreg:$0xc] =	wrdreg s22;
	(pc) =	sbr.rel .LBB2_1-.Ltmp0, $4  }
0x1b: {  	s25 =	sadd.s32 s14, s23;
	s26 =	sadd.s32 s12, s23;
	s22 =	sadd.s32 $0x35E00, s15  }
0x1c: {  	s23 =	sadd.s32 $0x85E00, s0;
	s0 =	simm.s32 $0xA000;
	s12 =	simm.s32 $0x6000  }
0x1d: {  	s14 =	simm.s32 $0x100;
	s15 =	simm.s32 $0x3;
	[dreg:$0xe] =	wrdreg s25  }
0x1e: {  	v0 =	vimm.f32 $0.0e+00;
	v1 =	vimm.f32 $1.000000000e+00;
	[dreg:$0xf] =	wrdreg s26;
	s25 =	simm.s32 $0x2000;
	s26 =	simm.s32 $0x4  }
.LBB2_12:
0x1f: {  	[sflag:s13] =	ssyncadd.s32 $0xFFFFC000  }
0x20: {  	_ =	swait.ge [sflag:s31], $0x4000  }
0x21: {  	[sflag:s31] =	ssyncset.done $0x0  }
0x22: {  	[sflag:s31] =	ssyncadd.s32 $0xFFFFC000  }
0x23: {  	[tilespmem:s12], [sflag:$0x1] =	stream.indirect.gather [hbm4b:s5+s30], $0x80, s16, s30, $0xb8;
	[tilespmem:$0x1E580] =	vst v63  }
0x24: {  	_ = 	snop  }
0x25: {  	[spmem:s1] =	stream.indirect.scatter.add.f32 [tilespmem:s25], [sflag:$0x2], $0x80, s17, s30, $0xb8;
	[tilespmem:$0x1E580] =	vst v63  }
0x26: {  	_ =	swait.ge [sflag:s15], $0x80  }
0x27: {  	[sflag:s15] =	ssyncset.done $0x0  }
0x28: {  	[sflag:s15] =	ssyncadd.s32 $0xFFFFFF80  }
0x29: {  	_ =	swait.ge [sflag:s15], $0x80  }
0x2a: {  	[sflag:s15] =	ssyncset.done $0x0  }
0x2b: {  	[sflag:s15] =	ssyncadd.s32 $0xFFFFFF80  }
0x2c: {  	[spmem:s2] =	stream.indirect.scatter.add.f32 [tilespmem:s0], [sflag:$0x3], $0x1, s17, s30, $0xb8;
	[tilespmem:$0x1E580] =	vst v63  }
0x2d: {  	_ = 	snop  }
0x2e: {  	[spmem:s2] =	stream.indirect.scatter.add.f32 [tilespmem:s0], [sflag:$0x3], $0x1, s18, s30, $0xb8;
	[tilespmem:$0x1E580] =	vst v63  }
0x2f: {  	_ =	swait.ge [sflag:s31], $0x4000  }
0x30: {  	[sflag:s31] =	ssyncset.done $0x0  }
0x31: {  	[sflag:s31] =	ssyncadd.s32 $0xFFFFC000  }
0x32: {  	_ =	swait.ge [sflag:s13], $0x4000  }
0x33: {  	[sflag:s13] =	ssyncset.done $0x0  }
0x34: {  	[sflag:s13] =	ssyncadd.s32 $0xFFFFC000  }
0x35: {  	[spmem:s1] =	stream.indirect.scatter.add.f32 [tilespmem:s12], [sflag:$0x2], $0x80, s18, s30, $0xb8;
	[tilespmem:$0x1E580] =	vst v63  }
0x36: {  	_ =	swait.ge [sflag:s13], $0x4000  }
0x37: {  	[sflag:s13] =	ssyncset.done $0x0  }
0x38: {  	[sflag:s13] =	ssyncadd.s32 $0xFFFFC000  }
0x39: {  	_ =	swait.ge [sflag:s15], $0x80  }
0x3a: {  	[sflag:s15] =	ssyncset.done $0x0  }
0x3b: {  	[sflag:s15] =	ssyncadd.s32 $0xFFFFFF80  }
0x3c: {  	_ =	swait.ge [sflag:s15], $0x80  }
0x3d: {  	[sflag:s15] =	ssyncset.done $0x0  }
0x3e: {  	[sflag:s15] =	ssyncadd.s32 $0xFFFFFF80  }
.LBB2_16:
0x3f: {  	s3 =	stileid.u32  }
0x40: {  	s3 =	sshll.u32 s3, $0x6  }
0x41: {  	[bflag:$0x0] =	sbarrier.arrive $0xFFFF;
	s7 =	sshrl.u32 s6, $0x3;
	s3 =	sor.u32 $0x1C04, s3  }
0x42: {  	[hbm:s22], [sflag:s3] =	dma.local [spmem:s7], $0x2800  }
0x43: {  	s20 =	simm.s32 $0x20;
	s19 =	sadd.s32 $0x1, s19;
	_ =	swait.ge [sflag:s26], $0x2800  }
0x44: {  	s21 =	simm.s32 $0x10;
	p1 =	sne.s32 s19, s24;
	[sflag:s26] =	ssyncset.done $0x0  }
.Ltmp1:
0x45: {  	s7 =	sshrl.u32 s11, $0x3;
	[sflag:s26] =	ssyncadd.s32 $0xFFFFD800;
	(pc) =	sbr.rel @!p1 .LBB2_17-.Ltmp1, $4  }
0x46: {  	[hbm:s23@s20], [sflag:s3] =	dma.strided [spmem:s7@s21], $0x50, s31, $0x10   }
0x47: {  	_ =	swait.ge [sflag:s26], $0x50  }
0x48: {  	[sflag:s26] =	ssyncset.done $0x0  }
0x49: {  	[sflag:s26] =	ssyncadd.s32 $0xFFFFFFB0  }
.LBB2_1:
0x4a: {  	s20 =	simm.s32 $0x0;
	s21 =	simm.s32 $0x200  }
.LBB2_2:
0x4b: {  	p1 =	sne.s32 s21, $0xFE00;
	[tilespmem:s20+$0x2070] =	vst v0  }
0x4c: {  	[tilespmem:s20+$0x2000] =	vst v0  }
0x4d: {  	[tilespmem:s20+$0x2010] =	vst v0  }
.Ltmp2:
0x4e: {  	[tilespmem:s20+$0x2020] =	vst v0;
	(pc) =	sbr.rel @p1 .LBB2_2-.Ltmp2, $4  }
0x4f: {  	[tilespmem:s20+$0x2030] =	vst v0  }
0x50: {  	[tilespmem:s20+$0x2040] =	vst v0  }
0x51: {  	[tilespmem:s20+$0x2050] =	vst v0  }
0x52: {  	[tilespmem:s20+$0x2060] =	vst v0;
	s20 =	sshra.s32 s21, $0x2;
	s21 =	sadd.s32 $0x200, s21  }
0x53: {  	[tilespmem:s20+$0x2070] =	vst v0  }
0x54: {  	[tilespmem:s20+$0x2000] =	vst v0  }
0x55: {  	[tilespmem:s20+$0x2010] =	vst v0  }
0x56: {  	[tilespmem:s20+$0x2020] =	vst v0  }
0x57: {  	[tilespmem:s20+$0x2030] =	vst v0  }
0x58: {  	[tilespmem:s20+$0x2040] =	vst v0  }
0x59: {  	[tilespmem:s20+$0x2050] =	vst v0  }
0x5a: {  	[tilespmem:s20+$0x2060] =	vst v0  }
0x5b: {  	[tilespmem:$0xA000] =	vst v1  }
0x5c: {  	[tilespmem:$0xA010] =	vst v1  }
0x5d: {  	[tilespmem:$0xA020] =	vst v1  }
0x5e: {  	[tilespmem:$0xA030] =	vst v1  }
0x5f: {  	[tilespmem:$0xA040] =	vst v1  }
0x60: {  	[tilespmem:$0xA050] =	vst v1  }
0x61: {  	[tilespmem:$0xA060] =	vst v1  }
0x62: {  	[tilespmem:$0xA070] =	vst v1  }
0x63: {  	[spmem:s6] =	stream.linear.scatter [tilespmem:s25], [sflag:$0x4], $0x4000, $0x38;
	[tilespmem:$0x1E580] =	vst v63  }
0x64: {  	_ =	swait.ge [sflag:s26], $0x4000  }
0x65: {  	[sflag:s26] =	ssyncset.done $0x0  }
0x66: {  	s3 =	rddreg [dreg:$0x5];
	[sflag:s26] =	ssyncadd.s32 $0xFFFFC000  }
0x67: {  	[spmem:s3] =	stream.linear.scatter [tilespmem:s25], [sflag:$0x4], $0x4000, $0x38;
	[tilespmem:$0x1E580] =	vst v63  }
0x68: {  	_ =	swait.ge [sflag:s26], $0x4000  }
0x69: {  	[sflag:s26] =	ssyncset.done $0x0  }
0x6a: {  	[sflag:s26] =	ssyncadd.s32 $0xFFFFC000  }
0x6b: {  	[spmem:s8] =	stream.linear.scatter [tilespmem:s25], [sflag:$0x4], $0x4000, $0x38;
	[tilespmem:$0x1E580] =	vst v63  }
0x6c: {  	_ =	swait.ge [sflag:s26], $0x4000  }
0x6d: {  	[sflag:s26] =	ssyncset.done $0x0  }
0x6e: {  	[sflag:s26] =	ssyncadd.s32 $0xFFFFC000  }
0x6f: {  	[spmem:s9] =	stream.linear.scatter [tilespmem:s25], [sflag:$0x4], $0x4000, $0x38;
	[tilespmem:$0x1E580] =	vst v63  }
0x70: {  	_ =	swait.ge [sflag:s26], $0x4000  }
0x71: {  	[sflag:s26] =	ssyncset.done $0x0  }
0x72: {  	[sflag:s26] =	ssyncadd.s32 $0xFFFFC000  }
0x73: {  	[spmem:s10] =	stream.linear.scatter [tilespmem:s25], [sflag:$0x4], $0x4000, $0x38;
	[tilespmem:$0x1E580] =	vst v63  }
0x74: {  	_ =	swait.ge [sflag:s26], $0x4000  }
0x75: {  	[sflag:s26] =	ssyncset.done $0x0  }
0x76: {  	[sflag:s26] =	ssyncadd.s32 $0xFFFFC000  }
0x77: {  	[tilespmem:$0xA080] =	vst v0  }
0x78: {  	[tilespmem:$0xA090] =	vst v0  }
0x79: {  	[tilespmem:$0xA0A0] =	vst v0  }
0x7a: {  	[tilespmem:$0xA0B0] =	vst v0  }
0x7b: {  	[tilespmem:$0xA0C0] =	vst v0  }
0x7c: {  	[tilespmem:$0xA0D0] =	vst v0  }
0x7d: {  	[tilespmem:$0xA0E0] =	vst v0  }
0x7e: {  	[tilespmem:$0xA0F0] =	vst v0  }
0x7f: {  	[tilespmem:$0xA100] =	vst v0  }
0x80: {  	[tilespmem:$0xA110] =	vst v0  }
0x81: {  	[tilespmem:$0xA120] =	vst v0  }
0x82: {  	[tilespmem:$0xA130] =	vst v0  }
0x83: {  	[tilespmem:$0xA140] =	vst v0  }
0x84: {  	[tilespmem:$0xA150] =	vst v0  }
0x85: {  	[tilespmem:$0xA160] =	vst v0  }
0x86: {  	[tilespmem:$0xA170] =	vst v0  }
0x87: {  	[tilespmem:$0xA180] =	vst v0  }
0x88: {  	[tilespmem:$0xA190] =	vst v0  }
0x89: {  	[tilespmem:$0xA1A0] =	vst v0  }
0x8a: {  	[tilespmem:$0xA1B0] =	vst v0  }
0x8b: {  	[tilespmem:$0xA1C0] =	vst v0  }
0x8c: {  	[tilespmem:$0xA1D0] =	vst v0  }
0x8d: {  	[tilespmem:$0xA1E0] =	vst v0  }
0x8e: {  	[tilespmem:$0xA1F0] =	vst v0  }
0x8f: {  	[tilespmem:$0xA200] =	vst v0  }
0x90: {  	[tilespmem:$0xA210] =	vst v0  }
0x91: {  	[tilespmem:$0xA220] =	vst v0  }
0x92: {  	[tilespmem:$0xA230] =	vst v0  }
0x93: {  	[tilespmem:$0xA240] =	vst v0  }
0x94: {  	[tilespmem:$0xA250] =	vst v0  }
0x95: {  	[tilespmem:$0xA260] =	vst v0  }
0x96: {  	[tilespmem:$0xA270] =	vst v0  }
0x97: {  	[tilespmem:$0xA280] =	vst v0  }
0x98: {  	[tilespmem:$0xA290] =	vst v0  }
0x99: {  	[tilespmem:$0xA2A0] =	vst v0  }
0x9a: {  	[tilespmem:$0xA2B0] =	vst v0  }
0x9b: {  	[tilespmem:$0xA2C0] =	vst v0  }
0x9c: {  	[tilespmem:$0xA2D0] =	vst v0  }
0x9d: {  	[tilespmem:$0xA2E0] =	vst v0  }
0x9e: {  	s21 =	simm.s32 $0xA080;
	[tilespmem:$0xA2F0] =	vst v0  }
0x9f: {  	[spmem:s11] =	stream.linear.scatter [tilespmem:s21], [sflag:$0x4], $0x280, $0x38;
	[tilespmem:$0x1E580] =	vst v63  }
.Ltmp3:
0xa0: {  	_ =	swait.ge [sflag:s26], $0x280;
	(pc) =	sbr.rel @!p0 .LBB2_4-.Ltmp3, $3  }
0xa1: {  	[sflag:s26] =	ssyncset.done $0x0  }
0xa2: {  	[sflag:s26] =	ssyncadd.s32 $0xFFFFFD80  }
0xa3: {  	[bflag:$0x0] =	sbarrier.arrive $0xFFFF;
	_ =	sdelay $0x1  }
0xa4: {  	s3 =	simm.s32 $0x0;
	s7 =	rddreg [dreg:$0xe]  }
0xa5: {  	[tilespmem:s3], [sflag:$0x4] =	stream.linear.gather [hbm4b:s7+s3], $0x1000, $0x38;
	[tilespmem:$0x1E580] =	vst v63  }
0xa6: {  	_ =	swait.ge [sflag:s26], $0x1000  }
0xa7: {  	[sflag:s26] =	ssyncset.done $0x0  }
0xa8: {  	s21 =	rddreg [dreg:$0xf];
	[sflag:s26] =	ssyncadd.s32 $0xFFFFF000  }
0xa9: {  	[tilespmem:s29], [sflag:$0x4] =	stream.linear.gather [hbm4b:s21+s3], $0x1000, $0x38;
	[tilespmem:$0x1E580] =	vst v63  }
0xaa: {  	_ =	swait.ge [sflag:s26], $0x1000  }
0xab: {  	[sflag:s26] =	ssyncset.done $0x0  }
0xac: {  	s20 =	simm.s32 $0x0;
	[sflag:s26] =	ssyncadd.s32 $0xFFFFF000  }
0xad: {  	[tilespmem:s25], [sflag:$0x1] =	stream.indirect.gather [hbm4b:s5+s30], $0x80, s20, s30, $0xb8;
	[tilespmem:$0x1E580] =	vst v63  }
0xae: {  	_ =	swait.ge [sflag:s31], $0x4000  }
0xaf: {  	[sflag:s31] =	ssyncset.done $0x0  }
0xb0: {  	s21 =	simm.s32 $0x1000;
	[sflag:s31] =	ssyncadd.s32 $0xFFFFC000  }
0xb1: {  	[spmem:s1] =	stream.indirect.scatter.add.f32 [tilespmem:s25], [sflag:$0x4], $0x80, s21, s30, $0xb8;
	[tilespmem:$0x1E580] =	vst v63  }
0xb2: {  	_ =	swait.ge [sflag:s26], $0x4000  }
0xb3: {  	[sflag:s26] =	ssyncset.done $0x0  }
0xb4: {  	[sflag:s26] =	ssyncadd.s32 $0xFFFFC000  }
0xb5: {  	[spmem:s2] =	stream.indirect.scatter.add.f32 [tilespmem:s0], [sflag:$0x4], $0x1, s21, s30, $0xb8;
	[tilespmem:$0x1E580] =	vst v63  }
0xb6: {  	_ =	swait.ge [sflag:s26], $0x80  }
0xb7: {  	s20 =	simm.s32 $0x200;
	s21 =	simm.s32 $0x400;
	[sflag:s26] =	ssyncset.done $0x0  }
.LBB2_14:
0xb8: {  	s3 =	sshra.s32 s20, $0x2  }
0xb9: {  	[sflag:s26] =	ssyncadd.s32 $0xFFFFFF80;
	s20 =	smov.u32 s21;
	s7 =	sadd.s32 $0x200, s21  }
0xba: {  	[tilespmem:s25], [sflag:$0x1] =	stream.indirect.gather [hbm4b:s5+s30], $0x80, s3, s30, $0xb8;
	[tilespmem:$0x1E580] =	vst v63  }
0xbb: {  	p1 =	sne.s32 s21, $0x3E00;
	_ =	swait.ge [sflag:s31], $0x4000  }
0xbc: {  	[sflag:s31] =	ssyncset.done $0x0  }
0xbd: {  	s3 =	sadd.s32 $0x1000, s3;
	[sflag:s31] =	ssyncadd.s32 $0xFFFFC000  }
0xbe: {  	[spmem:s1] =	stream.indirect.scatter.add.f32 [tilespmem:s25], [sflag:$0x4], $0x80, s3, s30, $0xb8;
	[tilespmem:$0x1E580] =	vst v63  }
0xbf: {  	_ =	swait.ge [sflag:s26], $0x4000  }
.Ltmp4:
0xc0: {  	[sflag:s26] =	ssyncset.done $0x0;
	(pc) =	sbr.rel @p1 .LBB2_14-.Ltmp4, $4  }
0xc1: {  	[sflag:s26] =	ssyncadd.s32 $0xFFFFC000  }
0xc2: {  	[spmem:s2] =	stream.indirect.scatter.add.f32 [tilespmem:s0], [sflag:$0x4], $0x1, s3, s30, $0xb8;
	[tilespmem:$0x1E580] =	vst v63  }
0xc3: {  	_ =	swait.ge [sflag:s26], $0x80  }
0xc4: {  	s21 =	smov.u32 s7;
	[sflag:s26] =	ssyncset.done $0x0  }
0xc5: {  	s3 =	sshra.s32 s20, $0x2;
	[sflag:s26] =	ssyncadd.s32 $0xFFFFFF80  }
0xc6: {  	[tilespmem:s25], [sflag:$0x1] =	stream.indirect.gather [hbm4b:s5+s30], $0x80, s3, s30, $0xb8;
	[tilespmem:$0x1E580] =	vst v63  }
0xc7: {  	_ =	swait.ge [sflag:s31], $0x4000  }
0xc8: {  	[sflag:s31] =	ssyncset.done $0x0  }
0xc9: {  	s3 =	sadd.s32 $0x1000, s3;
	[sflag:s31] =	ssyncadd.s32 $0xFFFFC000  }
0xca: {  	[spmem:s1] =	stream.indirect.scatter.add.f32 [tilespmem:s25], [sflag:$0x4], $0x80, s3, s30, $0xb8;
	[tilespmem:$0x1E580] =	vst v63  }
0xcb: {  	_ =	swait.ge [sflag:s26], $0x4000  }
0xcc: {  	[sflag:s26] =	ssyncset.done $0x0  }
.Ltmp5:
0xcd: {  	[sflag:s26] =	ssyncadd.s32 $0xFFFFC000;
	(pc) =	sbr.rel .LBB2_16-.Ltmp5, $4  }
0xce: {  	[spmem:s2] =	stream.indirect.scatter.add.f32 [tilespmem:s0], [sflag:$0x4], $0x1, s3, s30, $0xb8;
	[tilespmem:$0x1E580] =	vst v63  }
0xcf: {  	_ =	swait.ge [sflag:s26], $0x80  }
0xd0: {  	[sflag:s26] =	ssyncset.done $0x0  }
0xd1: {  	[sflag:s26] =	ssyncadd.s32 $0xFFFFFF80  }
.LBB2_4:
0xd2: {  	s3 =	rddreg [dreg:$0x6]  }
0xd3: {  	[tilespmem:s4], [sflag:$0x4] =	stream.linear.gather [hbm4b:s3+s4], $0x1000, $0x38;
	[tilespmem:$0x1E580] =	vst v63  }
0xd4: {  	_ =	swait.ge [sflag:s26], $0x1000  }
0xd5: {  	[sflag:s26] =	ssyncset.done $0x0  }
0xd6: {  	s21 =	rddreg [dreg:$0x7];
	[sflag:s26] =	ssyncadd.s32 $0xFFFFF000  }
0xd7: {  	[tilespmem:s29], [sflag:$0x4] =	stream.linear.gather [hbm4b:s21+s4], $0x1000, $0x38;
	[tilespmem:$0x1E580] =	vst v63  }
0xd8: {  	_ =	swait.ge [sflag:s26], $0x1000  }
0xd9: {  	[sflag:s26] =	ssyncset.done $0x0  }
0xda: {  	[sflag:s26] =	ssyncadd.s32 $0xFFFFF000  }
0xdb: {  	[tilespmem:s25], [sflag:$0x1] =	stream.indirect.gather [hbm4b:s5+s30], $0x80, s4, s30, $0xb8;
	[tilespmem:$0x1E580] =	vst v63  }
0xdc: {  	_ =	swait.ge [sflag:s31], $0x4000  }
0xdd: {  	[sflag:s31] =	ssyncset.done $0x0  }
0xde: {  	[sflag:s31] =	ssyncadd.s32 $0xFFFFC000  }
0xdf: {  	[tilespmem:s12], [sflag:$0x1] =	stream.indirect.gather [hbm4b:s5+s30], $0x80, s30, s30, $0xb8;
	[tilespmem:$0x1E580] =	vst v63  }
0xe0: {  	_ = 	snop  }
0xe1: {  	[spmem:s1] =	stream.indirect.scatter.add.f32 [tilespmem:s25], [sflag:$0x2], $0x80, s29, s30, $0xb8;
	[tilespmem:$0x1E580] =	vst v63  }
0xe2: {  	_ = 	snop  }
0xe3: {  	[spmem:s2] =	stream.indirect.scatter.add.f32 [tilespmem:s0], [sflag:$0x3], $0x1, s29, s30, $0xb8;
	[tilespmem:$0x1E580] =	vst v63  }
0xe4: {  	_ = 	snop  }
0xe5: {  	[spmem:s2] =	stream.indirect.scatter.add.f32 [tilespmem:s0], [sflag:$0x3], $0x1, s28, s30, $0xb8;
	[tilespmem:$0x1E580] =	vst v63  }
0xe6: {  	_ =	swait.ge [sflag:s31], $0x4000  }
0xe7: {  	[sflag:s31] =	ssyncset.done $0x0  }
0xe8: {  	[sflag:s31] =	ssyncadd.s32 $0xFFFFC000  }
0xe9: {  	_ =	swait.ge [sflag:s13], $0x4000  }
0xea: {  	[sflag:s13] =	ssyncset.done $0x0  }
0xeb: {  	[sflag:s13] =	ssyncadd.s32 $0xFFFFC000  }
0xec: {  	[tilespmem:s25], [sflag:$0x1] =	stream.indirect.gather [hbm4b:s5+s30], $0x80, s14, s30, $0xb8;
	[tilespmem:$0x1E580] =	vst v63  }
0xed: {  	_ = 	snop  }
0xee: {  	[spmem:s1] =	stream.indirect.scatter.add.f32 [tilespmem:s12], [sflag:$0x2], $0x80, s28, s30, $0xb8;
	[tilespmem:$0x1E580] =	vst v63  }
0xef: {  	_ =	swait.ge [sflag:s13], $0x4000  }
0xf0: {  	[sflag:s13] =	ssyncset.done $0x0  }
0xf1: {  	[sflag:s13] =	ssyncadd.s32 $0xFFFFC000  }
0xf2: {  	_ =	swait.ge [sflag:s31], $0x4000  }
0xf3: {  	[sflag:s31] =	ssyncset.done $0x0  }
0xf4: {  	s20 =	simm.s32 $0x180;
	[sflag:s31] =	ssyncadd.s32 $0xFFFFC000  }
0xf5: {  	[tilespmem:s12], [sflag:$0x1] =	stream.indirect.gather [hbm4b:s5+s30], $0x80, s20, s30, $0xb8;
	[tilespmem:$0x1E580] =	vst v63  }
0xf6: {  	s3 =	simm.s32 $0x1100  }
0xf7: {  	[spmem:s1] =	stream.indirect.scatter.add.f32 [tilespmem:s25], [sflag:$0x2], $0x80, s3, s30, $0xb8;
	[tilespmem:$0x1E580] =	vst v63  }
0xf8: {  	_ =	swait.ge [sflag:s15], $0x80  }
0xf9: {  	[sflag:s15] =	ssyncset.done $0x0  }
0xfa: {  	[sflag:s15] =	ssyncadd.s32 $0xFFFFFF80  }
0xfb: {  	_ =	swait.ge [sflag:s15], $0x80  }
0xfc: {  	[sflag:s15] =	ssyncset.done $0x0  }
0xfd: {  	[sflag:s15] =	ssyncadd.s32 $0xFFFFFF80  }
0xfe: {  	[spmem:s2] =	stream.indirect.scatter.add.f32 [tilespmem:s0], [sflag:$0x3], $0x1, s3, s30, $0xb8;
	[tilespmem:$0x1E580] =	vst v63  }
0xff: {  	s7 =	simm.s32 $0x1180  }
0x100: {  	[spmem:s2] =	stream.indirect.scatter.add.f32 [tilespmem:s0], [sflag:$0x3], $0x1, s7, s30, $0xb8;
	[tilespmem:$0x1E580] =	vst v63  }
0x101: {  	_ =	swait.ge [sflag:s31], $0x4000  }
0x102: {  	[sflag:s31] =	ssyncset.done $0x0  }
0x103: {  	[sflag:s31] =	ssyncadd.s32 $0xFFFFC000  }
0x104: {  	_ =	swait.ge [sflag:s13], $0x4000  }
0x105: {  	[sflag:s13] =	ssyncset.done $0x0  }
0x106: {  	s21 =	simm.s32 $0x200;
	[sflag:s13] =	ssyncadd.s32 $0xFFFFC000  }
0x107: {  	[tilespmem:s25], [sflag:$0x1] =	stream.indirect.gather [hbm4b:s5+s30], $0x80, s21, s30, $0xb8;
	[tilespmem:$0x1E580] =	vst v63  }
0x108: {  	_ = 	snop  }
0x109: {  	[spmem:s1] =	stream.indirect.scatter.add.f32 [tilespmem:s12], [sflag:$0x2], $0x80, s7, s30, $0xb8;
	[tilespmem:$0x1E580] =	vst v63  }
0x10a: {  	_ =	swait.ge [sflag:s13], $0x4000  }
0x10b: {  	s20 =	simm.s32 $0xFFFFCC00;
	[sflag:s13] =	ssyncset.done $0x0  }
.LBB2_5:
0x10c: {  	p1 =	sne.s32 s20, $0xFFFFFC00  }
0x10d: {  	[sflag:s13] =	ssyncadd.s32 $0xFFFFC000;
	s21 =	smov.u32 s20;
	s20 =	sadd.s32 $0x400, s20  }
0x10e: {  	_ = 	snop  }
0x10f: {  	_ =	swait.ge [sflag:s31], $0x4000  }
0x110: {  	s21 =	sshra.s32 s21, $0x2;
	[sflag:s31] =	ssyncset.done $0x0  }
0x111: {  	s3 =	sadd.s32 $0xF80, s21;
	[sflag:s31] =	ssyncadd.s32 $0xFFFFC000  }
0x112: {  	[tilespmem:s12], [sflag:$0x1] =	stream.indirect.gather [hbm4b:s5+s30], $0x80, s3, s30, $0xb8;
	[tilespmem:$0x1E580] =	vst v63  }
0x113: {  	s3 =	sadd.s32 $0x1F00, s21  }
0x114: {  	[spmem:s1] =	stream.indirect.scatter.add.f32 [tilespmem:s25], [sflag:$0x2], $0x80, s3, s30, $0xb8;
	[tilespmem:$0x1E580] =	vst v63  }
0x115: {  	_ =	swait.ge [sflag:s15], $0x80  }
0x116: {  	[sflag:s15] =	ssyncset.done $0x0  }
0x117: {  	[sflag:s15] =	ssyncadd.s32 $0xFFFFFF80  }
0x118: {  	_ =	swait.ge [sflag:s15], $0x80  }
0x119: {  	[sflag:s15] =	ssyncset.done $0x0  }
0x11a: {  	[sflag:s15] =	ssyncadd.s32 $0xFFFFFF80  }
0x11b: {  	[spmem:s2] =	stream.indirect.scatter.add.f32 [tilespmem:s0], [sflag:$0x3], $0x1, s3, s30, $0xb8;
	[tilespmem:$0x1E580] =	vst v63  }
0x11c: {  	s3 =	sadd.s32 $0x1F80, s21  }
0x11d: {  	[spmem:s2] =	stream.indirect.scatter.add.f32 [tilespmem:s0], [sflag:$0x3], $0x1, s3, s30, $0xb8;
	[tilespmem:$0x1E580] =	vst v63  }
0x11e: {  	_ =	swait.ge [sflag:s31], $0x4000  }
0x11f: {  	[sflag:s31] =	ssyncset.done $0x0  }
0x120: {  	[sflag:s31] =	ssyncadd.s32 $0xFFFFC000  }
0x121: {  	_ =	swait.ge [sflag:s13], $0x4000  }
0x122: {  	[sflag:s13] =	ssyncset.done $0x0  }
0x123: {  	s21 =	sadd.s32 $0x1000, s21;
	[sflag:s13] =	ssyncadd.s32 $0xFFFFC000  }
0x124: {  	[tilespmem:s25], [sflag:$0x1] =	stream.indirect.gather [hbm4b:s5+s30], $0x80, s21, s30, $0xb8;
	[tilespmem:$0x1E580] =	vst v63  }
.Ltmp6:
0x125: {  	_ = 	snop;
	(pc) =	sbr.rel @p1 .LBB2_5-.Ltmp6, $4  }
0x126: {  	_ = 	snop  }
0x127: {  	[spmem:s1] =	stream.indirect.scatter.add.f32 [tilespmem:s12], [sflag:$0x2], $0x80, s3, s30, $0xb8;
	[tilespmem:$0x1E580] =	vst v63  }
0x128: {  	_ =	swait.ge [sflag:s13], $0x4000  }
0x129: {  	[sflag:s13] =	ssyncset.done $0x0  }
0x12a: {  	[sflag:s13] =	ssyncadd.s32 $0xFFFFC000  }
0x12b: {  	_ =	swait.ge [sflag:s31], $0x4000  }
0x12c: {  	[sflag:s31] =	ssyncset.done $0x0  }
0x12d: {  	[sflag:s31] =	ssyncadd.s32 $0xFFFFC000  }
0x12e: {  	[tilespmem:s12], [sflag:$0x1] =	stream.indirect.gather [hbm4b:s5+s30], $0x80, s16, s30, $0xb8;
	[tilespmem:$0x1E580] =	vst v63  }
0x12f: {  	_ = 	snop  }
0x130: {  	[spmem:s1] =	stream.indirect.scatter.add.f32 [tilespmem:s25], [sflag:$0x2], $0x80, s17, s30, $0xb8;
	[tilespmem:$0x1E580] =	vst v63  }
0x131: {  	_ =	swait.ge [sflag:s15], $0x80  }
0x132: {  	[sflag:s15] =	ssyncset.done $0x0  }
0x133: {  	[sflag:s15] =	ssyncadd.s32 $0xFFFFFF80  }
0x134: {  	_ =	swait.ge [sflag:s15], $0x80  }
0x135: {  	[sflag:s15] =	ssyncset.done $0x0  }
0x136: {  	[sflag:s15] =	ssyncadd.s32 $0xFFFFFF80  }
0x137: {  	[spmem:s2] =	stream.indirect.scatter.add.f32 [tilespmem:s0], [sflag:$0x3], $0x1, s17, s30, $0xb8;
	[tilespmem:$0x1E580] =	vst v63  }
0x138: {  	_ = 	snop  }
0x139: {  	[spmem:s2] =	stream.indirect.scatter.add.f32 [tilespmem:s0], [sflag:$0x3], $0x1, s18, s30, $0xb8;
	[tilespmem:$0x1E580] =	vst v63  }
0x13a: {  	_ =	swait.ge [sflag:s31], $0x4000  }
0x13b: {  	[sflag:s31] =	ssyncset.done $0x0  }
0x13c: {  	[sflag:s31] =	ssyncadd.s32 $0xFFFFC000  }
0x13d: {  	_ =	swait.ge [sflag:s13], $0x4000  }
0x13e: {  	[sflag:s13] =	ssyncset.done $0x0  }
0x13f: {  	[sflag:s13] =	ssyncadd.s32 $0xFFFFC000  }
0x140: {  	[spmem:s1] =	stream.indirect.scatter.add.f32 [tilespmem:s12], [sflag:$0x2], $0x80, s18, s30, $0xb8;
	[tilespmem:$0x1E580] =	vst v63  }
0x141: {  	_ =	swait.ge [sflag:s13], $0x4000  }
0x142: {  	[sflag:s13] =	ssyncset.done $0x0  }
0x143: {  	[sflag:s13] =	ssyncadd.s32 $0xFFFFC000  }
0x144: {  	_ =	swait.ge [sflag:s15], $0x80  }
0x145: {  	[sflag:s15] =	ssyncset.done $0x0  }
0x146: {  	[sflag:s15] =	ssyncadd.s32 $0xFFFFFF80  }
0x147: {  	_ =	swait.ge [sflag:s15], $0x80  }
0x148: {  	[sflag:s15] =	ssyncset.done $0x0  }
0x149: {  	s3 =	rddreg [dreg:$0x8];
	[sflag:s15] =	ssyncadd.s32 $0xFFFFFF80  }
0x14a: {  	[tilespmem:s4], [sflag:$0x4] =	stream.linear.gather [hbm4b:s3+s4], $0x1000, $0x38;
	[tilespmem:$0x1E580] =	vst v63  }
0x14b: {  	_ =	swait.ge [sflag:s26], $0x1000  }
0x14c: {  	[sflag:s26] =	ssyncset.done $0x0  }
0x14d: {  	s21 =	rddreg [dreg:$0x9];
	[sflag:s26] =	ssyncadd.s32 $0xFFFFF000  }
0x14e: {  	[tilespmem:s29], [sflag:$0x4] =	stream.linear.gather [hbm4b:s21+s4], $0x1000, $0x38;
	[tilespmem:$0x1E580] =	vst v63  }
0x14f: {  	_ =	swait.ge [sflag:s26], $0x1000  }
0x150: {  	[sflag:s26] =	ssyncset.done $0x0  }
0x151: {  	[sflag:s26] =	ssyncadd.s32 $0xFFFFF000  }
0x152: {  	[tilespmem:s25], [sflag:$0x1] =	stream.indirect.gather [hbm4b:s5+s30], $0x80, s4, s30, $0xb8;
	[tilespmem:$0x1E580] =	vst v63  }
0x153: {  	_ =	swait.ge [sflag:s31], $0x4000  }
0x154: {  	[sflag:s31] =	ssyncset.done $0x0  }
0x155: {  	[sflag:s31] =	ssyncadd.s32 $0xFFFFC000  }
0x156: {  	[tilespmem:s12], [sflag:$0x1] =	stream.indirect.gather [hbm4b:s5+s30], $0x80, s30, s30, $0xb8;
	[tilespmem:$0x1E580] =	vst v63  }
0x157: {  	_ = 	snop  }
0x158: {  	[spmem:s1] =	stream.indirect.scatter.add.f32 [tilespmem:s25], [sflag:$0x2], $0x80, s29, s30, $0xb8;
	[tilespmem:$0x1E580] =	vst v63  }
0x159: {  	_ = 	snop  }
0x15a: {  	[spmem:s2] =	stream.indirect.scatter.add.f32 [tilespmem:s0], [sflag:$0x3], $0x1, s29, s30, $0xb8;
	[tilespmem:$0x1E580] =	vst v63  }
0x15b: {  	_ = 	snop  }
0x15c: {  	[spmem:s2] =	stream.indirect.scatter.add.f32 [tilespmem:s0], [sflag:$0x3], $0x1, s28, s30, $0xb8;
	[tilespmem:$0x1E580] =	vst v63  }
0x15d: {  	_ =	swait.ge [sflag:s31], $0x4000  }
0x15e: {  	[sflag:s31] =	ssyncset.done $0x0  }
0x15f: {  	[sflag:s31] =	ssyncadd.s32 $0xFFFFC000  }
0x160: {  	_ =	swait.ge [sflag:s13], $0x4000  }
0x161: {  	[sflag:s13] =	ssyncset.done $0x0  }
0x162: {  	[sflag:s13] =	ssyncadd.s32 $0xFFFFC000  }
0x163: {  	[tilespmem:s25], [sflag:$0x1] =	stream.indirect.gather [hbm4b:s5+s30], $0x80, s14, s30, $0xb8;
	[tilespmem:$0x1E580] =	vst v63  }
0x164: {  	_ = 	snop  }
0x165: {  	[spmem:s1] =	stream.indirect.scatter.add.f32 [tilespmem:s12], [sflag:$0x2], $0x80, s28, s30, $0xb8;
	[tilespmem:$0x1E580] =	vst v63  }
0x166: {  	_ =	swait.ge [sflag:s13], $0x4000  }
0x167: {  	[sflag:s13] =	ssyncset.done $0x0  }
0x168: {  	[sflag:s13] =	ssyncadd.s32 $0xFFFFC000  }
0x169: {  	_ =	swait.ge [sflag:s31], $0x4000  }
0x16a: {  	[sflag:s31] =	ssyncset.done $0x0  }
0x16b: {  	s7 =	simm.s32 $0x180;
	[sflag:s31] =	ssyncadd.s32 $0xFFFFC000  }
0x16c: {  	[tilespmem:s12], [sflag:$0x1] =	stream.indirect.gather [hbm4b:s5+s30], $0x80, s7, s30, $0xb8;
	[tilespmem:$0x1E580] =	vst v63  }
0x16d: {  	s20 =	simm.s32 $0x1100  }
0x16e: {  	[spmem:s1] =	stream.indirect.scatter.add.f32 [tilespmem:s25], [sflag:$0x2], $0x80, s20, s30, $0xb8;
	[tilespmem:$0x1E580] =	vst v63  }
0x16f: {  	_ =	swait.ge [sflag:s15], $0x80  }
0x170: {  	[sflag:s15] =	ssyncset.done $0x0  }
0x171: {  	[sflag:s15] =	ssyncadd.s32 $0xFFFFFF80  }
0x172: {  	_ =	swait.ge [sflag:s15], $0x80  }
0x173: {  	[sflag:s15] =	ssyncset.done $0x0  }
0x174: {  	[sflag:s15] =	ssyncadd.s32 $0xFFFFFF80  }
0x175: {  	[spmem:s2] =	stream.indirect.scatter.add.f32 [tilespmem:s0], [sflag:$0x3], $0x1, s20, s30, $0xb8;
	[tilespmem:$0x1E580] =	vst v63  }
0x176: {  	s21 =	simm.s32 $0x1180  }
0x177: {  	[spmem:s2] =	stream.indirect.scatter.add.f32 [tilespmem:s0], [sflag:$0x3], $0x1, s21, s30, $0xb8;
	[tilespmem:$0x1E580] =	vst v63  }
0x178: {  	_ =	swait.ge [sflag:s31], $0x4000  }
0x179: {  	[sflag:s31] =	ssyncset.done $0x0  }
0x17a: {  	[sflag:s31] =	ssyncadd.s32 $0xFFFFC000  }
0x17b: {  	_ =	swait.ge [sflag:s13], $0x4000  }
0x17c: {  	[sflag:s13] =	ssyncset.done $0x0  }
0x17d: {  	s20 =	simm.s32 $0x200;
	[sflag:s13] =	ssyncadd.s32 $0xFFFFC000  }
0x17e: {  	[tilespmem:s25], [sflag:$0x1] =	stream.indirect.gather [hbm4b:s5+s30], $0x80, s20, s30, $0xb8;
	[tilespmem:$0x1E580] =	vst v63  }
0x17f: {  	_ = 	snop  }
0x180: {  	[spmem:s1] =	stream.indirect.scatter.add.f32 [tilespmem:s12], [sflag:$0x2], $0x80, s21, s30, $0xb8;
	[tilespmem:$0x1E580] =	vst v63  }
0x181: {  	_ =	swait.ge [sflag:s13], $0x4000  }
0x182: {  	s20 =	simm.s32 $0xFFFFCC00;
	[sflag:s13] =	ssyncset.done $0x0  }
.LBB2_7:
0x183: {  	p1 =	sne.s32 s20, $0xFFFFFC00  }
0x184: {  	[sflag:s13] =	ssyncadd.s32 $0xFFFFC000;
	s3 =	smov.u32 s20;
	s20 =	sadd.s32 $0x400, s20  }
0x185: {  	_ = 	snop  }
0x186: {  	_ =	swait.ge [sflag:s31], $0x4000  }
0x187: {  	s3 =	sshra.s32 s3, $0x2;
	[sflag:s31] =	ssyncset.done $0x0  }
0x188: {  	s21 =	sadd.s32 $0xF80, s3;
	[sflag:s31] =	ssyncadd.s32 $0xFFFFC000  }
0x189: {  	[tilespmem:s12], [sflag:$0x1] =	stream.indirect.gather [hbm4b:s5+s30], $0x80, s21, s30, $0xb8;
	[tilespmem:$0x1E580] =	vst v63  }
0x18a: {  	s21 =	sadd.s32 $0x1F00, s3  }
0x18b: {  	[spmem:s1] =	stream.indirect.scatter.add.f32 [tilespmem:s25], [sflag:$0x2], $0x80, s21, s30, $0xb8;
	[tilespmem:$0x1E580] =	vst v63  }
0x18c: {  	_ =	swait.ge [sflag:s15], $0x80  }
0x18d: {  	[sflag:s15] =	ssyncset.done $0x0  }
0x18e: {  	[sflag:s15] =	ssyncadd.s32 $0xFFFFFF80  }
0x18f: {  	_ =	swait.ge [sflag:s15], $0x80  }
0x190: {  	[sflag:s15] =	ssyncset.done $0x0  }
0x191: {  	[sflag:s15] =	ssyncadd.s32 $0xFFFFFF80  }
0x192: {  	[spmem:s2] =	stream.indirect.scatter.add.f32 [tilespmem:s0], [sflag:$0x3], $0x1, s21, s30, $0xb8;
	[tilespmem:$0x1E580] =	vst v63  }
0x193: {  	s21 =	sadd.s32 $0x1F80, s3  }
0x194: {  	[spmem:s2] =	stream.indirect.scatter.add.f32 [tilespmem:s0], [sflag:$0x3], $0x1, s21, s30, $0xb8;
	[tilespmem:$0x1E580] =	vst v63  }
0x195: {  	_ =	swait.ge [sflag:s31], $0x4000  }
0x196: {  	[sflag:s31] =	ssyncset.done $0x0  }
0x197: {  	[sflag:s31] =	ssyncadd.s32 $0xFFFFC000  }
0x198: {  	_ =	swait.ge [sflag:s13], $0x4000  }
0x199: {  	[sflag:s13] =	ssyncset.done $0x0  }
0x19a: {  	s3 =	sadd.s32 $0x1000, s3;
	[sflag:s13] =	ssyncadd.s32 $0xFFFFC000  }
0x19b: {  	[tilespmem:s25], [sflag:$0x1] =	stream.indirect.gather [hbm4b:s5+s30], $0x80, s3, s30, $0xb8;
	[tilespmem:$0x1E580] =	vst v63  }
.Ltmp7:
0x19c: {  	_ = 	snop;
	(pc) =	sbr.rel @p1 .LBB2_7-.Ltmp7, $4  }
0x19d: {  	_ = 	snop  }
0x19e: {  	[spmem:s1] =	stream.indirect.scatter.add.f32 [tilespmem:s12], [sflag:$0x2], $0x80, s21, s30, $0xb8;
	[tilespmem:$0x1E580] =	vst v63  }
0x19f: {  	_ =	swait.ge [sflag:s13], $0x4000  }
0x1a0: {  	[sflag:s13] =	ssyncset.done $0x0  }
0x1a1: {  	[sflag:s13] =	ssyncadd.s32 $0xFFFFC000  }
0x1a2: {  	_ =	swait.ge [sflag:s31], $0x4000  }
0x1a3: {  	[sflag:s31] =	ssyncset.done $0x0  }
0x1a4: {  	[sflag:s31] =	ssyncadd.s32 $0xFFFFC000  }
0x1a5: {  	[tilespmem:s12], [sflag:$0x1] =	stream.indirect.gather [hbm4b:s5+s30], $0x80, s16, s30, $0xb8;
	[tilespmem:$0x1E580] =	vst v63  }
0x1a6: {  	_ = 	snop  }
0x1a7: {  	[spmem:s1] =	stream.indirect.scatter.add.f32 [tilespmem:s25], [sflag:$0x2], $0x80, s17, s30, $0xb8;
	[tilespmem:$0x1E580] =	vst v63  }
0x1a8: {  	_ =	swait.ge [sflag:s15], $0x80  }
0x1a9: {  	[sflag:s15] =	ssyncset.done $0x0  }
0x1aa: {  	[sflag:s15] =	ssyncadd.s32 $0xFFFFFF80  }
0x1ab: {  	_ =	swait.ge [sflag:s15], $0x80  }
0x1ac: {  	[sflag:s15] =	ssyncset.done $0x0  }
0x1ad: {  	[sflag:s15] =	ssyncadd.s32 $0xFFFFFF80  }
0x1ae: {  	[spmem:s2] =	stream.indirect.scatter.add.f32 [tilespmem:s0], [sflag:$0x3], $0x1, s17, s30, $0xb8;
	[tilespmem:$0x1E580] =	vst v63  }
0x1af: {  	_ = 	snop  }
0x1b0: {  	[spmem:s2] =	stream.indirect.scatter.add.f32 [tilespmem:s0], [sflag:$0x3], $0x1, s18, s30, $0xb8;
	[tilespmem:$0x1E580] =	vst v63  }
0x1b1: {  	_ =	swait.ge [sflag:s31], $0x4000  }
0x1b2: {  	[sflag:s31] =	ssyncset.done $0x0  }
0x1b3: {  	[sflag:s31] =	ssyncadd.s32 $0xFFFFC000  }
0x1b4: {  	_ =	swait.ge [sflag:s13], $0x4000  }
0x1b5: {  	[sflag:s13] =	ssyncset.done $0x0  }
0x1b6: {  	[sflag:s13] =	ssyncadd.s32 $0xFFFFC000  }
0x1b7: {  	[spmem:s1] =	stream.indirect.scatter.add.f32 [tilespmem:s12], [sflag:$0x2], $0x80, s18, s30, $0xb8;
	[tilespmem:$0x1E580] =	vst v63  }
0x1b8: {  	_ =	swait.ge [sflag:s13], $0x4000  }
0x1b9: {  	[sflag:s13] =	ssyncset.done $0x0  }
0x1ba: {  	[sflag:s13] =	ssyncadd.s32 $0xFFFFC000  }
0x1bb: {  	_ =	swait.ge [sflag:s15], $0x80  }
0x1bc: {  	[sflag:s15] =	ssyncset.done $0x0  }
0x1bd: {  	[sflag:s15] =	ssyncadd.s32 $0xFFFFFF80  }
0x1be: {  	_ =	swait.ge [sflag:s15], $0x80  }
0x1bf: {  	[sflag:s15] =	ssyncset.done $0x0  }
0x1c0: {  	s3 =	rddreg [dreg:$0xa];
	[sflag:s15] =	ssyncadd.s32 $0xFFFFFF80  }
0x1c1: {  	[tilespmem:s4], [sflag:$0x4] =	stream.linear.gather [hbm4b:s3+s4], $0x1000, $0x38;
	[tilespmem:$0x1E580] =	vst v63  }
0x1c2: {  	_ =	swait.ge [sflag:s26], $0x1000  }
0x1c3: {  	[sflag:s26] =	ssyncset.done $0x0  }
0x1c4: {  	s21 =	rddreg [dreg:$0xb];
	[sflag:s26] =	ssyncadd.s32 $0xFFFFF000  }
0x1c5: {  	[tilespmem:s29], [sflag:$0x4] =	stream.linear.gather [hbm4b:s21+s4], $0x1000, $0x38;
	[tilespmem:$0x1E580] =	vst v63  }
0x1c6: {  	_ =	swait.ge [sflag:s26], $0x1000  }
0x1c7: {  	[sflag:s26] =	ssyncset.done $0x0  }
0x1c8: {  	[sflag:s26] =	ssyncadd.s32 $0xFFFFF000  }
0x1c9: {  	[tilespmem:s25], [sflag:$0x1] =	stream.indirect.gather [hbm4b:s5+s30], $0x80, s4, s30, $0xb8;
	[tilespmem:$0x1E580] =	vst v63  }
0x1ca: {  	_ =	swait.ge [sflag:s31], $0x4000  }
0x1cb: {  	[sflag:s31] =	ssyncset.done $0x0  }
0x1cc: {  	[sflag:s31] =	ssyncadd.s32 $0xFFFFC000  }
0x1cd: {  	[tilespmem:s12], [sflag:$0x1] =	stream.indirect.gather [hbm4b:s5+s30], $0x80, s30, s30, $0xb8;
	[tilespmem:$0x1E580] =	vst v63  }
0x1ce: {  	_ = 	snop  }
0x1cf: {  	[spmem:s1] =	stream.indirect.scatter.add.f32 [tilespmem:s25], [sflag:$0x2], $0x80, s29, s30, $0xb8;
	[tilespmem:$0x1E580] =	vst v63  }
0x1d0: {  	_ = 	snop  }
0x1d1: {  	[spmem:s2] =	stream.indirect.scatter.add.f32 [tilespmem:s0], [sflag:$0x3], $0x1, s29, s30, $0xb8;
	[tilespmem:$0x1E580] =	vst v63  }
0x1d2: {  	_ = 	snop  }
0x1d3: {  	[spmem:s2] =	stream.indirect.scatter.add.f32 [tilespmem:s0], [sflag:$0x3], $0x1, s28, s30, $0xb8;
	[tilespmem:$0x1E580] =	vst v63  }
0x1d4: {  	_ =	swait.ge [sflag:s31], $0x4000  }
0x1d5: {  	[sflag:s31] =	ssyncset.done $0x0  }
0x1d6: {  	[sflag:s31] =	ssyncadd.s32 $0xFFFFC000  }
0x1d7: {  	_ =	swait.ge [sflag:s13], $0x4000  }
0x1d8: {  	[sflag:s13] =	ssyncset.done $0x0  }
0x1d9: {  	[sflag:s13] =	ssyncadd.s32 $0xFFFFC000  }
0x1da: {  	[tilespmem:s25], [sflag:$0x1] =	stream.indirect.gather [hbm4b:s5+s30], $0x80, s14, s30, $0xb8;
	[tilespmem:$0x1E580] =	vst v63  }
0x1db: {  	_ = 	snop  }
0x1dc: {  	[spmem:s1] =	stream.indirect.scatter.add.f32 [tilespmem:s12], [sflag:$0x2], $0x80, s28, s30, $0xb8;
	[tilespmem:$0x1E580] =	vst v63  }
0x1dd: {  	_ =	swait.ge [sflag:s13], $0x4000  }
0x1de: {  	[sflag:s13] =	ssyncset.done $0x0  }
0x1df: {  	[sflag:s13] =	ssyncadd.s32 $0xFFFFC000  }
0x1e0: {  	_ =	swait.ge [sflag:s31], $0x4000  }
0x1e1: {  	[sflag:s31] =	ssyncset.done $0x0  }
0x1e2: {  	s7 =	simm.s32 $0x180;
	[sflag:s31] =	ssyncadd.s32 $0xFFFFC000  }
0x1e3: {  	[tilespmem:s12], [sflag:$0x1] =	stream.indirect.gather [hbm4b:s5+s30], $0x80, s7, s30, $0xb8;
	[tilespmem:$0x1E580] =	vst v63  }
0x1e4: {  	s20 =	simm.s32 $0x1100  }
0x1e5: {  	[spmem:s1] =	stream.indirect.scatter.add.f32 [tilespmem:s25], [sflag:$0x2], $0x80, s20, s30, $0xb8;
	[tilespmem:$0x1E580] =	vst v63  }
0x1e6: {  	_ =	swait.ge [sflag:s15], $0x80  }
0x1e7: {  	[sflag:s15] =	ssyncset.done $0x0  }
0x1e8: {  	[sflag:s15] =	ssyncadd.s32 $0xFFFFFF80  }
0x1e9: {  	_ =	swait.ge [sflag:s15], $0x80  }
0x1ea: {  	[sflag:s15] =	ssyncset.done $0x0  }
0x1eb: {  	[sflag:s15] =	ssyncadd.s32 $0xFFFFFF80  }
0x1ec: {  	[spmem:s2] =	stream.indirect.scatter.add.f32 [tilespmem:s0], [sflag:$0x3], $0x1, s20, s30, $0xb8;
	[tilespmem:$0x1E580] =	vst v63  }
0x1ed: {  	s21 =	simm.s32 $0x1180  }
0x1ee: {  	[spmem:s2] =	stream.indirect.scatter.add.f32 [tilespmem:s0], [sflag:$0x3], $0x1, s21, s30, $0xb8;
	[tilespmem:$0x1E580] =	vst v63  }
0x1ef: {  	_ =	swait.ge [sflag:s31], $0x4000  }
0x1f0: {  	[sflag:s31] =	ssyncset.done $0x0  }
0x1f1: {  	[sflag:s31] =	ssyncadd.s32 $0xFFFFC000  }
0x1f2: {  	_ =	swait.ge [sflag:s13], $0x4000  }
0x1f3: {  	[sflag:s13] =	ssyncset.done $0x0  }
0x1f4: {  	s20 =	simm.s32 $0x200;
	[sflag:s13] =	ssyncadd.s32 $0xFFFFC000  }
0x1f5: {  	[tilespmem:s25], [sflag:$0x1] =	stream.indirect.gather [hbm4b:s5+s30], $0x80, s20, s30, $0xb8;
	[tilespmem:$0x1E580] =	vst v63  }
0x1f6: {  	_ = 	snop  }
0x1f7: {  	[spmem:s1] =	stream.indirect.scatter.add.f32 [tilespmem:s12], [sflag:$0x2], $0x80, s21, s30, $0xb8;
	[tilespmem:$0x1E580] =	vst v63  }
0x1f8: {  	_ =	swait.ge [sflag:s13], $0x4000  }
0x1f9: {  	s20 =	simm.s32 $0xFFFFCC00;
	[sflag:s13] =	ssyncset.done $0x0  }
.LBB2_9:
0x1fa: {  	p1 =	sne.s32 s20, $0xFFFFFC00  }
0x1fb: {  	[sflag:s13] =	ssyncadd.s32 $0xFFFFC000;
	s3 =	smov.u32 s20;
	s20 =	sadd.s32 $0x400, s20  }
0x1fc: {  	_ = 	snop  }
0x1fd: {  	_ =	swait.ge [sflag:s31], $0x4000  }
0x1fe: {  	s3 =	sshra.s32 s3, $0x2;
	[sflag:s31] =	ssyncset.done $0x0  }
0x1ff: {  	s21 =	sadd.s32 $0xF80, s3;
	[sflag:s31] =	ssyncadd.s32 $0xFFFFC000  }
0x200: {  	[tilespmem:s12], [sflag:$0x1] =	stream.indirect.gather [hbm4b:s5+s30], $0x80, s21, s30, $0xb8;
	[tilespmem:$0x1E580] =	vst v63  }
0x201: {  	s21 =	sadd.s32 $0x1F00, s3  }
0x202: {  	[spmem:s1] =	stream.indirect.scatter.add.f32 [tilespmem:s25], [sflag:$0x2], $0x80, s21, s30, $0xb8;
	[tilespmem:$0x1E580] =	vst v63  }
0x203: {  	_ =	swait.ge [sflag:s15], $0x80  }
0x204: {  	[sflag:s15] =	ssyncset.done $0x0  }
0x205: {  	[sflag:s15] =	ssyncadd.s32 $0xFFFFFF80  }
0x206: {  	_ =	swait.ge [sflag:s15], $0x80  }
0x207: {  	[sflag:s15] =	ssyncset.done $0x0  }
0x208: {  	[sflag:s15] =	ssyncadd.s32 $0xFFFFFF80  }
0x209: {  	[spmem:s2] =	stream.indirect.scatter.add.f32 [tilespmem:s0], [sflag:$0x3], $0x1, s21, s30, $0xb8;
	[tilespmem:$0x1E580] =	vst v63  }
0x20a: {  	s21 =	sadd.s32 $0x1F80, s3  }
0x20b: {  	[spmem:s2] =	stream.indirect.scatter.add.f32 [tilespmem:s0], [sflag:$0x3], $0x1, s21, s30, $0xb8;
	[tilespmem:$0x1E580] =	vst v63  }
0x20c: {  	_ =	swait.ge [sflag:s31], $0x4000  }
0x20d: {  	[sflag:s31] =	ssyncset.done $0x0  }
0x20e: {  	[sflag:s31] =	ssyncadd.s32 $0xFFFFC000  }
0x20f: {  	_ =	swait.ge [sflag:s13], $0x4000  }
0x210: {  	[sflag:s13] =	ssyncset.done $0x0  }
0x211: {  	s3 =	sadd.s32 $0x1000, s3;
	[sflag:s13] =	ssyncadd.s32 $0xFFFFC000  }
0x212: {  	[tilespmem:s25], [sflag:$0x1] =	stream.indirect.gather [hbm4b:s5+s30], $0x80, s3, s30, $0xb8;
	[tilespmem:$0x1E580] =	vst v63  }
.Ltmp8:
0x213: {  	_ = 	snop;
	(pc) =	sbr.rel @p1 .LBB2_9-.Ltmp8, $4  }
0x214: {  	_ = 	snop  }
0x215: {  	[spmem:s1] =	stream.indirect.scatter.add.f32 [tilespmem:s12], [sflag:$0x2], $0x80, s21, s30, $0xb8;
	[tilespmem:$0x1E580] =	vst v63  }
0x216: {  	_ =	swait.ge [sflag:s13], $0x4000  }
0x217: {  	[sflag:s13] =	ssyncset.done $0x0  }
0x218: {  	[sflag:s13] =	ssyncadd.s32 $0xFFFFC000  }
0x219: {  	_ =	swait.ge [sflag:s31], $0x4000  }
0x21a: {  	[sflag:s31] =	ssyncset.done $0x0  }
0x21b: {  	[sflag:s31] =	ssyncadd.s32 $0xFFFFC000  }
0x21c: {  	[tilespmem:s12], [sflag:$0x1] =	stream.indirect.gather [hbm4b:s5+s30], $0x80, s16, s30, $0xb8;
	[tilespmem:$0x1E580] =	vst v63  }
0x21d: {  	_ = 	snop  }
0x21e: {  	[spmem:s1] =	stream.indirect.scatter.add.f32 [tilespmem:s25], [sflag:$0x2], $0x80, s17, s30, $0xb8;
	[tilespmem:$0x1E580] =	vst v63  }
0x21f: {  	_ =	swait.ge [sflag:s15], $0x80  }
0x220: {  	[sflag:s15] =	ssyncset.done $0x0  }
0x221: {  	[sflag:s15] =	ssyncadd.s32 $0xFFFFFF80  }
0x222: {  	_ =	swait.ge [sflag:s15], $0x80  }
0x223: {  	[sflag:s15] =	ssyncset.done $0x0  }
0x224: {  	[sflag:s15] =	ssyncadd.s32 $0xFFFFFF80  }
0x225: {  	[spmem:s2] =	stream.indirect.scatter.add.f32 [tilespmem:s0], [sflag:$0x3], $0x1, s17, s30, $0xb8;
	[tilespmem:$0x1E580] =	vst v63  }
0x226: {  	_ = 	snop  }
0x227: {  	[spmem:s2] =	stream.indirect.scatter.add.f32 [tilespmem:s0], [sflag:$0x3], $0x1, s18, s30, $0xb8;
	[tilespmem:$0x1E580] =	vst v63  }
0x228: {  	_ =	swait.ge [sflag:s31], $0x4000  }
0x229: {  	[sflag:s31] =	ssyncset.done $0x0  }
0x22a: {  	[sflag:s31] =	ssyncadd.s32 $0xFFFFC000  }
0x22b: {  	_ =	swait.ge [sflag:s13], $0x4000  }
0x22c: {  	[sflag:s13] =	ssyncset.done $0x0  }
0x22d: {  	[sflag:s13] =	ssyncadd.s32 $0xFFFFC000  }
0x22e: {  	[spmem:s1] =	stream.indirect.scatter.add.f32 [tilespmem:s12], [sflag:$0x2], $0x80, s18, s30, $0xb8;
	[tilespmem:$0x1E580] =	vst v63  }
0x22f: {  	_ =	swait.ge [sflag:s13], $0x4000  }
0x230: {  	[sflag:s13] =	ssyncset.done $0x0  }
0x231: {  	[sflag:s13] =	ssyncadd.s32 $0xFFFFC000  }
0x232: {  	_ =	swait.ge [sflag:s15], $0x80  }
0x233: {  	[sflag:s15] =	ssyncset.done $0x0  }
0x234: {  	[sflag:s15] =	ssyncadd.s32 $0xFFFFFF80  }
0x235: {  	_ =	swait.ge [sflag:s15], $0x80  }
0x236: {  	[sflag:s15] =	ssyncset.done $0x0  }
0x237: {  	s3 =	rddreg [dreg:$0xc];
	[sflag:s15] =	ssyncadd.s32 $0xFFFFFF80  }
0x238: {  	[tilespmem:s4], [sflag:$0x4] =	stream.linear.gather [hbm4b:s3+s4], $0x1000, $0x38;
	[tilespmem:$0x1E580] =	vst v63  }
0x239: {  	_ =	swait.ge [sflag:s26], $0x1000  }
0x23a: {  	[sflag:s26] =	ssyncset.done $0x0  }
0x23b: {  	s21 =	rddreg [dreg:$0xd];
	[sflag:s26] =	ssyncadd.s32 $0xFFFFF000  }
0x23c: {  	[tilespmem:s29], [sflag:$0x4] =	stream.linear.gather [hbm4b:s21+s4], $0x1000, $0x38;
	[tilespmem:$0x1E580] =	vst v63  }
0x23d: {  	_ =	swait.ge [sflag:s26], $0x1000  }
0x23e: {  	[sflag:s26] =	ssyncset.done $0x0  }
0x23f: {  	[sflag:s26] =	ssyncadd.s32 $0xFFFFF000  }
0x240: {  	[tilespmem:s25], [sflag:$0x1] =	stream.indirect.gather [hbm4b:s5+s30], $0x80, s4, s30, $0xb8;
	[tilespmem:$0x1E580] =	vst v63  }
0x241: {  	_ =	swait.ge [sflag:s31], $0x4000  }
0x242: {  	[sflag:s31] =	ssyncset.done $0x0  }
0x243: {  	[sflag:s31] =	ssyncadd.s32 $0xFFFFC000  }
0x244: {  	[tilespmem:s12], [sflag:$0x1] =	stream.indirect.gather [hbm4b:s5+s30], $0x80, s30, s30, $0xb8;
	[tilespmem:$0x1E580] =	vst v63  }
0x245: {  	_ = 	snop  }
0x246: {  	[spmem:s1] =	stream.indirect.scatter.add.f32 [tilespmem:s25], [sflag:$0x2], $0x80, s29, s30, $0xb8;
	[tilespmem:$0x1E580] =	vst v63  }
0x247: {  	_ = 	snop  }
0x248: {  	[spmem:s2] =	stream.indirect.scatter.add.f32 [tilespmem:s0], [sflag:$0x3], $0x1, s29, s30, $0xb8;
	[tilespmem:$0x1E580] =	vst v63  }
0x249: {  	_ = 	snop  }
0x24a: {  	[spmem:s2] =	stream.indirect.scatter.add.f32 [tilespmem:s0], [sflag:$0x3], $0x1, s28, s30, $0xb8;
	[tilespmem:$0x1E580] =	vst v63  }
0x24b: {  	_ =	swait.ge [sflag:s31], $0x4000  }
0x24c: {  	[sflag:s31] =	ssyncset.done $0x0  }
0x24d: {  	[sflag:s31] =	ssyncadd.s32 $0xFFFFC000  }
0x24e: {  	_ =	swait.ge [sflag:s13], $0x4000  }
0x24f: {  	[sflag:s13] =	ssyncset.done $0x0  }
0x250: {  	[sflag:s13] =	ssyncadd.s32 $0xFFFFC000  }
0x251: {  	[tilespmem:s25], [sflag:$0x1] =	stream.indirect.gather [hbm4b:s5+s30], $0x80, s14, s30, $0xb8;
	[tilespmem:$0x1E580] =	vst v63  }
0x252: {  	_ = 	snop  }
0x253: {  	[spmem:s1] =	stream.indirect.scatter.add.f32 [tilespmem:s12], [sflag:$0x2], $0x80, s28, s30, $0xb8;
	[tilespmem:$0x1E580] =	vst v63  }
0x254: {  	_ =	swait.ge [sflag:s13], $0x4000  }
0x255: {  	[sflag:s13] =	ssyncset.done $0x0  }
0x256: {  	[sflag:s13] =	ssyncadd.s32 $0xFFFFC000  }
0x257: {  	_ =	swait.ge [sflag:s31], $0x4000  }
0x258: {  	[sflag:s31] =	ssyncset.done $0x0  }
0x259: {  	s7 =	simm.s32 $0x180;
	[sflag:s31] =	ssyncadd.s32 $0xFFFFC000  }
0x25a: {  	[tilespmem:s12], [sflag:$0x1] =	stream.indirect.gather [hbm4b:s5+s30], $0x80, s7, s30, $0xb8;
	[tilespmem:$0x1E580] =	vst v63  }
0x25b: {  	s20 =	simm.s32 $0x1100  }
0x25c: {  	[spmem:s1] =	stream.indirect.scatter.add.f32 [tilespmem:s25], [sflag:$0x2], $0x80, s20, s30, $0xb8;
	[tilespmem:$0x1E580] =	vst v63  }
0x25d: {  	_ =	swait.ge [sflag:s15], $0x80  }
0x25e: {  	[sflag:s15] =	ssyncset.done $0x0  }
0x25f: {  	[sflag:s15] =	ssyncadd.s32 $0xFFFFFF80  }
0x260: {  	_ =	swait.ge [sflag:s15], $0x80  }
0x261: {  	[sflag:s15] =	ssyncset.done $0x0  }
0x262: {  	[sflag:s15] =	ssyncadd.s32 $0xFFFFFF80  }
0x263: {  	[spmem:s2] =	stream.indirect.scatter.add.f32 [tilespmem:s0], [sflag:$0x3], $0x1, s20, s30, $0xb8;
	[tilespmem:$0x1E580] =	vst v63  }
0x264: {  	s21 =	simm.s32 $0x1180  }
0x265: {  	[spmem:s2] =	stream.indirect.scatter.add.f32 [tilespmem:s0], [sflag:$0x3], $0x1, s21, s30, $0xb8;
	[tilespmem:$0x1E580] =	vst v63  }
0x266: {  	_ =	swait.ge [sflag:s31], $0x4000  }
0x267: {  	[sflag:s31] =	ssyncset.done $0x0  }
0x268: {  	[sflag:s31] =	ssyncadd.s32 $0xFFFFC000  }
0x269: {  	_ =	swait.ge [sflag:s13], $0x4000  }
0x26a: {  	[sflag:s13] =	ssyncset.done $0x0  }
0x26b: {  	s20 =	simm.s32 $0x200;
	[sflag:s13] =	ssyncadd.s32 $0xFFFFC000  }
0x26c: {  	[tilespmem:s25], [sflag:$0x1] =	stream.indirect.gather [hbm4b:s5+s30], $0x80, s20, s30, $0xb8;
	[tilespmem:$0x1E580] =	vst v63  }
0x26d: {  	_ = 	snop  }
0x26e: {  	[spmem:s1] =	stream.indirect.scatter.add.f32 [tilespmem:s12], [sflag:$0x2], $0x80, s21, s30, $0xb8;
	[tilespmem:$0x1E580] =	vst v63  }
0x26f: {  	_ =	swait.ge [sflag:s13], $0x4000  }
0x270: {  	s20 =	simm.s32 $0xFFFFCC00;
	[sflag:s13] =	ssyncset.done $0x0  }
.LBB2_11:
0x271: {  	p1 =	sne.s32 s20, $0xFFFFFC00  }
0x272: {  	[sflag:s13] =	ssyncadd.s32 $0xFFFFC000;
	s3 =	smov.u32 s20;
	s20 =	sadd.s32 $0x400, s20  }
0x273: {  	_ = 	snop  }
0x274: {  	_ =	swait.ge [sflag:s31], $0x4000  }
0x275: {  	s3 =	sshra.s32 s3, $0x2;
	[sflag:s31] =	ssyncset.done $0x0  }
0x276: {  	s21 =	sadd.s32 $0xF80, s3;
	[sflag:s31] =	ssyncadd.s32 $0xFFFFC000  }
0x277: {  	[tilespmem:s12], [sflag:$0x1] =	stream.indirect.gather [hbm4b:s5+s30], $0x80, s21, s30, $0xb8;
	[tilespmem:$0x1E580] =	vst v63  }
0x278: {  	s21 =	sadd.s32 $0x1F00, s3  }
0x279: {  	[spmem:s1] =	stream.indirect.scatter.add.f32 [tilespmem:s25], [sflag:$0x2], $0x80, s21, s30, $0xb8;
	[tilespmem:$0x1E580] =	vst v63  }
0x27a: {  	_ =	swait.ge [sflag:s15], $0x80  }
0x27b: {  	[sflag:s15] =	ssyncset.done $0x0  }
0x27c: {  	[sflag:s15] =	ssyncadd.s32 $0xFFFFFF80  }
0x27d: {  	_ =	swait.ge [sflag:s15], $0x80  }
0x27e: {  	[sflag:s15] =	ssyncset.done $0x0  }
0x27f: {  	[sflag:s15] =	ssyncadd.s32 $0xFFFFFF80  }
0x280: {  	[spmem:s2] =	stream.indirect.scatter.add.f32 [tilespmem:s0], [sflag:$0x3], $0x1, s21, s30, $0xb8;
	[tilespmem:$0x1E580] =	vst v63  }
0x281: {  	s21 =	sadd.s32 $0x1F80, s3  }
0x282: {  	[spmem:s2] =	stream.indirect.scatter.add.f32 [tilespmem:s0], [sflag:$0x3], $0x1, s21, s30, $0xb8;
	[tilespmem:$0x1E580] =	vst v63  }
0x283: {  	_ =	swait.ge [sflag:s31], $0x4000  }
0x284: {  	[sflag:s31] =	ssyncset.done $0x0  }
0x285: {  	[sflag:s31] =	ssyncadd.s32 $0xFFFFC000  }
0x286: {  	_ =	swait.ge [sflag:s13], $0x4000  }
0x287: {  	[sflag:s13] =	ssyncset.done $0x0  }
0x288: {  	s3 =	sadd.s32 $0x1000, s3;
	[sflag:s13] =	ssyncadd.s32 $0xFFFFC000  }
0x289: {  	[tilespmem:s25], [sflag:$0x1] =	stream.indirect.gather [hbm4b:s5+s30], $0x80, s3, s30, $0xb8;
	[tilespmem:$0x1E580] =	vst v63  }
.Ltmp9:
0x28a: {  	_ = 	snop;
	(pc) =	sbr.rel @p1 .LBB2_11-.Ltmp9, $4  }
0x28b: {  	_ = 	snop  }
0x28c: {  	[spmem:s1] =	stream.indirect.scatter.add.f32 [tilespmem:s12], [sflag:$0x2], $0x80, s21, s30, $0xb8;
	[tilespmem:$0x1E580] =	vst v63  }
0x28d: {  	_ =	swait.ge [sflag:s13], $0x4000  }
0x28e: {  	[sflag:s13] =	ssyncset.done $0x0  }
.Ltmp10:
0x28f: {  	_ = 	snop;
	(pc) =	sbr.rel .LBB2_12-.Ltmp10, $1  }
0x290: {  	_ =	sdelay $0x3  }
.LBB2_17:
0x291: {  	_ =	sfence.sel $0x180000  }
0x292: {  	[bflag:$0x0] =	sbarrier.arrive $0xFFFF  }
0x293: {  	_ =	strace $0x90000047  }
0x294: {  	s0 =	stileid.u32;
	[bflag:$0x2] =	sbarrier.arrive $0xFFFF  }
0x295: {  	p0 =	sne.s32 s0, $0x0;
	s0 =	rddreg [dreg:$0x4]  }
0x296: {  	s0 =	sadd.s32 @!p0 $0x100000, s0  }
0x297: {  	[sflag:s0] =	ssyncadd.tile.s32 @!p0 $0x1;
	_ =	shalt  }
.Lfunc_end2:
_tile_overlayer_lowered:
.L_overlay_start_2:
0x298: {  	(tag) =	ssettag $0x2  }
0x299: {  	s0 =	rddreg [dreg:$0x0];
	s2 =	stileid.u32  }
0x29a: {  	s1 =	rddreg [dreg:$0x1];
	p0 =	sne.s32 s2, $0x0  }
0x29b: {  	s3 =	rddreg [dreg:$0x2];
	[bflag:$0x3] =	sbarrier.arrive $0xFFFF;
	s2 =	simm.s32 @!p0 $0x1C04  }
0x29c: {  	[timem:s3], [sflag:s2] =	dma.local @!p0 [hbm:s0], s1  }
0x29d: {  	s0 =	simm.s32 @!p0 $0x4  }
0x29e: {  	_ =	swait.ge @!p0 [sflag:s0], s1  }
0x29f: {  	s1 =	ssub.s32 @!p0 $0x0, s1;
	[sflag:s0] =	ssyncset.done @!p0 $0x0  }
0x2a0: {  	[sflag:s0] =	ssyncadd.s32 @!p0 s1  }
0x2a1: {  	[bflag:$0x3] =	sbarrier.arrive $0xFFFF  }
0x2a2: {  	_ =	shalt  }

</sc_bundles>
